<compile_context>
chip_gen: v7x
topology: tpu7x:2x2x1
jax: 0.10.2.dev20260603
libtpu: 0.0.44.dev20260713+nightly
codegen_flags: <defaults>
</compile_context>

<pallas_src>
import functools

import jax
import jax.numpy as jnp
from jax import lax
from jax.experimental import pallas as pl
from jax.experimental.pallas import tpu as pltpu
from jax.experimental.pallas import tpu_sc as plsc

N = 10000
E = 320000
NC, NS = 2, 16
NW = NC * NS
CH = 125
CPT = 80
NBUF = 8
NCHUNK = NW * CPT
NP = 10112
RPT = NP // NS
ROW_BLK = 2528

_mesh = plsc.VectorSubcoreMesh(
    core_axis_name="c", subcore_axis_name="s", num_cores=NC, num_subcores=NS
)
_sc_params = pltpu.CompilerParams(use_tc_tiling_on_sc=False)


def _deg_body(er_hbm, ones_hbm, z16_hbm, out_hbm, dst_v, ones_v, acc, sem):
    cid = lax.axis_index("c")
    sid = lax.axis_index("s")
    wid = cid * NS + sid
    pltpu.sync_copy(er_hbm.at[1, pl.ds(wid * CPT, CPT)], dst_v)
    pltpu.sync_copy(ones_hbm, ones_v)
    pltpu.sync_copy(z16_hbm, acc.at[pl.ds(sid * RPT, RPT)])
    plsc.subcore_barrier()

    def scat(j):
        return pltpu.make_async_copy(ones_v, acc.at[dst_v.at[j]], sem)

    @pl.loop(0, CPT)
    def _(j):
        scat(j).start(add=True)

    @pl.loop(0, CPT)
    def _(j):
        scat(j).wait()

    plsc.subcore_barrier()
    pltpu.sync_copy(
        acc.at[pl.ds(sid * RPT, RPT)],
        out_hbm.at[pl.ds(sid * RPT, RPT), pl.ds(cid * 16, 16)],
    )


_deg_kernel = functools.partial(
    pl.kernel,
    out_type=jax.ShapeDtypeStruct((NP, 32), jnp.float32),
    mesh=_mesh,
    scratch_types=[
        pltpu.VMEM((CPT, CH), jnp.int32),
        pltpu.VMEM((CH, 16), jnp.float32),
        pltpu.MemorySpace.VMEM_SHARED((NP, 16), jnp.float32),
        pltpu.SemaphoreType.DMA,
    ],
    compiler_params=_sc_params,
)(_deg_body)


def _prop_body(D, xs_hbm, er_hbm, zrows_hbm, out_hbm,
               src_v, dst_v, buf, acc, *sems):
    semg = sems[:NBUF]
    sems_ = sems[NBUF:]
    cid = lax.axis_index("c")
    sid = lax.axis_index("s")
    wid = cid * NS + sid
    pltpu.sync_copy(er_hbm.at[0, pl.ds(wid * CPT, CPT)], src_v)
    pltpu.sync_copy(er_hbm.at[1, pl.ds(wid * CPT, CPT)], dst_v)
    pltpu.sync_copy(zrows_hbm, acc.at[pl.ds(sid * RPT, RPT)])
    plsc.subcore_barrier()

    def gather(j, b):
        return pltpu.make_async_copy(xs_hbm.at[src_v.at[j]], buf.at[b], semg[b])

    def scatter(j, b):
        return pltpu.make_async_copy(buf.at[b], acc.at[dst_v.at[j]], sems_[b])

    for b in range(NBUF):
        gather(b, b).start()

    G = CPT // NBUF

    @pl.loop(0, G - 1)
    def _(k):
        j0 = k * NBUF
        for b in range(NBUF):
            gather(j0 + b, b).wait()
            scatter(j0 + b, b).start(add=True)
        for b in range(NBUF):
            scatter(j0 + b, b).wait()
            gather(j0 + NBUF + b, b).start()

    j0 = (G - 1) * NBUF
    for b in range(NBUF):
        gather(j0 + b, b).wait()
        scatter(j0 + b, b).start(add=True)
    for b in range(NBUF):
        scatter(j0 + b, b).wait()

    plsc.subcore_barrier()
    pltpu.sync_copy(
        acc.at[pl.ds(sid * RPT, RPT)],
        out_hbm.at[pl.ds(sid * RPT, RPT), pl.ds(cid * D, D)],
    )


def _make_prop(D):
    return functools.partial(
        pl.kernel,
        out_type=jax.ShapeDtypeStruct((NP, 2 * D), jnp.float32),
        mesh=_mesh,
        scratch_types=[
            pltpu.VMEM((CPT, CH), jnp.int32),
            pltpu.VMEM((CPT, CH), jnp.int32),
            pltpu.VMEM((NBUF, CH, D), jnp.float32),
            pltpu.MemorySpace.VMEM_SHARED((NP, D), jnp.float32),
        ]
        + [pltpu.SemaphoreType.DMA] * (2 * NBUF),
        compiler_params=_sc_params,
    )(functools.partial(_prop_body, D))


_prop64 = _make_prop(64)
_prop16 = _make_prop(16)



def _tc_first_body(x_ref, w_ref, degp_ref, xs_ref, dis_ref):
    degp = degp_ref[...]
    deg = degp[:, :1] + degp[:, 16:17] + 1.0
    dis = lax.rsqrt(deg)
    xw = jnp.dot(x_ref[...], w_ref[...], preferred_element_type=jnp.float32)
    xs_ref[...] = xw * dis
    dis_ref[...] = dis


def _tc_first(x, w1, degp):
    return pl.pallas_call(
        _tc_first_body,
        grid=(NP // ROW_BLK,),
        in_specs=[
            pl.BlockSpec((ROW_BLK, 128), lambda i: (i, 0)),
            pl.BlockSpec((128, 64), lambda i: (0, 0)),
            pl.BlockSpec((ROW_BLK, 32), lambda i: (i, 0)),
        ],
        out_specs=[
            pl.BlockSpec((ROW_BLK, 64), lambda i: (i, 0)),
            pl.BlockSpec((ROW_BLK, 1), lambda i: (i, 0)),
        ],
        out_shape=[
            jax.ShapeDtypeStruct((NP, 64), jnp.float32),
            jax.ShapeDtypeStruct((NP, 1), jnp.float32),
        ],
    )(x, w1, degp)


def _tc_mid_body(s_ref, xs_ref, dis_ref, b_ref, w_ref, out_ref):
    dis = dis_ref[...]
    s = s_ref[...]
    h = dis * (s[:, :64] + s[:, 64:] + xs_ref[...]) + b_ref[...]
    h = jnp.maximum(h, 0.0)
    xw = jnp.dot(h, w_ref[...], preferred_element_type=jnp.float32)
    out_ref[...] = xw * dis


def _tc_mid(s, xs, dis, b, w):
    dout = w.shape[1]
    return pl.pallas_call(
        _tc_mid_body,
        grid=(NP // ROW_BLK,),
        in_specs=[
            pl.BlockSpec((ROW_BLK, 128), lambda i: (i, 0)),
            pl.BlockSpec((ROW_BLK, 64), lambda i: (i, 0)),
            pl.BlockSpec((ROW_BLK, 1), lambda i: (i, 0)),
            pl.BlockSpec((1, 64), lambda i: (0, 0)),
            pl.BlockSpec((64, dout), lambda i: (0, 0)),
        ],
        out_specs=pl.BlockSpec((ROW_BLK, dout), lambda i: (i, 0)),
        out_shape=jax.ShapeDtypeStruct((NP, dout), jnp.float32),
    )(s, xs, dis, b, w)


def _tc_last_body(s_ref, xs_ref, dis_ref, b_ref, out_ref):
    s = s_ref[...]
    o = dis_ref[...] * (s[:, :16] + s[:, 16:] + xs_ref[...])
    out_ref[...] = o[:, :4] + b_ref[...]


def _tc_last(s, xs, dis, b3):
    return pl.pallas_call(
        _tc_last_body,
        grid=(NP // ROW_BLK,),
        in_specs=[
            pl.BlockSpec((ROW_BLK, 32), lambda i: (i, 0)),
            pl.BlockSpec((ROW_BLK, 16), lambda i: (i, 0)),
            pl.BlockSpec((ROW_BLK, 1), lambda i: (i, 0)),
            pl.BlockSpec((1, 4), lambda i: (0, 0)),
        ],
        out_specs=pl.BlockSpec((ROW_BLK, 4), lambda i: (i, 0)),
        out_shape=jax.ShapeDtypeStruct((NP, 4), jnp.float32),
    )(s, xs, dis, b3)


def kernel(x, edge_index, W1, b1, W2, b2, W3, b3):
    er = edge_index.astype(jnp.int32).reshape(2, NCHUNK, CH)

    ones125 = jnp.ones((CH, 16), jnp.float32)
    z16 = jnp.zeros((RPT, 16), jnp.float32)
    z64 = jnp.zeros((RPT, 64), jnp.float32)

    xp = jnp.pad(x, ((0, NP - N), (0, 0)))
    degp = _deg_kernel(er, ones125, z16)

    xs1, dis = _tc_first(xp, W1, degp)
    s1 = _prop64(xs1, er, z64)

    xs2 = _tc_mid(s1, xs1, dis, b1.reshape(1, 64), W2)
    s2 = _prop64(xs2, er, z64)

    w3p = jnp.pad(W3, ((0, 0), (0, 16 - W3.shape[1])))
    xs3 = _tc_mid(s2, xs2, dis, b2.reshape(1, 64), w3p)
    s3 = _prop16(xs3, er, z16)

    return _tc_last(s3, xs3, dis, b3.reshape(1, 4))[:N]

# --- scband reference (transcript-rebuilt; emitter-appended) ---
"""Pipeline reference for scband-basketball-gnn-46583215292447 (READ-ONLY COPY).

The authoritative reference and input builder live on the scoring server;
editing this copy changes nothing except your own understanding.
"""

import jax, jax.numpy as jnp
import numpy as np

N_NODES = 10000
N_EDGES = 320000
IN_DIM = 128
HID_DIM = 64
OUT_DIM = 4


def gcn_conv(x, edge_index, W, b):
    # Faithful PyG-style GCNConv: linear -> add self loops -> sym-normalized scatter-add -> bias
    n = x.shape[0]
    x = x @ W
    loops = jnp.arange(n, dtype=edge_index.dtype)
    src = jnp.concatenate([edge_index[0], loops])
    dst = jnp.concatenate([edge_index[1], loops])
    deg = jnp.zeros((n,), dtype=x.dtype).at[dst].add(1.0)
    deg_inv_sqrt = jnp.where(deg > 0, deg ** -0.5, 0.0)
    norm = deg_inv_sqrt[src] * deg_inv_sqrt[dst]
    msg = x[src] * norm[:, None]
    out = jnp.zeros((n, x.shape[1]), dtype=x.dtype).at[dst].add(msg)
    return out + b


def setup_inputs(seed: int = 0) -> dict:
    key = jax.random.key(seed)
    k1, k2, k3, k4, k5 = jax.random.split(key, 5)
    x = jax.random.normal(k1, (N_NODES, IN_DIM), dtype=jnp.float32)
    edge_index = jax.random.randint(k2, (2, N_EDGES), 0, N_NODES, dtype=jnp.int64)
    # Glorot-style init for layer weights, zero bias (PyG GCNConv default)
    s1 = (6.0 / (IN_DIM + HID_DIM)) ** 0.5
    s2 = (6.0 / (HID_DIM + HID_DIM)) ** 0.5
    s3 = (6.0 / (HID_DIM + OUT_DIM)) ** 0.5
    W1 = jax.random.uniform(k3, (IN_DIM, HID_DIM), jnp.float32, -s1, s1)
    W2 = jax.random.uniform(k4, (HID_DIM, HID_DIM), jnp.float32, -s2, s2)
    W3 = jax.random.uniform(k5, (HID_DIM, OUT_DIM), jnp.float32, -s3, s3)
    b1 = jnp.zeros((HID_DIM,), jnp.float32)
    b2 = jnp.zeros((HID_DIM,), jnp.float32)
    b3 = jnp.zeros((OUT_DIM,), jnp.float32)
    return {"x": x, "edge_index": edge_index, "W1": W1, "b1": b1, "W2": W2, "b2": b2, "W3": W3, "b3": b3}


def reference(x, edge_index, W1, b1, W2, b2, W3, b3):
    # Dropout is identity in eval mode
    h = jax.nn.relu(gcn_conv(x, edge_index, W1, b1))
    h = jax.nn.relu(gcn_conv(h, edge_index, W2, b2))
    out = gcn_conv(h, edge_index, W3, b3)
    return out

if __name__ == "__main__":
    import jax
    _d = setup_inputs()
    print(jax.jit(kernel)(*tuple(_d.values())))

</pallas_src>

<mosaic_0001>
#map = affine_map<(d0, d1) -> (0, 0)>
#map1 = affine_map<(d0, d1) -> (0, 0, 0)>
module attributes {stable_mosaic.version = 14 : i64} {
  func.func @_prop_body(%arg0: i32, %arg1: i32, %arg2: memref<10112x16xf32, #tpu.memory_space<hbm>>, %arg3: memref<2x2560x125xi32, #tpu.memory_space<hbm>>, %arg4: memref<632x16xf32, #tpu.memory_space<hbm>>, %arg5: memref<10112x32xf32, #tpu.memory_space<hbm>>, %arg6: memref<80x125xi32, #tpu.memory_space<vmem>>, %arg7: memref<80x125xi32, #tpu.memory_space<vmem>>, %arg8: memref<8x125x16xf32, #tpu.memory_space<vmem>>, %arg9: memref<10112x16xf32, #tpu.memory_space<vmem_shared>>, %arg10: memref<!tpu.dma_semaphore, #tpu.memory_space<semaphore_mem>>, %arg11: memref<!tpu.dma_semaphore, #tpu.memory_space<semaphore_mem>>, %arg12: memref<!tpu.dma_semaphore, #tpu.memory_space<semaphore_mem>>, %arg13: memref<!tpu.dma_semaphore, #tpu.memory_space<semaphore_mem>>, %arg14: memref<!tpu.dma_semaphore, #tpu.memory_space<semaphore_mem>>, %arg15: memref<!tpu.dma_semaphore, #tpu.memory_space<semaphore_mem>>, %arg16: memref<!tpu.dma_semaphore, #tpu.memory_space<semaphore_mem>>, %arg17: memref<!tpu.dma_semaphore, #tpu.memory_space<semaphore_mem>>, %arg18: memref<!tpu.dma_semaphore, #tpu.memory_space<semaphore_mem>>, %arg19: memref<!tpu.dma_semaphore, #tpu.memory_space<semaphore_mem>>, %arg20: memref<!tpu.dma_semaphore, #tpu.memory_space<semaphore_mem>>, %arg21: memref<!tpu.dma_semaphore, #tpu.memory_space<semaphore_mem>>, %arg22: memref<!tpu.dma_semaphore, #tpu.memory_space<semaphore_mem>>, %arg23: memref<!tpu.dma_semaphore, #tpu.memory_space<semaphore_mem>>, %arg24: memref<!tpu.dma_semaphore, #tpu.memory_space<semaphore_mem>>, %arg25: memref<!tpu.dma_semaphore, #tpu.memory_space<semaphore_mem>>) attributes {dimension_semantics = [#tpu.dimension_semantics<core_parallel>, #tpu.dimension_semantics<subcore_parallel>], iteration_bounds = array<i64: 2, 16>, scalar_prefetch = 0 : i64, scratch_operands = 20 : i64, tpu.core_type = #tpu.core_type<sc_vector_subcore>, window_params = [{transform_indices = #map}, {transform_indices = #map1}, {transform_indices = #map}, {transform_indices = #map}]} {
    %mul3A = arith.constant 16 : i32
    %mul3A_0 = arith.muli %arg0, %mul3A : i32
    %add3A = arith.addi %mul3A_0, %arg1 : i32
    %mul3A_1 = arith.constant 80 : i32
    %mul3A_2 = arith.muli %add3A, %mul3A_1 : i32
    %run_scoped3A = arith.constant 0 : i32
    "tpu.region"() ({
      %run_scoped3A_401 = tpu.sem_alloc : memref<!tpu.dma_semaphore, #tpu.memory_space<semaphore_mem>>
      %dma_start3A_402 = arith.constant 0 : i32
      %dma_start3A_403 = tpu.memref_slice %arg3[%run_scoped3A, %mul3A_2, %dma_start3A_402] : memref<2x2560x125xi32, #tpu.memory_space<hbm>> -> memref<1x80x125xi32, #tpu.memory_space<hbm>>
      %dma_start3A_404 = tpu.memref_squeeze %dma_start3A_403 : memref<1x80x125xi32, #tpu.memory_space<hbm>> -> memref<80x125xi32, #tpu.memory_space<hbm>>
      %dma_start3A_405 = arith.constant 0 : i32
      %dma_start3A_406 = tpu.memref_slice %arg3[%run_scoped3A, %mul3A_2, %dma_start3A_405] : memref<2x2560x125xi32, #tpu.memory_space<hbm>> -> memref<1x80x125xi32, #tpu.memory_space<hbm>>
      %dma_start3A_407 = tpu.memref_squeeze %dma_start3A_406 : memref<1x80x125xi32, #tpu.memory_space<hbm>> -> memref<80x125xi32, #tpu.memory_space<hbm>>
      tpu.enqueue_dma source(%dma_start3A_407 : memref<80x125xi32, #tpu.memory_space<hbm>>) target(%arg6 : memref<80x125xi32, #tpu.memory_space<vmem>>) target_semaphore(%run_scoped3A_401 : memref<!tpu.dma_semaphore, #tpu.memory_space<semaphore_mem>>)
      %dma_wait3A_408 = arith.constant 0 : i32
      %dma_wait3A_409 = tpu.memref_slice %arg3[%run_scoped3A, %mul3A_2, %dma_wait3A_408] : memref<2x2560x125xi32, #tpu.memory_space<hbm>> -> memref<1x80x125xi32, #tpu.memory_space<hbm>>
      %dma_wait3A_410 = tpu.memref_squeeze %dma_wait3A_409 : memref<1x80x125xi32, #tpu.memory_space<hbm>> -> memref<80x125xi32, #tpu.memory_space<hbm>>
      %dma_wait3A_411 = arith.constant 0 : i32
      %dma_wait3A_412 = tpu.memref_slice %arg3[%run_scoped3A, %mul3A_2, %dma_wait3A_411] : memref<2x2560x125xi32, #tpu.memory_space<hbm>> -> memref<1x80x125xi32, #tpu.memory_space<hbm>>
      %dma_wait3A_413 = tpu.memref_squeeze %dma_wait3A_412 : memref<1x80x125xi32, #tpu.memory_space<hbm>> -> memref<80x125xi32, #tpu.memory_space<hbm>>
      tpu.wait_dma2 semaphore(%run_scoped3A_401 : memref<!tpu.dma_semaphore, #tpu.memory_space<semaphore_mem>>) src(%dma_wait3A_413 : memref<80x125xi32, #tpu.memory_space<hbm>>) dst(%arg6 : memref<80x125xi32, #tpu.memory_space<vmem>>)
      tpu.yield
    }) : () -> ()
    %mul3A_3 = arith.constant 80 : i32
    %mul3A_4 = arith.muli %add3A, %mul3A_3 : i32
    %run_scoped3A_5 = arith.constant 1 : i32
    "tpu.region"() ({
      %run_scoped3A_401 = tpu.sem_alloc : memref<!tpu.dma_semaphore, #tpu.memory_space<semaphore_mem>>
      %dma_start3A_402 = arith.constant 0 : i32
      %dma_start3A_403 = tpu.memref_slice %arg3[%run_scoped3A_5, %mul3A_4, %dma_start3A_402] : memref<2x2560x125xi32, #tpu.memory_space<hbm>> -> memref<1x80x125xi32, #tpu.memory_space<hbm>>
      %dma_start3A_404 = tpu.memref_squeeze %dma_start3A_403 : memref<1x80x125xi32, #tpu.memory_space<hbm>> -> memref<80x125xi32, #tpu.memory_space<hbm>>
      %dma_start3A_405 = arith.constant 0 : i32
      %dma_start3A_406 = tpu.memref_slice %arg3[%run_scoped3A_5, %mul3A_4, %dma_start3A_405] : memref<2x2560x125xi32, #tpu.memory_space<hbm>> -> memref<1x80x125xi32, #tpu.memory_space<hbm>>
      %dma_start3A_407 = tpu.memref_squeeze %dma_start3A_406 : memref<1x80x125xi32, #tpu.memory_space<hbm>> -> memref<80x125xi32, #tpu.memory_space<hbm>>
      tpu.enqueue_dma source(%dma_start3A_407 : memref<80x125xi32, #tpu.memory_space<hbm>>) target(%arg7 : memref<80x125xi32, #tpu.memory_space<vmem>>) target_semaphore(%run_scoped3A_401 : memref<!tpu.dma_semaphore, #tpu.memory_space<semaphore_mem>>)
      %dma_wait3A_408 = arith.constant 0 : i32
      %dma_wait3A_409 = tpu.memref_slice %arg3[%run_scoped3A_5, %mul3A_4, %dma_wait3A_408] : memref<2x2560x125xi32, #tpu.memory_space<hbm>> -> memref<1x80x125xi32, #tpu.memory_space<hbm>>
      %dma_wait3A_410 = tpu.memref_squeeze %dma_wait3A_409 : memref<1x80x125xi32, #tpu.memory_space<hbm>> -> memref<80x125xi32, #tpu.memory_space<hbm>>
      %dma_wait3A_411 = arith.constant 0 : i32
      %dma_wait3A_412 = tpu.memref_slice %arg3[%run_scoped3A_5, %mul3A_4, %dma_wait3A_411] : memref<2x2560x125xi32, #tpu.memory_space<hbm>> -> memref<1x80x125xi32, #tpu.memory_space<hbm>>
      %dma_wait3A_413 = tpu.memref_squeeze %dma_wait3A_412 : memref<1x80x125xi32, #tpu.memory_space<hbm>> -> memref<80x125xi32, #tpu.memory_space<hbm>>
      tpu.wait_dma2 semaphore(%run_scoped3A_401 : memref<!tpu.dma_semaphore, #tpu.memory_space<semaphore_mem>>) src(%dma_wait3A_413 : memref<80x125xi32, #tpu.memory_space<hbm>>) dst(%arg7 : memref<80x125xi32, #tpu.memory_space<vmem>>)
      tpu.yield
    }) : () -> ()
    %mul3A_6 = arith.constant 632 : i32
    %mul3A_7 = arith.muli %arg1, %mul3A_6 : i32
    "tpu.region"() ({
      %run_scoped3A_401 = tpu.sem_alloc : memref<!tpu.dma_semaphore, #tpu.memory_space<semaphore_mem>>
      %dma_start3A_402 = arith.constant 0 : i32
      %dma_start3A_403 = tpu.memref_slice %arg9[%mul3A_7, %dma_start3A_402] : memref<10112x16xf32, #tpu.memory_space<vmem_shared>> -> memref<632x16xf32, #tpu.memory_space<vmem_shared>>
      tpu.enqueue_dma source(%arg4 : memref<632x16xf32, #tpu.memory_space<hbm>>) target(%dma_start3A_403 : memref<632x16xf32, #tpu.memory_space<vmem_shared>>) target_semaphore(%run_scoped3A_401 : memref<!tpu.dma_semaphore, #tpu.memory_space<semaphore_mem>>)
      %dma_wait3A_404 = arith.constant 0 : i32
      %dma_wait3A_405 = tpu.memref_slice %arg9[%mul3A_7, %dma_wait3A_404] : memref<10112x16xf32, #tpu.memory_space<vmem_shared>> -> memref<632x16xf32, #tpu.memory_space<vmem_shared>>
      tpu.wait_dma2 semaphore(%run_scoped3A_401 : memref<!tpu.dma_semaphore, #tpu.memory_space<semaphore_mem>>) src(%arg4 : memref<632x16xf32, #tpu.memory_space<hbm>>) dst(%dma_wait3A_405 : memref<632x16xf32, #tpu.memory_space<vmem_shared>>)
      tpu.yield
    }) : () -> ()
    %barrier3A = arith.constant 0 : index
    tpu.barrier barrier_id(%barrier3A)
    %dma_start3A = arith.constant 0 : i32
    %dma_start3A_8 = arith.constant 0 : i32
    %dma_start3A_9 = arith.constant 0 : i32
    %dma_start3A_10 = arith.constant 0 : i32
    %dma_start3A_11 = tpu.memref_slice %arg8[%dma_start3A_8, %dma_start3A_9, %dma_start3A_10] : memref<8x125x16xf32, #tpu.memory_space<vmem>> -> memref<1x125x16xf32, #tpu.memory_space<vmem>>
    %dma_start3A_12 = tpu.memref_squeeze %dma_start3A_11 : memref<1x125x16xf32, #tpu.memory_space<vmem>> -> memref<125x16xf32, #tpu.memory_space<vmem>>
    %dma_start3A_13 = arith.constant 0 : i32
    %dma_start3A_14 = tpu.memref_slice %arg6[%dma_start3A, %dma_start3A_13] : memref<80x125xi32, #tpu.memory_space<vmem>> -> memref<1x125xi32, #tpu.memory_space<vmem>>
    %dma_start3A_15 = tpu.memref_squeeze %dma_start3A_14 : memref<1x125xi32, #tpu.memory_space<vmem>> -> memref<125xi32, #tpu.memory_space<vmem>>
    %dma_start3A_16 = arith.constant 0 : i32
    %dma_start3A_17 = arith.constant 0 : i32
    %dma_start3A_18 = tpu.memref_slice %arg2[%dma_start3A_16, %dma_start3A_17] : memref<10112x16xf32, #tpu.memory_space<hbm>> -> memref<10112x16xf32, #tpu.memory_space<hbm>>
    tpu.enqueue_indirect_dma source(%dma_start3A_18 : memref<10112x16xf32, #tpu.memory_space<hbm>>) target(%dma_start3A_12 : memref<125x16xf32, #tpu.memory_space<vmem>>) offsets(%dma_start3A_15 : memref<125xi32, #tpu.memory_space<vmem>>) semaphore(%arg10 : memref<!tpu.dma_semaphore, #tpu.memory_space<semaphore_mem>>)
    %dma_start3A_19 = arith.constant 1 : i32
    %dma_start3A_20 = arith.constant 1 : i32
    %dma_start3A_21 = arith.constant 0 : i32
    %dma_start3A_22 = arith.constant 0 : i32
    %dma_start3A_23 = tpu.memref_slice %arg8[%dma_start3A_20, %dma_start3A_21, %dma_start3A_22] : memref<8x125x16xf32, #tpu.memory_space<vmem>> -> memref<1x125x16xf32, #tpu.memory_space<vmem>>
    %dma_start3A_24 = tpu.memref_squeeze %dma_start3A_23 : memref<1x125x16xf32, #tpu.memory_space<vmem>> -> memref<125x16xf32, #tpu.memory_space<vmem>>
    %dma_start3A_25 = arith.constant 0 : i32
    %dma_start3A_26 = tpu.memref_slice %arg6[%dma_start3A_19, %dma_start3A_25] : memref<80x125xi32, #tpu.memory_space<vmem>> -> memref<1x125xi32, #tpu.memory_space<vmem>>
    %dma_start3A_27 = tpu.memref_squeeze %dma_start3A_26 : memref<1x125xi32, #tpu.memory_space<vmem>> -> memref<125xi32, #tpu.memory_space<vmem>>
    %dma_start3A_28 = arith.constant 0 : i32
    %dma_start3A_29 = arith.constant 0 : i32
    %dma_start3A_30 = tpu.memref_slice %arg2[%dma_start3A_28, %dma_start3A_29] : memref<10112x16xf32, #tpu.memory_space<hbm>> -> memref<10112x16xf32, #tpu.memory_space<hbm>>
    tpu.enqueue_indirect_dma source(%dma_start3A_30 : memref<10112x16xf32, #tpu.memory_space<hbm>>) target(%dma_start3A_24 : memref<125x16xf32, #tpu.memory_space<vmem>>) offsets(%dma_start3A_27 : memref<125xi32, #tpu.memory_space<vmem>>) semaphore(%arg11 : memref<!tpu.dma_semaphore, #tpu.memory_space<semaphore_mem>>)
    %dma_start3A_31 = arith.constant 2 : i32
    %dma_start3A_32 = arith.constant 2 : i32
    %dma_start3A_33 = arith.constant 0 : i32
    %dma_start3A_34 = arith.constant 0 : i32
    %dma_start3A_35 = tpu.memref_slice %arg8[%dma_start3A_32, %dma_start3A_33, %dma_start3A_34] : memref<8x125x16xf32, #tpu.memory_space<vmem>> -> memref<1x125x16xf32, #tpu.memory_space<vmem>>
    %dma_start3A_36 = tpu.memref_squeeze %dma_start3A_35 : memref<1x125x16xf32, #tpu.memory_space<vmem>> -> memref<125x16xf32, #tpu.memory_space<vmem>>
    %dma_start3A_37 = arith.constant 0 : i32
    %dma_start3A_38 = tpu.memref_slice %arg6[%dma_start3A_31, %dma_start3A_37] : memref<80x125xi32, #tpu.memory_space<vmem>> -> memref<1x125xi32, #tpu.memory_space<vmem>>
    %dma_start3A_39 = tpu.memref_squeeze %dma_start3A_38 : memref<1x125xi32, #tpu.memory_space<vmem>> -> memref<125xi32, #tpu.memory_space<vmem>>
    %dma_start3A_40 = arith.constant 0 : i32
    %dma_start3A_41 = arith.constant 0 : i32
    %dma_start3A_42 = tpu.memref_slice %arg2[%dma_start3A_40, %dma_start3A_41] : memref<10112x16xf32, #tpu.memory_space<hbm>> -> memref<10112x16xf32, #tpu.memory_space<hbm>>
    tpu.enqueue_indirect_dma source(%dma_start3A_42 : memref<10112x16xf32, #tpu.memory_space<hbm>>) target(%dma_start3A_36 : memref<125x16xf32, #tpu.memory_space<vmem>>) offsets(%dma_start3A_39 : memref<125xi32, #tpu.memory_space<vmem>>) semaphore(%arg12 : memref<!tpu.dma_semaphore, #tpu.memory_space<semaphore_mem>>)
    %dma_start3A_43 = arith.constant 3 : i32
    %dma_start3A_44 = arith.constant 3 : i32
    %dma_start3A_45 = arith.constant 0 : i32
    %dma_start3A_46 = arith.constant 0 : i32
    %dma_start3A_47 = tpu.memref_slice %arg8[%dma_start3A_44, %dma_start3A_45, %dma_start3A_46] : memref<8x125x16xf32, #tpu.memory_space<vmem>> -> memref<1x125x16xf32, #tpu.memory_space<vmem>>
    %dma_start3A_48 = tpu.memref_squeeze %dma_start3A_47 : memref<1x125x16xf32, #tpu.memory_space<vmem>> -> memref<125x16xf32, #tpu.memory_space<vmem>>
    %dma_start3A_49 = arith.constant 0 : i32
    %dma_start3A_50 = tpu.memref_slice %arg6[%dma_start3A_43, %dma_start3A_49] : memref<80x125xi32, #tpu.memory_space<vmem>> -> memref<1x125xi32, #tpu.memory_space<vmem>>
    %dma_start3A_51 = tpu.memref_squeeze %dma_start3A_50 : memref<1x125xi32, #tpu.memory_space<vmem>> -> memref<125xi32, #tpu.memory_space<vmem>>
    %dma_start3A_52 = arith.constant 0 : i32
    %dma_start3A_53 = arith.constant 0 : i32
    %dma_start3A_54 = tpu.memref_slice %arg2[%dma_start3A_52, %dma_start3A_53] : memref<10112x16xf32, #tpu.memory_space<hbm>> -> memref<10112x16xf32, #tpu.memory_space<hbm>>
    tpu.enqueue_indirect_dma source(%dma_start3A_54 : memref<10112x16xf32, #tpu.memory_space<hbm>>) target(%dma_start3A_48 : memref<125x16xf32, #tpu.memory_space<vmem>>) offsets(%dma_start3A_51 : memref<125xi32, #tpu.memory_space<vmem>>) semaphore(%arg13 : memref<!tpu.dma_semaphore, #tpu.memory_space<semaphore_mem>>)
    %dma_start3A_55 = arith.constant 4 : i32
    %dma_start3A_56 = arith.constant 4 : i32
    %dma_start3A_57 = arith.constant 0 : i32
    %dma_start3A_58 = arith.constant 0 : i32
    %dma_start3A_59 = tpu.memref_slice %arg8[%dma_start3A_56, %dma_start3A_57, %dma_start3A_58] : memref<8x125x16xf32, #tpu.memory_space<vmem>> -> memref<1x125x16xf32, #tpu.memory_space<vmem>>
    %dma_start3A_60 = tpu.memref_squeeze %dma_start3A_59 : memref<1x125x16xf32, #tpu.memory_space<vmem>> -> memref<125x16xf32, #tpu.memory_space<vmem>>
    %dma_start3A_61 = arith.constant 0 : i32
    %dma_start3A_62 = tpu.memref_slice %arg6[%dma_start3A_55, %dma_start3A_61] : memref<80x125xi32, #tpu.memory_space<vmem>> -> memref<1x125xi32, #tpu.memory_space<vmem>>
    %dma_start3A_63 = tpu.memref_squeeze %dma_start3A_62 : memref<1x125xi32, #tpu.memory_space<vmem>> -> memref<125xi32, #tpu.memory_space<vmem>>
    %dma_start3A_64 = arith.constant 0 : i32
    %dma_start3A_65 = arith.constant 0 : i32
    %dma_start3A_66 = tpu.memref_slice %arg2[%dma_start3A_64, %dma_start3A_65] : memref<10112x16xf32, #tpu.memory_space<hbm>> -> memref<10112x16xf32, #tpu.memory_space<hbm>>
    tpu.enqueue_indirect_dma source(%dma_start3A_66 : memref<10112x16xf32, #tpu.memory_space<hbm>>) target(%dma_start3A_60 : memref<125x16xf32, #tpu.memory_space<vmem>>) offsets(%dma_start3A_63 : memref<125xi32, #tpu.memory_space<vmem>>) semaphore(%arg14 : memref<!tpu.dma_semaphore, #tpu.memory_space<semaphore_mem>>)
    %dma_start3A_67 = arith.constant 5 : i32
    %dma_start3A_68 = arith.constant 5 : i32
    %dma_start3A_69 = arith.constant 0 : i32
    %dma_start3A_70 = arith.constant 0 : i32
    %dma_start3A_71 = tpu.memref_slice %arg8[%dma_start3A_68, %dma_start3A_69, %dma_start3A_70] : memref<8x125x16xf32, #tpu.memory_space<vmem>> -> memref<1x125x16xf32, #tpu.memory_space<vmem>>
    %dma_start3A_72 = tpu.memref_squeeze %dma_start3A_71 : memref<1x125x16xf32, #tpu.memory_space<vmem>> -> memref<125x16xf32, #tpu.memory_space<vmem>>
    %dma_start3A_73 = arith.constant 0 : i32
    %dma_start3A_74 = tpu.memref_slice %arg6[%dma_start3A_67, %dma_start3A_73] : memref<80x125xi32, #tpu.memory_space<vmem>> -> memref<1x125xi32, #tpu.memory_space<vmem>>
    %dma_start3A_75 = tpu.memref_squeeze %dma_start3A_74 : memref<1x125xi32, #tpu.memory_space<vmem>> -> memref<125xi32, #tpu.memory_space<vmem>>
    %dma_start3A_76 = arith.constant 0 : i32
    %dma_start3A_77 = arith.constant 0 : i32
    %dma_start3A_78 = tpu.memref_slice %arg2[%dma_start3A_76, %dma_start3A_77] : memref<10112x16xf32, #tpu.memory_space<hbm>> -> memref<10112x16xf32, #tpu.memory_space<hbm>>
    tpu.enqueue_indirect_dma source(%dma_start3A_78 : memref<10112x16xf32, #tpu.memory_space<hbm>>) target(%dma_start3A_72 : memref<125x16xf32, #tpu.memory_space<vmem>>) offsets(%dma_start3A_75 : memref<125xi32, #tpu.memory_space<vmem>>) semaphore(%arg15 : memref<!tpu.dma_semaphore, #tpu.memory_space<semaphore_mem>>)
    %dma_start3A_79 = arith.constant 6 : i32
    %dma_start3A_80 = arith.constant 6 : i32
    %dma_start3A_81 = arith.constant 0 : i32
    %dma_start3A_82 = arith.constant 0 : i32
    %dma_start3A_83 = tpu.memref_slice %arg8[%dma_start3A_80, %dma_start3A_81, %dma_start3A_82] : memref<8x125x16xf32, #tpu.memory_space<vmem>> -> memref<1x125x16xf32, #tpu.memory_space<vmem>>
    %dma_start3A_84 = tpu.memref_squeeze %dma_start3A_83 : memref<1x125x16xf32, #tpu.memory_space<vmem>> -> memref<125x16xf32, #tpu.memory_space<vmem>>
    %dma_start3A_85 = arith.constant 0 : i32
    %dma_start3A_86 = tpu.memref_slice %arg6[%dma_start3A_79, %dma_start3A_85] : memref<80x125xi32, #tpu.memory_space<vmem>> -> memref<1x125xi32, #tpu.memory_space<vmem>>
    %dma_start3A_87 = tpu.memref_squeeze %dma_start3A_86 : memref<1x125xi32, #tpu.memory_space<vmem>> -> memref<125xi32, #tpu.memory_space<vmem>>
    %dma_start3A_88 = arith.constant 0 : i32
    %dma_start3A_89 = arith.constant 0 : i32
    %dma_start3A_90 = tpu.memref_slice %arg2[%dma_start3A_88, %dma_start3A_89] : memref<10112x16xf32, #tpu.memory_space<hbm>> -> memref<10112x16xf32, #tpu.memory_space<hbm>>
    tpu.enqueue_indirect_dma source(%dma_start3A_90 : memref<10112x16xf32, #tpu.memory_space<hbm>>) target(%dma_start3A_84 : memref<125x16xf32, #tpu.memory_space<vmem>>) offsets(%dma_start3A_87 : memref<125xi32, #tpu.memory_space<vmem>>) semaphore(%arg16 : memref<!tpu.dma_semaphore, #tpu.memory_space<semaphore_mem>>)
    %dma_start3A_91 = arith.constant 7 : i32
    %dma_start3A_92 = arith.constant 7 : i32
    %dma_start3A_93 = arith.constant 0 : i32
    %dma_start3A_94 = arith.constant 0 : i32
    %dma_start3A_95 = tpu.memref_slice %arg8[%dma_start3A_92, %dma_start3A_93, %dma_start3A_94] : memref<8x125x16xf32, #tpu.memory_space<vmem>> -> memref<1x125x16xf32, #tpu.memory_space<vmem>>
    %dma_start3A_96 = tpu.memref_squeeze %dma_start3A_95 : memref<1x125x16xf32, #tpu.memory_space<vmem>> -> memref<125x16xf32, #tpu.memory_space<vmem>>
    %dma_start3A_97 = arith.constant 0 : i32
    %dma_start3A_98 = tpu.memref_slice %arg6[%dma_start3A_91, %dma_start3A_97] : memref<80x125xi32, #tpu.memory_space<vmem>> -> memref<1x125xi32, #tpu.memory_space<vmem>>
    %dma_start3A_99 = tpu.memref_squeeze %dma_start3A_98 : memref<1x125xi32, #tpu.memory_space<vmem>> -> memref<125xi32, #tpu.memory_space<vmem>>
    %dma_start3A_100 = arith.constant 0 : i32
    %dma_start3A_101 = arith.constant 0 : i32
    %dma_start3A_102 = tpu.memref_slice %arg2[%dma_start3A_100, %dma_start3A_101] : memref<10112x16xf32, #tpu.memory_space<hbm>> -> memref<10112x16xf32, #tpu.memory_space<hbm>>
    tpu.enqueue_indirect_dma source(%dma_start3A_102 : memref<10112x16xf32, #tpu.memory_space<hbm>>) target(%dma_start3A_96 : memref<125x16xf32, #tpu.memory_space<vmem>>) offsets(%dma_start3A_99 : memref<125xi32, #tpu.memory_space<vmem>>) semaphore(%arg17 : memref<!tpu.dma_semaphore, #tpu.memory_space<semaphore_mem>>)
    %scan3A = arith.constant 0 : i32
    %scan3A_103 = arith.constant 9 : i32
    %scan3A_104 = arith.addi %scan3A, %scan3A_103 : i32
    %scan3A_105 = arith.constant 1 : i32
    scf.for %scan3A_401 = %scan3A to %scan3A_104 step %scan3A_105  : i32 {
      %mul3A_402 = arith.constant 1 : i32
      %mul3A_403 = arith.muli %scan3A_401, %mul3A_402 : i32
      %add3A_404 = arith.constant 0 : i32
      %add3A_405 = arith.addi %add3A_404, %mul3A_403 : i32
      %mul3A_406 = arith.constant 8 : i32
      %mul3A_407 = arith.muli %add3A_405, %mul3A_406 : i32
      %add3A_408 = arith.constant 0 : i32
      %add3A_409 = arith.addi %mul3A_407, %add3A_408 : i32
      %dma_wait3A_410 = arith.constant 0 : i32
      %dma_wait3A_411 = arith.constant 0 : i32
      %dma_wait3A_412 = arith.constant 0 : i32
      %dma_wait3A_413 = tpu.memref_slice %arg8[%dma_wait3A_410, %dma_wait3A_411, %dma_wait3A_412] : memref<8x125x16xf32, #tpu.memory_space<vmem>> -> memref<1x125x16xf32, #tpu.memory_space<vmem>>
      %dma_wait3A_414 = tpu.memref_squeeze %dma_wait3A_413 : memref<1x125x16xf32, #tpu.memory_space<vmem>> -> memref<125x16xf32, #tpu.memory_space<vmem>>
      %dma_wait3A_415 = arith.constant 0 : i32
      %dma_wait3A_416 = tpu.memref_slice %arg6[%add3A_409, %dma_wait3A_415] : memref<80x125xi32, #tpu.memory_space<vmem>> -> memref<1x125xi32, #tpu.memory_space<vmem>>
      %dma_wait3A_417 = tpu.memref_squeeze %dma_wait3A_416 : memref<1x125xi32, #tpu.memory_space<vmem>> -> memref<125xi32, #tpu.memory_space<vmem>>
      %dma_wait3A_418 = arith.constant 0 : i32
      %dma_wait3A_419 = arith.constant 0 : i32
      %dma_wait3A_420 = tpu.memref_slice %arg2[%dma_wait3A_418, %dma_wait3A_419] : memref<10112x16xf32, #tpu.memory_space<hbm>> -> memref<10112x16xf32, #tpu.memory_space<hbm>>
      tpu.wait_indirect_dma semaphore(%arg10 : memref<!tpu.dma_semaphore, #tpu.memory_space<semaphore_mem>>) src(%dma_wait3A_420 : memref<10112x16xf32, #tpu.memory_space<hbm>>) dst(%dma_wait3A_414 : memref<125x16xf32, #tpu.memory_space<vmem>>)
      %add3A_421 = arith.constant 0 : i32
      %add3A_422 = arith.addi %mul3A_407, %add3A_421 : i32
      %dma_start3A_423 = arith.constant 0 : i32
      %dma_start3A_424 = arith.constant 0 : i32
      %dma_start3A_425 = arith.constant 0 : i32
      %dma_start3A_426 = tpu.memref_slice %arg8[%dma_start3A_423, %dma_start3A_424, %dma_start3A_425] : memref<8x125x16xf32, #tpu.memory_space<vmem>> -> memref<1x125x16xf32, #tpu.memory_space<vmem>>
      %dma_start3A_427 = tpu.memref_squeeze %dma_start3A_426 : memref<1x125x16xf32, #tpu.memory_space<vmem>> -> memref<125x16xf32, #tpu.memory_space<vmem>>
      %dma_start3A_428 = arith.constant 0 : i32
      %dma_start3A_429 = tpu.memref_slice %arg7[%add3A_422, %dma_start3A_428] : memref<80x125xi32, #tpu.memory_space<vmem>> -> memref<1x125xi32, #tpu.memory_space<vmem>>
      %dma_start3A_430 = tpu.memref_squeeze %dma_start3A_429 : memref<1x125xi32, #tpu.memory_space<vmem>> -> memref<125xi32, #tpu.memory_space<vmem>>
      %dma_start3A_431 = arith.constant 0 : i32
      %dma_start3A_432 = arith.constant 0 : i32
      %dma_start3A_433 = tpu.memref_slice %arg9[%dma_start3A_431, %dma_start3A_432] : memref<10112x16xf32, #tpu.memory_space<vmem_shared>> -> memref<10112x16xf32, #tpu.memory_space<vmem_shared>>
      tpu.enqueue_indirect_dma source(%dma_start3A_427 : memref<125x16xf32, #tpu.memory_space<vmem>>) target(%dma_start3A_433 : memref<10112x16xf32, #tpu.memory_space<vmem_shared>>) offsets(%dma_start3A_430 : memref<125xi32, #tpu.memory_space<vmem>>) semaphore(%arg18 : memref<!tpu.dma_semaphore, #tpu.memory_space<semaphore_mem>>) {add = true}
      %add3A_434 = arith.constant 1 : i32
      %add3A_435 = arith.addi %mul3A_407, %add3A_434 : i32
      %dma_wait3A_436 = arith.constant 1 : i32
      %dma_wait3A_437 = arith.constant 0 : i32
      %dma_wait3A_438 = arith.constant 0 : i32
      %dma_wait3A_439 = tpu.memref_slice %arg8[%dma_wait3A_436, %dma_wait3A_437, %dma_wait3A_438] : memref<8x125x16xf32, #tpu.memory_space<vmem>> -> memref<1x125x16xf32, #tpu.memory_space<vmem>>
      %dma_wait3A_440 = tpu.memref_squeeze %dma_wait3A_439 : memref<1x125x16xf32, #tpu.memory_space<vmem>> -> memref<125x16xf32, #tpu.memory_space<vmem>>
      %dma_wait3A_441 = arith.constant 0 : i32
      %dma_wait3A_442 = tpu.memref_slice %arg6[%add3A_435, %dma_wait3A_441] : memref<80x125xi32, #tpu.memory_space<vmem>> -> memref<1x125xi32, #tpu.memory_space<vmem>>
      %dma_wait3A_443 = tpu.memref_squeeze %dma_wait3A_442 : memref<1x125xi32, #tpu.memory_space<vmem>> -> memref<125xi32, #tpu.memory_space<vmem>>
      %dma_wait3A_444 = arith.constant 0 : i32
      %dma_wait3A_445 = arith.constant 0 : i32
      %dma_wait3A_446 = tpu.memref_slice %arg2[%dma_wait3A_444, %dma_wait3A_445] : memref<10112x16xf32, #tpu.memory_space<hbm>> -> memref<10112x16xf32, #tpu.memory_space<hbm>>
      tpu.wait_indirect_dma semaphore(%arg11 : memref<!tpu.dma_semaphore, #tpu.memory_space<semaphore_mem>>) src(%dma_wait3A_446 : memref<10112x16xf32, #tpu.memory_space<hbm>>) dst(%dma_wait3A_440 : memref<125x16xf32, #tpu.memory_space<vmem>>)
      %add3A_447 = arith.constant 1 : i32
      %add3A_448 = arith.addi %mul3A_407, %add3A_447 : i32
      %dma_start3A_449 = arith.constant 1 : i32
      %dma_start3A_450 = arith.constant 0 : i32
      %dma_start3A_451 = arith.constant 0 : i32
      %dma_start3A_452 = tpu.memref_slice %arg8[%dma_start3A_449, %dma_start3A_450, %dma_start3A_451] : memref<8x125x16xf32, #tpu.memory_space<vmem>> -> memref<1x125x16xf32, #tpu.memory_space<vmem>>
      %dma_start3A_453 = tpu.memref_squeeze %dma_start3A_452 : memref<1x125x16xf32, #tpu.memory_space<vmem>> -> memref<125x16xf32, #tpu.memory_space<vmem>>
      %dma_start3A_454 = arith.constant 0 : i32
      %dma_start3A_455 = tpu.memref_slice %arg7[%add3A_448, %dma_start3A_454] : memref<80x125xi32, #tpu.memory_space<vmem>> -> memref<1x125xi32, #tpu.memory_space<vmem>>
      %dma_start3A_456 = tpu.memref_squeeze %dma_start3A_455 : memref<1x125xi32, #tpu.memory_space<vmem>> -> memref<125xi32, #tpu.memory_space<vmem>>
      %dma_start3A_457 = arith.constant 0 : i32
      %dma_start3A_458 = arith.constant 0 : i32
      %dma_start3A_459 = tpu.memref_slice %arg9[%dma_start3A_457, %dma_start3A_458] : memref<10112x16xf32, #tpu.memory_space<vmem_shared>> -> memref<10112x16xf32, #tpu.memory_space<vmem_shared>>
      tpu.enqueue_indirect_dma source(%dma_start3A_453 : memref<125x16xf32, #tpu.memory_space<vmem>>) target(%dma_start3A_459 : memref<10112x16xf32, #tpu.memory_space<vmem_shared>>) offsets(%dma_start3A_456 : memref<125xi32, #tpu.memory_space<vmem>>) semaphore(%arg19 : memref<!tpu.dma_semaphore, #tpu.memory_space<semaphore_mem>>) {add = true}
      %add3A_460 = arith.constant 2 : i32
      %add3A_461 = arith.addi %mul3A_407, %add3A_460 : i32
      %dma_wait3A_462 = arith.constant 2 : i32
      %dma_wait3A_463 = arith.constant 0 : i32
      %dma_wait3A_464 = arith.constant 0 : i32
      %dma_wait3A_465 = tpu.memref_slice %arg8[%dma_wait3A_462, %dma_wait3A_463, %dma_wait3A_464] : memref<8x125x16xf32, #tpu.memory_space<vmem>> -> memref<1x125x16xf32, #tpu.memory_space<vmem>>
      %dma_wait3A_466 = tpu.memref_squeeze %dma_wait3A_465 : memref<1x125x16xf32, #tpu.memory_space<vmem>> -> memref<125x16xf32, #tpu.memory_space<vmem>>
      %dma_wait3A_467 = arith.constant 0 : i32
      %dma_wait3A_468 = tpu.memref_slice %arg6[%add3A_461, %dma_wait3A_467] : memref<80x125xi32, #tpu.memory_space<vmem>> -> memref<1x125xi32, #tpu.memory_space<vmem>>
      %dma_wait3A_469 = tpu.memref_squeeze %dma_wait3A_468 : memref<1x125xi32, #tpu.memory_space<vmem>> -> memref<125xi32, #tpu.memory_space<vmem>>
      %dma_wait3A_470 = arith.constant 0 : i32
      %dma_wait3A_471 = arith.constant 0 : i32
      %dma_wait3A_472 = tpu.memref_slice %arg2[%dma_wait3A_470, %dma_wait3A_471] : memref<10112x16xf32, #tpu.memory_space<hbm>> -> memref<10112x16xf32, #tpu.memory_space<hbm>>
      tpu.wait_indirect_dma semaphore(%arg12 : memref<!tpu.dma_semaphore, #tpu.memory_space<semaphore_mem>>) src(%dma_wait3A_472 : memref<10112x16xf32, #tpu.memory_space<hbm>>) dst(%dma_wait3A_466 : memref<125x16xf32, #tpu.memory_space<vmem>>)
      %add3A_473 = arith.constant 2 : i32
      %add3A_474 = arith.addi %mul3A_407, %add3A_473 : i32
      %dma_start3A_475 = arith.constant 2 : i32
      %dma_start3A_476 = arith.constant 0 : i32
      %dma_start3A_477 = arith.constant 0 : i32
      %dma_start3A_478 = tpu.memref_slice %arg8[%dma_start3A_475, %dma_start3A_476, %dma_start3A_477] : memref<8x125x16xf32, #tpu.memory_space<vmem>> -> memref<1x125x16xf32, #tpu.memory_space<vmem>>
      %dma_start3A_479 = tpu.memref_squeeze %dma_start3A_478 : memref<1x125x16xf32, #tpu.memory_space<vmem>> -> memref<125x16xf32, #tpu.memory_space<vmem>>
      %dma_start3A_480 = arith.constant 0 : i32
      %dma_start3A_481 = tpu.memref_slice %arg7[%add3A_474, %dma_start3A_480] : memref<80x125xi32, #tpu.memory_space<vmem>> -> memref<1x125xi32, #tpu.memory_space<vmem>>
      %dma_start3A_482 = tpu.memref_squeeze %dma_start3A_481 : memref<1x125xi32, #tpu.memory_space<vmem>> -> memref<125xi32, #tpu.memory_space<vmem>>
      %dma_start3A_483 = arith.constant 0 : i32
      %dma_start3A_484 = arith.constant 0 : i32
      %dma_start3A_485 = tpu.memref_slice %arg9[%dma_start3A_483, %dma_start3A_484] : memref<10112x16xf32, #tpu.memory_space<vmem_shared>> -> memref<10112x16xf32, #tpu.memory_space<vmem_shared>>
      tpu.enqueue_indirect_dma source(%dma_start3A_479 : memref<125x16xf32, #tpu.memory_space<vmem>>) target(%dma_start3A_485 : memref<10112x16xf32, #tpu.memory_space<vmem_shared>>) offsets(%dma_start3A_482 : memref<125xi32, #tpu.memory_space<vmem>>) semaphore(%arg20 : memref<!tpu.dma_semaphore, #tpu.memory_space<semaphore_mem>>) {add = true}
      %add3A_486 = arith.constant 3 : i32
      %add3A_487 = arith.addi %mul3A_407, %add3A_486 : i32
      %dma_wait3A_488 = arith.constant 3 : i32
      %dma_wait3A_489 = arith.constant 0 : i32
      %dma_wait3A_490 = arith.constant 0 : i32
      %dma_wait3A_491 = tpu.memref_slice %arg8[%dma_wait3A_488, %dma_wait3A_489, %dma_wait3A_490] : memref<8x125x16xf32, #tpu.memory_space<vmem>> -> memref<1x125x16xf32, #tpu.memory_space<vmem>>
      %dma_wait3A_492 = tpu.memref_squeeze %dma_wait3A_491 : memref<1x125x16xf32, #tpu.memory_space<vmem>> -> memref<125x16xf32, #tpu.memory_space<vmem>>
      %dma_wait3A_493 = arith.constant 0 : i32
      %dma_wait3A_494 = tpu.memref_slice %arg6[%add3A_487, %dma_wait3A_493] : memref<80x125xi32, #tpu.memory_space<vmem>> -> memref<1x125xi32, #tpu.memory_space<vmem>>
      %dma_wait3A_495 = tpu.memref_squeeze %dma_wait3A_494 : memref<1x125xi32, #tpu.memory_space<vmem>> -> memref<125xi32, #tpu.memory_space<vmem>>
      %dma_wait3A_496 = arith.constant 0 : i32
      %dma_wait3A_497 = arith.constant 0 : i32
      %dma_wait3A_498 = tpu.memref_slice %arg2[%dma_wait3A_496, %dma_wait3A_497] : memref<10112x16xf32, #tpu.memory_space<hbm>> -> memref<10112x16xf32, #tpu.memory_space<hbm>>
      tpu.wait_indirect_dma semaphore(%arg13 : memref<!tpu.dma_semaphore, #tpu.memory_space<semaphore_mem>>) src(%dma_wait3A_498 : memref<10112x16xf32, #tpu.memory_space<hbm>>) dst(%dma_wait3A_492 : memref<125x16xf32, #tpu.memory_space<vmem>>)
      %add3A_499 = arith.constant 3 : i32
      %add3A_500 = arith.addi %mul3A_407, %add3A_499 : i32
      %dma_start3A_501 = arith.constant 3 : i32
      %dma_start3A_502 = arith.constant 0 : i32
      %dma_start3A_503 = arith.constant 0 : i32
      %dma_start3A_504 = tpu.memref_slice %arg8[%dma_start3A_501, %dma_start3A_502, %dma_start3A_503] : memref<8x125x16xf32, #tpu.memory_space<vmem>> -> memref<1x125x16xf32, #tpu.memory_space<vmem>>
      %dma_start3A_505 = tpu.memref_squeeze %dma_start3A_504 : memref<1x125x16xf32, #tpu.memory_space<vmem>> -> memref<125x16xf32, #tpu.memory_space<vmem>>
      %dma_start3A_506 = arith.constant 0 : i32
      %dma_start3A_507 = tpu.memref_slice %arg7[%add3A_500, %dma_start3A_506] : memref<80x125xi32, #tpu.memory_space<vmem>> -> memref<1x125xi32, #tpu.memory_space<vmem>>
      %dma_start3A_508 = tpu.memref_squeeze %dma_start3A_507 : memref<1x125xi32, #tpu.memory_space<vmem>> -> memref<125xi32, #tpu.memory_space<vmem>>
      %dma_start3A_509 = arith.constant 0 : i32
      %dma_start3A_510 = arith.constant 0 : i32
      %dma_start3A_511 = tpu.memref_slice %arg9[%dma_start3A_509, %dma_start3A_510] : memref<10112x16xf32, #tpu.memory_space<vmem_shared>> -> memref<10112x16xf32, #tpu.memory_space<vmem_shared>>
      tpu.enqueue_indirect_dma source(%dma_start3A_505 : memref<125x16xf32, #tpu.memory_space<vmem>>) target(%dma_start3A_511 : memref<10112x16xf32, #tpu.memory_space<vmem_shared>>) offsets(%dma_start3A_508 : memref<125xi32, #tpu.memory_space<vmem>>) semaphore(%arg21 : memref<!tpu.dma_semaphore, #tpu.memory_space<semaphore_mem>>) {add = true}
      %add3A_512 = arith.constant 4 : i32
      %add3A_513 = arith.addi %mul3A_407, %add3A_512 : i32
      %dma_wait3A_514 = arith.constant 4 : i32
      %dma_wait3A_515 = arith.constant 0 : i32
      %dma_wait3A_516 = arith.constant 0 : i32
      %dma_wait3A_517 = tpu.memref_slice %arg8[%dma_wait3A_514, %dma_wait3A_515, %dma_wait3A_516] : memref<8x125x16xf32, #tpu.memory_space<vmem>> -> memref<1x125x16xf32, #tpu.memory_space<vmem>>
      %dma_wait3A_518 = tpu.memref_squeeze %dma_wait3A_517 : memref<1x125x16xf32, #tpu.memory_space<vmem>> -> memref<125x16xf32, #tpu.memory_space<vmem>>
      %dma_wait3A_519 = arith.constant 0 : i32
      %dma_wait3A_520 = tpu.memref_slice %arg6[%add3A_513, %dma_wait3A_519] : memref<80x125xi32, #tpu.memory_space<vmem>> -> memref<1x125xi32, #tpu.memory_space<vmem>>
      %dma_wait3A_521 = tpu.memref_squeeze %dma_wait3A_520 : memref<1x125xi32, #tpu.memory_space<vmem>> -> memref<125xi32, #tpu.memory_space<vmem>>
      %dma_wait3A_522 = arith.constant 0 : i32
      %dma_wait3A_523 = arith.constant 0 : i32
      %dma_wait3A_524 = tpu.memref_slice %arg2[%dma_wait3A_522, %dma_wait3A_523] : memref<10112x16xf32, #tpu.memory_space<hbm>> -> memref<10112x16xf32, #tpu.memory_space<hbm>>
      tpu.wait_indirect_dma semaphore(%arg14 : memref<!tpu.dma_semaphore, #tpu.memory_space<semaphore_mem>>) src(%dma_wait3A_524 : memref<10112x16xf32, #tpu.memory_space<hbm>>) dst(%dma_wait3A_518 : memref<125x16xf32, #tpu.memory_space<vmem>>)
      %add3A_525 = arith.constant 4 : i32
      %add3A_526 = arith.addi %mul3A_407, %add3A_525 : i32
      %dma_start3A_527 = arith.constant 4 : i32
      %dma_start3A_528 = arith.constant 0 : i32
      %dma_start3A_529 = arith.constant 0 : i32
      %dma_start3A_530 = tpu.memref_slice %arg8[%dma_start3A_527, %dma_start3A_528, %dma_start3A_529] : memref<8x125x16xf32, #tpu.memory_space<vmem>> -> memref<1x125x16xf32, #tpu.memory_space<vmem>>
      %dma_start3A_531 = tpu.memref_squeeze %dma_start3A_530 : memref<1x125x16xf32, #tpu.memory_space<vmem>> -> memref<125x16xf32, #tpu.memory_space<vmem>>
      %dma_start3A_532 = arith.constant 0 : i32
      %dma_start3A_533 = tpu.memref_slice %arg7[%add3A_526, %dma_start3A_532] : memref<80x125xi32, #tpu.memory_space<vmem>> -> memref<1x125xi32, #tpu.memory_space<vmem>>
      %dma_start3A_534 = tpu.memref_squeeze %dma_start3A_533 : memref<1x125xi32, #tpu.memory_space<vmem>> -> memref<125xi32, #tpu.memory_space<vmem>>
      %dma_start3A_535 = arith.constant 0 : i32
      %dma_start3A_536 = arith.constant 0 : i32
      %dma_start3A_537 = tpu.memref_slice %arg9[%dma_start3A_535, %dma_start3A_536] : memref<10112x16xf32, #tpu.memory_space<vmem_shared>> -> memref<10112x16xf32, #tpu.memory_space<vmem_shared>>
      tpu.enqueue_indirect_dma source(%dma_start3A_531 : memref<125x16xf32, #tpu.memory_space<vmem>>) target(%dma_start3A_537 : memref<10112x16xf32, #tpu.memory_space<vmem_shared>>) offsets(%dma_start3A_534 : memref<125xi32, #tpu.memory_space<vmem>>) semaphore(%arg22 : memref<!tpu.dma_semaphore, #tpu.memory_space<semaphore_mem>>) {add = true}
      %add3A_538 = arith.constant 5 : i32
      %add3A_539 = arith.addi %mul3A_407, %add3A_538 : i32
      %dma_wait3A_540 = arith.constant 5 : i32
      %dma_wait3A_541 = arith.constant 0 : i32
      %dma_wait3A_542 = arith.constant 0 : i32
      %dma_wait3A_543 = tpu.memref_slice %arg8[%dma_wait3A_540, %dma_wait3A_541, %dma_wait3A_542] : memref<8x125x16xf32, #tpu.memory_space<vmem>> -> memref<1x125x16xf32, #tpu.memory_space<vmem>>
      %dma_wait3A_544 = tpu.memref_squeeze %dma_wait3A_543 : memref<1x125x16xf32, #tpu.memory_space<vmem>> -> memref<125x16xf32, #tpu.memory_space<vmem>>
      %dma_wait3A_545 = arith.constant 0 : i32
      %dma_wait3A_546 = tpu.memref_slice %arg6[%add3A_539, %dma_wait3A_545] : memref<80x125xi32, #tpu.memory_space<vmem>> -> memref<1x125xi32, #tpu.memory_space<vmem>>
      %dma_wait3A_547 = tpu.memref_squeeze %dma_wait3A_546 : memref<1x125xi32, #tpu.memory_space<vmem>> -> memref<125xi32, #tpu.memory_space<vmem>>
      %dma_wait3A_548 = arith.constant 0 : i32
      %dma_wait3A_549 = arith.constant 0 : i32
      %dma_wait3A_550 = tpu.memref_slice %arg2[%dma_wait3A_548, %dma_wait3A_549] : memref<10112x16xf32, #tpu.memory_space<hbm>> -> memref<10112x16xf32, #tpu.memory_space<hbm>>
      tpu.wait_indirect_dma semaphore(%arg15 : memref<!tpu.dma_semaphore, #tpu.memory_space<semaphore_mem>>) src(%dma_wait3A_550 : memref<10112x16xf32, #tpu.memory_space<hbm>>) dst(%dma_wait3A_544 : memref<125x16xf32, #tpu.memory_space<vmem>>)
      %add3A_551 = arith.constant 5 : i32
      %add3A_552 = arith.addi %mul3A_407, %add3A_551 : i32
      %dma_start3A_553 = arith.constant 5 : i32
      %dma_start3A_554 = arith.constant 0 : i32
      %dma_start3A_555 = arith.constant 0 : i32
      %dma_start3A_556 = tpu.memref_slice %arg8[%dma_start3A_553, %dma_start3A_554, %dma_start3A_555] : memref<8x125x16xf32, #tpu.memory_space<vmem>> -> memref<1x125x16xf32, #tpu.memory_space<vmem>>
      %dma_start3A_557 = tpu.memref_squeeze %dma_start3A_556 : memref<1x125x16xf32, #tpu.memory_space<vmem>> -> memref<125x16xf32, #tpu.memory_space<vmem>>
      %dma_start3A_558 = arith.constant 0 : i32
      %dma_start3A_559 = tpu.memref_slice %arg7[%add3A_552, %dma_start3A_558] : memref<80x125xi32, #tpu.memory_space<vmem>> -> memref<1x125xi32, #tpu.memory_space<vmem>>
      %dma_start3A_560 = tpu.memref_squeeze %dma_start3A_559 : memref<1x125xi32, #tpu.memory_space<vmem>> -> memref<125xi32, #tpu.memory_space<vmem>>
      %dma_start3A_561 = arith.constant 0 : i32
      %dma_start3A_562 = arith.constant 0 : i32
      %dma_start3A_563 = tpu.memref_slice %arg9[%dma_start3A_561, %dma_start3A_562] : memref<10112x16xf32, #tpu.memory_space<vmem_shared>> -> memref<10112x16xf32, #tpu.memory_space<vmem_shared>>
      tpu.enqueue_indirect_dma source(%dma_start3A_557 : memref<125x16xf32, #tpu.memory_space<vmem>>) target(%dma_start3A_563 : memref<10112x16xf32, #tpu.memory_space<vmem_shared>>) offsets(%dma_start3A_560 : memref<125xi32, #tpu.memory_space<vmem>>) semaphore(%arg23 : memref<!tpu.dma_semaphore, #tpu.memory_space<semaphore_mem>>) {add = true}
      %add3A_564 = arith.constant 6 : i32
      %add3A_565 = arith.addi %mul3A_407, %add3A_564 : i32
      %dma_wait3A_566 = arith.constant 6 : i32
      %dma_wait3A_567 = arith.constant 0 : i32
      %dma_wait3A_568 = arith.constant 0 : i32
      %dma_wait3A_569 = tpu.memref_slice %arg8[%dma_wait3A_566, %dma_wait3A_567, %dma_wait3A_568] : memref<8x125x16xf32, #tpu.memory_space<vmem>> -> memref<1x125x16xf32, #tpu.memory_space<vmem>>
      %dma_wait3A_570 = tpu.memref_squeeze %dma_wait3A_569 : memref<1x125x16xf32, #tpu.memory_space<vmem>> -> memref<125x16xf32, #tpu.memory_space<vmem>>
      %dma_wait3A_571 = arith.constant 0 : i32
      %dma_wait3A_572 = tpu.memref_slice %arg6[%add3A_565, %dma_wait3A_571] : memref<80x125xi32, #tpu.memory_space<vmem>> -> memref<1x125xi32, #tpu.memory_space<vmem>>
      %dma_wait3A_573 = tpu.memref_squeeze %dma_wait3A_572 : memref<1x125xi32, #tpu.memory_space<vmem>> -> memref<125xi32, #tpu.memory_space<vmem>>
      %dma_wait3A_574 = arith.constant 0 : i32
      %dma_wait3A_575 = arith.constant 0 : i32
      %dma_wait3A_576 = tpu.memref_slice %arg2[%dma_wait3A_574, %dma_wait3A_575] : memref<10112x16xf32, #tpu.memory_space<hbm>> -> memref<10112x16xf32, #tpu.memory_space<hbm>>
      tpu.wait_indirect_dma semaphore(%arg16 : memref<!tpu.dma_semaphore, #tpu.memory_space<semaphore_mem>>) src(%dma_wait3A_576 : memref<10112x16xf32, #tpu.memory_space<hbm>>) dst(%dma_wait3A_570 : memref<125x16xf32, #tpu.memory_space<vmem>>)
      %add3A_577 = arith.constant 6 : i32
      %add3A_578 = arith.addi %mul3A_407, %add3A_577 : i32
      %dma_start3A_579 = arith.constant 6 : i32
      %dma_start3A_580 = arith.constant 0 : i32
      %dma_start3A_581 = arith.constant 0 : i32
      %dma_start3A_582 = tpu.memref_slice %arg8[%dma_start3A_579, %dma_start3A_580, %dma_start3A_581] : memref<8x125x16xf32, #tpu.memory_space<vmem>> -> memref<1x125x16xf32, #tpu.memory_space<vmem>>
      %dma_start3A_583 = tpu.memref_squeeze %dma_start3A_582 : memref<1x125x16xf32, #tpu.memory_space<vmem>> -> memref<125x16xf32, #tpu.memory_space<vmem>>
      %dma_start3A_584 = arith.constant 0 : i32
      %dma_start3A_585 = tpu.memref_slice %arg7[%add3A_578, %dma_start3A_584] : memref<80x125xi32, #tpu.memory_space<vmem>> -> memref<1x125xi32, #tpu.memory_space<vmem>>
      %dma_start3A_586 = tpu.memref_squeeze %dma_start3A_585 : memref<1x125xi32, #tpu.memory_space<vmem>> -> memref<125xi32, #tpu.memory_space<vmem>>
      %dma_start3A_587 = arith.constant 0 : i32
      %dma_start3A_588 = arith.constant 0 : i32
      %dma_start3A_589 = tpu.memref_slice %arg9[%dma_start3A_587, %dma_start3A_588] : memref<10112x16xf32, #tpu.memory_space<vmem_shared>> -> memref<10112x16xf32, #tpu.memory_space<vmem_shared>>
      tpu.enqueue_indirect_dma source(%dma_start3A_583 : memref<125x16xf32, #tpu.memory_space<vmem>>) target(%dma_start3A_589 : memref<10112x16xf32, #tpu.memory_space<vmem_shared>>) offsets(%dma_start3A_586 : memref<125xi32, #tpu.memory_space<vmem>>) semaphore(%arg24 : memref<!tpu.dma_semaphore, #tpu.memory_space<semaphore_mem>>) {add = true}
      %add3A_590 = arith.constant 7 : i32
      %add3A_591 = arith.addi %mul3A_407, %add3A_590 : i32
      %dma_wait3A_592 = arith.constant 7 : i32
      %dma_wait3A_593 = arith.constant 0 : i32
      %dma_wait3A_594 = arith.constant 0 : i32
      %dma_wait3A_595 = tpu.memref_slice %arg8[%dma_wait3A_592, %dma_wait3A_593, %dma_wait3A_594] : memref<8x125x16xf32, #tpu.memory_space<vmem>> -> memref<1x125x16xf32, #tpu.memory_space<vmem>>
      %dma_wait3A_596 = tpu.memref_squeeze %dma_wait3A_595 : memref<1x125x16xf32, #tpu.memory_space<vmem>> -> memref<125x16xf32, #tpu.memory_space<vmem>>
      %dma_wait3A_597 = arith.constant 0 : i32
      %dma_wait3A_598 = tpu.memref_slice %arg6[%add3A_591, %dma_wait3A_597] : memref<80x125xi32, #tpu.memory_space<vmem>> -> memref<1x125xi32, #tpu.memory_space<vmem>>
      %dma_wait3A_599 = tpu.memref_squeeze %dma_wait3A_598 : memref<1x125xi32, #tpu.memory_space<vmem>> -> memref<125xi32, #tpu.memory_space<vmem>>
      %dma_wait3A_600 = arith.constant 0 : i32
      %dma_wait3A_601 = arith.constant 0 : i32
      %dma_wait3A_602 = tpu.memref_slice %arg2[%dma_wait3A_600, %dma_wait3A_601] : memref<10112x16xf32, #tpu.memory_space<hbm>> -> memref<10112x16xf32, #tpu.memory_space<hbm>>
      tpu.wait_indirect_dma semaphore(%arg17 : memref<!tpu.dma_semaphore, #tpu.memory_space<semaphore_mem>>) src(%dma_wait3A_602 : memref<10112x16xf32, #tpu.memory_space<hbm>>) dst(%dma_wait3A_596 : memref<125x16xf32, #tpu.memory_space<vmem>>)
      %add3A_603 = arith.constant 7 : i32
      %add3A_604 = arith.addi %mul3A_407, %add3A_603 : i32
      %dma_start3A_605 = arith.constant 7 : i32
      %dma_start3A_606 = arith.constant 0 : i32
      %dma_start3A_607 = arith.constant 0 : i32
      %dma_start3A_608 = tpu.memref_slice %arg8[%dma_start3A_605, %dma_start3A_606, %dma_start3A_607] : memref<8x125x16xf32, #tpu.memory_space<vmem>> -> memref<1x125x16xf32, #tpu.memory_space<vmem>>
      %dma_start3A_609 = tpu.memref_squeeze %dma_start3A_608 : memref<1x125x16xf32, #tpu.memory_space<vmem>> -> memref<125x16xf32, #tpu.memory_space<vmem>>
      %dma_start3A_610 = arith.constant 0 : i32
      %dma_start3A_611 = tpu.memref_slice %arg7[%add3A_604, %dma_start3A_610] : memref<80x125xi32, #tpu.memory_space<vmem>> -> memref<1x125xi32, #tpu.memory_space<vmem>>
      %dma_start3A_612 = tpu.memref_squeeze %dma_start3A_611 : memref<1x125xi32, #tpu.memory_space<vmem>> -> memref<125xi32, #tpu.memory_space<vmem>>
      %dma_start3A_613 = arith.constant 0 : i32
      %dma_start3A_614 = arith.constant 0 : i32
      %dma_start3A_615 = tpu.memref_slice %arg9[%dma_start3A_613, %dma_start3A_614] : memref<10112x16xf32, #tpu.memory_space<vmem_shared>> -> memref<10112x16xf32, #tpu.memory_space<vmem_shared>>
      tpu.enqueue_indirect_dma source(%dma_start3A_609 : memref<125x16xf32, #tpu.memory_space<vmem>>) target(%dma_start3A_615 : memref<10112x16xf32, #tpu.memory_space<vmem_shared>>) offsets(%dma_start3A_612 : memref<125xi32, #tpu.memory_space<vmem>>) semaphore(%arg25 : memref<!tpu.dma_semaphore, #tpu.memory_space<semaphore_mem>>) {add = true}
      %add3A_616 = arith.constant 0 : i32
      %add3A_617 = arith.addi %mul3A_407, %add3A_616 : i32
      %dma_wait3A_618 = arith.constant 0 : i32
      %dma_wait3A_619 = arith.constant 0 : i32
      %dma_wait3A_620 = arith.constant 0 : i32
      %dma_wait3A_621 = tpu.memref_slice %arg8[%dma_wait3A_618, %dma_wait3A_619, %dma_wait3A_620] : memref<8x125x16xf32, #tpu.memory_space<vmem>> -> memref<1x125x16xf32, #tpu.memory_space<vmem>>
      %dma_wait3A_622 = tpu.memref_squeeze %dma_wait3A_621 : memref<1x125x16xf32, #tpu.memory_space<vmem>> -> memref<125x16xf32, #tpu.memory_space<vmem>>
      %dma_wait3A_623 = arith.constant 0 : i32
      %dma_wait3A_624 = tpu.memref_slice %arg7[%add3A_617, %dma_wait3A_623] : memref<80x125xi32, #tpu.memory_space<vmem>> -> memref<1x125xi32, #tpu.memory_space<vmem>>
      %dma_wait3A_625 = tpu.memref_squeeze %dma_wait3A_624 : memref<1x125xi32, #tpu.memory_space<vmem>> -> memref<125xi32, #tpu.memory_space<vmem>>
      %dma_wait3A_626 = arith.constant 0 : i32
      %dma_wait3A_627 = arith.constant 0 : i32
      %dma_wait3A_628 = tpu.memref_slice %arg9[%dma_wait3A_626, %dma_wait3A_627] : memref<10112x16xf32, #tpu.memory_space<vmem_shared>> -> memref<10112x16xf32, #tpu.memory_space<vmem_shared>>
      tpu.wait_indirect_dma semaphore(%arg18 : memref<!tpu.dma_semaphore, #tpu.memory_space<semaphore_mem>>) src(%dma_wait3A_622 : memref<125x16xf32, #tpu.memory_space<vmem>>) dst(%dma_wait3A_628 : memref<10112x16xf32, #tpu.memory_space<vmem_shared>>)
      %add3A_629 = arith.constant 8 : i32
      %add3A_630 = arith.addi %mul3A_407, %add3A_629 : i32
      %add3A_631 = arith.constant 0 : i32
      %add3A_632 = arith.addi %add3A_630, %add3A_631 : i32
      %dma_start3A_633 = arith.constant 0 : i32
      %dma_start3A_634 = arith.constant 0 : i32
      %dma_start3A_635 = arith.constant 0 : i32
      %dma_start3A_636 = tpu.memref_slice %arg8[%dma_start3A_633, %dma_start3A_634, %dma_start3A_635] : memref<8x125x16xf32, #tpu.memory_space<vmem>> -> memref<1x125x16xf32, #tpu.memory_space<vmem>>
      %dma_start3A_637 = tpu.memref_squeeze %dma_start3A_636 : memref<1x125x16xf32, #tpu.memory_space<vmem>> -> memref<125x16xf32, #tpu.memory_space<vmem>>
      %dma_start3A_638 = arith.constant 0 : i32
      %dma_start3A_639 = tpu.memref_slice %arg6[%add3A_632, %dma_start3A_638] : memref<80x125xi32, #tpu.memory_space<vmem>> -> memref<1x125xi32, #tpu.memory_space<vmem>>
      %dma_start3A_640 = tpu.memref_squeeze %dma_start3A_639 : memref<1x125xi32, #tpu.memory_space<vmem>> -> memref<125xi32, #tpu.memory_space<vmem>>
      %dma_start3A_641 = arith.constant 0 : i32
      %dma_start3A_642 = arith.constant 0 : i32
      %dma_start3A_643 = tpu.memref_slice %arg2[%dma_start3A_641, %dma_start3A_642] : memref<10112x16xf32, #tpu.memory_space<hbm>> -> memref<10112x16xf32, #tpu.memory_space<hbm>>
      tpu.enqueue_indirect_dma source(%dma_start3A_643 : memref<10112x16xf32, #tpu.memory_space<hbm>>) target(%dma_start3A_637 : memref<125x16xf32, #tpu.memory_space<vmem>>) offsets(%dma_start3A_640 : memref<125xi32, #tpu.memory_space<vmem>>) semaphore(%arg10 : memref<!tpu.dma_semaphore, #tpu.memory_space<semaphore_mem>>)
      %add3A_644 = arith.constant 1 : i32
      %add3A_645 = arith.addi %mul3A_407, %add3A_644 : i32
      %dma_wait3A_646 = arith.constant 1 : i32
      %dma_wait3A_647 = arith.constant 0 : i32
      %dma_wait3A_648 = arith.constant 0 : i32
      %dma_wait3A_649 = tpu.memref_slice %arg8[%dma_wait3A_646, %dma_wait3A_647, %dma_wait3A_648] : memref<8x125x16xf32, #tpu.memory_space<vmem>> -> memref<1x125x16xf32, #tpu.memory_space<vmem>>
      %dma_wait3A_650 = tpu.memref_squeeze %dma_wait3A_649 : memref<1x125x16xf32, #tpu.memory_space<vmem>> -> memref<125x16xf32, #tpu.memory_space<vmem>>
      %dma_wait3A_651 = arith.constant 0 : i32
      %dma_wait3A_652 = tpu.memref_slice %arg7[%add3A_645, %dma_wait3A_651] : memref<80x125xi32, #tpu.memory_space<vmem>> -> memref<1x125xi32, #tpu.memory_space<vmem>>
      %dma_wait3A_653 = tpu.memref_squeeze %dma_wait3A_652 : memref<1x125xi32, #tpu.memory_space<vmem>> -> memref<125xi32, #tpu.memory_space<vmem>>
      %dma_wait3A_654 = arith.constant 0 : i32
      %dma_wait3A_655 = arith.constant 0 : i32
      %dma_wait3A_656 = tpu.memref_slice %arg9[%dma_wait3A_654, %dma_wait3A_655] : memref<10112x16xf32, #tpu.memory_space<vmem_shared>> -> memref<10112x16xf32, #tpu.memory_space<vmem_shared>>
      tpu.wait_indirect_dma semaphore(%arg19 : memref<!tpu.dma_semaphore, #tpu.memory_space<semaphore_mem>>) src(%dma_wait3A_650 : memref<125x16xf32, #tpu.memory_space<vmem>>) dst(%dma_wait3A_656 : memref<10112x16xf32, #tpu.memory_space<vmem_shared>>)
      %add3A_657 = arith.constant 8 : i32
      %add3A_658 = arith.addi %mul3A_407, %add3A_657 : i32
      %add3A_659 = arith.constant 1 : i32
      %add3A_660 = arith.addi %add3A_658, %add3A_659 : i32
      %dma_start3A_661 = arith.constant 1 : i32
      %dma_start3A_662 = arith.constant 0 : i32
      %dma_start3A_663 = arith.constant 0 : i32
      %dma_start3A_664 = tpu.memref_slice %arg8[%dma_start3A_661, %dma_start3A_662, %dma_start3A_663] : memref<8x125x16xf32, #tpu.memory_space<vmem>> -> memref<1x125x16xf32, #tpu.memory_space<vmem>>
      %dma_start3A_665 = tpu.memref_squeeze %dma_start3A_664 : memref<1x125x16xf32, #tpu.memory_space<vmem>> -> memref<125x16xf32, #tpu.memory_space<vmem>>
      %dma_start3A_666 = arith.constant 0 : i32
      %dma_start3A_667 = tpu.memref_slice %arg6[%add3A_660, %dma_start3A_666] : memref<80x125xi32, #tpu.memory_space<vmem>> -> memref<1x125xi32, #tpu.memory_space<vmem>>
      %dma_start3A_668 = tpu.memref_squeeze %dma_start3A_667 : memref<1x125xi32, #tpu.memory_space<vmem>> -> memref<125xi32, #tpu.memory_space<vmem>>
      %dma_start3A_669 = arith.constant 0 : i32
      %dma_start3A_670 = arith.constant 0 : i32
      %dma_start3A_671 = tpu.memref_slice %arg2[%dma_start3A_669, %dma_start3A_670] : memref<10112x16xf32, #tpu.memory_space<hbm>> -> memref<10112x16xf32, #tpu.memory_space<hbm>>
      tpu.enqueue_indirect_dma source(%dma_start3A_671 : memref<10112x16xf32, #tpu.memory_space<hbm>>) target(%dma_start3A_665 : memref<125x16xf32, #tpu.memory_space<vmem>>) offsets(%dma_start3A_668 : memref<125xi32, #tpu.memory_space<vmem>>) semaphore(%arg11 : memref<!tpu.dma_semaphore, #tpu.memory_space<semaphore_mem>>)
      %add3A_672 = arith.constant 2 : i32
      %add3A_673 = arith.addi %mul3A_407, %add3A_672 : i32
      %dma_wait3A_674 = arith.constant 2 : i32
      %dma_wait3A_675 = arith.constant 0 : i32
      %dma_wait3A_676 = arith.constant 0 : i32
      %dma_wait3A_677 = tpu.memref_slice %arg8[%dma_wait3A_674, %dma_wait3A_675, %dma_wait3A_676] : memref<8x125x16xf32, #tpu.memory_space<vmem>> -> memref<1x125x16xf32, #tpu.memory_space<vmem>>
      %dma_wait3A_678 = tpu.memref_squeeze %dma_wait3A_677 : memref<1x125x16xf32, #tpu.memory_space<vmem>> -> memref<125x16xf32, #tpu.memory_space<vmem>>
      %dma_wait3A_679 = arith.constant 0 : i32
      %dma_wait3A_680 = tpu.memref_slice %arg7[%add3A_673, %dma_wait3A_679] : memref<80x125xi32, #tpu.memory_space<vmem>> -> memref<1x125xi32, #tpu.memory_space<vmem>>
      %dma_wait3A_681 = tpu.memref_squeeze %dma_wait3A_680 : memref<1x125xi32, #tpu.memory_space<vmem>> -> memref<125xi32, #tpu.memory_space<vmem>>
      %dma_wait3A_682 = arith.constant 0 : i32
      %dma_wait3A_683 = arith.constant 0 : i32
      %dma_wait3A_684 = tpu.memref_slice %arg9[%dma_wait3A_682, %dma_wait3A_683] : memref<10112x16xf32, #tpu.memory_space<vmem_shared>> -> memref<10112x16xf32, #tpu.memory_space<vmem_shared>>
      tpu.wait_indirect_dma semaphore(%arg20 : memref<!tpu.dma_semaphore, #tpu.memory_space<semaphore_mem>>) src(%dma_wait3A_678 : memref<125x16xf32, #tpu.memory_space<vmem>>) dst(%dma_wait3A_684 : memref<10112x16xf32, #tpu.memory_space<vmem_shared>>)
      %add3A_685 = arith.constant 8 : i32
      %add3A_686 = arith.addi %mul3A_407, %add3A_685 : i32
      %add3A_687 = arith.constant 2 : i32
      %add3A_688 = arith.addi %add3A_686, %add3A_687 : i32
      %dma_start3A_689 = arith.constant 2 : i32
      %dma_start3A_690 = arith.constant 0 : i32
      %dma_start3A_691 = arith.constant 0 : i32
      %dma_start3A_692 = tpu.memref_slice %arg8[%dma_start3A_689, %dma_start3A_690, %dma_start3A_691] : memref<8x125x16xf32, #tpu.memory_space<vmem>> -> memref<1x125x16xf32, #tpu.memory_space<vmem>>
      %dma_start3A_693 = tpu.memref_squeeze %dma_start3A_692 : memref<1x125x16xf32, #tpu.memory_space<vmem>> -> memref<125x16xf32, #tpu.memory_space<vmem>>
      %dma_start3A_694 = arith.constant 0 : i32
      %dma_start3A_695 = tpu.memref_slice %arg6[%add3A_688, %dma_start3A_694] : memref<80x125xi32, #tpu.memory_space<vmem>> -> memref<1x125xi32, #tpu.memory_space<vmem>>
      %dma_start3A_696 = tpu.memref_squeeze %dma_start3A_695 : memref<1x125xi32, #tpu.memory_space<vmem>> -> memref<125xi32, #tpu.memory_space<vmem>>
      %dma_start3A_697 = arith.constant 0 : i32
      %dma_start3A_698 = arith.constant 0 : i32
      %dma_start3A_699 = tpu.memref_slice %arg2[%dma_start3A_697, %dma_start3A_698] : memref<10112x16xf32, #tpu.memory_space<hbm>> -> memref<10112x16xf32, #tpu.memory_space<hbm>>
      tpu.enqueue_indirect_dma source(%dma_start3A_699 : memref<10112x16xf32, #tpu.memory_space<hbm>>) target(%dma_start3A_693 : memref<125x16xf32, #tpu.memory_space<vmem>>) offsets(%dma_start3A_696 : memref<125xi32, #tpu.memory_space<vmem>>) semaphore(%arg12 : memref<!tpu.dma_semaphore, #tpu.memory_space<semaphore_mem>>)
      %add3A_700 = arith.constant 3 : i32
      %add3A_701 = arith.addi %mul3A_407, %add3A_700 : i32
      %dma_wait3A_702 = arith.constant 3 : i32
      %dma_wait3A_703 = arith.constant 0 : i32
      %dma_wait3A_704 = arith.constant 0 : i32
      %dma_wait3A_705 = tpu.memref_slice %arg8[%dma_wait3A_702, %dma_wait3A_703, %dma_wait3A_704] : memref<8x125x16xf32, #tpu.memory_space<vmem>> -> memref<1x125x16xf32, #tpu.memory_space<vmem>>
      %dma_wait3A_706 = tpu.memref_squeeze %dma_wait3A_705 : memref<1x125x16xf32, #tpu.memory_space<vmem>> -> memref<125x16xf32, #tpu.memory_space<vmem>>
      %dma_wait3A_707 = arith.constant 0 : i32
      %dma_wait3A_708 = tpu.memref_slice %arg7[%add3A_701, %dma_wait3A_707] : memref<80x125xi32, #tpu.memory_space<vmem>> -> memref<1x125xi32, #tpu.memory_space<vmem>>
      %dma_wait3A_709 = tpu.memref_squeeze %dma_wait3A_708 : memref<1x125xi32, #tpu.memory_space<vmem>> -> memref<125xi32, #tpu.memory_space<vmem>>
      %dma_wait3A_710 = arith.constant 0 : i32
      %dma_wait3A_711 = arith.constant 0 : i32
      %dma_wait3A_712 = tpu.memref_slice %arg9[%dma_wait3A_710, %dma_wait3A_711] : memref<10112x16xf32, #tpu.memory_space<vmem_shared>> -> memref<10112x16xf32, #tpu.memory_space<vmem_shared>>
      tpu.wait_indirect_dma semaphore(%arg21 : memref<!tpu.dma_semaphore, #tpu.memory_space<semaphore_mem>>) src(%dma_wait3A_706 : memref<125x16xf32, #tpu.memory_space<vmem>>) dst(%dma_wait3A_712 : memref<10112x16xf32, #tpu.memory_space<vmem_shared>>)
      %add3A_713 = arith.constant 8 : i32
      %add3A_714 = arith.addi %mul3A_407, %add3A_713 : i32
      %add3A_715 = arith.constant 3 : i32
      %add3A_716 = arith.addi %add3A_714, %add3A_715 : i32
      %dma_start3A_717 = arith.constant 3 : i32
      %dma_start3A_718 = arith.constant 0 : i32
      %dma_start3A_719 = arith.constant 0 : i32
      %dma_start3A_720 = tpu.memref_slice %arg8[%dma_start3A_717, %dma_start3A_718, %dma_start3A_719] : memref<8x125x16xf32, #tpu.memory_space<vmem>> -> memref<1x125x16xf32, #tpu.memory_space<vmem>>
      %dma_start3A_721 = tpu.memref_squeeze %dma_start3A_720 : memref<1x125x16xf32, #tpu.memory_space<vmem>> -> memref<125x16xf32, #tpu.memory_space<vmem>>
      %dma_start3A_722 = arith.constant 0 : i32
      %dma_start3A_723 = tpu.memref_slice %arg6[%add3A_716, %dma_start3A_722] : memref<80x125xi32, #tpu.memory_space<vmem>> -> memref<1x125xi32, #tpu.memory_space<vmem>>
      %dma_start3A_724 = tpu.memref_squeeze %dma_start3A_723 : memref<1x125xi32, #tpu.memory_space<vmem>> -> memref<125xi32, #tpu.memory_space<vmem>>
      %dma_start3A_725 = arith.constant 0 : i32
      %dma_start3A_726 = arith.constant 0 : i32
      %dma_start3A_727 = tpu.memref_slice %arg2[%dma_start3A_725, %dma_start3A_726] : memref<10112x16xf32, #tpu.memory_space<hbm>> -> memref<10112x16xf32, #tpu.memory_space<hbm>>
      tpu.enqueue_indirect_dma source(%dma_start3A_727 : memref<10112x16xf32, #tpu.memory_space<hbm>>) target(%dma_start3A_721 : memref<125x16xf32, #tpu.memory_space<vmem>>) offsets(%dma_start3A_724 : memref<125xi32, #tpu.memory_space<vmem>>) semaphore(%arg13 : memref<!tpu.dma_semaphore, #tpu.memory_space<semaphore_mem>>)
      %add3A_728 = arith.constant 4 : i32
      %add3A_729 = arith.addi %mul3A_407, %add3A_728 : i32
      %dma_wait3A_730 = arith.constant 4 : i32
      %dma_wait3A_731 = arith.constant 0 : i32
      %dma_wait3A_732 = arith.constant 0 : i32
      %dma_wait3A_733 = tpu.memref_slice %arg8[%dma_wait3A_730, %dma_wait3A_731, %dma_wait3A_732] : memref<8x125x16xf32, #tpu.memory_space<vmem>> -> memref<1x125x16xf32, #tpu.memory_space<vmem>>
      %dma_wait3A_734 = tpu.memref_squeeze %dma_wait3A_733 : memref<1x125x16xf32, #tpu.memory_space<vmem>> -> memref<125x16xf32, #tpu.memory_space<vmem>>
      %dma_wait3A_735 = arith.constant 0 : i32
      %dma_wait3A_736 = tpu.memref_slice %arg7[%add3A_729, %dma_wait3A_735] : memref<80x125xi32, #tpu.memory_space<vmem>> -> memref<1x125xi32, #tpu.memory_space<vmem>>
      %dma_wait3A_737 = tpu.memref_squeeze %dma_wait3A_736 : memref<1x125xi32, #tpu.memory_space<vmem>> -> memref<125xi32, #tpu.memory_space<vmem>>
      %dma_wait3A_738 = arith.constant 0 : i32
      %dma_wait3A_739 = arith.constant 0 : i32
      %dma_wait3A_740 = tpu.memref_slice %arg9[%dma_wait3A_738, %dma_wait3A_739] : memref<10112x16xf32, #tpu.memory_space<vmem_shared>> -> memref<10112x16xf32, #tpu.memory_space<vmem_shared>>
      tpu.wait_indirect_dma semaphore(%arg22 : memref<!tpu.dma_semaphore, #tpu.memory_space<semaphore_mem>>) src(%dma_wait3A_734 : memref<125x16xf32, #tpu.memory_space<vmem>>) dst(%dma_wait3A_740 : memref<10112x16xf32, #tpu.memory_space<vmem_shared>>)
      %add3A_741 = arith.constant 8 : i32
      %add3A_742 = arith.addi %mul3A_407, %add3A_741 : i32
      %add3A_743 = arith.constant 4 : i32
      %add3A_744 = arith.addi %add3A_742, %add3A_743 : i32
      %dma_start3A_745 = arith.constant 4 : i32
      %dma_start3A_746 = arith.constant 0 : i32
      %dma_start3A_747 = arith.constant 0 : i32
      %dma_start3A_748 = tpu.memref_slice %arg8[%dma_start3A_745, %dma_start3A_746, %dma_start3A_747] : memref<8x125x16xf32, #tpu.memory_space<vmem>> -> memref<1x125x16xf32, #tpu.memory_space<vmem>>
      %dma_start3A_749 = tpu.memref_squeeze %dma_start3A_748 : memref<1x125x16xf32, #tpu.memory_space<vmem>> -> memref<125x16xf32, #tpu.memory_space<vmem>>
      %dma_start3A_750 = arith.constant 0 : i32
      %dma_start3A_751 = tpu.memref_slice %arg6[%add3A_744, %dma_start3A_750] : memref<80x125xi32, #tpu.memory_space<vmem>> -> memref<1x125xi32, #tpu.memory_space<vmem>>
      %dma_start3A_752 = tpu.memref_squeeze %dma_start3A_751 : memref<1x125xi32, #tpu.memory_space<vmem>> -> memref<125xi32, #tpu.memory_space<vmem>>
      %dma_start3A_753 = arith.constant 0 : i32
      %dma_start3A_754 = arith.constant 0 : i32
      %dma_start3A_755 = tpu.memref_slice %arg2[%dma_start3A_753, %dma_start3A_754] : memref<10112x16xf32, #tpu.memory_space<hbm>> -> memref<10112x16xf32, #tpu.memory_space<hbm>>
      tpu.enqueue_indirect_dma source(%dma_start3A_755 : memref<10112x16xf32, #tpu.memory_space<hbm>>) target(%dma_start3A_749 : memref<125x16xf32, #tpu.memory_space<vmem>>) offsets(%dma_start3A_752 : memref<125xi32, #tpu.memory_space<vmem>>) semaphore(%arg14 : memref<!tpu.dma_semaphore, #tpu.memory_space<semaphore_mem>>)
      %add3A_756 = arith.constant 5 : i32
      %add3A_757 = arith.addi %mul3A_407, %add3A_756 : i32
      %dma_wait3A_758 = arith.constant 5 : i32
      %dma_wait3A_759 = arith.constant 0 : i32
      %dma_wait3A_760 = arith.constant 0 : i32
      %dma_wait3A_761 = tpu.memref_slice %arg8[%dma_wait3A_758, %dma_wait3A_759, %dma_wait3A_760] : memref<8x125x16xf32, #tpu.memory_space<vmem>> -> memref<1x125x16xf32, #tpu.memory_space<vmem>>
      %dma_wait3A_762 = tpu.memref_squeeze %dma_wait3A_761 : memref<1x125x16xf32, #tpu.memory_space<vmem>> -> memref<125x16xf32, #tpu.memory_space<vmem>>
      %dma_wait3A_763 = arith.constant 0 : i32
      %dma_wait3A_764 = tpu.memref_slice %arg7[%add3A_757, %dma_wait3A_763] : memref<80x125xi32, #tpu.memory_space<vmem>> -> memref<1x125xi32, #tpu.memory_space<vmem>>
      %dma_wait3A_765 = tpu.memref_squeeze %dma_wait3A_764 : memref<1x125xi32, #tpu.memory_space<vmem>> -> memref<125xi32, #tpu.memory_space<vmem>>
      %dma_wait3A_766 = arith.constant 0 : i32
      %dma_wait3A_767 = arith.constant 0 : i32
      %dma_wait3A_768 = tpu.memref_slice %arg9[%dma_wait3A_766, %dma_wait3A_767] : memref<10112x16xf32, #tpu.memory_space<vmem_shared>> -> memref<10112x16xf32, #tpu.memory_space<vmem_shared>>
      tpu.wait_indirect_dma semaphore(%arg23 : memref<!tpu.dma_semaphore, #tpu.memory_space<semaphore_mem>>) src(%dma_wait3A_762 : memref<125x16xf32, #tpu.memory_space<vmem>>) dst(%dma_wait3A_768 : memref<10112x16xf32, #tpu.memory_space<vmem_shared>>)
      %add3A_769 = arith.constant 8 : i32
      %add3A_770 = arith.addi %mul3A_407, %add3A_769 : i32
      %add3A_771 = arith.constant 5 : i32
      %add3A_772 = arith.addi %add3A_770, %add3A_771 : i32
      %dma_start3A_773 = arith.constant 5 : i32
      %dma_start3A_774 = arith.constant 0 : i32
      %dma_start3A_775 = arith.constant 0 : i32
      %dma_start3A_776 = tpu.memref_slice %arg8[%dma_start3A_773, %dma_start3A_774, %dma_start3A_775] : memref<8x125x16xf32, #tpu.memory_space<vmem>> -> memref<1x125x16xf32, #tpu.memory_space<vmem>>
      %dma_start3A_777 = tpu.memref_squeeze %dma_start3A_776 : memref<1x125x16xf32, #tpu.memory_space<vmem>> -> memref<125x16xf32, #tpu.memory_space<vmem>>
      %dma_start3A_778 = arith.constant 0 : i32
      %dma_start3A_779 = tpu.memref_slice %arg6[%add3A_772, %dma_start3A_778] : memref<80x125xi32, #tpu.memory_space<vmem>> -> memref<1x125xi32, #tpu.memory_space<vmem>>
      %dma_start3A_780 = tpu.memref_squeeze %dma_start3A_779 : memref<1x125xi32, #tpu.memory_space<vmem>> -> memref<125xi32, #tpu.memory_space<vmem>>
      %dma_start3A_781 = arith.constant 0 : i32
      %dma_start3A_782 = arith.constant 0 : i32
      %dma_start3A_783 = tpu.memref_slice %arg2[%dma_start3A_781, %dma_start3A_782] : memref<10112x16xf32, #tpu.memory_space<hbm>> -> memref<10112x16xf32, #tpu.memory_space<hbm>>
      tpu.enqueue_indirect_dma source(%dma_start3A_783 : memref<10112x16xf32, #tpu.memory_space<hbm>>) target(%dma_start3A_777 : memref<125x16xf32, #tpu.memory_space<vmem>>) offsets(%dma_start3A_780 : memref<125xi32, #tpu.memory_space<vmem>>) semaphore(%arg15 : memref<!tpu.dma_semaphore, #tpu.memory_space<semaphore_mem>>)
      %add3A_784 = arith.constant 6 : i32
      %add3A_785 = arith.addi %mul3A_407, %add3A_784 : i32
      %dma_wait3A_786 = arith.constant 6 : i32
      %dma_wait3A_787 = arith.constant 0 : i32
      %dma_wait3A_788 = arith.constant 0 : i32
      %dma_wait3A_789 = tpu.memref_slice %arg8[%dma_wait3A_786, %dma_wait3A_787, %dma_wait3A_788] : memref<8x125x16xf32, #tpu.memory_space<vmem>> -> memref<1x125x16xf32, #tpu.memory_space<vmem>>
      %dma_wait3A_790 = tpu.memref_squeeze %dma_wait3A_789 : memref<1x125x16xf32, #tpu.memory_space<vmem>> -> memref<125x16xf32, #tpu.memory_space<vmem>>
      %dma_wait3A_791 = arith.constant 0 : i32
      %dma_wait3A_792 = tpu.memref_slice %arg7[%add3A_785, %dma_wait3A_791] : memref<80x125xi32, #tpu.memory_space<vmem>> -> memref<1x125xi32, #tpu.memory_space<vmem>>
      %dma_wait3A_793 = tpu.memref_squeeze %dma_wait3A_792 : memref<1x125xi32, #tpu.memory_space<vmem>> -> memref<125xi32, #tpu.memory_space<vmem>>
      %dma_wait3A_794 = arith.constant 0 : i32
      %dma_wait3A_795 = arith.constant 0 : i32
      %dma_wait3A_796 = tpu.memref_slice %arg9[%dma_wait3A_794, %dma_wait3A_795] : memref<10112x16xf32, #tpu.memory_space<vmem_shared>> -> memref<10112x16xf32, #tpu.memory_space<vmem_shared>>
      tpu.wait_indirect_dma semaphore(%arg24 : memref<!tpu.dma_semaphore, #tpu.memory_space<semaphore_mem>>) src(%dma_wait3A_790 : memref<125x16xf32, #tpu.memory_space<vmem>>) dst(%dma_wait3A_796 : memref<10112x16xf32, #tpu.memory_space<vmem_shared>>)
      %add3A_797 = arith.constant 8 : i32
      %add3A_798 = arith.addi %mul3A_407, %add3A_797 : i32
      %add3A_799 = arith.constant 6 : i32
      %add3A_800 = arith.addi %add3A_798, %add3A_799 : i32
      %dma_start3A_801 = arith.constant 6 : i32
      %dma_start3A_802 = arith.constant 0 : i32
      %dma_start3A_803 = arith.constant 0 : i32
      %dma_start3A_804 = tpu.memref_slice %arg8[%dma_start3A_801, %dma_start3A_802, %dma_start3A_803] : memref<8x125x16xf32, #tpu.memory_space<vmem>> -> memref<1x125x16xf32, #tpu.memory_space<vmem>>
      %dma_start3A_805 = tpu.memref_squeeze %dma_start3A_804 : memref<1x125x16xf32, #tpu.memory_space<vmem>> -> memref<125x16xf32, #tpu.memory_space<vmem>>
      %dma_start3A_806 = arith.constant 0 : i32
      %dma_start3A_807 = tpu.memref_slice %arg6[%add3A_800, %dma_start3A_806] : memref<80x125xi32, #tpu.memory_space<vmem>> -> memref<1x125xi32, #tpu.memory_space<vmem>>
      %dma_start3A_808 = tpu.memref_squeeze %dma_start3A_807 : memref<1x125xi32, #tpu.memory_space<vmem>> -> memref<125xi32, #tpu.memory_space<vmem>>
      %dma_start3A_809 = arith.constant 0 : i32
      %dma_start3A_810 = arith.constant 0 : i32
      %dma_start3A_811 = tpu.memref_slice %arg2[%dma_start3A_809, %dma_start3A_810] : memref<10112x16xf32, #tpu.memory_space<hbm>> -> memref<10112x16xf32, #tpu.memory_space<hbm>>
      tpu.enqueue_indirect_dma source(%dma_start3A_811 : memref<10112x16xf32, #tpu.memory_space<hbm>>) target(%dma_start3A_805 : memref<125x16xf32, #tpu.memory_space<vmem>>) offsets(%dma_start3A_808 : memref<125xi32, #tpu.memory_space<vmem>>) semaphore(%arg16 : memref<!tpu.dma_semaphore, #tpu.memory_space<semaphore_mem>>)
      %add3A_812 = arith.constant 7 : i32
      %add3A_813 = arith.addi %mul3A_407, %add3A_812 : i32
      %dma_wait3A_814 = arith.constant 7 : i32
      %dma_wait3A_815 = arith.constant 0 : i32
      %dma_wait3A_816 = arith.constant 0 : i32
      %dma_wait3A_817 = tpu.memref_slice %arg8[%dma_wait3A_814, %dma_wait3A_815, %dma_wait3A_816] : memref<8x125x16xf32, #tpu.memory_space<vmem>> -> memref<1x125x16xf32, #tpu.memory_space<vmem>>
      %dma_wait3A_818 = tpu.memref_squeeze %dma_wait3A_817 : memref<1x125x16xf32, #tpu.memory_space<vmem>> -> memref<125x16xf32, #tpu.memory_space<vmem>>
      %dma_wait3A_819 = arith.constant 0 : i32
      %dma_wait3A_820 = tpu.memref_slice %arg7[%add3A_813, %dma_wait3A_819] : memref<80x125xi32, #tpu.memory_space<vmem>> -> memref<1x125xi32, #tpu.memory_space<vmem>>
      %dma_wait3A_821 = tpu.memref_squeeze %dma_wait3A_820 : memref<1x125xi32, #tpu.memory_space<vmem>> -> memref<125xi32, #tpu.memory_space<vmem>>
      %dma_wait3A_822 = arith.constant 0 : i32
      %dma_wait3A_823 = arith.constant 0 : i32
      %dma_wait3A_824 = tpu.memref_slice %arg9[%dma_wait3A_822, %dma_wait3A_823] : memref<10112x16xf32, #tpu.memory_space<vmem_shared>> -> memref<10112x16xf32, #tpu.memory_space<vmem_shared>>
      tpu.wait_indirect_dma semaphore(%arg25 : memref<!tpu.dma_semaphore, #tpu.memory_space<semaphore_mem>>) src(%dma_wait3A_818 : memref<125x16xf32, #tpu.memory_space<vmem>>) dst(%dma_wait3A_824 : memref<10112x16xf32, #tpu.memory_space<vmem_shared>>)
      %add3A_825 = arith.constant 8 : i32
      %add3A_826 = arith.addi %mul3A_407, %add3A_825 : i32
      %add3A_827 = arith.constant 7 : i32
      %add3A_828 = arith.addi %add3A_826, %add3A_827 : i32
      %dma_start3A_829 = arith.constant 7 : i32
      %dma_start3A_830 = arith.constant 0 : i32
      %dma_start3A_831 = arith.constant 0 : i32
      %dma_start3A_832 = tpu.memref_slice %arg8[%dma_start3A_829, %dma_start3A_830, %dma_start3A_831] : memref<8x125x16xf32, #tpu.memory_space<vmem>> -> memref<1x125x16xf32, #tpu.memory_space<vmem>>
      %dma_start3A_833 = tpu.memref_squeeze %dma_start3A_832 : memref<1x125x16xf32, #tpu.memory_space<vmem>> -> memref<125x16xf32, #tpu.memory_space<vmem>>
      %dma_start3A_834 = arith.constant 0 : i32
      %dma_start3A_835 = tpu.memref_slice %arg6[%add3A_828, %dma_start3A_834] : memref<80x125xi32, #tpu.memory_space<vmem>> -> memref<1x125xi32, #tpu.memory_space<vmem>>
      %dma_start3A_836 = tpu.memref_squeeze %dma_start3A_835 : memref<1x125xi32, #tpu.memory_space<vmem>> -> memref<125xi32, #tpu.memory_space<vmem>>
      %dma_start3A_837 = arith.constant 0 : i32
      %dma_start3A_838 = arith.constant 0 : i32
      %dma_start3A_839 = tpu.memref_slice %arg2[%dma_start3A_837, %dma_start3A_838] : memref<10112x16xf32, #tpu.memory_space<hbm>> -> memref<10112x16xf32, #tpu.memory_space<hbm>>
      tpu.enqueue_indirect_dma source(%dma_start3A_839 : memref<10112x16xf32, #tpu.memory_space<hbm>>) target(%dma_start3A_833 : memref<125x16xf32, #tpu.memory_space<vmem>>) offsets(%dma_start3A_836 : memref<125xi32, #tpu.memory_space<vmem>>) semaphore(%arg17 : memref<!tpu.dma_semaphore, #tpu.memory_space<semaphore_mem>>)
    }
    %scan3A_106 = arith.constant 9 : i32
    %dma_wait3A = arith.constant 72 : i32
    %dma_wait3A_107 = arith.constant 0 : i32
    %dma_wait3A_108 = arith.constant 0 : i32
    %dma_wait3A_109 = arith.constant 0 : i32
    %dma_wait3A_110 = tpu.memref_slice %arg8[%dma_wait3A_107, %dma_wait3A_108, %dma_wait3A_109] : memref<8x125x16xf32, #tpu.memory_space<vmem>> -> memref<1x125x16xf32, #tpu.memory_space<vmem>>
    %dma_wait3A_111 = tpu.memref_squeeze %dma_wait3A_110 : memref<1x125x16xf32, #tpu.memory_space<vmem>> -> memref<125x16xf32, #tpu.memory_space<vmem>>
    %dma_wait3A_112 = arith.constant 0 : i32
    %dma_wait3A_113 = tpu.memref_slice %arg6[%dma_wait3A, %dma_wait3A_112] : memref<80x125xi32, #tpu.memory_space<vmem>> -> memref<1x125xi32, #tpu.memory_space<vmem>>
    %dma_wait3A_114 = tpu.memref_squeeze %dma_wait3A_113 : memref<1x125xi32, #tpu.memory_space<vmem>> -> memref<125xi32, #tpu.memory_space<vmem>>
    %dma_wait3A_115 = arith.constant 0 : i32
    %dma_wait3A_116 = arith.constant 0 : i32
    %dma_wait3A_117 = tpu.memref_slice %arg2[%dma_wait3A_115, %dma_wait3A_116] : memref<10112x16xf32, #tpu.memory_space<hbm>> -> memref<10112x16xf32, #tpu.memory_space<hbm>>
    tpu.wait_indirect_dma semaphore(%arg10 : memref<!tpu.dma_semaphore, #tpu.memory_space<semaphore_mem>>) src(%dma_wait3A_117 : memref<10112x16xf32, #tpu.memory_space<hbm>>) dst(%dma_wait3A_111 : memref<125x16xf32, #tpu.memory_space<vmem>>)
    %dma_start3A_118 = arith.constant 0 : i32
    %dma_start3A_119 = arith.constant 72 : i32
    %dma_start3A_120 = arith.constant 0 : i32
    %dma_start3A_121 = arith.constant 0 : i32
    %dma_start3A_122 = tpu.memref_slice %arg8[%dma_start3A_118, %dma_start3A_120, %dma_start3A_121] : memref<8x125x16xf32, #tpu.memory_space<vmem>> -> memref<1x125x16xf32, #tpu.memory_space<vmem>>
    %dma_start3A_123 = tpu.memref_squeeze %dma_start3A_122 : memref<1x125x16xf32, #tpu.memory_space<vmem>> -> memref<125x16xf32, #tpu.memory_space<vmem>>
    %dma_start3A_124 = arith.constant 0 : i32
    %dma_start3A_125 = tpu.memref_slice %arg7[%dma_start3A_119, %dma_start3A_124] : memref<80x125xi32, #tpu.memory_space<vmem>> -> memref<1x125xi32, #tpu.memory_space<vmem>>
    %dma_start3A_126 = tpu.memref_squeeze %dma_start3A_125 : memref<1x125xi32, #tpu.memory_space<vmem>> -> memref<125xi32, #tpu.memory_space<vmem>>
    %dma_start3A_127 = arith.constant 0 : i32
    %dma_start3A_128 = arith.constant 0 : i32
    %dma_start3A_129 = tpu.memref_slice %arg9[%dma_start3A_127, %dma_start3A_128] : memref<10112x16xf32, #tpu.memory_space<vmem_shared>> -> memref<10112x16xf32, #tpu.memory_space<vmem_shared>>
    tpu.enqueue_indirect_dma source(%dma_start3A_123 : memref<125x16xf32, #tpu.memory_space<vmem>>) target(%dma_start3A_129 : memref<10112x16xf32, #tpu.memory_space<vmem_shared>>) offsets(%dma_start3A_126 : memref<125xi32, #tpu.memory_space<vmem>>) semaphore(%arg18 : memref<!tpu.dma_semaphore, #tpu.memory_space<semaphore_mem>>) {add = true}
    %dma_wait3A_130 = arith.constant 73 : i32
    %dma_wait3A_131 = arith.constant 1 : i32
    %dma_wait3A_132 = arith.constant 0 : i32
    %dma_wait3A_133 = arith.constant 0 : i32
    %dma_wait3A_134 = tpu.memref_slice %arg8[%dma_wait3A_131, %dma_wait3A_132, %dma_wait3A_133] : memref<8x125x16xf32, #tpu.memory_space<vmem>> -> memref<1x125x16xf32, #tpu.memory_space<vmem>>
    %dma_wait3A_135 = tpu.memref_squeeze %dma_wait3A_134 : memref<1x125x16xf32, #tpu.memory_space<vmem>> -> memref<125x16xf32, #tpu.memory_space<vmem>>
    %dma_wait3A_136 = arith.constant 0 : i32
    %dma_wait3A_137 = tpu.memref_slice %arg6[%dma_wait3A_130, %dma_wait3A_136] : memref<80x125xi32, #tpu.memory_space<vmem>> -> memref<1x125xi32, #tpu.memory_space<vmem>>
    %dma_wait3A_138 = tpu.memref_squeeze %dma_wait3A_137 : memref<1x125xi32, #tpu.memory_space<vmem>> -> memref<125xi32, #tpu.memory_space<vmem>>
    %dma_wait3A_139 = arith.constant 0 : i32
    %dma_wait3A_140 = arith.constant 0 : i32
    %dma_wait3A_141 = tpu.memref_slice %arg2[%dma_wait3A_139, %dma_wait3A_140] : memref<10112x16xf32, #tpu.memory_space<hbm>> -> memref<10112x16xf32, #tpu.memory_space<hbm>>
    tpu.wait_indirect_dma semaphore(%arg11 : memref<!tpu.dma_semaphore, #tpu.memory_space<semaphore_mem>>) src(%dma_wait3A_141 : memref<10112x16xf32, #tpu.memory_space<hbm>>) dst(%dma_wait3A_135 : memref<125x16xf32, #tpu.memory_space<vmem>>)
    %dma_start3A_142 = arith.constant 1 : i32
    %dma_start3A_143 = arith.constant 73 : i32
    %dma_start3A_144 = arith.constant 0 : i32
    %dma_start3A_145 = arith.constant 0 : i32
    %dma_start3A_146 = tpu.memref_slice %arg8[%dma_start3A_142, %dma_start3A_144, %dma_start3A_145] : memref<8x125x16xf32, #tpu.memory_space<vmem>> -> memref<1x125x16xf32, #tpu.memory_space<vmem>>
    %dma_start3A_147 = tpu.memref_squeeze %dma_start3A_146 : memref<1x125x16xf32, #tpu.memory_space<vmem>> -> memref<125x16xf32, #tpu.memory_space<vmem>>
    %dma_start3A_148 = arith.constant 0 : i32
    %dma_start3A_149 = tpu.memref_slice %arg7[%dma_start3A_143, %dma_start3A_148] : memref<80x125xi32, #tpu.memory_space<vmem>> -> memref<1x125xi32, #tpu.memory_space<vmem>>
    %dma_start3A_150 = tpu.memref_squeeze %dma_start3A_149 : memref<1x125xi32, #tpu.memory_space<vmem>> -> memref<125xi32, #tpu.memory_space<vmem>>
    %dma_start3A_151 = arith.constant 0 : i32
    %dma_start3A_152 = arith.constant 0 : i32
    %dma_start3A_153 = tpu.memref_slice %arg9[%dma_start3A_151, %dma_start3A_152] : memref<10112x16xf32, #tpu.memory_space<vmem_shared>> -> memref<10112x16xf32, #tpu.memory_space<vmem_shared>>
    tpu.enqueue_indirect_dma source(%dma_start3A_147 : memref<125x16xf32, #tpu.memory_space<vmem>>) target(%dma_start3A_153 : memref<10112x16xf32, #tpu.memory_space<vmem_shared>>) offsets(%dma_start3A_150 : memref<125xi32, #tpu.memory_space<vmem>>) semaphore(%arg19 : memref<!tpu.dma_semaphore, #tpu.memory_space<semaphore_mem>>) {add = true}
    %dma_wait3A_154 = arith.constant 74 : i32
    %dma_wait3A_155 = arith.constant 2 : i32
    %dma_wait3A_156 = arith.constant 0 : i32
    %dma_wait3A_157 = arith.constant 0 : i32
    %dma_wait3A_158 = tpu.memref_slice %arg8[%dma_wait3A_155, %dma_wait3A_156, %dma_wait3A_157] : memref<8x125x16xf32, #tpu.memory_space<vmem>> -> memref<1x125x16xf32, #tpu.memory_space<vmem>>
    %dma_wait3A_159 = tpu.memref_squeeze %dma_wait3A_158 : memref<1x125x16xf32, #tpu.memory_space<vmem>> -> memref<125x16xf32, #tpu.memory_space<vmem>>
    %dma_wait3A_160 = arith.constant 0 : i32
    %dma_wait3A_161 = tpu.memref_slice %arg6[%dma_wait3A_154, %dma_wait3A_160] : memref<80x125xi32, #tpu.memory_space<vmem>> -> memref<1x125xi32, #tpu.memory_space<vmem>>
    %dma_wait3A_162 = tpu.memref_squeeze %dma_wait3A_161 : memref<1x125xi32, #tpu.memory_space<vmem>> -> memref<125xi32, #tpu.memory_space<vmem>>
    %dma_wait3A_163 = arith.constant 0 : i32
    %dma_wait3A_164 = arith.constant 0 : i32
    %dma_wait3A_165 = tpu.memref_slice %arg2[%dma_wait3A_163, %dma_wait3A_164] : memref<10112x16xf32, #tpu.memory_space<hbm>> -> memref<10112x16xf32, #tpu.memory_space<hbm>>
    tpu.wait_indirect_dma semaphore(%arg12 : memref<!tpu.dma_semaphore, #tpu.memory_space<semaphore_mem>>) src(%dma_wait3A_165 : memref<10112x16xf32, #tpu.memory_space<hbm>>) dst(%dma_wait3A_159 : memref<125x16xf32, #tpu.memory_space<vmem>>)
    %dma_start3A_166 = arith.constant 2 : i32
    %dma_start3A_167 = arith.constant 74 : i32
    %dma_start3A_168 = arith.constant 0 : i32
    %dma_start3A_169 = arith.constant 0 : i32
    %dma_start3A_170 = tpu.memref_slice %arg8[%dma_start3A_166, %dma_start3A_168, %dma_start3A_169] : memref<8x125x16xf32, #tpu.memory_space<vmem>> -> memref<1x125x16xf32, #tpu.memory_space<vmem>>
    %dma_start3A_171 = tpu.memref_squeeze %dma_start3A_170 : memref<1x125x16xf32, #tpu.memory_space<vmem>> -> memref<125x16xf32, #tpu.memory_space<vmem>>
    %dma_start3A_172 = arith.constant 0 : i32
    %dma_start3A_173 = tpu.memref_slice %arg7[%dma_start3A_167, %dma_start3A_172] : memref<80x125xi32, #tpu.memory_space<vmem>> -> memref<1x125xi32, #tpu.memory_space<vmem>>
    %dma_start3A_174 = tpu.memref_squeeze %dma_start3A_173 : memref<1x125xi32, #tpu.memory_space<vmem>> -> memref<125xi32, #tpu.memory_space<vmem>>
    %dma_start3A_175 = arith.constant 0 : i32
    %dma_start3A_176 = arith.constant 0 : i32
    %dma_start3A_177 = tpu.memref_slice %arg9[%dma_start3A_175, %dma_start3A_176] : memref<10112x16xf32, #tpu.memory_space<vmem_shared>> -> memref<10112x16xf32, #tpu.memory_space<vmem_shared>>
    tpu.enqueue_indirect_dma source(%dma_start3A_171 : memref<125x16xf32, #tpu.memory_space<vmem>>) target(%dma_start3A_177 : memref<10112x16xf32, #tpu.memory_space<vmem_shared>>) offsets(%dma_start3A_174 : memref<125xi32, #tpu.memory_space<vmem>>) semaphore(%arg20 : memref<!tpu.dma_semaphore, #tpu.memory_space<semaphore_mem>>) {add = true}
    %dma_wait3A_178 = arith.constant 75 : i32
    %dma_wait3A_179 = arith.constant 3 : i32
    %dma_wait3A_180 = arith.constant 0 : i32
    %dma_wait3A_181 = arith.constant 0 : i32
    %dma_wait3A_182 = tpu.memref_slice %arg8[%dma_wait3A_179, %dma_wait3A_180, %dma_wait3A_181] : memref<8x125x16xf32, #tpu.memory_space<vmem>> -> memref<1x125x16xf32, #tpu.memory_space<vmem>>
    %dma_wait3A_183 = tpu.memref_squeeze %dma_wait3A_182 : memref<1x125x16xf32, #tpu.memory_space<vmem>> -> memref<125x16xf32, #tpu.memory_space<vmem>>
    %dma_wait3A_184 = arith.constant 0 : i32
    %dma_wait3A_185 = tpu.memref_slice %arg6[%dma_wait3A_178, %dma_wait3A_184] : memref<80x125xi32, #tpu.memory_space<vmem>> -> memref<1x125xi32, #tpu.memory_space<vmem>>
    %dma_wait3A_186 = tpu.memref_squeeze %dma_wait3A_185 : memref<1x125xi32, #tpu.memory_space<vmem>> -> memref<125xi32, #tpu.memory_space<vmem>>
    %dma_wait3A_187 = arith.constant 0 : i32
    %dma_wait3A_188 = arith.constant 0 : i32
    %dma_wait3A_189 = tpu.memref_slice %arg2[%dma_wait3A_187, %dma_wait3A_188] : memref<10112x16xf32, #tpu.memory_space<hbm>> -> memref<10112x16xf32, #tpu.memory_space<hbm>>
    tpu.wait_indirect_dma semaphore(%arg13 : memref<!tpu.dma_semaphore, #tpu.memory_space<semaphore_mem>>) src(%dma_wait3A_189 : memref<10112x16xf32, #tpu.memory_space<hbm>>) dst(%dma_wait3A_183 : memref<125x16xf32, #tpu.memory_space<vmem>>)
    %dma_start3A_190 = arith.constant 3 : i32
    %dma_start3A_191 = arith.constant 75 : i32
    %dma_start3A_192 = arith.constant 0 : i32
    %dma_start3A_193 = arith.constant 0 : i32
    %dma_start3A_194 = tpu.memref_slice %arg8[%dma_start3A_190, %dma_start3A_192, %dma_start3A_193] : memref<8x125x16xf32, #tpu.memory_space<vmem>> -> memref<1x125x16xf32, #tpu.memory_space<vmem>>
    %dma_start3A_195 = tpu.memref_squeeze %dma_start3A_194 : memref<1x125x16xf32, #tpu.memory_space<vmem>> -> memref<125x16xf32, #tpu.memory_space<vmem>>
    %dma_start3A_196 = arith.constant 0 : i32
    %dma_start3A_197 = tpu.memref_slice %arg7[%dma_start3A_191, %dma_start3A_196] : memref<80x125xi32, #tpu.memory_space<vmem>> -> memref<1x125xi32, #tpu.memory_space<vmem>>
    %dma_start3A_198 = tpu.memref_squeeze %dma_start3A_197 : memref<1x125xi32, #tpu.memory_space<vmem>> -> memref<125xi32, #tpu.memory_space<vmem>>
    %dma_start3A_199 = arith.constant 0 : i32
    %dma_start3A_200 = arith.constant 0 : i32
    %dma_start3A_201 = tpu.memref_slice %arg9[%dma_start3A_199, %dma_start3A_200] : memref<10112x16xf32, #tpu.memory_space<vmem_shared>> -> memref<10112x16xf32, #tpu.memory_space<vmem_shared>>
    tpu.enqueue_indirect_dma source(%dma_start3A_195 : memref<125x16xf32, #tpu.memory_space<vmem>>) target(%dma_start3A_201 : memref<10112x16xf32, #tpu.memory_space<vmem_shared>>) offsets(%dma_start3A_198 : memref<125xi32, #tpu.memory_space<vmem>>) semaphore(%arg21 : memref<!tpu.dma_semaphore, #tpu.memory_space<semaphore_mem>>) {add = true}
    %dma_wait3A_202 = arith.constant 76 : i32
    %dma_wait3A_203 = arith.constant 4 : i32
    %dma_wait3A_204 = arith.constant 0 : i32
    %dma_wait3A_205 = arith.constant 0 : i32
    %dma_wait3A_206 = tpu.memref_slice %arg8[%dma_wait3A_203, %dma_wait3A_204, %dma_wait3A_205] : memref<8x125x16xf32, #tpu.memory_space<vmem>> -> memref<1x125x16xf32, #tpu.memory_space<vmem>>
    %dma_wait3A_207 = tpu.memref_squeeze %dma_wait3A_206 : memref<1x125x16xf32, #tpu.memory_space<vmem>> -> memref<125x16xf32, #tpu.memory_space<vmem>>
    %dma_wait3A_208 = arith.constant 0 : i32
    %dma_wait3A_209 = tpu.memref_slice %arg6[%dma_wait3A_202, %dma_wait3A_208] : memref<80x125xi32, #tpu.memory_space<vmem>> -> memref<1x125xi32, #tpu.memory_space<vmem>>
    %dma_wait3A_210 = tpu.memref_squeeze %dma_wait3A_209 : memref<1x125xi32, #tpu.memory_space<vmem>> -> memref<125xi32, #tpu.memory_space<vmem>>
    %dma_wait3A_211 = arith.constant 0 : i32
    %dma_wait3A_212 = arith.constant 0 : i32
    %dma_wait3A_213 = tpu.memref_slice %arg2[%dma_wait3A_211, %dma_wait3A_212] : memref<10112x16xf32, #tpu.memory_space<hbm>> -> memref<10112x16xf32, #tpu.memory_space<hbm>>
    tpu.wait_indirect_dma semaphore(%arg14 : memref<!tpu.dma_semaphore, #tpu.memory_space<semaphore_mem>>) src(%dma_wait3A_213 : memref<10112x16xf32, #tpu.memory_space<hbm>>) dst(%dma_wait3A_207 : memref<125x16xf32, #tpu.memory_space<vmem>>)
    %dma_start3A_214 = arith.constant 4 : i32
    %dma_start3A_215 = arith.constant 76 : i32
    %dma_start3A_216 = arith.constant 0 : i32
    %dma_start3A_217 = arith.constant 0 : i32
    %dma_start3A_218 = tpu.memref_slice %arg8[%dma_start3A_214, %dma_start3A_216, %dma_start3A_217] : memref<8x125x16xf32, #tpu.memory_space<vmem>> -> memref<1x125x16xf32, #tpu.memory_space<vmem>>
    %dma_start3A_219 = tpu.memref_squeeze %dma_start3A_218 : memref<1x125x16xf32, #tpu.memory_space<vmem>> -> memref<125x16xf32, #tpu.memory_space<vmem>>
    %dma_start3A_220 = arith.constant 0 : i32
    %dma_start3A_221 = tpu.memref_slice %arg7[%dma_start3A_215, %dma_start3A_220] : memref<80x125xi32, #tpu.memory_space<vmem>> -> memref<1x125xi32, #tpu.memory_space<vmem>>
    %dma_start3A_222 = tpu.memref_squeeze %dma_start3A_221 : memref<1x125xi32, #tpu.memory_space<vmem>> -> memref<125xi32, #tpu.memory_space<vmem>>
    %dma_start3A_223 = arith.constant 0 : i32
    %dma_start3A_224 = arith.constant 0 : i32
    %dma_start3A_225 = tpu.memref_slice %arg9[%dma_start3A_223, %dma_start3A_224] : memref<10112x16xf32, #tpu.memory_space<vmem_shared>> -> memref<10112x16xf32, #tpu.memory_space<vmem_shared>>
    tpu.enqueue_indirect_dma source(%dma_start3A_219 : memref<125x16xf32, #tpu.memory_space<vmem>>) target(%dma_start3A_225 : memref<10112x16xf32, #tpu.memory_space<vmem_shared>>) offsets(%dma_start3A_222 : memref<125xi32, #tpu.memory_space<vmem>>) semaphore(%arg22 : memref<!tpu.dma_semaphore, #tpu.memory_space<semaphore_mem>>) {add = true}
    %dma_wait3A_226 = arith.constant 77 : i32
    %dma_wait3A_227 = arith.constant 5 : i32
    %dma_wait3A_228 = arith.constant 0 : i32
    %dma_wait3A_229 = arith.constant 0 : i32
    %dma_wait3A_230 = tpu.memref_slice %arg8[%dma_wait3A_227, %dma_wait3A_228, %dma_wait3A_229] : memref<8x125x16xf32, #tpu.memory_space<vmem>> -> memref<1x125x16xf32, #tpu.memory_space<vmem>>
    %dma_wait3A_231 = tpu.memref_squeeze %dma_wait3A_230 : memref<1x125x16xf32, #tpu.memory_space<vmem>> -> memref<125x16xf32, #tpu.memory_space<vmem>>
    %dma_wait3A_232 = arith.constant 0 : i32
    %dma_wait3A_233 = tpu.memref_slice %arg6[%dma_wait3A_226, %dma_wait3A_232] : memref<80x125xi32, #tpu.memory_space<vmem>> -> memref<1x125xi32, #tpu.memory_space<vmem>>
    %dma_wait3A_234 = tpu.memref_squeeze %dma_wait3A_233 : memref<1x125xi32, #tpu.memory_space<vmem>> -> memref<125xi32, #tpu.memory_space<vmem>>
    %dma_wait3A_235 = arith.constant 0 : i32
    %dma_wait3A_236 = arith.constant 0 : i32
    %dma_wait3A_237 = tpu.memref_slice %arg2[%dma_wait3A_235, %dma_wait3A_236] : memref<10112x16xf32, #tpu.memory_space<hbm>> -> memref<10112x16xf32, #tpu.memory_space<hbm>>
    tpu.wait_indirect_dma semaphore(%arg15 : memref<!tpu.dma_semaphore, #tpu.memory_space<semaphore_mem>>) src(%dma_wait3A_237 : memref<10112x16xf32, #tpu.memory_space<hbm>>) dst(%dma_wait3A_231 : memref<125x16xf32, #tpu.memory_space<vmem>>)
    %dma_start3A_238 = arith.constant 5 : i32
    %dma_start3A_239 = arith.constant 77 : i32
    %dma_start3A_240 = arith.constant 0 : i32
    %dma_start3A_241 = arith.constant 0 : i32
    %dma_start3A_242 = tpu.memref_slice %arg8[%dma_start3A_238, %dma_start3A_240, %dma_start3A_241] : memref<8x125x16xf32, #tpu.memory_space<vmem>> -> memref<1x125x16xf32, #tpu.memory_space<vmem>>
    %dma_start3A_243 = tpu.memref_squeeze %dma_start3A_242 : memref<1x125x16xf32, #tpu.memory_space<vmem>> -> memref<125x16xf32, #tpu.memory_space<vmem>>
    %dma_start3A_244 = arith.constant 0 : i32
    %dma_start3A_245 = tpu.memref_slice %arg7[%dma_start3A_239, %dma_start3A_244] : memref<80x125xi32, #tpu.memory_space<vmem>> -> memref<1x125xi32, #tpu.memory_space<vmem>>
    %dma_start3A_246 = tpu.memref_squeeze %dma_start3A_245 : memref<1x125xi32, #tpu.memory_space<vmem>> -> memref<125xi32, #tpu.memory_space<vmem>>
    %dma_start3A_247 = arith.constant 0 : i32
    %dma_start3A_248 = arith.constant 0 : i32
    %dma_start3A_249 = tpu.memref_slice %arg9[%dma_start3A_247, %dma_start3A_248] : memref<10112x16xf32, #tpu.memory_space<vmem_shared>> -> memref<10112x16xf32, #tpu.memory_space<vmem_shared>>
    tpu.enqueue_indirect_dma source(%dma_start3A_243 : memref<125x16xf32, #tpu.memory_space<vmem>>) target(%dma_start3A_249 : memref<10112x16xf32, #tpu.memory_space<vmem_shared>>) offsets(%dma_start3A_246 : memref<125xi32, #tpu.memory_space<vmem>>) semaphore(%arg23 : memref<!tpu.dma_semaphore, #tpu.memory_space<semaphore_mem>>) {add = true}
    %dma_wait3A_250 = arith.constant 78 : i32
    %dma_wait3A_251 = arith.constant 6 : i32
    %dma_wait3A_252 = arith.constant 0 : i32
    %dma_wait3A_253 = arith.constant 0 : i32
    %dma_wait3A_254 = tpu.memref_slice %arg8[%dma_wait3A_251, %dma_wait3A_252, %dma_wait3A_253] : memref<8x125x16xf32, #tpu.memory_space<vmem>> -> memref<1x125x16xf32, #tpu.memory_space<vmem>>
    %dma_wait3A_255 = tpu.memref_squeeze %dma_wait3A_254 : memref<1x125x16xf32, #tpu.memory_space<vmem>> -> memref<125x16xf32, #tpu.memory_space<vmem>>
    %dma_wait3A_256 = arith.constant 0 : i32
    %dma_wait3A_257 = tpu.memref_slice %arg6[%dma_wait3A_250, %dma_wait3A_256] : memref<80x125xi32, #tpu.memory_space<vmem>> -> memref<1x125xi32, #tpu.memory_space<vmem>>
    %dma_wait3A_258 = tpu.memref_squeeze %dma_wait3A_257 : memref<1x125xi32, #tpu.memory_space<vmem>> -> memref<125xi32, #tpu.memory_space<vmem>>
    %dma_wait3A_259 = arith.constant 0 : i32
    %dma_wait3A_260 = arith.constant 0 : i32
    %dma_wait3A_261 = tpu.memref_slice %arg2[%dma_wait3A_259, %dma_wait3A_260] : memref<10112x16xf32, #tpu.memory_space<hbm>> -> memref<10112x16xf32, #tpu.memory_space<hbm>>
    tpu.wait_indirect_dma semaphore(%arg16 : memref<!tpu.dma_semaphore, #tpu.memory_space<semaphore_mem>>) src(%dma_wait3A_261 : memref<10112x16xf32, #tpu.memory_space<hbm>>) dst(%dma_wait3A_255 : memref<125x16xf32, #tpu.memory_space<vmem>>)
    %dma_start3A_262 = arith.constant 6 : i32
    %dma_start3A_263 = arith.constant 78 : i32
    %dma_start3A_264 = arith.constant 0 : i32
    %dma_start3A_265 = arith.constant 0 : i32
    %dma_start3A_266 = tpu.memref_slice %arg8[%dma_start3A_262, %dma_start3A_264, %dma_start3A_265] : memref<8x125x16xf32, #tpu.memory_space<vmem>> -> memref<1x125x16xf32, #tpu.memory_space<vmem>>
    %dma_start3A_267 = tpu.memref_squeeze %dma_start3A_266 : memref<1x125x16xf32, #tpu.memory_space<vmem>> -> memref<125x16xf32, #tpu.memory_space<vmem>>
    %dma_start3A_268 = arith.constant 0 : i32
    %dma_start3A_269 = tpu.memref_slice %arg7[%dma_start3A_263, %dma_start3A_268] : memref<80x125xi32, #tpu.memory_space<vmem>> -> memref<1x125xi32, #tpu.memory_space<vmem>>
    %dma_start3A_270 = tpu.memref_squeeze %dma_start3A_269 : memref<1x125xi32, #tpu.memory_space<vmem>> -> memref<125xi32, #tpu.memory_space<vmem>>
    %dma_start3A_271 = arith.constant 0 : i32
    %dma_start3A_272 = arith.constant 0 : i32
    %dma_start3A_273 = tpu.memref_slice %arg9[%dma_start3A_271, %dma_start3A_272] : memref<10112x16xf32, #tpu.memory_space<vmem_shared>> -> memref<10112x16xf32, #tpu.memory_space<vmem_shared>>
    tpu.enqueue_indirect_dma source(%dma_start3A_267 : memref<125x16xf32, #tpu.memory_space<vmem>>) target(%dma_start3A_273 : memref<10112x16xf32, #tpu.memory_space<vmem_shared>>) offsets(%dma_start3A_270 : memref<125xi32, #tpu.memory_space<vmem>>) semaphore(%arg24 : memref<!tpu.dma_semaphore, #tpu.memory_space<semaphore_mem>>) {add = true}
    %dma_wait3A_274 = arith.constant 79 : i32
    %dma_wait3A_275 = arith.constant 7 : i32
    %dma_wait3A_276 = arith.constant 0 : i32
    %dma_wait3A_277 = arith.constant 0 : i32
    %dma_wait3A_278 = tpu.memref_slice %arg8[%dma_wait3A_275, %dma_wait3A_276, %dma_wait3A_277] : memref<8x125x16xf32, #tpu.memory_space<vmem>> -> memref<1x125x16xf32, #tpu.memory_space<vmem>>
    %dma_wait3A_279 = tpu.memref_squeeze %dma_wait3A_278 : memref<1x125x16xf32, #tpu.memory_space<vmem>> -> memref<125x16xf32, #tpu.memory_space<vmem>>
    %dma_wait3A_280 = arith.constant 0 : i32
    %dma_wait3A_281 = tpu.memref_slice %arg6[%dma_wait3A_274, %dma_wait3A_280] : memref<80x125xi32, #tpu.memory_space<vmem>> -> memref<1x125xi32, #tpu.memory_space<vmem>>
    %dma_wait3A_282 = tpu.memref_squeeze %dma_wait3A_281 : memref<1x125xi32, #tpu.memory_space<vmem>> -> memref<125xi32, #tpu.memory_space<vmem>>
    %dma_wait3A_283 = arith.constant 0 : i32
    %dma_wait3A_284 = arith.constant 0 : i32
    %dma_wait3A_285 = tpu.memref_slice %arg2[%dma_wait3A_283, %dma_wait3A_284] : memref<10112x16xf32, #tpu.memory_space<hbm>> -> memref<10112x16xf32, #tpu.memory_space<hbm>>
    tpu.wait_indirect_dma semaphore(%arg17 : memref<!tpu.dma_semaphore, #tpu.memory_space<semaphore_mem>>) src(%dma_wait3A_285 : memref<10112x16xf32, #tpu.memory_space<hbm>>) dst(%dma_wait3A_279 : memref<125x16xf32, #tpu.memory_space<vmem>>)
    %dma_start3A_286 = arith.constant 7 : i32
    %dma_start3A_287 = arith.constant 79 : i32
    %dma_start3A_288 = arith.constant 0 : i32
    %dma_start3A_289 = arith.constant 0 : i32
    %dma_start3A_290 = tpu.memref_slice %arg8[%dma_start3A_286, %dma_start3A_288, %dma_start3A_289] : memref<8x125x16xf32, #tpu.memory_space<vmem>> -> memref<1x125x16xf32, #tpu.memory_space<vmem>>
    %dma_start3A_291 = tpu.memref_squeeze %dma_start3A_290 : memref<1x125x16xf32, #tpu.memory_space<vmem>> -> memref<125x16xf32, #tpu.memory_space<vmem>>
    %dma_start3A_292 = arith.constant 0 : i32
    %dma_start3A_293 = tpu.memref_slice %arg7[%dma_start3A_287, %dma_start3A_292] : memref<80x125xi32, #tpu.memory_space<vmem>> -> memref<1x125xi32, #tpu.memory_space<vmem>>
    %dma_start3A_294 = tpu.memref_squeeze %dma_start3A_293 : memref<1x125xi32, #tpu.memory_space<vmem>> -> memref<125xi32, #tpu.memory_space<vmem>>
    %dma_start3A_295 = arith.constant 0 : i32
    %dma_start3A_296 = arith.constant 0 : i32
    %dma_start3A_297 = tpu.memref_slice %arg9[%dma_start3A_295, %dma_start3A_296] : memref<10112x16xf32, #tpu.memory_space<vmem_shared>> -> memref<10112x16xf32, #tpu.memory_space<vmem_shared>>
    tpu.enqueue_indirect_dma source(%dma_start3A_291 : memref<125x16xf32, #tpu.memory_space<vmem>>) target(%dma_start3A_297 : memref<10112x16xf32, #tpu.memory_space<vmem_shared>>) offsets(%dma_start3A_294 : memref<125xi32, #tpu.memory_space<vmem>>) semaphore(%arg25 : memref<!tpu.dma_semaphore, #tpu.memory_space<semaphore_mem>>) {add = true}
    %dma_wait3A_298 = arith.constant 0 : i32
    %dma_wait3A_299 = arith.constant 72 : i32
    %dma_wait3A_300 = arith.constant 0 : i32
    %dma_wait3A_301 = arith.constant 0 : i32
    %dma_wait3A_302 = tpu.memref_slice %arg8[%dma_wait3A_298, %dma_wait3A_300, %dma_wait3A_301] : memref<8x125x16xf32, #tpu.memory_space<vmem>> -> memref<1x125x16xf32, #tpu.memory_space<vmem>>
    %dma_wait3A_303 = tpu.memref_squeeze %dma_wait3A_302 : memref<1x125x16xf32, #tpu.memory_space<vmem>> -> memref<125x16xf32, #tpu.memory_space<vmem>>
    %dma_wait3A_304 = arith.constant 0 : i32
    %dma_wait3A_305 = tpu.memref_slice %arg7[%dma_wait3A_299, %dma_wait3A_304] : memref<80x125xi32, #tpu.memory_space<vmem>> -> memref<1x125xi32, #tpu.memory_space<vmem>>
    %dma_wait3A_306 = tpu.memref_squeeze %dma_wait3A_305 : memref<1x125xi32, #tpu.memory_space<vmem>> -> memref<125xi32, #tpu.memory_space<vmem>>
    %dma_wait3A_307 = arith.constant 0 : i32
    %dma_wait3A_308 = arith.constant 0 : i32
    %dma_wait3A_309 = tpu.memref_slice %arg9[%dma_wait3A_307, %dma_wait3A_308] : memref<10112x16xf32, #tpu.memory_space<vmem_shared>> -> memref<10112x16xf32, #tpu.memory_space<vmem_shared>>
    tpu.wait_indirect_dma semaphore(%arg18 : memref<!tpu.dma_semaphore, #tpu.memory_space<semaphore_mem>>) src(%dma_wait3A_303 : memref<125x16xf32, #tpu.memory_space<vmem>>) dst(%dma_wait3A_309 : memref<10112x16xf32, #tpu.memory_space<vmem_shared>>)
    %dma_wait3A_310 = arith.constant 1 : i32
    %dma_wait3A_311 = arith.constant 73 : i32
    %dma_wait3A_312 = arith.constant 0 : i32
    %dma_wait3A_313 = arith.constant 0 : i32
    %dma_wait3A_314 = tpu.memref_slice %arg8[%dma_wait3A_310, %dma_wait3A_312, %dma_wait3A_313] : memref<8x125x16xf32, #tpu.memory_space<vmem>> -> memref<1x125x16xf32, #tpu.memory_space<vmem>>
    %dma_wait3A_315 = tpu.memref_squeeze %dma_wait3A_314 : memref<1x125x16xf32, #tpu.memory_space<vmem>> -> memref<125x16xf32, #tpu.memory_space<vmem>>
    %dma_wait3A_316 = arith.constant 0 : i32
    %dma_wait3A_317 = tpu.memref_slice %arg7[%dma_wait3A_311, %dma_wait3A_316] : memref<80x125xi32, #tpu.memory_space<vmem>> -> memref<1x125xi32, #tpu.memory_space<vmem>>
    %dma_wait3A_318 = tpu.memref_squeeze %dma_wait3A_317 : memref<1x125xi32, #tpu.memory_space<vmem>> -> memref<125xi32, #tpu.memory_space<vmem>>
    %dma_wait3A_319 = arith.constant 0 : i32
    %dma_wait3A_320 = arith.constant 0 : i32
    %dma_wait3A_321 = tpu.memref_slice %arg9[%dma_wait3A_319, %dma_wait3A_320] : memref<10112x16xf32, #tpu.memory_space<vmem_shared>> -> memref<10112x16xf32, #tpu.memory_space<vmem_shared>>
    tpu.wait_indirect_dma semaphore(%arg19 : memref<!tpu.dma_semaphore, #tpu.memory_space<semaphore_mem>>) src(%dma_wait3A_315 : memref<125x16xf32, #tpu.memory_space<vmem>>) dst(%dma_wait3A_321 : memref<10112x16xf32, #tpu.memory_space<vmem_shared>>)
    %dma_wait3A_322 = arith.constant 2 : i32
    %dma_wait3A_323 = arith.constant 74 : i32
    %dma_wait3A_324 = arith.constant 0 : i32
    %dma_wait3A_325 = arith.constant 0 : i32
    %dma_wait3A_326 = tpu.memref_slice %arg8[%dma_wait3A_322, %dma_wait3A_324, %dma_wait3A_325] : memref<8x125x16xf32, #tpu.memory_space<vmem>> -> memref<1x125x16xf32, #tpu.memory_space<vmem>>
    %dma_wait3A_327 = tpu.memref_squeeze %dma_wait3A_326 : memref<1x125x16xf32, #tpu.memory_space<vmem>> -> memref<125x16xf32, #tpu.memory_space<vmem>>
    %dma_wait3A_328 = arith.constant 0 : i32
    %dma_wait3A_329 = tpu.memref_slice %arg7[%dma_wait3A_323, %dma_wait3A_328] : memref<80x125xi32, #tpu.memory_space<vmem>> -> memref<1x125xi32, #tpu.memory_space<vmem>>
    %dma_wait3A_330 = tpu.memref_squeeze %dma_wait3A_329 : memref<1x125xi32, #tpu.memory_space<vmem>> -> memref<125xi32, #tpu.memory_space<vmem>>
    %dma_wait3A_331 = arith.constant 0 : i32
    %dma_wait3A_332 = arith.constant 0 : i32
    %dma_wait3A_333 = tpu.memref_slice %arg9[%dma_wait3A_331, %dma_wait3A_332] : memref<10112x16xf32, #tpu.memory_space<vmem_shared>> -> memref<10112x16xf32, #tpu.memory_space<vmem_shared>>
    tpu.wait_indirect_dma semaphore(%arg20 : memref<!tpu.dma_semaphore, #tpu.memory_space<semaphore_mem>>) src(%dma_wait3A_327 : memref<125x16xf32, #tpu.memory_space<vmem>>) dst(%dma_wait3A_333 : memref<10112x16xf32, #tpu.memory_space<vmem_shared>>)
    %dma_wait3A_334 = arith.constant 3 : i32
    %dma_wait3A_335 = arith.constant 75 : i32
    %dma_wait3A_336 = arith.constant 0 : i32
    %dma_wait3A_337 = arith.constant 0 : i32
    %dma_wait3A_338 = tpu.memref_slice %arg8[%dma_wait3A_334, %dma_wait3A_336, %dma_wait3A_337] : memref<8x125x16xf32, #tpu.memory_space<vmem>> -> memref<1x125x16xf32, #tpu.memory_space<vmem>>
    %dma_wait3A_339 = tpu.memref_squeeze %dma_wait3A_338 : memref<1x125x16xf32, #tpu.memory_space<vmem>> -> memref<125x16xf32, #tpu.memory_space<vmem>>
    %dma_wait3A_340 = arith.constant 0 : i32
    %dma_wait3A_341 = tpu.memref_slice %arg7[%dma_wait3A_335, %dma_wait3A_340] : memref<80x125xi32, #tpu.memory_space<vmem>> -> memref<1x125xi32, #tpu.memory_space<vmem>>
    %dma_wait3A_342 = tpu.memref_squeeze %dma_wait3A_341 : memref<1x125xi32, #tpu.memory_space<vmem>> -> memref<125xi32, #tpu.memory_space<vmem>>
    %dma_wait3A_343 = arith.constant 0 : i32
    %dma_wait3A_344 = arith.constant 0 : i32
    %dma_wait3A_345 = tpu.memref_slice %arg9[%dma_wait3A_343, %dma_wait3A_344] : memref<10112x16xf32, #tpu.memory_space<vmem_shared>> -> memref<10112x16xf32, #tpu.memory_space<vmem_shared>>
    tpu.wait_indirect_dma semaphore(%arg21 : memref<!tpu.dma_semaphore, #tpu.memory_space<semaphore_mem>>) src(%dma_wait3A_339 : memref<125x16xf32, #tpu.memory_space<vmem>>) dst(%dma_wait3A_345 : memref<10112x16xf32, #tpu.memory_space<vmem_shared>>)
    %dma_wait3A_346 = arith.constant 4 : i32
    %dma_wait3A_347 = arith.constant 76 : i32
    %dma_wait3A_348 = arith.constant 0 : i32
    %dma_wait3A_349 = arith.constant 0 : i32
    %dma_wait3A_350 = tpu.memref_slice %arg8[%dma_wait3A_346, %dma_wait3A_348, %dma_wait3A_349] : memref<8x125x16xf32, #tpu.memory_space<vmem>> -> memref<1x125x16xf32, #tpu.memory_space<vmem>>
    %dma_wait3A_351 = tpu.memref_squeeze %dma_wait3A_350 : memref<1x125x16xf32, #tpu.memory_space<vmem>> -> memref<125x16xf32, #tpu.memory_space<vmem>>
    %dma_wait3A_352 = arith.constant 0 : i32
    %dma_wait3A_353 = tpu.memref_slice %arg7[%dma_wait3A_347, %dma_wait3A_352] : memref<80x125xi32, #tpu.memory_space<vmem>> -> memref<1x125xi32, #tpu.memory_space<vmem>>
    %dma_wait3A_354 = tpu.memref_squeeze %dma_wait3A_353 : memref<1x125xi32, #tpu.memory_space<vmem>> -> memref<125xi32, #tpu.memory_space<vmem>>
    %dma_wait3A_355 = arith.constant 0 : i32
    %dma_wait3A_356 = arith.constant 0 : i32
    %dma_wait3A_357 = tpu.memref_slice %arg9[%dma_wait3A_355, %dma_wait3A_356] : memref<10112x16xf32, #tpu.memory_space<vmem_shared>> -> memref<10112x16xf32, #tpu.memory_space<vmem_shared>>
    tpu.wait_indirect_dma semaphore(%arg22 : memref<!tpu.dma_semaphore, #tpu.memory_space<semaphore_mem>>) src(%dma_wait3A_351 : memref<125x16xf32, #tpu.memory_space<vmem>>) dst(%dma_wait3A_357 : memref<10112x16xf32, #tpu.memory_space<vmem_shared>>)
    %dma_wait3A_358 = arith.constant 5 : i32
    %dma_wait3A_359 = arith.constant 77 : i32
    %dma_wait3A_360 = arith.constant 0 : i32
    %dma_wait3A_361 = arith.constant 0 : i32
    %dma_wait3A_362 = tpu.memref_slice %arg8[%dma_wait3A_358, %dma_wait3A_360, %dma_wait3A_361] : memref<8x125x16xf32, #tpu.memory_space<vmem>> -> memref<1x125x16xf32, #tpu.memory_space<vmem>>
    %dma_wait3A_363 = tpu.memref_squeeze %dma_wait3A_362 : memref<1x125x16xf32, #tpu.memory_space<vmem>> -> memref<125x16xf32, #tpu.memory_space<vmem>>
    %dma_wait3A_364 = arith.constant 0 : i32
    %dma_wait3A_365 = tpu.memref_slice %arg7[%dma_wait3A_359, %dma_wait3A_364] : memref<80x125xi32, #tpu.memory_space<vmem>> -> memref<1x125xi32, #tpu.memory_space<vmem>>
    %dma_wait3A_366 = tpu.memref_squeeze %dma_wait3A_365 : memref<1x125xi32, #tpu.memory_space<vmem>> -> memref<125xi32, #tpu.memory_space<vmem>>
    %dma_wait3A_367 = arith.constant 0 : i32
    %dma_wait3A_368 = arith.constant 0 : i32
    %dma_wait3A_369 = tpu.memref_slice %arg9[%dma_wait3A_367, %dma_wait3A_368] : memref<10112x16xf32, #tpu.memory_space<vmem_shared>> -> memref<10112x16xf32, #tpu.memory_space<vmem_shared>>
    tpu.wait_indirect_dma semaphore(%arg23 : memref<!tpu.dma_semaphore, #tpu.memory_space<semaphore_mem>>) src(%dma_wait3A_363 : memref<125x16xf32, #tpu.memory_space<vmem>>) dst(%dma_wait3A_369 : memref<10112x16xf32, #tpu.memory_space<vmem_shared>>)
    %dma_wait3A_370 = arith.constant 6 : i32
    %dma_wait3A_371 = arith.constant 78 : i32
    %dma_wait3A_372 = arith.constant 0 : i32
    %dma_wait3A_373 = arith.constant 0 : i32
    %dma_wait3A_374 = tpu.memref_slice %arg8[%dma_wait3A_370, %dma_wait3A_372, %dma_wait3A_373] : memref<8x125x16xf32, #tpu.memory_space<vmem>> -> memref<1x125x16xf32, #tpu.memory_space<vmem>>
    %dma_wait3A_375 = tpu.memref_squeeze %dma_wait3A_374 : memref<1x125x16xf32, #tpu.memory_space<vmem>> -> memref<125x16xf32, #tpu.memory_space<vmem>>
    %dma_wait3A_376 = arith.constant 0 : i32
    %dma_wait3A_377 = tpu.memref_slice %arg7[%dma_wait3A_371, %dma_wait3A_376] : memref<80x125xi32, #tpu.memory_space<vmem>> -> memref<1x125xi32, #tpu.memory_space<vmem>>
    %dma_wait3A_378 = tpu.memref_squeeze %dma_wait3A_377 : memref<1x125xi32, #tpu.memory_space<vmem>> -> memref<125xi32, #tpu.memory_space<vmem>>
    %dma_wait3A_379 = arith.constant 0 : i32
    %dma_wait3A_380 = arith.constant 0 : i32
    %dma_wait3A_381 = tpu.memref_slice %arg9[%dma_wait3A_379, %dma_wait3A_380] : memref<10112x16xf32, #tpu.memory_space<vmem_shared>> -> memref<10112x16xf32, #tpu.memory_space<vmem_shared>>
    tpu.wait_indirect_dma semaphore(%arg24 : memref<!tpu.dma_semaphore, #tpu.memory_space<semaphore_mem>>) src(%dma_wait3A_375 : memref<125x16xf32, #tpu.memory_space<vmem>>) dst(%dma_wait3A_381 : memref<10112x16xf32, #tpu.memory_space<vmem_shared>>)
    %dma_wait3A_382 = arith.constant 7 : i32
    %dma_wait3A_383 = arith.constant 79 : i32
    %dma_wait3A_384 = arith.constant 0 : i32
    %dma_wait3A_385 = arith.constant 0 : i32
    %dma_wait3A_386 = tpu.memref_slice %arg8[%dma_wait3A_382, %dma_wait3A_384, %dma_wait3A_385] : memref<8x125x16xf32, #tpu.memory_space<vmem>> -> memref<1x125x16xf32, #tpu.memory_space<vmem>>
    %dma_wait3A_387 = tpu.memref_squeeze %dma_wait3A_386 : memref<1x125x16xf32, #tpu.memory_space<vmem>> -> memref<125x16xf32, #tpu.memory_space<vmem>>
    %dma_wait3A_388 = arith.constant 0 : i32
    %dma_wait3A_389 = tpu.memref_slice %arg7[%dma_wait3A_383, %dma_wait3A_388] : memref<80x125xi32, #tpu.memory_space<vmem>> -> memref<1x125xi32, #tpu.memory_space<vmem>>
    %dma_wait3A_390 = tpu.memref_squeeze %dma_wait3A_389 : memref<1x125xi32, #tpu.memory_space<vmem>> -> memref<125xi32, #tpu.memory_space<vmem>>
    %dma_wait3A_391 = arith.constant 0 : i32
    %dma_wait3A_392 = arith.constant 0 : i32
    %dma_wait3A_393 = tpu.memref_slice %arg9[%dma_wait3A_391, %dma_wait3A_392] : memref<10112x16xf32, #tpu.memory_space<vmem_shared>> -> memref<10112x16xf32, #tpu.memory_space<vmem_shared>>
    tpu.wait_indirect_dma semaphore(%arg25 : memref<!tpu.dma_semaphore, #tpu.memory_space<semaphore_mem>>) src(%dma_wait3A_387 : memref<125x16xf32, #tpu.memory_space<vmem>>) dst(%dma_wait3A_393 : memref<10112x16xf32, #tpu.memory_space<vmem_shared>>)
    %barrier3A_394 = arith.constant 0 : index
    tpu.barrier barrier_id(%barrier3A_394)
    %mul3A_395 = arith.constant 632 : i32
    %mul3A_396 = arith.muli %arg1, %mul3A_395 : i32
    %mul3A_397 = arith.constant 632 : i32
    %mul3A_398 = arith.muli %arg1, %mul3A_397 : i32
    %mul3A_399 = arith.constant 16 : i32
    %mul3A_400 = arith.muli %arg0, %mul3A_399 : i32
    "tpu.region"() ({
      %run_scoped3A_401 = tpu.sem_alloc : memref<!tpu.dma_semaphore, #tpu.memory_space<semaphore_mem>>
      %dma_start3A_402 = tpu.memref_slice %arg5[%mul3A_398, %mul3A_400] : memref<10112x32xf32, #tpu.memory_space<hbm>> -> memref<632x16xf32, #tpu.memory_space<hbm>>
      %dma_start3A_403 = arith.constant 0 : i32
      %dma_start3A_404 = tpu.memref_slice %arg9[%mul3A_396, %dma_start3A_403] : memref<10112x16xf32, #tpu.memory_space<vmem_shared>> -> memref<632x16xf32, #tpu.memory_space<vmem_shared>>
      tpu.enqueue_dma source(%dma_start3A_404 : memref<632x16xf32, #tpu.memory_space<vmem_shared>>) target(%dma_start3A_402 : memref<632x16xf32, #tpu.memory_space<hbm>>) target_semaphore(%run_scoped3A_401 : memref<!tpu.dma_semaphore, #tpu.memory_space<semaphore_mem>>)
      %dma_wait3A_405 = tpu.memref_slice %arg5[%mul3A_398, %mul3A_400] : memref<10112x32xf32, #tpu.memory_space<hbm>> -> memref<632x16xf32, #tpu.memory_space<hbm>>
      %dma_wait3A_406 = arith.constant 0 : i32
      %dma_wait3A_407 = tpu.memref_slice %arg9[%mul3A_396, %dma_wait3A_406] : memref<10112x16xf32, #tpu.memory_space<vmem_shared>> -> memref<632x16xf32, #tpu.memory_space<vmem_shared>>
      tpu.wait_dma2 semaphore(%run_scoped3A_401 : memref<!tpu.dma_semaphore, #tpu.memory_space<semaphore_mem>>) src(%dma_wait3A_407 : memref<632x16xf32, #tpu.memory_space<vmem_shared>>) dst(%dma_wait3A_405 : memref<632x16xf32, #tpu.memory_space<hbm>>)
      tpu.yield
    }) : () -> ()
    return
  }
}

#map = affine_map<(d0, d1) -> (0, 0)>
#map1 = affine_map<(d0, d1) -> (0, 0, 0)>
module attributes {stable_mosaic.version = 14 : i64} {
  func.func @_prop_body(%arg0: i32, %arg1: i32, %arg2: memref<10112x64xf32, #tpu.memory_space<hbm>>, %arg3: memref<2x2560x125xi32, #tpu.memory_space<hbm>>, %arg4: memref<632x64xf32, #tpu.memory_space<hbm>>, %arg5: memref<10112x128xf32, #tpu.memory_space<hbm>>, %arg6: memref<80x125xi32, #tpu.memory_space<vmem>>, %arg7: memref<80x125xi32, #tpu.memory_space<vmem>>, %arg8: memref<8x125x64xf32, #tpu.memory_space<vmem>>, %arg9: memref<10112x64xf32, #tpu.memory_space<vmem_shared>>, %arg10: memref<!tpu.dma_semaphore, #tpu.memory_space<semaphore_mem>>, %arg11: memref<!tpu.dma_semaphore, #tpu.memory_space<semaphore_mem>>, %arg12: memref<!tpu.dma_semaphore, #tpu.memory_space<semaphore_mem>>, %arg13: memref<!tpu.dma_semaphore, #tpu.memory_space<semaphore_mem>>, %arg14: memref<!tpu.dma_semaphore, #tpu.memory_space<semaphore_mem>>, %arg15: memref<!tpu.dma_semaphore, #tpu.memory_space<semaphore_mem>>, %arg16: memref<!tpu.dma_semaphore, #tpu.memory_space<semaphore_mem>>, %arg17: memref<!tpu.dma_semaphore, #tpu.memory_space<semaphore_mem>>, %arg18: memref<!tpu.dma_semaphore, #tpu.memory_space<semaphore_mem>>, %arg19: memref<!tpu.dma_semaphore, #tpu.memory_space<semaphore_mem>>, %arg20: memref<!tpu.dma_semaphore, #tpu.memory_space<semaphore_mem>>, %arg21: memref<!tpu.dma_semaphore, #tpu.memory_space<semaphore_mem>>, %arg22: memref<!tpu.dma_semaphore, #tpu.memory_space<semaphore_mem>>, %arg23: memref<!tpu.dma_semaphore, #tpu.memory_space<semaphore_mem>>, %arg24: memref<!tpu.dma_semaphore, #tpu.memory_space<semaphore_mem>>, %arg25: memref<!tpu.dma_semaphore, #tpu.memory_space<semaphore_mem>>) attributes {dimension_semantics = [#tpu.dimension_semantics<core_parallel>, #tpu.dimension_semantics<subcore_parallel>], iteration_bounds = array<i64: 2, 16>, scalar_prefetch = 0 : i64, scratch_operands = 20 : i64, tpu.core_type = #tpu.core_type<sc_vector_subcore>, window_params = [{transform_indices = #map}, {transform_indices = #map1}, {transform_indices = #map}, {transform_indices = #map}]} {
    %mul3A = arith.constant 16 : i32
    %mul3A_0 = arith.muli %arg0, %mul3A : i32
    %add3A = arith.addi %mul3A_0, %arg1 : i32
    %mul3A_1 = arith.constant 80 : i32
    %mul3A_2 = arith.muli %add3A, %mul3A_1 : i32
    %run_scoped3A = arith.constant 0 : i32
    "tpu.region"() ({
      %run_scoped3A_401 = tpu.sem_alloc : memref<!tpu.dma_semaphore, #tpu.memory_space<semaphore_mem>>
      %dma_start3A_402 = arith.constant 0 : i32
      %dma_start3A_403 = tpu.memref_slice %arg3[%run_scoped3A, %mul3A_2, %dma_start3A_402] : memref<2x2560x125xi32, #tpu.memory_space<hbm>> -> memref<1x80x125xi32, #tpu.memory_space<hbm>>
      %dma_start3A_404 = tpu.memref_squeeze %dma_start3A_403 : memref<1x80x125xi32, #tpu.memory_space<hbm>> -> memref<80x125xi32, #tpu.memory_space<hbm>>
      %dma_start3A_405 = arith.constant 0 : i32
      %dma_start3A_406 = tpu.memref_slice %arg3[%run_scoped3A, %mul3A_2, %dma_start3A_405] : memref<2x2560x125xi32, #tpu.memory_space<hbm>> -> memref<1x80x125xi32, #tpu.memory_space<hbm>>
      %dma_start3A_407 = tpu.memref_squeeze %dma_start3A_406 : memref<1x80x125xi32, #tpu.memory_space<hbm>> -> memref<80x125xi32, #tpu.memory_space<hbm>>
      tpu.enqueue_dma source(%dma_start3A_407 : memref<80x125xi32, #tpu.memory_space<hbm>>) target(%arg6 : memref<80x125xi32, #tpu.memory_space<vmem>>) target_semaphore(%run_scoped3A_401 : memref<!tpu.dma_semaphore, #tpu.memory_space<semaphore_mem>>)
      %dma_wait3A_408 = arith.constant 0 : i32
      %dma_wait3A_409 = tpu.memref_slice %arg3[%run_scoped3A, %mul3A_2, %dma_wait3A_408] : memref<2x2560x125xi32, #tpu.memory_space<hbm>> -> memref<1x80x125xi32, #tpu.memory_space<hbm>>
      %dma_wait3A_410 = tpu.memref_squeeze %dma_wait3A_409 : memref<1x80x125xi32, #tpu.memory_space<hbm>> -> memref<80x125xi32, #tpu.memory_space<hbm>>
      %dma_wait3A_411 = arith.constant 0 : i32
      %dma_wait3A_412 = tpu.memref_slice %arg3[%run_scoped3A, %mul3A_2, %dma_wait3A_411] : memref<2x2560x125xi32, #tpu.memory_space<hbm>> -> memref<1x80x125xi32, #tpu.memory_space<hbm>>
      %dma_wait3A_413 = tpu.memref_squeeze %dma_wait3A_412 : memref<1x80x125xi32, #tpu.memory_space<hbm>> -> memref<80x125xi32, #tpu.memory_space<hbm>>
      tpu.wait_dma2 semaphore(%run_scoped3A_401 : memref<!tpu.dma_semaphore, #tpu.memory_space<semaphore_mem>>) src(%dma_wait3A_413 : memref<80x125xi32, #tpu.memory_space<hbm>>) dst(%arg6 : memref<80x125xi32, #tpu.memory_space<vmem>>)
      tpu.yield
    }) : () -> ()
    %mul3A_3 = arith.constant 80 : i32
    %mul3A_4 = arith.muli %add3A, %mul3A_3 : i32
    %run_scoped3A_5 = arith.constant 1 : i32
    "tpu.region"() ({
      %run_scoped3A_401 = tpu.sem_alloc : memref<!tpu.dma_semaphore, #tpu.memory_space<semaphore_mem>>
      %dma_start3A_402 = arith.constant 0 : i32
      %dma_start3A_403 = tpu.memref_slice %arg3[%run_scoped3A_5, %mul3A_4, %dma_start3A_402] : memref<2x2560x125xi32, #tpu.memory_space<hbm>> -> memref<1x80x125xi32, #tpu.memory_space<hbm>>
      %dma_start3A_404 = tpu.memref_squeeze %dma_start3A_403 : memref<1x80x125xi32, #tpu.memory_space<hbm>> -> memref<80x125xi32, #tpu.memory_space<hbm>>
      %dma_start3A_405 = arith.constant 0 : i32
      %dma_start3A_406 = tpu.memref_slice %arg3[%run_scoped3A_5, %mul3A_4, %dma_start3A_405] : memref<2x2560x125xi32, #tpu.memory_space<hbm>> -> memref<1x80x125xi32, #tpu.memory_space<hbm>>
      %dma_start3A_407 = tpu.memref_squeeze %dma_start3A_406 : memref<1x80x125xi32, #tpu.memory_space<hbm>> -> memref<80x125xi32, #tpu.memory_space<hbm>>
      tpu.enqueue_dma source(%dma_start3A_407 : memref<80x125xi32, #tpu.memory_space<hbm>>) target(%arg7 : memref<80x125xi32, #tpu.memory_space<vmem>>) target_semaphore(%run_scoped3A_401 : memref<!tpu.dma_semaphore, #tpu.memory_space<semaphore_mem>>)
      %dma_wait3A_408 = arith.constant 0 : i32
      %dma_wait3A_409 = tpu.memref_slice %arg3[%run_scoped3A_5, %mul3A_4, %dma_wait3A_408] : memref<2x2560x125xi32, #tpu.memory_space<hbm>> -> memref<1x80x125xi32, #tpu.memory_space<hbm>>
      %dma_wait3A_410 = tpu.memref_squeeze %dma_wait3A_409 : memref<1x80x125xi32, #tpu.memory_space<hbm>> -> memref<80x125xi32, #tpu.memory_space<hbm>>
      %dma_wait3A_411 = arith.constant 0 : i32
      %dma_wait3A_412 = tpu.memref_slice %arg3[%run_scoped3A_5, %mul3A_4, %dma_wait3A_411] : memref<2x2560x125xi32, #tpu.memory_space<hbm>> -> memref<1x80x125xi32, #tpu.memory_space<hbm>>
      %dma_wait3A_413 = tpu.memref_squeeze %dma_wait3A_412 : memref<1x80x125xi32, #tpu.memory_space<hbm>> -> memref<80x125xi32, #tpu.memory_space<hbm>>
      tpu.wait_dma2 semaphore(%run_scoped3A_401 : memref<!tpu.dma_semaphore, #tpu.memory_space<semaphore_mem>>) src(%dma_wait3A_413 : memref<80x125xi32, #tpu.memory_space<hbm>>) dst(%arg7 : memref<80x125xi32, #tpu.memory_space<vmem>>)
      tpu.yield
    }) : () -> ()
    %mul3A_6 = arith.constant 632 : i32
    %mul3A_7 = arith.muli %arg1, %mul3A_6 : i32
    "tpu.region"() ({
      %run_scoped3A_401 = tpu.sem_alloc : memref<!tpu.dma_semaphore, #tpu.memory_space<semaphore_mem>>
      %dma_start3A_402 = arith.constant 0 : i32
      %dma_start3A_403 = tpu.memref_slice %arg9[%mul3A_7, %dma_start3A_402] : memref<10112x64xf32, #tpu.memory_space<vmem_shared>> -> memref<632x64xf32, #tpu.memory_space<vmem_shared>>
      tpu.enqueue_dma source(%arg4 : memref<632x64xf32, #tpu.memory_space<hbm>>) target(%dma_start3A_403 : memref<632x64xf32, #tpu.memory_space<vmem_shared>>) target_semaphore(%run_scoped3A_401 : memref<!tpu.dma_semaphore, #tpu.memory_space<semaphore_mem>>)
      %dma_wait3A_404 = arith.constant 0 : i32
      %dma_wait3A_405 = tpu.memref_slice %arg9[%mul3A_7, %dma_wait3A_404] : memref<10112x64xf32, #tpu.memory_space<vmem_shared>> -> memref<632x64xf32, #tpu.memory_space<vmem_shared>>
      tpu.wait_dma2 semaphore(%run_scoped3A_401 : memref<!tpu.dma_semaphore, #tpu.memory_space<semaphore_mem>>) src(%arg4 : memref<632x64xf32, #tpu.memory_space<hbm>>) dst(%dma_wait3A_405 : memref<632x64xf32, #tpu.memory_space<vmem_shared>>)
      tpu.yield
    }) : () -> ()
    %barrier3A = arith.constant 0 : index
    tpu.barrier barrier_id(%barrier3A)
    %dma_start3A = arith.constant 0 : i32
    %dma_start3A_8 = arith.constant 0 : i32
    %dma_start3A_9 = arith.constant 0 : i32
    %dma_start3A_10 = arith.constant 0 : i32
    %dma_start3A_11 = tpu.memref_slice %arg8[%dma_start3A_8, %dma_start3A_9, %dma_start3A_10] : memref<8x125x64xf32, #tpu.memory_space<vmem>> -> memref<1x125x64xf32, #tpu.memory_space<vmem>>
    %dma_start3A_12 = tpu.memref_squeeze %dma_start3A_11 : memref<1x125x64xf32, #tpu.memory_space<vmem>> -> memref<125x64xf32, #tpu.memory_space<vmem>>
    %dma_start3A_13 = arith.constant 0 : i32
    %dma_start3A_14 = tpu.memref_slice %arg6[%dma_start3A, %dma_start3A_13] : memref<80x125xi32, #tpu.memory_space<vmem>> -> memref<1x125xi32, #tpu.memory_space<vmem>>
    %dma_start3A_15 = tpu.memref_squeeze %dma_start3A_14 : memref<1x125xi32, #tpu.memory_space<vmem>> -> memref<125xi32, #tpu.memory_space<vmem>>
    %dma_start3A_16 = arith.constant 0 : i32
    %dma_start3A_17 = arith.constant 0 : i32
    %dma_start3A_18 = tpu.memref_slice %arg2[%dma_start3A_16, %dma_start3A_17] : memref<10112x64xf32, #tpu.memory_space<hbm>> -> memref<10112x64xf32, #tpu.memory_space<hbm>>
    tpu.enqueue_indirect_dma source(%dma_start3A_18 : memref<10112x64xf32, #tpu.memory_space<hbm>>) target(%dma_start3A_12 : memref<125x64xf32, #tpu.memory_space<vmem>>) offsets(%dma_start3A_15 : memref<125xi32, #tpu.memory_space<vmem>>) semaphore(%arg10 : memref<!tpu.dma_semaphore, #tpu.memory_space<semaphore_mem>>)
    %dma_start3A_19 = arith.constant 1 : i32
    %dma_start3A_20 = arith.constant 1 : i32
    %dma_start3A_21 = arith.constant 0 : i32
    %dma_start3A_22 = arith.constant 0 : i32
    %dma_start3A_23 = tpu.memref_slice %arg8[%dma_start3A_20, %dma_start3A_21, %dma_start3A_22] : memref<8x125x64xf32, #tpu.memory_space<vmem>> -> memref<1x125x64xf32, #tpu.memory_space<vmem>>
    %dma_start3A_24 = tpu.memref_squeeze %dma_start3A_23 : memref<1x125x64xf32, #tpu.memory_space<vmem>> -> memref<125x64xf32, #tpu.memory_space<vmem>>
    %dma_start3A_25 = arith.constant 0 : i32
    %dma_start3A_26 = tpu.memref_slice %arg6[%dma_start3A_19, %dma_start3A_25] : memref<80x125xi32, #tpu.memory_space<vmem>> -> memref<1x125xi32, #tpu.memory_space<vmem>>
    %dma_start3A_27 = tpu.memref_squeeze %dma_start3A_26 : memref<1x125xi32, #tpu.memory_space<vmem>> -> memref<125xi32, #tpu.memory_space<vmem>>
    %dma_start3A_28 = arith.constant 0 : i32
    %dma_start3A_29 = arith.constant 0 : i32
    %dma_start3A_30 = tpu.memref_slice %arg2[%dma_start3A_28, %dma_start3A_29] : memref<10112x64xf32, #tpu.memory_space<hbm>> -> memref<10112x64xf32, #tpu.memory_space<hbm>>
    tpu.enqueue_indirect_dma source(%dma_start3A_30 : memref<10112x64xf32, #tpu.memory_space<hbm>>) target(%dma_start3A_24 : memref<125x64xf32, #tpu.memory_space<vmem>>) offsets(%dma_start3A_27 : memref<125xi32, #tpu.memory_space<vmem>>) semaphore(%arg11 : memref<!tpu.dma_semaphore, #tpu.memory_space<semaphore_mem>>)
    %dma_start3A_31 = arith.constant 2 : i32
    %dma_start3A_32 = arith.constant 2 : i32
    %dma_start3A_33 = arith.constant 0 : i32
    %dma_start3A_34 = arith.constant 0 : i32
    %dma_start3A_35 = tpu.memref_slice %arg8[%dma_start3A_32, %dma_start3A_33, %dma_start3A_34] : memref<8x125x64xf32, #tpu.memory_space<vmem>> -> memref<1x125x64xf32, #tpu.memory_space<vmem>>
    %dma_start3A_36 = tpu.memref_squeeze %dma_start3A_35 : memref<1x125x64xf32, #tpu.memory_space<vmem>> -> memref<125x64xf32, #tpu.memory_space<vmem>>
    %dma_start3A_37 = arith.constant 0 : i32
    %dma_start3A_38 = tpu.memref_slice %arg6[%dma_start3A_31, %dma_start3A_37] : memref<80x125xi32, #tpu.memory_space<vmem>> -> memref<1x125xi32, #tpu.memory_space<vmem>>
    %dma_start3A_39 = tpu.memref_squeeze %dma_start3A_38 : memref<1x125xi32, #tpu.memory_space<vmem>> -> memref<125xi32, #tpu.memory_space<vmem>>
    %dma_start3A_40 = arith.constant 0 : i32
    %dma_start3A_41 = arith.constant 0 : i32
    %dma_start3A_42 = tpu.memref_slice %arg2[%dma_start3A_40, %dma_start3A_41] : memref<10112x64xf32, #tpu.memory_space<hbm>> -> memref<10112x64xf32, #tpu.memory_space<hbm>>
    tpu.enqueue_indirect_dma source(%dma_start3A_42 : memref<10112x64xf32, #tpu.memory_space<hbm>>) target(%dma_start3A_36 : memref<125x64xf32, #tpu.memory_space<vmem>>) offsets(%dma_start3A_39 : memref<125xi32, #tpu.memory_space<vmem>>) semaphore(%arg12 : memref<!tpu.dma_semaphore, #tpu.memory_space<semaphore_mem>>)
    %dma_start3A_43 = arith.constant 3 : i32
    %dma_start3A_44 = arith.constant 3 : i32
    %dma_start3A_45 = arith.constant 0 : i32
    %dma_start3A_46 = arith.constant 0 : i32
    %dma_start3A_47 = tpu.memref_slice %arg8[%dma_start3A_44, %dma_start3A_45, %dma_start3A_46] : memref<8x125x64xf32, #tpu.memory_space<vmem>> -> memref<1x125x64xf32, #tpu.memory_space<vmem>>
    %dma_start3A_48 = tpu.memref_squeeze %dma_start3A_47 : memref<1x125x64xf32, #tpu.memory_space<vmem>> -> memref<125x64xf32, #tpu.memory_space<vmem>>
    %dma_start3A_49 = arith.constant 0 : i32
    %dma_start3A_50 = tpu.memref_slice %arg6[%dma_start3A_43, %dma_start3A_49] : memref<80x125xi32, #tpu.memory_space<vmem>> -> memref<1x125xi32, #tpu.memory_space<vmem>>
    %dma_start3A_51 = tpu.memref_squeeze %dma_start3A_50 : memref<1x125xi32, #tpu.memory_space<vmem>> -> memref<125xi32, #tpu.memory_space<vmem>>
    %dma_start3A_52 = arith.constant 0 : i32
    %dma_start3A_53 = arith.constant 0 : i32
    %dma_start3A_54 = tpu.memref_slice %arg2[%dma_start3A_52, %dma_start3A_53] : memref<10112x64xf32, #tpu.memory_space<hbm>> -> memref<10112x64xf32, #tpu.memory_space<hbm>>
    tpu.enqueue_indirect_dma source(%dma_start3A_54 : memref<10112x64xf32, #tpu.memory_space<hbm>>) target(%dma_start3A_48 : memref<125x64xf32, #tpu.memory_space<vmem>>) offsets(%dma_start3A_51 : memref<125xi32, #tpu.memory_space<vmem>>) semaphore(%arg13 : memref<!tpu.dma_semaphore, #tpu.memory_space<semaphore_mem>>)
    %dma_start3A_55 = arith.constant 4 : i32
    %dma_start3A_56 = arith.constant 4 : i32
    %dma_start3A_57 = arith.constant 0 : i32
    %dma_start3A_58 = arith.constant 0 : i32
    %dma_start3A_59 = tpu.memref_slice %arg8[%dma_start3A_56, %dma_start3A_57, %dma_start3A_58] : memref<8x125x64xf32, #tpu.memory_space<vmem>> -> memref<1x125x64xf32, #tpu.memory_space<vmem>>
    %dma_start3A_60 = tpu.memref_squeeze %dma_start3A_59 : memref<1x125x64xf32, #tpu.memory_space<vmem>> -> memref<125x64xf32, #tpu.memory_space<vmem>>
    %dma_start3A_61 = arith.constant 0 : i32
    %dma_start3A_62 = tpu.memref_slice %arg6[%dma_start3A_55, %dma_start3A_61] : memref<80x125xi32, #tpu.memory_space<vmem>> -> memref<1x125xi32, #tpu.memory_space<vmem>>
    %dma_start3A_63 = tpu.memref_squeeze %dma_start3A_62 : memref<1x125xi32, #tpu.memory_space<vmem>> -> memref<125xi32, #tpu.memory_space<vmem>>
    %dma_start3A_64 = arith.constant 0 : i32
    %dma_start3A_65 = arith.constant 0 : i32
    %dma_start3A_66 = tpu.memref_slice %arg2[%dma_start3A_64, %dma_start3A_65] : memref<10112x64xf32, #tpu.memory_space<hbm>> -> memref<10112x64xf32, #tpu.memory_space<hbm>>
    tpu.enqueue_indirect_dma source(%dma_start3A_66 : memref<10112x64xf32, #tpu.memory_space<hbm>>) target(%dma_start3A_60 : memref<125x64xf32, #tpu.memory_space<vmem>>) offsets(%dma_start3A_63 : memref<125xi32, #tpu.memory_space<vmem>>) semaphore(%arg14 : memref<!tpu.dma_semaphore, #tpu.memory_space<semaphore_mem>>)
    %dma_start3A_67 = arith.constant 5 : i32
    %dma_start3A_68 = arith.constant 5 : i32
    %dma_start3A_69 = arith.constant 0 : i32
    %dma_start3A_70 = arith.constant 0 : i32
    %dma_start3A_71 = tpu.memref_slice %arg8[%dma_start3A_68, %dma_start3A_69, %dma_start3A_70] : memref<8x125x64xf32, #tpu.memory_space<vmem>> -> memref<1x125x64xf32, #tpu.memory_space<vmem>>
    %dma_start3A_72 = tpu.memref_squeeze %dma_start3A_71 : memref<1x125x64xf32, #tpu.memory_space<vmem>> -> memref<125x64xf32, #tpu.memory_space<vmem>>
    %dma_start3A_73 = arith.constant 0 : i32
    %dma_start3A_74 = tpu.memref_slice %arg6[%dma_start3A_67, %dma_start3A_73] : memref<80x125xi32, #tpu.memory_space<vmem>> -> memref<1x125xi32, #tpu.memory_space<vmem>>
    %dma_start3A_75 = tpu.memref_squeeze %dma_start3A_74 : memref<1x125xi32, #tpu.memory_space<vmem>> -> memref<125xi32, #tpu.memory_space<vmem>>
    %dma_start3A_76 = arith.constant 0 : i32
    %dma_start3A_77 = arith.constant 0 : i32
    %dma_start3A_78 = tpu.memref_slice %arg2[%dma_start3A_76, %dma_start3A_77] : memref<10112x64xf32, #tpu.memory_space<hbm>> -> memref<10112x64xf32, #tpu.memory_space<hbm>>
    tpu.enqueue_indirect_dma source(%dma_start3A_78 : memref<10112x64xf32, #tpu.memory_space<hbm>>) target(%dma_start3A_72 : memref<125x64xf32, #tpu.memory_space<vmem>>) offsets(%dma_start3A_75 : memref<125xi32, #tpu.memory_space<vmem>>) semaphore(%arg15 : memref<!tpu.dma_semaphore, #tpu.memory_space<semaphore_mem>>)
    %dma_start3A_79 = arith.constant 6 : i32
    %dma_start3A_80 = arith.constant 6 : i32
    %dma_start3A_81 = arith.constant 0 : i32
    %dma_start3A_82 = arith.constant 0 : i32
    %dma_start3A_83 = tpu.memref_slice %arg8[%dma_start3A_80, %dma_start3A_81, %dma_start3A_82] : memref<8x125x64xf32, #tpu.memory_space<vmem>> -> memref<1x125x64xf32, #tpu.memory_space<vmem>>
    %dma_start3A_84 = tpu.memref_squeeze %dma_start3A_83 : memref<1x125x64xf32, #tpu.memory_space<vmem>> -> memref<125x64xf32, #tpu.memory_space<vmem>>
    %dma_start3A_85 = arith.constant 0 : i32
    %dma_start3A_86 = tpu.memref_slice %arg6[%dma_start3A_79, %dma_start3A_85] : memref<80x125xi32, #tpu.memory_space<vmem>> -> memref<1x125xi32, #tpu.memory_space<vmem>>
    %dma_start3A_87 = tpu.memref_squeeze %dma_start3A_86 : memref<1x125xi32, #tpu.memory_space<vmem>> -> memref<125xi32, #tpu.memory_space<vmem>>
    %dma_start3A_88 = arith.constant 0 : i32
    %dma_start3A_89 = arith.constant 0 : i32
    %dma_start3A_90 = tpu.memref_slice %arg2[%dma_start3A_88, %dma_start3A_89] : memref<10112x64xf32, #tpu.memory_space<hbm>> -> memref<10112x64xf32, #tpu.memory_space<hbm>>
    tpu.enqueue_indirect_dma source(%dma_start3A_90 : memref<10112x64xf32, #tpu.memory_space<hbm>>) target(%dma_start3A_84 : memref<125x64xf32, #tpu.memory_space<vmem>>) offsets(%dma_start3A_87 : memref<125xi32, #tpu.memory_space<vmem>>) semaphore(%arg16 : memref<!tpu.dma_semaphore, #tpu.memory_space<semaphore_mem>>)
    %dma_start3A_91 = arith.constant 7 : i32
    %dma_start3A_92 = arith.constant 7 : i32
    %dma_start3A_93 = arith.constant 0 : i32
    %dma_start3A_94 = arith.constant 0 : i32
    %dma_start3A_95 = tpu.memref_slice %arg8[%dma_start3A_92, %dma_start3A_93, %dma_start3A_94] : memref<8x125x64xf32, #tpu.memory_space<vmem>> -> memref<1x125x64xf32, #tpu.memory_space<vmem>>
    %dma_start3A_96 = tpu.memref_squeeze %dma_start3A_95 : memref<1x125x64xf32, #tpu.memory_space<vmem>> -> memref<125x64xf32, #tpu.memory_space<vmem>>
    %dma_start3A_97 = arith.constant 0 : i32
    %dma_start3A_98 = tpu.memref_slice %arg6[%dma_start3A_91, %dma_start3A_97] : memref<80x125xi32, #tpu.memory_space<vmem>> -> memref<1x125xi32, #tpu.memory_space<vmem>>
    %dma_start3A_99 = tpu.memref_squeeze %dma_start3A_98 : memref<1x125xi32, #tpu.memory_space<vmem>> -> memref<125xi32, #tpu.memory_space<vmem>>
    %dma_start3A_100 = arith.constant 0 : i32
    %dma_start3A_101 = arith.constant 0 : i32
    %dma_start3A_102 = tpu.memref_slice %arg2[%dma_start3A_100, %dma_start3A_101] : memref<10112x64xf32, #tpu.memory_space<hbm>> -> memref<10112x64xf32, #tpu.memory_space<hbm>>
    tpu.enqueue_indirect_dma source(%dma_start3A_102 : memref<10112x64xf32, #tpu.memory_space<hbm>>) target(%dma_start3A_96 : memref<125x64xf32, #tpu.memory_space<vmem>>) offsets(%dma_start3A_99 : memref<125xi32, #tpu.memory_space<vmem>>) semaphore(%arg17 : memref<!tpu.dma_semaphore, #tpu.memory_space<semaphore_mem>>)
    %scan3A = arith.constant 0 : i32
    %scan3A_103 = arith.constant 9 : i32
    %scan3A_104 = arith.addi %scan3A, %scan3A_103 : i32
    %scan3A_105 = arith.constant 1 : i32
    scf.for %scan3A_401 = %scan3A to %scan3A_104 step %scan3A_105  : i32 {
      %mul3A_402 = arith.constant 1 : i32
      %mul3A_403 = arith.muli %scan3A_401, %mul3A_402 : i32
      %add3A_404 = arith.constant 0 : i32
      %add3A_405 = arith.addi %add3A_404, %mul3A_403 : i32
      %mul3A_406 = arith.constant 8 : i32
      %mul3A_407 = arith.muli %add3A_405, %mul3A_406 : i32
      %add3A_408 = arith.constant 0 : i32
      %add3A_409 = arith.addi %mul3A_407, %add3A_408 : i32
      %dma_wait3A_410 = arith.constant 0 : i32
      %dma_wait3A_411 = arith.constant 0 : i32
      %dma_wait3A_412 = arith.constant 0 : i32
      %dma_wait3A_413 = tpu.memref_slice %arg8[%dma_wait3A_410, %dma_wait3A_411, %dma_wait3A_412] : memref<8x125x64xf32, #tpu.memory_space<vmem>> -> memref<1x125x64xf32, #tpu.memory_space<vmem>>
      %dma_wait3A_414 = tpu.memref_squeeze %dma_wait3A_413 : memref<1x125x64xf32, #tpu.memory_space<vmem>> -> memref<125x64xf32, #tpu.memory_space<vmem>>
      %dma_wait3A_415 = arith.constant 0 : i32
      %dma_wait3A_416 = tpu.memref_slice %arg6[%add3A_409, %dma_wait3A_415] : memref<80x125xi32, #tpu.memory_space<vmem>> -> memref<1x125xi32, #tpu.memory_space<vmem>>
      %dma_wait3A_417 = tpu.memref_squeeze %dma_wait3A_416 : memref<1x125xi32, #tpu.memory_space<vmem>> -> memref<125xi32, #tpu.memory_space<vmem>>
      %dma_wait3A_418 = arith.constant 0 : i32
      %dma_wait3A_419 = arith.constant 0 : i32
      %dma_wait3A_420 = tpu.memref_slice %arg2[%dma_wait3A_418, %dma_wait3A_419] : memref<10112x64xf32, #tpu.memory_space<hbm>> -> memref<10112x64xf32, #tpu.memory_space<hbm>>
      tpu.wait_indirect_dma semaphore(%arg10 : memref<!tpu.dma_semaphore, #tpu.memory_space<semaphore_mem>>) src(%dma_wait3A_420 : memref<10112x64xf32, #tpu.memory_space<hbm>>) dst(%dma_wait3A_414 : memref<125x64xf32, #tpu.memory_space<vmem>>)
      %add3A_421 = arith.constant 0 : i32
      %add3A_422 = arith.addi %mul3A_407, %add3A_421 : i32
      %dma_start3A_423 = arith.constant 0 : i32
      %dma_start3A_424 = arith.constant 0 : i32
      %dma_start3A_425 = arith.constant 0 : i32
      %dma_start3A_426 = tpu.memref_slice %arg8[%dma_start3A_423, %dma_start3A_424, %dma_start3A_425] : memref<8x125x64xf32, #tpu.memory_space<vmem>> -> memref<1x125x64xf32, #tpu.memory_space<vmem>>
      %dma_start3A_427 = tpu.memref_squeeze %dma_start3A_426 : memref<1x125x64xf32, #tpu.memory_space<vmem>> -> memref<125x64xf32, #tpu.memory_space<vmem>>
      %dma_start3A_428 = arith.constant 0 : i32
      %dma_start3A_429 = tpu.memref_slice %arg7[%add3A_422, %dma_start3A_428] : memref<80x125xi32, #tpu.memory_space<vmem>> -> memref<1x125xi32, #tpu.memory_space<vmem>>
      %dma_start3A_430 = tpu.memref_squeeze %dma_start3A_429 : memref<1x125xi32, #tpu.memory_space<vmem>> -> memref<125xi32, #tpu.memory_space<vmem>>
      %dma_start3A_431 = arith.constant 0 : i32
      %dma_start3A_432 = arith.constant 0 : i32
      %dma_start3A_433 = tpu.memref_slice %arg9[%dma_start3A_431, %dma_start3A_432] : memref<10112x64xf32, #tpu.memory_space<vmem_shared>> -> memref<10112x64xf32, #tpu.memory_space<vmem_shared>>
      tpu.enqueue_indirect_dma source(%dma_start3A_427 : memref<125x64xf32, #tpu.memory_space<vmem>>) target(%dma_start3A_433 : memref<10112x64xf32, #tpu.memory_space<vmem_shared>>) offsets(%dma_start3A_430 : memref<125xi32, #tpu.memory_space<vmem>>) semaphore(%arg18 : memref<!tpu.dma_semaphore, #tpu.memory_space<semaphore_mem>>) {add = true}
      %add3A_434 = arith.constant 1 : i32
      %add3A_435 = arith.addi %mul3A_407, %add3A_434 : i32
      %dma_wait3A_436 = arith.constant 1 : i32
      %dma_wait3A_437 = arith.constant 0 : i32
      %dma_wait3A_438 = arith.constant 0 : i32
      %dma_wait3A_439 = tpu.memref_slice %arg8[%dma_wait3A_436, %dma_wait3A_437, %dma_wait3A_438] : memref<8x125x64xf32, #tpu.memory_space<vmem>> -> memref<1x125x64xf32, #tpu.memory_space<vmem>>
      %dma_wait3A_440 = tpu.memref_squeeze %dma_wait3A_439 : memref<1x125x64xf32, #tpu.memory_space<vmem>> -> memref<125x64xf32, #tpu.memory_space<vmem>>
      %dma_wait3A_441 = arith.constant 0 : i32
      %dma_wait3A_442 = tpu.memref_slice %arg6[%add3A_435, %dma_wait3A_441] : memref<80x125xi32, #tpu.memory_space<vmem>> -> memref<1x125xi32, #tpu.memory_space<vmem>>
      %dma_wait3A_443 = tpu.memref_squeeze %dma_wait3A_442 : memref<1x125xi32, #tpu.memory_space<vmem>> -> memref<125xi32, #tpu.memory_space<vmem>>
      %dma_wait3A_444 = arith.constant 0 : i32
      %dma_wait3A_445 = arith.constant 0 : i32
      %dma_wait3A_446 = tpu.memref_slice %arg2[%dma_wait3A_444, %dma_wait3A_445] : memref<10112x64xf32, #tpu.memory_space<hbm>> -> memref<10112x64xf32, #tpu.memory_space<hbm>>
      tpu.wait_indirect_dma semaphore(%arg11 : memref<!tpu.dma_semaphore, #tpu.memory_space<semaphore_mem>>) src(%dma_wait3A_446 : memref<10112x64xf32, #tpu.memory_space<hbm>>) dst(%dma_wait3A_440 : memref<125x64xf32, #tpu.memory_space<vmem>>)
      %add3A_447 = arith.constant 1 : i32
      %add3A_448 = arith.addi %mul3A_407, %add3A_447 : i32
      %dma_start3A_449 = arith.constant 1 : i32
      %dma_start3A_450 = arith.constant 0 : i32
      %dma_start3A_451 = arith.constant 0 : i32
      %dma_start3A_452 = tpu.memref_slice %arg8[%dma_start3A_449, %dma_start3A_450, %dma_start3A_451] : memref<8x125x64xf32, #tpu.memory_space<vmem>> -> memref<1x125x64xf32, #tpu.memory_space<vmem>>
      %dma_start3A_453 = tpu.memref_squeeze %dma_start3A_452 : memref<1x125x64xf32, #tpu.memory_space<vmem>> -> memref<125x64xf32, #tpu.memory_space<vmem>>
      %dma_start3A_454 = arith.constant 0 : i32
      %dma_start3A_455 = tpu.memref_slice %arg7[%add3A_448, %dma_start3A_454] : memref<80x125xi32, #tpu.memory_space<vmem>> -> memref<1x125xi32, #tpu.memory_space<vmem>>
      %dma_start3A_456 = tpu.memref_squeeze %dma_start3A_455 : memref<1x125xi32, #tpu.memory_space<vmem>> -> memref<125xi32, #tpu.memory_space<vmem>>
      %dma_start3A_457 = arith.constant 0 : i32
      %dma_start3A_458 = arith.constant 0 : i32
      %dma_start3A_459 = tpu.memref_slice %arg9[%dma_start3A_457, %dma_start3A_458] : memref<10112x64xf32, #tpu.memory_space<vmem_shared>> -> memref<10112x64xf32, #tpu.memory_space<vmem_shared>>
      tpu.enqueue_indirect_dma source(%dma_start3A_453 : memref<125x64xf32, #tpu.memory_space<vmem>>) target(%dma_start3A_459 : memref<10112x64xf32, #tpu.memory_space<vmem_shared>>) offsets(%dma_start3A_456 : memref<125xi32, #tpu.memory_space<vmem>>) semaphore(%arg19 : memref<!tpu.dma_semaphore, #tpu.memory_space<semaphore_mem>>) {add = true}
      %add3A_460 = arith.constant 2 : i32
      %add3A_461 = arith.addi %mul3A_407, %add3A_460 : i32
      %dma_wait3A_462 = arith.constant 2 : i32
      %dma_wait3A_463 = arith.constant 0 : i32
      %dma_wait3A_464 = arith.constant 0 : i32
      %dma_wait3A_465 = tpu.memref_slice %arg8[%dma_wait3A_462, %dma_wait3A_463, %dma_wait3A_464] : memref<8x125x64xf32, #tpu.memory_space<vmem>> -> memref<1x125x64xf32, #tpu.memory_space<vmem>>
      %dma_wait3A_466 = tpu.memref_squeeze %dma_wait3A_465 : memref<1x125x64xf32, #tpu.memory_space<vmem>> -> memref<125x64xf32, #tpu.memory_space<vmem>>
      %dma_wait3A_467 = arith.constant 0 : i32
      %dma_wait3A_468 = tpu.memref_slice %arg6[%add3A_461, %dma_wait3A_467] : memref<80x125xi32, #tpu.memory_space<vmem>> -> memref<1x125xi32, #tpu.memory_space<vmem>>
      %dma_wait3A_469 = tpu.memref_squeeze %dma_wait3A_468 : memref<1x125xi32, #tpu.memory_space<vmem>> -> memref<125xi32, #tpu.memory_space<vmem>>
      %dma_wait3A_470 = arith.constant 0 : i32
      %dma_wait3A_471 = arith.constant 0 : i32
      %dma_wait3A_472 = tpu.memref_slice %arg2[%dma_wait3A_470, %dma_wait3A_471] : memref<10112x64xf32, #tpu.memory_space<hbm>> -> memref<10112x64xf32, #tpu.memory_space<hbm>>
      tpu.wait_indirect_dma semaphore(%arg12 : memref<!tpu.dma_semaphore, #tpu.memory_space<semaphore_mem>>) src(%dma_wait3A_472 : memref<10112x64xf32, #tpu.memory_space<hbm>>) dst(%dma_wait3A_466 : memref<125x64xf32, #tpu.memory_space<vmem>>)
      %add3A_473 = arith.constant 2 : i32
      %add3A_474 = arith.addi %mul3A_407, %add3A_473 : i32
      %dma_start3A_475 = arith.constant 2 : i32
      %dma_start3A_476 = arith.constant 0 : i32
      %dma_start3A_477 = arith.constant 0 : i32
      %dma_start3A_478 = tpu.memref_slice %arg8[%dma_start3A_475, %dma_start3A_476, %dma_start3A_477] : memref<8x125x64xf32, #tpu.memory_space<vmem>> -> memref<1x125x64xf32, #tpu.memory_space<vmem>>
      %dma_start3A_479 = tpu.memref_squeeze %dma_start3A_478 : memref<1x125x64xf32, #tpu.memory_space<vmem>> -> memref<125x64xf32, #tpu.memory_space<vmem>>
      %dma_start3A_480 = arith.constant 0 : i32
      %dma_start3A_481 = tpu.memref_slice %arg7[%add3A_474, %dma_start3A_480] : memref<80x125xi32, #tpu.memory_space<vmem>> -> memref<1x125xi32, #tpu.memory_space<vmem>>
      %dma_start3A_482 = tpu.memref_squeeze %dma_start3A_481 : memref<1x125xi32, #tpu.memory_space<vmem>> -> memref<125xi32, #tpu.memory_space<vmem>>
      %dma_start3A_483 = arith.constant 0 : i32
      %dma_start3A_484 = arith.constant 0 : i32
      %dma_start3A_485 = tpu.memref_slice %arg9[%dma_start3A_483, %dma_start3A_484] : memref<10112x64xf32, #tpu.memory_space<vmem_shared>> -> memref<10112x64xf32, #tpu.memory_space<vmem_shared>>
      tpu.enqueue_indirect_dma source(%dma_start3A_479 : memref<125x64xf32, #tpu.memory_space<vmem>>) target(%dma_start3A_485 : memref<10112x64xf32, #tpu.memory_space<vmem_shared>>) offsets(%dma_start3A_482 : memref<125xi32, #tpu.memory_space<vmem>>) semaphore(%arg20 : memref<!tpu.dma_semaphore, #tpu.memory_space<semaphore_mem>>) {add = true}
      %add3A_486 = arith.constant 3 : i32
      %add3A_487 = arith.addi %mul3A_407, %add3A_486 : i32
      %dma_wait3A_488 = arith.constant 3 : i32
      %dma_wait3A_489 = arith.constant 0 : i32
      %dma_wait3A_490 = arith.constant 0 : i32
      %dma_wait3A_491 = tpu.memref_slice %arg8[%dma_wait3A_488, %dma_wait3A_489, %dma_wait3A_490] : memref<8x125x64xf32, #tpu.memory_space<vmem>> -> memref<1x125x64xf32, #tpu.memory_space<vmem>>
      %dma_wait3A_492 = tpu.memref_squeeze %dma_wait3A_491 : memref<1x125x64xf32, #tpu.memory_space<vmem>> -> memref<125x64xf32, #tpu.memory_space<vmem>>
      %dma_wait3A_493 = arith.constant 0 : i32
      %dma_wait3A_494 = tpu.memref_slice %arg6[%add3A_487, %dma_wait3A_493] : memref<80x125xi32, #tpu.memory_space<vmem>> -> memref<1x125xi32, #tpu.memory_space<vmem>>
      %dma_wait3A_495 = tpu.memref_squeeze %dma_wait3A_494 : memref<1x125xi32, #tpu.memory_space<vmem>> -> memref<125xi32, #tpu.memory_space<vmem>>
      %dma_wait3A_496 = arith.constant 0 : i32
      %dma_wait3A_497 = arith.constant 0 : i32
      %dma_wait3A_498 = tpu.memref_slice %arg2[%dma_wait3A_496, %dma_wait3A_497] : memref<10112x64xf32, #tpu.memory_space<hbm>> -> memref<10112x64xf32, #tpu.memory_space<hbm>>
      tpu.wait_indirect_dma semaphore(%arg13 : memref<!tpu.dma_semaphore, #tpu.memory_space<semaphore_mem>>) src(%dma_wait3A_498 : memref<10112x64xf32, #tpu.memory_space<hbm>>) dst(%dma_wait3A_492 : memref<125x64xf32, #tpu.memory_space<vmem>>)
      %add3A_499 = arith.constant 3 : i32
      %add3A_500 = arith.addi %mul3A_407, %add3A_499 : i32
      %dma_start3A_501 = arith.constant 3 : i32
      %dma_start3A_502 = arith.constant 0 : i32
      %dma_start3A_503 = arith.constant 0 : i32
      %dma_start3A_504 = tpu.memref_slice %arg8[%dma_start3A_501, %dma_start3A_502, %dma_start3A_503] : memref<8x125x64xf32, #tpu.memory_space<vmem>> -> memref<1x125x64xf32, #tpu.memory_space<vmem>>
      %dma_start3A_505 = tpu.memref_squeeze %dma_start3A_504 : memref<1x125x64xf32, #tpu.memory_space<vmem>> -> memref<125x64xf32, #tpu.memory_space<vmem>>
      %dma_start3A_506 = arith.constant 0 : i32
      %dma_start3A_507 = tpu.memref_slice %arg7[%add3A_500, %dma_start3A_506] : memref<80x125xi32, #tpu.memory_space<vmem>> -> memref<1x125xi32, #tpu.memory_space<vmem>>
      %dma_start3A_508 = tpu.memref_squeeze %dma_start3A_507 : memref<1x125xi32, #tpu.memory_space<vmem>> -> memref<125xi32, #tpu.memory_space<vmem>>
      %dma_start3A_509 = arith.constant 0 : i32
      %dma_start3A_510 = arith.constant 0 : i32
      %dma_start3A_511 = tpu.memref_slice %arg9[%dma_start3A_509, %dma_start3A_510] : memref<10112x64xf32, #tpu.memory_space<vmem_shared>> -> memref<10112x64xf32, #tpu.memory_space<vmem_shared>>
      tpu.enqueue_indirect_dma source(%dma_start3A_505 : memref<125x64xf32, #tpu.memory_space<vmem>>) target(%dma_start3A_511 : memref<10112x64xf32, #tpu.memory_space<vmem_shared>>) offsets(%dma_start3A_508 : memref<125xi32, #tpu.memory_space<vmem>>) semaphore(%arg21 : memref<!tpu.dma_semaphore, #tpu.memory_space<semaphore_mem>>) {add = true}
      %add3A_512 = arith.constant 4 : i32
      %add3A_513 = arith.addi %mul3A_407, %add3A_512 : i32
      %dma_wait3A_514 = arith.constant 4 : i32
      %dma_wait3A_515 = arith.constant 0 : i32
      %dma_wait3A_516 = arith.constant 0 : i32
      %dma_wait3A_517 = tpu.memref_slice %arg8[%dma_wait3A_514, %dma_wait3A_515, %dma_wait3A_516] : memref<8x125x64xf32, #tpu.memory_space<vmem>> -> memref<1x125x64xf32, #tpu.memory_space<vmem>>
      %dma_wait3A_518 = tpu.memref_squeeze %dma_wait3A_517 : memref<1x125x64xf32, #tpu.memory_space<vmem>> -> memref<125x64xf32, #tpu.memory_space<vmem>>
      %dma_wait3A_519 = arith.constant 0 : i32
      %dma_wait3A_520 = tpu.memref_slice %arg6[%add3A_513, %dma_wait3A_519] : memref<80x125xi32, #tpu.memory_space<vmem>> -> memref<1x125xi32, #tpu.memory_space<vmem>>
      %dma_wait3A_521 = tpu.memref_squeeze %dma_wait3A_520 : memref<1x125xi32, #tpu.memory_space<vmem>> -> memref<125xi32, #tpu.memory_space<vmem>>
      %dma_wait3A_522 = arith.constant 0 : i32
      %dma_wait3A_523 = arith.constant 0 : i32
      %dma_wait3A_524 = tpu.memref_slice %arg2[%dma_wait3A_522, %dma_wait3A_523] : memref<10112x64xf32, #tpu.memory_space<hbm>> -> memref<10112x64xf32, #tpu.memory_space<hbm>>
      tpu.wait_indirect_dma semaphore(%arg14 : memref<!tpu.dma_semaphore, #tpu.memory_space<semaphore_mem>>) src(%dma_wait3A_524 : memref<10112x64xf32, #tpu.memory_space<hbm>>) dst(%dma_wait3A_518 : memref<125x64xf32, #tpu.memory_space<vmem>>)
      %add3A_525 = arith.constant 4 : i32
      %add3A_526 = arith.addi %mul3A_407, %add3A_525 : i32
      %dma_start3A_527 = arith.constant 4 : i32
      %dma_start3A_528 = arith.constant 0 : i32
      %dma_start3A_529 = arith.constant 0 : i32
      %dma_start3A_530 = tpu.memref_slice %arg8[%dma_start3A_527, %dma_start3A_528, %dma_start3A_529] : memref<8x125x64xf32, #tpu.memory_space<vmem>> -> memref<1x125x64xf32, #tpu.memory_space<vmem>>
      %dma_start3A_531 = tpu.memref_squeeze %dma_start3A_530 : memref<1x125x64xf32, #tpu.memory_space<vmem>> -> memref<125x64xf32, #tpu.memory_space<vmem>>
      %dma_start3A_532 = arith.constant 0 : i32
      %dma_start3A_533 = tpu.memref_slice %arg7[%add3A_526, %dma_start3A_532] : memref<80x125xi32, #tpu.memory_space<vmem>> -> memref<1x125xi32, #tpu.memory_space<vmem>>
      %dma_start3A_534 = tpu.memref_squeeze %dma_start3A_533 : memref<1x125xi32, #tpu.memory_space<vmem>> -> memref<125xi32, #tpu.memory_space<vmem>>
      %dma_start3A_535 = arith.constant 0 : i32
      %dma_start3A_536 = arith.constant 0 : i32
      %dma_start3A_537 = tpu.memref_slice %arg9[%dma_start3A_535, %dma_start3A_536] : memref<10112x64xf32, #tpu.memory_space<vmem_shared>> -> memref<10112x64xf32, #tpu.memory_space<vmem_shared>>
      tpu.enqueue_indirect_dma source(%dma_start3A_531 : memref<125x64xf32, #tpu.memory_space<vmem>>) target(%dma_start3A_537 : memref<10112x64xf32, #tpu.memory_space<vmem_shared>>) offsets(%dma_start3A_534 : memref<125xi32, #tpu.memory_space<vmem>>) semaphore(%arg22 : memref<!tpu.dma_semaphore, #tpu.memory_space<semaphore_mem>>) {add = true}
      %add3A_538 = arith.constant 5 : i32
      %add3A_539 = arith.addi %mul3A_407, %add3A_538 : i32
      %dma_wait3A_540 = arith.constant 5 : i32
      %dma_wait3A_541 = arith.constant 0 : i32
      %dma_wait3A_542 = arith.constant 0 : i32
      %dma_wait3A_543 = tpu.memref_slice %arg8[%dma_wait3A_540, %dma_wait3A_541, %dma_wait3A_542] : memref<8x125x64xf32, #tpu.memory_space<vmem>> -> memref<1x125x64xf32, #tpu.memory_space<vmem>>
      %dma_wait3A_544 = tpu.memref_squeeze %dma_wait3A_543 : memref<1x125x64xf32, #tpu.memory_space<vmem>> -> memref<125x64xf32, #tpu.memory_space<vmem>>
      %dma_wait3A_545 = arith.constant 0 : i32
      %dma_wait3A_546 = tpu.memref_slice %arg6[%add3A_539, %dma_wait3A_545] : memref<80x125xi32, #tpu.memory_space<vmem>> -> memref<1x125xi32, #tpu.memory_space<vmem>>
      %dma_wait3A_547 = tpu.memref_squeeze %dma_wait3A_546 : memref<1x125xi32, #tpu.memory_space<vmem>> -> memref<125xi32, #tpu.memory_space<vmem>>
      %dma_wait3A_548 = arith.constant 0 : i32
      %dma_wait3A_549 = arith.constant 0 : i32
      %dma_wait3A_550 = tpu.memref_slice %arg2[%dma_wait3A_548, %dma_wait3A_549] : memref<10112x64xf32, #tpu.memory_space<hbm>> -> memref<10112x64xf32, #tpu.memory_space<hbm>>
      tpu.wait_indirect_dma semaphore(%arg15 : memref<!tpu.dma_semaphore, #tpu.memory_space<semaphore_mem>>) src(%dma_wait3A_550 : memref<10112x64xf32, #tpu.memory_space<hbm>>) dst(%dma_wait3A_544 : memref<125x64xf32, #tpu.memory_space<vmem>>)
      %add3A_551 = arith.constant 5 : i32
      %add3A_552 = arith.addi %mul3A_407, %add3A_551 : i32
      %dma_start3A_553 = arith.constant 5 : i32
      %dma_start3A_554 = arith.constant 0 : i32
      %dma_start3A_555 = arith.constant 0 : i32
      %dma_start3A_556 = tpu.memref_slice %arg8[%dma_start3A_553, %dma_start3A_554, %dma_start3A_555] : memref<8x125x64xf32, #tpu.memory_space<vmem>> -> memref<1x125x64xf32, #tpu.memory_space<vmem>>
      %dma_start3A_557 = tpu.memref_squeeze %dma_start3A_556 : memref<1x125x64xf32, #tpu.memory_space<vmem>> -> memref<125x64xf32, #tpu.memory_space<vmem>>
      %dma_start3A_558 = arith.constant 0 : i32
      %dma_start3A_559 = tpu.memref_slice %arg7[%add3A_552, %dma_start3A_558] : memref<80x125xi32, #tpu.memory_space<vmem>> -> memref<1x125xi32, #tpu.memory_space<vmem>>
      %dma_start3A_560 = tpu.memref_squeeze %dma_start3A_559 : memref<1x125xi32, #tpu.memory_space<vmem>> -> memref<125xi32, #tpu.memory_space<vmem>>
      %dma_start3A_561 = arith.constant 0 : i32
      %dma_start3A_562 = arith.constant 0 : i32
      %dma_start3A_563 = tpu.memref_slice %arg9[%dma_start3A_561, %dma_start3A_562] : memref<10112x64xf32, #tpu.memory_space<vmem_shared>> -> memref<10112x64xf32, #tpu.memory_space<vmem_shared>>
      tpu.enqueue_indirect_dma source(%dma_start3A_557 : memref<125x64xf32, #tpu.memory_space<vmem>>) target(%dma_start3A_563 : memref<10112x64xf32, #tpu.memory_space<vmem_shared>>) offsets(%dma_start3A_560 : memref<125xi32, #tpu.memory_space<vmem>>) semaphore(%arg23 : memref<!tpu.dma_semaphore, #tpu.memory_space<semaphore_mem>>) {add = true}
      %add3A_564 = arith.constant 6 : i32
      %add3A_565 = arith.addi %mul3A_407, %add3A_564 : i32
      %dma_wait3A_566 = arith.constant 6 : i32
      %dma_wait3A_567 = arith.constant 0 : i32
      %dma_wait3A_568 = arith.constant 0 : i32
      %dma_wait3A_569 = tpu.memref_slice %arg8[%dma_wait3A_566, %dma_wait3A_567, %dma_wait3A_568] : memref<8x125x64xf32, #tpu.memory_space<vmem>> -> memref<1x125x64xf32, #tpu.memory_space<vmem>>
      %dma_wait3A_570 = tpu.memref_squeeze %dma_wait3A_569 : memref<1x125x64xf32, #tpu.memory_space<vmem>> -> memref<125x64xf32, #tpu.memory_space<vmem>>
      %dma_wait3A_571 = arith.constant 0 : i32
      %dma_wait3A_572 = tpu.memref_slice %arg6[%add3A_565, %dma_wait3A_571] : memref<80x125xi32, #tpu.memory_space<vmem>> -> memref<1x125xi32, #tpu.memory_space<vmem>>
      %dma_wait3A_573 = tpu.memref_squeeze %dma_wait3A_572 : memref<1x125xi32, #tpu.memory_space<vmem>> -> memref<125xi32, #tpu.memory_space<vmem>>
      %dma_wait3A_574 = arith.constant 0 : i32
      %dma_wait3A_575 = arith.constant 0 : i32
      %dma_wait3A_576 = tpu.memref_slice %arg2[%dma_wait3A_574, %dma_wait3A_575] : memref<10112x64xf32, #tpu.memory_space<hbm>> -> memref<10112x64xf32, #tpu.memory_space<hbm>>
      tpu.wait_indirect_dma semaphore(%arg16 : memref<!tpu.dma_semaphore, #tpu.memory_space<semaphore_mem>>) src(%dma_wait3A_576 : memref<10112x64xf32, #tpu.memory_space<hbm>>) dst(%dma_wait3A_570 : memref<125x64xf32, #tpu.memory_space<vmem>>)
      %add3A_577 = arith.constant 6 : i32
      %add3A_578 = arith.addi %mul3A_407, %add3A_577 : i32
      %dma_start3A_579 = arith.constant 6 : i32
      %dma_start3A_580 = arith.constant 0 : i32
      %dma_start3A_581 = arith.constant 0 : i32
      %dma_start3A_582 = tpu.memref_slice %arg8[%dma_start3A_579, %dma_start3A_580, %dma_start3A_581] : memref<8x125x64xf32, #tpu.memory_space<vmem>> -> memref<1x125x64xf32, #tpu.memory_space<vmem>>
      %dma_start3A_583 = tpu.memref_squeeze %dma_start3A_582 : memref<1x125x64xf32, #tpu.memory_space<vmem>> -> memref<125x64xf32, #tpu.memory_space<vmem>>
      %dma_start3A_584 = arith.constant 0 : i32
      %dma_start3A_585 = tpu.memref_slice %arg7[%add3A_578, %dma_start3A_584] : memref<80x125xi32, #tpu.memory_space<vmem>> -> memref<1x125xi32, #tpu.memory_space<vmem>>
      %dma_start3A_586 = tpu.memref_squeeze %dma_start3A_585 : memref<1x125xi32, #tpu.memory_space<vmem>> -> memref<125xi32, #tpu.memory_space<vmem>>
      %dma_start3A_587 = arith.constant 0 : i32
      %dma_start3A_588 = arith.constant 0 : i32
      %dma_start3A_589 = tpu.memref_slice %arg9[%dma_start3A_587, %dma_start3A_588] : memref<10112x64xf32, #tpu.memory_space<vmem_shared>> -> memref<10112x64xf32, #tpu.memory_space<vmem_shared>>
      tpu.enqueue_indirect_dma source(%dma_start3A_583 : memref<125x64xf32, #tpu.memory_space<vmem>>) target(%dma_start3A_589 : memref<10112x64xf32, #tpu.memory_space<vmem_shared>>) offsets(%dma_start3A_586 : memref<125xi32, #tpu.memory_space<vmem>>) semaphore(%arg24 : memref<!tpu.dma_semaphore, #tpu.memory_space<semaphore_mem>>) {add = true}
      %add3A_590 = arith.constant 7 : i32
      %add3A_591 = arith.addi %mul3A_407, %add3A_590 : i32
      %dma_wait3A_592 = arith.constant 7 : i32
      %dma_wait3A_593 = arith.constant 0 : i32
      %dma_wait3A_594 = arith.constant 0 : i32
      %dma_wait3A_595 = tpu.memref_slice %arg8[%dma_wait3A_592, %dma_wait3A_593, %dma_wait3A_594] : memref<8x125x64xf32, #tpu.memory_space<vmem>> -> memref<1x125x64xf32, #tpu.memory_space<vmem>>
      %dma_wait3A_596 = tpu.memref_squeeze %dma_wait3A_595 : memref<1x125x64xf32, #tpu.memory_space<vmem>> -> memref<125x64xf32, #tpu.memory_space<vmem>>
      %dma_wait3A_597 = arith.constant 0 : i32
      %dma_wait3A_598 = tpu.memref_slice %arg6[%add3A_591, %dma_wait3A_597] : memref<80x125xi32, #tpu.memory_space<vmem>> -> memref<1x125xi32, #tpu.memory_space<vmem>>
      %dma_wait3A_599 = tpu.memref_squeeze %dma_wait3A_598 : memref<1x125xi32, #tpu.memory_space<vmem>> -> memref<125xi32, #tpu.memory_space<vmem>>
      %dma_wait3A_600 = arith.constant 0 : i32
      %dma_wait3A_601 = arith.constant 0 : i32
      %dma_wait3A_602 = tpu.memref_slice %arg2[%dma_wait3A_600, %dma_wait3A_601] : memref<10112x64xf32, #tpu.memory_space<hbm>> -> memref<10112x64xf32, #tpu.memory_space<hbm>>
      tpu.wait_indirect_dma semaphore(%arg17 : memref<!tpu.dma_semaphore, #tpu.memory_space<semaphore_mem>>) src(%dma_wait3A_602 : memref<10112x64xf32, #tpu.memory_space<hbm>>) dst(%dma_wait3A_596 : memref<125x64xf32, #tpu.memory_space<vmem>>)
      %add3A_603 = arith.constant 7 : i32
      %add3A_604 = arith.addi %mul3A_407, %add3A_603 : i32
      %dma_start3A_605 = arith.constant 7 : i32
      %dma_start3A_606 = arith.constant 0 : i32
      %dma_start3A_607 = arith.constant 0 : i32
      %dma_start3A_608 = tpu.memref_slice %arg8[%dma_start3A_605, %dma_start3A_606, %dma_start3A_607] : memref<8x125x64xf32, #tpu.memory_space<vmem>> -> memref<1x125x64xf32, #tpu.memory_space<vmem>>
      %dma_start3A_609 = tpu.memref_squeeze %dma_start3A_608 : memref<1x125x64xf32, #tpu.memory_space<vmem>> -> memref<125x64xf32, #tpu.memory_space<vmem>>
      %dma_start3A_610 = arith.constant 0 : i32
      %dma_start3A_611 = tpu.memref_slice %arg7[%add3A_604, %dma_start3A_610] : memref<80x125xi32, #tpu.memory_space<vmem>> -> memref<1x125xi32, #tpu.memory_space<vmem>>
      %dma_start3A_612 = tpu.memref_squeeze %dma_start3A_611 : memref<1x125xi32, #tpu.memory_space<vmem>> -> memref<125xi32, #tpu.memory_space<vmem>>
      %dma_start3A_613 = arith.constant 0 : i32
      %dma_start3A_614 = arith.constant 0 : i32
      %dma_start3A_615 = tpu.memref_slice %arg9[%dma_start3A_613, %dma_start3A_614] : memref<10112x64xf32, #tpu.memory_space<vmem_shared>> -> memref<10112x64xf32, #tpu.memory_space<vmem_shared>>
      tpu.enqueue_indirect_dma source(%dma_start3A_609 : memref<125x64xf32, #tpu.memory_space<vmem>>) target(%dma_start3A_615 : memref<10112x64xf32, #tpu.memory_space<vmem_shared>>) offsets(%dma_start3A_612 : memref<125xi32, #tpu.memory_space<vmem>>) semaphore(%arg25 : memref<!tpu.dma_semaphore, #tpu.memory_space<semaphore_mem>>) {add = true}
      %add3A_616 = arith.constant 0 : i32
      %add3A_617 = arith.addi %mul3A_407, %add3A_616 : i32
      %dma_wait3A_618 = arith.constant 0 : i32
      %dma_wait3A_619 = arith.constant 0 : i32
      %dma_wait3A_620 = arith.constant 0 : i32
      %dma_wait3A_621 = tpu.memref_slice %arg8[%dma_wait3A_618, %dma_wait3A_619, %dma_wait3A_620] : memref<8x125x64xf32, #tpu.memory_space<vmem>> -> memref<1x125x64xf32, #tpu.memory_space<vmem>>
      %dma_wait3A_622 = tpu.memref_squeeze %dma_wait3A_621 : memref<1x125x64xf32, #tpu.memory_space<vmem>> -> memref<125x64xf32, #tpu.memory_space<vmem>>
      %dma_wait3A_623 = arith.constant 0 : i32
      %dma_wait3A_624 = tpu.memref_slice %arg7[%add3A_617, %dma_wait3A_623] : memref<80x125xi32, #tpu.memory_space<vmem>> -> memref<1x125xi32, #tpu.memory_space<vmem>>
      %dma_wait3A_625 = tpu.memref_squeeze %dma_wait3A_624 : memref<1x125xi32, #tpu.memory_space<vmem>> -> memref<125xi32, #tpu.memory_space<vmem>>
      %dma_wait3A_626 = arith.constant 0 : i32
      %dma_wait3A_627 = arith.constant 0 : i32
      %dma_wait3A_628 = tpu.memref_slice %arg9[%dma_wait3A_626, %dma_wait3A_627] : memref<10112x64xf32, #tpu.memory_space<vmem_shared>> -> memref<10112x64xf32, #tpu.memory_space<vmem_shared>>
      tpu.wait_indirect_dma semaphore(%arg18 : memref<!tpu.dma_semaphore, #tpu.memory_space<semaphore_mem>>) src(%dma_wait3A_622 : memref<125x64xf32, #tpu.memory_space<vmem>>) dst(%dma_wait3A_628 : memref<10112x64xf32, #tpu.memory_space<vmem_shared>>)
      %add3A_629 = arith.constant 8 : i32
      %add3A_630 = arith.addi %mul3A_407, %add3A_629 : i32
      %add3A_631 = arith.constant 0 : i32
      %add3A_632 = arith.addi %add3A_630, %add3A_631 : i32
      %dma_start3A_633 = arith.constant 0 : i32
      %dma_start3A_634 = arith.constant 0 : i32
      %dma_start3A_635 = arith.constant 0 : i32
      %dma_start3A_636 = tpu.memref_slice %arg8[%dma_start3A_633, %dma_start3A_634, %dma_start3A_635] : memref<8x125x64xf32, #tpu.memory_space<vmem>> -> memref<1x125x64xf32, #tpu.memory_space<vmem>>
      %dma_start3A_637 = tpu.memref_squeeze %dma_start3A_636 : memref<1x125x64xf32, #tpu.memory_space<vmem>> -> memref<125x64xf32, #tpu.memory_space<vmem>>
      %dma_start3A_638 = arith.constant 0 : i32
      %dma_start3A_639 = tpu.memref_slice %arg6[%add3A_632, %dma_start3A_638] : memref<80x125xi32, #tpu.memory_space<vmem>> -> memref<1x125xi32, #tpu.memory_space<vmem>>
      %dma_start3A_640 = tpu.memref_squeeze %dma_start3A_639 : memref<1x125xi32, #tpu.memory_space<vmem>> -> memref<125xi32, #tpu.memory_space<vmem>>
      %dma_start3A_641 = arith.constant 0 : i32
      %dma_start3A_642 = arith.constant 0 : i32
      %dma_start3A_643 = tpu.memref_slice %arg2[%dma_start3A_641, %dma_start3A_642] : memref<10112x64xf32, #tpu.memory_space<hbm>> -> memref<10112x64xf32, #tpu.memory_space<hbm>>
      tpu.enqueue_indirect_dma source(%dma_start3A_643 : memref<10112x64xf32, #tpu.memory_space<hbm>>) target(%dma_start3A_637 : memref<125x64xf32, #tpu.memory_space<vmem>>) offsets(%dma_start3A_640 : memref<125xi32, #tpu.memory_space<vmem>>) semaphore(%arg10 : memref<!tpu.dma_semaphore, #tpu.memory_space<semaphore_mem>>)
      %add3A_644 = arith.constant 1 : i32
      %add3A_645 = arith.addi %mul3A_407, %add3A_644 : i32
      %dma_wait3A_646 = arith.constant 1 : i32
      %dma_wait3A_647 = arith.constant 0 : i32
      %dma_wait3A_648 = arith.constant 0 : i32
      %dma_wait3A_649 = tpu.memref_slice %arg8[%dma_wait3A_646, %dma_wait3A_647, %dma_wait3A_648] : memref<8x125x64xf32, #tpu.memory_space<vmem>> -> memref<1x125x64xf32, #tpu.memory_space<vmem>>
      %dma_wait3A_650 = tpu.memref_squeeze %dma_wait3A_649 : memref<1x125x64xf32, #tpu.memory_space<vmem>> -> memref<125x64xf32, #tpu.memory_space<vmem>>
      %dma_wait3A_651 = arith.constant 0 : i32
      %dma_wait3A_652 = tpu.memref_slice %arg7[%add3A_645, %dma_wait3A_651] : memref<80x125xi32, #tpu.memory_space<vmem>> -> memref<1x125xi32, #tpu.memory_space<vmem>>
      %dma_wait3A_653 = tpu.memref_squeeze %dma_wait3A_652 : memref<1x125xi32, #tpu.memory_space<vmem>> -> memref<125xi32, #tpu.memory_space<vmem>>
      %dma_wait3A_654 = arith.constant 0 : i32
      %dma_wait3A_655 = arith.constant 0 : i32
      %dma_wait3A_656 = tpu.memref_slice %arg9[%dma_wait3A_654, %dma_wait3A_655] : memref<10112x64xf32, #tpu.memory_space<vmem_shared>> -> memref<10112x64xf32, #tpu.memory_space<vmem_shared>>
      tpu.wait_indirect_dma semaphore(%arg19 : memref<!tpu.dma_semaphore, #tpu.memory_space<semaphore_mem>>) src(%dma_wait3A_650 : memref<125x64xf32, #tpu.memory_space<vmem>>) dst(%dma_wait3A_656 : memref<10112x64xf32, #tpu.memory_space<vmem_shared>>)
      %add3A_657 = arith.constant 8 : i32
      %add3A_658 = arith.addi %mul3A_407, %add3A_657 : i32
      %add3A_659 = arith.constant 1 : i32
      %add3A_660 = arith.addi %add3A_658, %add3A_659 : i32
      %dma_start3A_661 = arith.constant 1 : i32
      %dma_start3A_662 = arith.constant 0 : i32
      %dma_start3A_663 = arith.constant 0 : i32
      %dma_start3A_664 = tpu.memref_slice %arg8[%dma_start3A_661, %dma_start3A_662, %dma_start3A_663] : memref<8x125x64xf32, #tpu.memory_space<vmem>> -> memref<1x125x64xf32, #tpu.memory_space<vmem>>
      %dma_start3A_665 = tpu.memref_squeeze %dma_start3A_664 : memref<1x125x64xf32, #tpu.memory_space<vmem>> -> memref<125x64xf32, #tpu.memory_space<vmem>>
      %dma_start3A_666 = arith.constant 0 : i32
      %dma_start3A_667 = tpu.memref_slice %arg6[%add3A_660, %dma_start3A_666] : memref<80x125xi32, #tpu.memory_space<vmem>> -> memref<1x125xi32, #tpu.memory_space<vmem>>
      %dma_start3A_668 = tpu.memref_squeeze %dma_start3A_667 : memref<1x125xi32, #tpu.memory_space<vmem>> -> memref<125xi32, #tpu.memory_space<vmem>>
      %dma_start3A_669 = arith.constant 0 : i32
      %dma_start3A_670 = arith.constant 0 : i32
      %dma_start3A_671 = tpu.memref_slice %arg2[%dma_start3A_669, %dma_start3A_670] : memref<10112x64xf32, #tpu.memory_space<hbm>> -> memref<10112x64xf32, #tpu.memory_space<hbm>>
      tpu.enqueue_indirect_dma source(%dma_start3A_671 : memref<10112x64xf32, #tpu.memory_space<hbm>>) target(%dma_start3A_665 : memref<125x64xf32, #tpu.memory_space<vmem>>) offsets(%dma_start3A_668 : memref<125xi32, #tpu.memory_space<vmem>>) semaphore(%arg11 : memref<!tpu.dma_semaphore, #tpu.memory_space<semaphore_mem>>)
      %add3A_672 = arith.constant 2 : i32
      %add3A_673 = arith.addi %mul3A_407, %add3A_672 : i32
      %dma_wait3A_674 = arith.constant 2 : i32
      %dma_wait3A_675 = arith.constant 0 : i32
      %dma_wait3A_676 = arith.constant 0 : i32
      %dma_wait3A_677 = tpu.memref_slice %arg8[%dma_wait3A_674, %dma_wait3A_675, %dma_wait3A_676] : memref<8x125x64xf32, #tpu.memory_space<vmem>> -> memref<1x125x64xf32, #tpu.memory_space<vmem>>
      %dma_wait3A_678 = tpu.memref_squeeze %dma_wait3A_677 : memref<1x125x64xf32, #tpu.memory_space<vmem>> -> memref<125x64xf32, #tpu.memory_space<vmem>>
      %dma_wait3A_679 = arith.constant 0 : i32
      %dma_wait3A_680 = tpu.memref_slice %arg7[%add3A_673, %dma_wait3A_679] : memref<80x125xi32, #tpu.memory_space<vmem>> -> memref<1x125xi32, #tpu.memory_space<vmem>>
      %dma_wait3A_681 = tpu.memref_squeeze %dma_wait3A_680 : memref<1x125xi32, #tpu.memory_space<vmem>> -> memref<125xi32, #tpu.memory_space<vmem>>
      %dma_wait3A_682 = arith.constant 0 : i32
      %dma_wait3A_683 = arith.constant 0 : i32
      %dma_wait3A_684 = tpu.memref_slice %arg9[%dma_wait3A_682, %dma_wait3A_683] : memref<10112x64xf32, #tpu.memory_space<vmem_shared>> -> memref<10112x64xf32, #tpu.memory_space<vmem_shared>>
      tpu.wait_indirect_dma semaphore(%arg20 : memref<!tpu.dma_semaphore, #tpu.memory_space<semaphore_mem>>) src(%dma_wait3A_678 : memref<125x64xf32, #tpu.memory_space<vmem>>) dst(%dma_wait3A_684 : memref<10112x64xf32, #tpu.memory_space<vmem_shared>>)
      %add3A_685 = arith.constant 8 : i32
      %add3A_686 = arith.addi %mul3A_407, %add3A_685 : i32
      %add3A_687 = arith.constant 2 : i32
      %add3A_688 = arith.addi %add3A_686, %add3A_687 : i32
      %dma_start3A_689 = arith.constant 2 : i32
      %dma_start3A_690 = arith.constant 0 : i32
      %dma_start3A_691 = arith.constant 0 : i32
      %dma_start3A_692 = tpu.memref_slice %arg8[%dma_start3A_689, %dma_start3A_690, %dma_start3A_691] : memref<8x125x64xf32, #tpu.memory_space<vmem>> -> memref<1x125x64xf32, #tpu.memory_space<vmem>>
      %dma_start3A_693 = tpu.memref_squeeze %dma_start3A_692 : memref<1x125x64xf32, #tpu.memory_space<vmem>> -> memref<125x64xf32, #tpu.memory_space<vmem>>
      %dma_start3A_694 = arith.constant 0 : i32
      %dma_start3A_695 = tpu.memref_slice %arg6[%add3A_688, %dma_start3A_694] : memref<80x125xi32, #tpu.memory_space<vmem>> -> memref<1x125xi32, #tpu.memory_space<vmem>>
      %dma_start3A_696 = tpu.memref_squeeze %dma_start3A_695 : memref<1x125xi32, #tpu.memory_space<vmem>> -> memref<125xi32, #tpu.memory_space<vmem>>
      %dma_start3A_697 = arith.constant 0 : i32
      %dma_start3A_698 = arith.constant 0 : i32
      %dma_start3A_699 = tpu.memref_slice %arg2[%dma_start3A_697, %dma_start3A_698] : memref<10112x64xf32, #tpu.memory_space<hbm>> -> memref<10112x64xf32, #tpu.memory_space<hbm>>
      tpu.enqueue_indirect_dma source(%dma_start3A_699 : memref<10112x64xf32, #tpu.memory_space<hbm>>) target(%dma_start3A_693 : memref<125x64xf32, #tpu.memory_space<vmem>>) offsets(%dma_start3A_696 : memref<125xi32, #tpu.memory_space<vmem>>) semaphore(%arg12 : memref<!tpu.dma_semaphore, #tpu.memory_space<semaphore_mem>>)
      %add3A_700 = arith.constant 3 : i32
      %add3A_701 = arith.addi %mul3A_407, %add3A_700 : i32
      %dma_wait3A_702 = arith.constant 3 : i32
      %dma_wait3A_703 = arith.constant 0 : i32
      %dma_wait3A_704 = arith.constant 0 : i32
      %dma_wait3A_705 = tpu.memref_slice %arg8[%dma_wait3A_702, %dma_wait3A_703, %dma_wait3A_704] : memref<8x125x64xf32, #tpu.memory_space<vmem>> -> memref<1x125x64xf32, #tpu.memory_space<vmem>>
      %dma_wait3A_706 = tpu.memref_squeeze %dma_wait3A_705 : memref<1x125x64xf32, #tpu.memory_space<vmem>> -> memref<125x64xf32, #tpu.memory_space<vmem>>
      %dma_wait3A_707 = arith.constant 0 : i32
      %dma_wait3A_708 = tpu.memref_slice %arg7[%add3A_701, %dma_wait3A_707] : memref<80x125xi32, #tpu.memory_space<vmem>> -> memref<1x125xi32, #tpu.memory_space<vmem>>
      %dma_wait3A_709 = tpu.memref_squeeze %dma_wait3A_708 : memref<1x125xi32, #tpu.memory_space<vmem>> -> memref<125xi32, #tpu.memory_space<vmem>>
      %dma_wait3A_710 = arith.constant 0 : i32
      %dma_wait3A_711 = arith.constant 0 : i32
      %dma_wait3A_712 = tpu.memref_slice %arg9[%dma_wait3A_710, %dma_wait3A_711] : memref<10112x64xf32, #tpu.memory_space<vmem_shared>> -> memref<10112x64xf32, #tpu.memory_space<vmem_shared>>
      tpu.wait_indirect_dma semaphore(%arg21 : memref<!tpu.dma_semaphore, #tpu.memory_space<semaphore_mem>>) src(%dma_wait3A_706 : memref<125x64xf32, #tpu.memory_space<vmem>>) dst(%dma_wait3A_712 : memref<10112x64xf32, #tpu.memory_space<vmem_shared>>)
      %add3A_713 = arith.constant 8 : i32
      %add3A_714 = arith.addi %mul3A_407, %add3A_713 : i32
      %add3A_715 = arith.constant 3 : i32
      %add3A_716 = arith.addi %add3A_714, %add3A_715 : i32
      %dma_start3A_717 = arith.constant 3 : i32
      %dma_start3A_718 = arith.constant 0 : i32
      %dma_start3A_719 = arith.constant 0 : i32
      %dma_start3A_720 = tpu.memref_slice %arg8[%dma_start3A_717, %dma_start3A_718, %dma_start3A_719] : memref<8x125x64xf32, #tpu.memory_space<vmem>> -> memref<1x125x64xf32, #tpu.memory_space<vmem>>
      %dma_start3A_721 = tpu.memref_squeeze %dma_start3A_720 : memref<1x125x64xf32, #tpu.memory_space<vmem>> -> memref<125x64xf32, #tpu.memory_space<vmem>>
      %dma_start3A_722 = arith.constant 0 : i32
      %dma_start3A_723 = tpu.memref_slice %arg6[%add3A_716, %dma_start3A_722] : memref<80x125xi32, #tpu.memory_space<vmem>> -> memref<1x125xi32, #tpu.memory_space<vmem>>
      %dma_start3A_724 = tpu.memref_squeeze %dma_start3A_723 : memref<1x125xi32, #tpu.memory_space<vmem>> -> memref<125xi32, #tpu.memory_space<vmem>>
      %dma_start3A_725 = arith.constant 0 : i32
      %dma_start3A_726 = arith.constant 0 : i32
      %dma_start3A_727 = tpu.memref_slice %arg2[%dma_start3A_725, %dma_start3A_726] : memref<10112x64xf32, #tpu.memory_space<hbm>> -> memref<10112x64xf32, #tpu.memory_space<hbm>>
      tpu.enqueue_indirect_dma source(%dma_start3A_727 : memref<10112x64xf32, #tpu.memory_space<hbm>>) target(%dma_start3A_721 : memref<125x64xf32, #tpu.memory_space<vmem>>) offsets(%dma_start3A_724 : memref<125xi32, #tpu.memory_space<vmem>>) semaphore(%arg13 : memref<!tpu.dma_semaphore, #tpu.memory_space<semaphore_mem>>)
      %add3A_728 = arith.constant 4 : i32
      %add3A_729 = arith.addi %mul3A_407, %add3A_728 : i32
      %dma_wait3A_730 = arith.constant 4 : i32
      %dma_wait3A_731 = arith.constant 0 : i32
      %dma_wait3A_732 = arith.constant 0 : i32
      %dma_wait3A_733 = tpu.memref_slice %arg8[%dma_wait3A_730, %dma_wait3A_731, %dma_wait3A_732] : memref<8x125x64xf32, #tpu.memory_space<vmem>> -> memref<1x125x64xf32, #tpu.memory_space<vmem>>
      %dma_wait3A_734 = tpu.memref_squeeze %dma_wait3A_733 : memref<1x125x64xf32, #tpu.memory_space<vmem>> -> memref<125x64xf32, #tpu.memory_space<vmem>>
      %dma_wait3A_735 = arith.constant 0 : i32
      %dma_wait3A_736 = tpu.memref_slice %arg7[%add3A_729, %dma_wait3A_735] : memref<80x125xi32, #tpu.memory_space<vmem>> -> memref<1x125xi32, #tpu.memory_space<vmem>>
      %dma_wait3A_737 = tpu.memref_squeeze %dma_wait3A_736 : memref<1x125xi32, #tpu.memory_space<vmem>> -> memref<125xi32, #tpu.memory_space<vmem>>
      %dma_wait3A_738 = arith.constant 0 : i32
      %dma_wait3A_739 = arith.constant 0 : i32
      %dma_wait3A_740 = tpu.memref_slice %arg9[%dma_wait3A_738, %dma_wait3A_739] : memref<10112x64xf32, #tpu.memory_space<vmem_shared>> -> memref<10112x64xf32, #tpu.memory_space<vmem_shared>>
      tpu.wait_indirect_dma semaphore(%arg22 : memref<!tpu.dma_semaphore, #tpu.memory_space<semaphore_mem>>) src(%dma_wait3A_734 : memref<125x64xf32, #tpu.memory_space<vmem>>) dst(%dma_wait3A_740 : memref<10112x64xf32, #tpu.memory_space<vmem_shared>>)
      %add3A_741 = arith.constant 8 : i32
      %add3A_742 = arith.addi %mul3A_407, %add3A_741 : i32
      %add3A_743 = arith.constant 4 : i32
      %add3A_744 = arith.addi %add3A_742, %add3A_743 : i32
      %dma_start3A_745 = arith.constant 4 : i32
      %dma_start3A_746 = arith.constant 0 : i32
      %dma_start3A_747 = arith.constant 0 : i32
      %dma_start3A_748 = tpu.memref_slice %arg8[%dma_start3A_745, %dma_start3A_746, %dma_start3A_747] : memref<8x125x64xf32, #tpu.memory_space<vmem>> -> memref<1x125x64xf32, #tpu.memory_space<vmem>>
      %dma_start3A_749 = tpu.memref_squeeze %dma_start3A_748 : memref<1x125x64xf32, #tpu.memory_space<vmem>> -> memref<125x64xf32, #tpu.memory_space<vmem>>
      %dma_start3A_750 = arith.constant 0 : i32
      %dma_start3A_751 = tpu.memref_slice %arg6[%add3A_744, %dma_start3A_750] : memref<80x125xi32, #tpu.memory_space<vmem>> -> memref<1x125xi32, #tpu.memory_space<vmem>>
      %dma_start3A_752 = tpu.memref_squeeze %dma_start3A_751 : memref<1x125xi32, #tpu.memory_space<vmem>> -> memref<125xi32, #tpu.memory_space<vmem>>
      %dma_start3A_753 = arith.constant 0 : i32
      %dma_start3A_754 = arith.constant 0 : i32
      %dma_start3A_755 = tpu.memref_slice %arg2[%dma_start3A_753, %dma_start3A_754] : memref<10112x64xf32, #tpu.memory_space<hbm>> -> memref<10112x64xf32, #tpu.memory_space<hbm>>
      tpu.enqueue_indirect_dma source(%dma_start3A_755 : memref<10112x64xf32, #tpu.memory_space<hbm>>) target(%dma_start3A_749 : memref<125x64xf32, #tpu.memory_space<vmem>>) offsets(%dma_start3A_752 : memref<125xi32, #tpu.memory_space<vmem>>) semaphore(%arg14 : memref<!tpu.dma_semaphore, #tpu.memory_space<semaphore_mem>>)
      %add3A_756 = arith.constant 5 : i32
      %add3A_757 = arith.addi %mul3A_407, %add3A_756 : i32
      %dma_wait3A_758 = arith.constant 5 : i32
      %dma_wait3A_759 = arith.constant 0 : i32
      %dma_wait3A_760 = arith.constant 0 : i32
      %dma_wait3A_761 = tpu.memref_slice %arg8[%dma_wait3A_758, %dma_wait3A_759, %dma_wait3A_760] : memref<8x125x64xf32, #tpu.memory_space<vmem>> -> memref<1x125x64xf32, #tpu.memory_space<vmem>>
      %dma_wait3A_762 = tpu.memref_squeeze %dma_wait3A_761 : memref<1x125x64xf32, #tpu.memory_space<vmem>> -> memref<125x64xf32, #tpu.memory_space<vmem>>
      %dma_wait3A_763 = arith.constant 0 : i32
      %dma_wait3A_764 = tpu.memref_slice %arg7[%add3A_757, %dma_wait3A_763] : memref<80x125xi32, #tpu.memory_space<vmem>> -> memref<1x125xi32, #tpu.memory_space<vmem>>
      %dma_wait3A_765 = tpu.memref_squeeze %dma_wait3A_764 : memref<1x125xi32, #tpu.memory_space<vmem>> -> memref<125xi32, #tpu.memory_space<vmem>>
      %dma_wait3A_766 = arith.constant 0 : i32
      %dma_wait3A_767 = arith.constant 0 : i32
      %dma_wait3A_768 = tpu.memref_slice %arg9[%dma_wait3A_766, %dma_wait3A_767] : memref<10112x64xf32, #tpu.memory_space<vmem_shared>> -> memref<10112x64xf32, #tpu.memory_space<vmem_shared>>
      tpu.wait_indirect_dma semaphore(%arg23 : memref<!tpu.dma_semaphore, #tpu.memory_space<semaphore_mem>>) src(%dma_wait3A_762 : memref<125x64xf32, #tpu.memory_space<vmem>>) dst(%dma_wait3A_768 : memref<10112x64xf32, #tpu.memory_space<vmem_shared>>)
      %add3A_769 = arith.constant 8 : i32
      %add3A_770 = arith.addi %mul3A_407, %add3A_769 : i32
      %add3A_771 = arith.constant 5 : i32
      %add3A_772 = arith.addi %add3A_770, %add3A_771 : i32
      %dma_start3A_773 = arith.constant 5 : i32
      %dma_start3A_774 = arith.constant 0 : i32
      %dma_start3A_775 = arith.constant 0 : i32
      %dma_start3A_776 = tpu.memref_slice %arg8[%dma_start3A_773, %dma_start3A_774, %dma_start3A_775] : memref<8x125x64xf32, #tpu.memory_space<vmem>> -> memref<1x125x64xf32, #tpu.memory_space<vmem>>
      %dma_start3A_777 = tpu.memref_squeeze %dma_start3A_776 : memref<1x125x64xf32, #tpu.memory_space<vmem>> -> memref<125x64xf32, #tpu.memory_space<vmem>>
      %dma_start3A_778 = arith.constant 0 : i32
      %dma_start3A_779 = tpu.memref_slice %arg6[%add3A_772, %dma_start3A_778] : memref<80x125xi32, #tpu.memory_space<vmem>> -> memref<1x125xi32, #tpu.memory_space<vmem>>
      %dma_start3A_780 = tpu.memref_squeeze %dma_start3A_779 : memref<1x125xi32, #tpu.memory_space<vmem>> -> memref<125xi32, #tpu.memory_space<vmem>>
      %dma_start3A_781 = arith.constant 0 : i32
      %dma_start3A_782 = arith.constant 0 : i32
      %dma_start3A_783 = tpu.memref_slice %arg2[%dma_start3A_781, %dma_start3A_782] : memref<10112x64xf32, #tpu.memory_space<hbm>> -> memref<10112x64xf32, #tpu.memory_space<hbm>>
      tpu.enqueue_indirect_dma source(%dma_start3A_783 : memref<10112x64xf32, #tpu.memory_space<hbm>>) target(%dma_start3A_777 : memref<125x64xf32, #tpu.memory_space<vmem>>) offsets(%dma_start3A_780 : memref<125xi32, #tpu.memory_space<vmem>>) semaphore(%arg15 : memref<!tpu.dma_semaphore, #tpu.memory_space<semaphore_mem>>)
      %add3A_784 = arith.constant 6 : i32
      %add3A_785 = arith.addi %mul3A_407, %add3A_784 : i32
      %dma_wait3A_786 = arith.constant 6 : i32
      %dma_wait3A_787 = arith.constant 0 : i32
      %dma_wait3A_788 = arith.constant 0 : i32
      %dma_wait3A_789 = tpu.memref_slice %arg8[%dma_wait3A_786, %dma_wait3A_787, %dma_wait3A_788] : memref<8x125x64xf32, #tpu.memory_space<vmem>> -> memref<1x125x64xf32, #tpu.memory_space<vmem>>
      %dma_wait3A_790 = tpu.memref_squeeze %dma_wait3A_789 : memref<1x125x64xf32, #tpu.memory_space<vmem>> -> memref<125x64xf32, #tpu.memory_space<vmem>>
      %dma_wait3A_791 = arith.constant 0 : i32
      %dma_wait3A_792 = tpu.memref_slice %arg7[%add3A_785, %dma_wait3A_791] : memref<80x125xi32, #tpu.memory_space<vmem>> -> memref<1x125xi32, #tpu.memory_space<vmem>>
      %dma_wait3A_793 = tpu.memref_squeeze %dma_wait3A_792 : memref<1x125xi32, #tpu.memory_space<vmem>> -> memref<125xi32, #tpu.memory_space<vmem>>
      %dma_wait3A_794 = arith.constant 0 : i32
      %dma_wait3A_795 = arith.constant 0 : i32
      %dma_wait3A_796 = tpu.memref_slice %arg9[%dma_wait3A_794, %dma_wait3A_795] : memref<10112x64xf32, #tpu.memory_space<vmem_shared>> -> memref<10112x64xf32, #tpu.memory_space<vmem_shared>>
      tpu.wait_indirect_dma semaphore(%arg24 : memref<!tpu.dma_semaphore, #tpu.memory_space<semaphore_mem>>) src(%dma_wait3A_790 : memref<125x64xf32, #tpu.memory_space<vmem>>) dst(%dma_wait3A_796 : memref<10112x64xf32, #tpu.memory_space<vmem_shared>>)
      %add3A_797 = arith.constant 8 : i32
      %add3A_798 = arith.addi %mul3A_407, %add3A_797 : i32
      %add3A_799 = arith.constant 6 : i32
      %add3A_800 = arith.addi %add3A_798, %add3A_799 : i32
      %dma_start3A_801 = arith.constant 6 : i32
      %dma_start3A_802 = arith.constant 0 : i32
      %dma_start3A_803 = arith.constant 0 : i32
      %dma_start3A_804 = tpu.memref_slice %arg8[%dma_start3A_801, %dma_start3A_802, %dma_start3A_803] : memref<8x125x64xf32, #tpu.memory_space<vmem>> -> memref<1x125x64xf32, #tpu.memory_space<vmem>>
      %dma_start3A_805 = tpu.memref_squeeze %dma_start3A_804 : memref<1x125x64xf32, #tpu.memory_space<vmem>> -> memref<125x64xf32, #tpu.memory_space<vmem>>
      %dma_start3A_806 = arith.constant 0 : i32
      %dma_start3A_807 = tpu.memref_slice %arg6[%add3A_800, %dma_start3A_806] : memref<80x125xi32, #tpu.memory_space<vmem>> -> memref<1x125xi32, #tpu.memory_space<vmem>>
      %dma_start3A_808 = tpu.memref_squeeze %dma_start3A_807 : memref<1x125xi32, #tpu.memory_space<vmem>> -> memref<125xi32, #tpu.memory_space<vmem>>
      %dma_start3A_809 = arith.constant 0 : i32
      %dma_start3A_810 = arith.constant 0 : i32
      %dma_start3A_811 = tpu.memref_slice %arg2[%dma_start3A_809, %dma_start3A_810] : memref<10112x64xf32, #tpu.memory_space<hbm>> -> memref<10112x64xf32, #tpu.memory_space<hbm>>
      tpu.enqueue_indirect_dma source(%dma_start3A_811 : memref<10112x64xf32, #tpu.memory_space<hbm>>) target(%dma_start3A_805 : memref<125x64xf32, #tpu.memory_space<vmem>>) offsets(%dma_start3A_808 : memref<125xi32, #tpu.memory_space<vmem>>) semaphore(%arg16 : memref<!tpu.dma_semaphore, #tpu.memory_space<semaphore_mem>>)
      %add3A_812 = arith.constant 7 : i32
      %add3A_813 = arith.addi %mul3A_407, %add3A_812 : i32
      %dma_wait3A_814 = arith.constant 7 : i32
      %dma_wait3A_815 = arith.constant 0 : i32
      %dma_wait3A_816 = arith.constant 0 : i32
      %dma_wait3A_817 = tpu.memref_slice %arg8[%dma_wait3A_814, %dma_wait3A_815, %dma_wait3A_816] : memref<8x125x64xf32, #tpu.memory_space<vmem>> -> memref<1x125x64xf32, #tpu.memory_space<vmem>>
      %dma_wait3A_818 = tpu.memref_squeeze %dma_wait3A_817 : memref<1x125x64xf32, #tpu.memory_space<vmem>> -> memref<125x64xf32, #tpu.memory_space<vmem>>
      %dma_wait3A_819 = arith.constant 0 : i32
      %dma_wait3A_820 = tpu.memref_slice %arg7[%add3A_813, %dma_wait3A_819] : memref<80x125xi32, #tpu.memory_space<vmem>> -> memref<1x125xi32, #tpu.memory_space<vmem>>
      %dma_wait3A_821 = tpu.memref_squeeze %dma_wait3A_820 : memref<1x125xi32, #tpu.memory_space<vmem>> -> memref<125xi32, #tpu.memory_space<vmem>>
      %dma_wait3A_822 = arith.constant 0 : i32
      %dma_wait3A_823 = arith.constant 0 : i32
      %dma_wait3A_824 = tpu.memref_slice %arg9[%dma_wait3A_822, %dma_wait3A_823] : memref<10112x64xf32, #tpu.memory_space<vmem_shared>> -> memref<10112x64xf32, #tpu.memory_space<vmem_shared>>
      tpu.wait_indirect_dma semaphore(%arg25 : memref<!tpu.dma_semaphore, #tpu.memory_space<semaphore_mem>>) src(%dma_wait3A_818 : memref<125x64xf32, #tpu.memory_space<vmem>>) dst(%dma_wait3A_824 : memref<10112x64xf32, #tpu.memory_space<vmem_shared>>)
      %add3A_825 = arith.constant 8 : i32
      %add3A_826 = arith.addi %mul3A_407, %add3A_825 : i32
      %add3A_827 = arith.constant 7 : i32
      %add3A_828 = arith.addi %add3A_826, %add3A_827 : i32
      %dma_start3A_829 = arith.constant 7 : i32
      %dma_start3A_830 = arith.constant 0 : i32
      %dma_start3A_831 = arith.constant 0 : i32
      %dma_start3A_832 = tpu.memref_slice %arg8[%dma_start3A_829, %dma_start3A_830, %dma_start3A_831] : memref<8x125x64xf32, #tpu.memory_space<vmem>> -> memref<1x125x64xf32, #tpu.memory_space<vmem>>
      %dma_start3A_833 = tpu.memref_squeeze %dma_start3A_832 : memref<1x125x64xf32, #tpu.memory_space<vmem>> -> memref<125x64xf32, #tpu.memory_space<vmem>>
      %dma_start3A_834 = arith.constant 0 : i32
      %dma_start3A_835 = tpu.memref_slice %arg6[%add3A_828, %dma_start3A_834] : memref<80x125xi32, #tpu.memory_space<vmem>> -> memref<1x125xi32, #tpu.memory_space<vmem>>
      %dma_start3A_836 = tpu.memref_squeeze %dma_start3A_835 : memref<1x125xi32, #tpu.memory_space<vmem>> -> memref<125xi32, #tpu.memory_space<vmem>>
      %dma_start3A_837 = arith.constant 0 : i32
      %dma_start3A_838 = arith.constant 0 : i32
      %dma_start3A_839 = tpu.memref_slice %arg2[%dma_start3A_837, %dma_start3A_838] : memref<10112x64xf32, #tpu.memory_space<hbm>> -> memref<10112x64xf32, #tpu.memory_space<hbm>>
      tpu.enqueue_indirect_dma source(%dma_start3A_839 : memref<10112x64xf32, #tpu.memory_space<hbm>>) target(%dma_start3A_833 : memref<125x64xf32, #tpu.memory_space<vmem>>) offsets(%dma_start3A_836 : memref<125xi32, #tpu.memory_space<vmem>>) semaphore(%arg17 : memref<!tpu.dma_semaphore, #tpu.memory_space<semaphore_mem>>)
    }
    %scan3A_106 = arith.constant 9 : i32
    %dma_wait3A = arith.constant 72 : i32
    %dma_wait3A_107 = arith.constant 0 : i32
    %dma_wait3A_108 = arith.constant 0 : i32
    %dma_wait3A_109 = arith.constant 0 : i32
    %dma_wait3A_110 = tpu.memref_slice %arg8[%dma_wait3A_107, %dma_wait3A_108, %dma_wait3A_109] : memref<8x125x64xf32, #tpu.memory_space<vmem>> -> memref<1x125x64xf32, #tpu.memory_space<vmem>>
    %dma_wait3A_111 = tpu.memref_squeeze %dma_wait3A_110 : memref<1x125x64xf32, #tpu.memory_space<vmem>> -> memref<125x64xf32, #tpu.memory_space<vmem>>
    %dma_wait3A_112 = arith.constant 0 : i32
    %dma_wait3A_113 = tpu.memref_slice %arg6[%dma_wait3A, %dma_wait3A_112] : memref<80x125xi32, #tpu.memory_space<vmem>> -> memref<1x125xi32, #tpu.memory_space<vmem>>
    %dma_wait3A_114 = tpu.memref_squeeze %dma_wait3A_113 : memref<1x125xi32, #tpu.memory_space<vmem>> -> memref<125xi32, #tpu.memory_space<vmem>>
    %dma_wait3A_115 = arith.constant 0 : i32
    %dma_wait3A_116 = arith.constant 0 : i32
    %dma_wait3A_117 = tpu.memref_slice %arg2[%dma_wait3A_115, %dma_wait3A_116] : memref<10112x64xf32, #tpu.memory_space<hbm>> -> memref<10112x64xf32, #tpu.memory_space<hbm>>
    tpu.wait_indirect_dma semaphore(%arg10 : memref<!tpu.dma_semaphore, #tpu.memory_space<semaphore_mem>>) src(%dma_wait3A_117 : memref<10112x64xf32, #tpu.memory_space<hbm>>) dst(%dma_wait3A_111 : memref<125x64xf32, #tpu.memory_space<vmem>>)
    %dma_start3A_118 = arith.constant 0 : i32
    %dma_start3A_119 = arith.constant 72 : i32
    %dma_start3A_120 = arith.constant 0 : i32
    %dma_start3A_121 = arith.constant 0 : i32
    %dma_start3A_122 = tpu.memref_slice %arg8[%dma_start3A_118, %dma_start3A_120, %dma_start3A_121] : memref<8x125x64xf32, #tpu.memory_space<vmem>> -> memref<1x125x64xf32, #tpu.memory_space<vmem>>
    %dma_start3A_123 = tpu.memref_squeeze %dma_start3A_122 : memref<1x125x64xf32, #tpu.memory_space<vmem>> -> memref<125x64xf32, #tpu.memory_space<vmem>>
    %dma_start3A_124 = arith.constant 0 : i32
    %dma_start3A_125 = tpu.memref_slice %arg7[%dma_start3A_119, %dma_start3A_124] : memref<80x125xi32, #tpu.memory_space<vmem>> -> memref<1x125xi32, #tpu.memory_space<vmem>>
    %dma_start3A_126 = tpu.memref_squeeze %dma_start3A_125 : memref<1x125xi32, #tpu.memory_space<vmem>> -> memref<125xi32, #tpu.memory_space<vmem>>
    %dma_start3A_127 = arith.constant 0 : i32
    %dma_start3A_128 = arith.constant 0 : i32
    %dma_start3A_129 = tpu.memref_slice %arg9[%dma_start3A_127, %dma_start3A_128] : memref<10112x64xf32, #tpu.memory_space<vmem_shared>> -> memref<10112x64xf32, #tpu.memory_space<vmem_shared>>
    tpu.enqueue_indirect_dma source(%dma_start3A_123 : memref<125x64xf32, #tpu.memory_space<vmem>>) target(%dma_start3A_129 : memref<10112x64xf32, #tpu.memory_space<vmem_shared>>) offsets(%dma_start3A_126 : memref<125xi32, #tpu.memory_space<vmem>>) semaphore(%arg18 : memref<!tpu.dma_semaphore, #tpu.memory_space<semaphore_mem>>) {add = true}
    %dma_wait3A_130 = arith.constant 73 : i32
    %dma_wait3A_131 = arith.constant 1 : i32
    %dma_wait3A_132 = arith.constant 0 : i32
    %dma_wait3A_133 = arith.constant 0 : i32
    %dma_wait3A_134 = tpu.memref_slice %arg8[%dma_wait3A_131, %dma_wait3A_132, %dma_wait3A_133] : memref<8x125x64xf32, #tpu.memory_space<vmem>> -> memref<1x125x64xf32, #tpu.memory_space<vmem>>
    %dma_wait3A_135 = tpu.memref_squeeze %dma_wait3A_134 : memref<1x125x64xf32, #tpu.memory_space<vmem>> -> memref<125x64xf32, #tpu.memory_space<vmem>>
    %dma_wait3A_136 = arith.constant 0 : i32
    %dma_wait3A_137 = tpu.memref_slice %arg6[%dma_wait3A_130, %dma_wait3A_136] : memref<80x125xi32, #tpu.memory_space<vmem>> -> memref<1x125xi32, #tpu.memory_space<vmem>>
    %dma_wait3A_138 = tpu.memref_squeeze %dma_wait3A_137 : memref<1x125xi32, #tpu.memory_space<vmem>> -> memref<125xi32, #tpu.memory_space<vmem>>
    %dma_wait3A_139 = arith.constant 0 : i32
    %dma_wait3A_140 = arith.constant 0 : i32
    %dma_wait3A_141 = tpu.memref_slice %arg2[%dma_wait3A_139, %dma_wait3A_140] : memref<10112x64xf32, #tpu.memory_space<hbm>> -> memref<10112x64xf32, #tpu.memory_space<hbm>>
    tpu.wait_indirect_dma semaphore(%arg11 : memref<!tpu.dma_semaphore, #tpu.memory_space<semaphore_mem>>) src(%dma_wait3A_141 : memref<10112x64xf32, #tpu.memory_space<hbm>>) dst(%dma_wait3A_135 : memref<125x64xf32, #tpu.memory_space<vmem>>)
    %dma_start3A_142 = arith.constant 1 : i32
    %dma_start3A_143 = arith.constant 73 : i32
    %dma_start3A_144 = arith.constant 0 : i32
    %dma_start3A_145 = arith.constant 0 : i32
    %dma_start3A_146 = tpu.memref_slice %arg8[%dma_start3A_142, %dma_start3A_144, %dma_start3A_145] : memref<8x125x64xf32, #tpu.memory_space<vmem>> -> memref<1x125x64xf32, #tpu.memory_space<vmem>>
    %dma_start3A_147 = tpu.memref_squeeze %dma_start3A_146 : memref<1x125x64xf32, #tpu.memory_space<vmem>> -> memref<125x64xf32, #tpu.memory_space<vmem>>
    %dma_start3A_148 = arith.constant 0 : i32
    %dma_start3A_149 = tpu.memref_slice %arg7[%dma_start3A_143, %dma_start3A_148] : memref<80x125xi32, #tpu.memory_space<vmem>> -> memref<1x125xi32, #tpu.memory_space<vmem>>
    %dma_start3A_150 = tpu.memref_squeeze %dma_start3A_149 : memref<1x125xi32, #tpu.memory_space<vmem>> -> memref<125xi32, #tpu.memory_space<vmem>>
    %dma_start3A_151 = arith.constant 0 : i32
    %dma_start3A_152 = arith.constant 0 : i32
    %dma_start3A_153 = tpu.memref_slice %arg9[%dma_start3A_151, %dma_start3A_152] : memref<10112x64xf32, #tpu.memory_space<vmem_shared>> -> memref<10112x64xf32, #tpu.memory_space<vmem_shared>>
    tpu.enqueue_indirect_dma source(%dma_start3A_147 : memref<125x64xf32, #tpu.memory_space<vmem>>) target(%dma_start3A_153 : memref<10112x64xf32, #tpu.memory_space<vmem_shared>>) offsets(%dma_start3A_150 : memref<125xi32, #tpu.memory_space<vmem>>) semaphore(%arg19 : memref<!tpu.dma_semaphore, #tpu.memory_space<semaphore_mem>>) {add = true}
    %dma_wait3A_154 = arith.constant 74 : i32
    %dma_wait3A_155 = arith.constant 2 : i32
    %dma_wait3A_156 = arith.constant 0 : i32
    %dma_wait3A_157 = arith.constant 0 : i32
    %dma_wait3A_158 = tpu.memref_slice %arg8[%dma_wait3A_155, %dma_wait3A_156, %dma_wait3A_157] : memref<8x125x64xf32, #tpu.memory_space<vmem>> -> memref<1x125x64xf32, #tpu.memory_space<vmem>>
    %dma_wait3A_159 = tpu.memref_squeeze %dma_wait3A_158 : memref<1x125x64xf32, #tpu.memory_space<vmem>> -> memref<125x64xf32, #tpu.memory_space<vmem>>
    %dma_wait3A_160 = arith.constant 0 : i32
    %dma_wait3A_161 = tpu.memref_slice %arg6[%dma_wait3A_154, %dma_wait3A_160] : memref<80x125xi32, #tpu.memory_space<vmem>> -> memref<1x125xi32, #tpu.memory_space<vmem>>
    %dma_wait3A_162 = tpu.memref_squeeze %dma_wait3A_161 : memref<1x125xi32, #tpu.memory_space<vmem>> -> memref<125xi32, #tpu.memory_space<vmem>>
    %dma_wait3A_163 = arith.constant 0 : i32
    %dma_wait3A_164 = arith.constant 0 : i32
    %dma_wait3A_165 = tpu.memref_slice %arg2[%dma_wait3A_163, %dma_wait3A_164] : memref<10112x64xf32, #tpu.memory_space<hbm>> -> memref<10112x64xf32, #tpu.memory_space<hbm>>
    tpu.wait_indirect_dma semaphore(%arg12 : memref<!tpu.dma_semaphore, #tpu.memory_space<semaphore_mem>>) src(%dma_wait3A_165 : memref<10112x64xf32, #tpu.memory_space<hbm>>) dst(%dma_wait3A_159 : memref<125x64xf32, #tpu.memory_space<vmem>>)
    %dma_start3A_166 = arith.constant 2 : i32
    %dma_start3A_167 = arith.constant 74 : i32
    %dma_start3A_168 = arith.constant 0 : i32
    %dma_start3A_169 = arith.constant 0 : i32
    %dma_start3A_170 = tpu.memref_slice %arg8[%dma_start3A_166, %dma_start3A_168, %dma_start3A_169] : memref<8x125x64xf32, #tpu.memory_space<vmem>> -> memref<1x125x64xf32, #tpu.memory_space<vmem>>
    %dma_start3A_171 = tpu.memref_squeeze %dma_start3A_170 : memref<1x125x64xf32, #tpu.memory_space<vmem>> -> memref<125x64xf32, #tpu.memory_space<vmem>>
    %dma_start3A_172 = arith.constant 0 : i32
    %dma_start3A_173 = tpu.memref_slice %arg7[%dma_start3A_167, %dma_start3A_172] : memref<80x125xi32, #tpu.memory_space<vmem>> -> memref<1x125xi32, #tpu.memory_space<vmem>>
    %dma_start3A_174 = tpu.memref_squeeze %dma_start3A_173 : memref<1x125xi32, #tpu.memory_space<vmem>> -> memref<125xi32, #tpu.memory_space<vmem>>
    %dma_start3A_175 = arith.constant 0 : i32
    %dma_start3A_176 = arith.constant 0 : i32
    %dma_start3A_177 = tpu.memref_slice %arg9[%dma_start3A_175, %dma_start3A_176] : memref<10112x64xf32, #tpu.memory_space<vmem_shared>> -> memref<10112x64xf32, #tpu.memory_space<vmem_shared>>
    tpu.enqueue_indirect_dma source(%dma_start3A_171 : memref<125x64xf32, #tpu.memory_space<vmem>>) target(%dma_start3A_177 : memref<10112x64xf32, #tpu.memory_space<vmem_shared>>) offsets(%dma_start3A_174 : memref<125xi32, #tpu.memory_space<vmem>>) semaphore(%arg20 : memref<!tpu.dma_semaphore, #tpu.memory_space<semaphore_mem>>) {add = true}
    %dma_wait3A_178 = arith.constant 75 : i32
    %dma_wait3A_179 = arith.constant 3 : i32
    %dma_wait3A_180 = arith.constant 0 : i32
    %dma_wait3A_181 = arith.constant 0 : i32
    %dma_wait3A_182 = tpu.memref_slice %arg8[%dma_wait3A_179, %dma_wait3A_180, %dma_wait3A_181] : memref<8x125x64xf32, #tpu.memory_space<vmem>> -> memref<1x125x64xf32, #tpu.memory_space<vmem>>
    %dma_wait3A_183 = tpu.memref_squeeze %dma_wait3A_182 : memref<1x125x64xf32, #tpu.memory_space<vmem>> -> memref<125x64xf32, #tpu.memory_space<vmem>>
    %dma_wait3A_184 = arith.constant 0 : i32
    %dma_wait3A_185 = tpu.memref_slice %arg6[%dma_wait3A_178, %dma_wait3A_184] : memref<80x125xi32, #tpu.memory_space<vmem>> -> memref<1x125xi32, #tpu.memory_space<vmem>>
    %dma_wait3A_186 = tpu.memref_squeeze %dma_wait3A_185 : memref<1x125xi32, #tpu.memory_space<vmem>> -> memref<125xi32, #tpu.memory_space<vmem>>
    %dma_wait3A_187 = arith.constant 0 : i32
    %dma_wait3A_188 = arith.constant 0 : i32
    %dma_wait3A_189 = tpu.memref_slice %arg2[%dma_wait3A_187, %dma_wait3A_188] : memref<10112x64xf32, #tpu.memory_space<hbm>> -> memref<10112x64xf32, #tpu.memory_space<hbm>>
    tpu.wait_indirect_dma semaphore(%arg13 : memref<!tpu.dma_semaphore, #tpu.memory_space<semaphore_mem>>) src(%dma_wait3A_189 : memref<10112x64xf32, #tpu.memory_space<hbm>>) dst(%dma_wait3A_183 : memref<125x64xf32, #tpu.memory_space<vmem>>)
    %dma_start3A_190 = arith.constant 3 : i32
    %dma_start3A_191 = arith.constant 75 : i32
    %dma_start3A_192 = arith.constant 0 : i32
    %dma_start3A_193 = arith.constant 0 : i32
    %dma_start3A_194 = tpu.memref_slice %arg8[%dma_start3A_190, %dma_start3A_192, %dma_start3A_193] : memref<8x125x64xf32, #tpu.memory_space<vmem>> -> memref<1x125x64xf32, #tpu.memory_space<vmem>>
    %dma_start3A_195 = tpu.memref_squeeze %dma_start3A_194 : memref<1x125x64xf32, #tpu.memory_space<vmem>> -> memref<125x64xf32, #tpu.memory_space<vmem>>
    %dma_start3A_196 = arith.constant 0 : i32
    %dma_start3A_197 = tpu.memref_slice %arg7[%dma_start3A_191, %dma_start3A_196] : memref<80x125xi32, #tpu.memory_space<vmem>> -> memref<1x125xi32, #tpu.memory_space<vmem>>
    %dma_start3A_198 = tpu.memref_squeeze %dma_start3A_197 : memref<1x125xi32, #tpu.memory_space<vmem>> -> memref<125xi32, #tpu.memory_space<vmem>>
    %dma_start3A_199 = arith.constant 0 : i32
    %dma_start3A_200 = arith.constant 0 : i32
    %dma_start3A_201 = tpu.memref_slice %arg9[%dma_start3A_199, %dma_start3A_200] : memref<10112x64xf32, #tpu.memory_space<vmem_shared>> -> memref<10112x64xf32, #tpu.memory_space<vmem_shared>>
    tpu.enqueue_indirect_dma source(%dma_start3A_195 : memref<125x64xf32, #tpu.memory_space<vmem>>) target(%dma_start3A_201 : memref<10112x64xf32, #tpu.memory_space<vmem_shared>>) offsets(%dma_start3A_198 : memref<125xi32, #tpu.memory_space<vmem>>) semaphore(%arg21 : memref<!tpu.dma_semaphore, #tpu.memory_space<semaphore_mem>>) {add = true}
    %dma_wait3A_202 = arith.constant 76 : i32
    %dma_wait3A_203 = arith.constant 4 : i32
    %dma_wait3A_204 = arith.constant 0 : i32
    %dma_wait3A_205 = arith.constant 0 : i32
    %dma_wait3A_206 = tpu.memref_slice %arg8[%dma_wait3A_203, %dma_wait3A_204, %dma_wait3A_205] : memref<8x125x64xf32, #tpu.memory_space<vmem>> -> memref<1x125x64xf32, #tpu.memory_space<vmem>>
    %dma_wait3A_207 = tpu.memref_squeeze %dma_wait3A_206 : memref<1x125x64xf32, #tpu.memory_space<vmem>> -> memref<125x64xf32, #tpu.memory_space<vmem>>
    %dma_wait3A_208 = arith.constant 0 : i32
    %dma_wait3A_209 = tpu.memref_slice %arg6[%dma_wait3A_202, %dma_wait3A_208] : memref<80x125xi32, #tpu.memory_space<vmem>> -> memref<1x125xi32, #tpu.memory_space<vmem>>
    %dma_wait3A_210 = tpu.memref_squeeze %dma_wait3A_209 : memref<1x125xi32, #tpu.memory_space<vmem>> -> memref<125xi32, #tpu.memory_space<vmem>>
    %dma_wait3A_211 = arith.constant 0 : i32
    %dma_wait3A_212 = arith.constant 0 : i32
    %dma_wait3A_213 = tpu.memref_slice %arg2[%dma_wait3A_211, %dma_wait3A_212] : memref<10112x64xf32, #tpu.memory_space<hbm>> -> memref<10112x64xf32, #tpu.memory_space<hbm>>
    tpu.wait_indirect_dma semaphore(%arg14 : memref<!tpu.dma_semaphore, #tpu.memory_space<semaphore_mem>>) src(%dma_wait3A_213 : memref<10112x64xf32, #tpu.memory_space<hbm>>) dst(%dma_wait3A_207 : memref<125x64xf32, #tpu.memory_space<vmem>>)
    %dma_start3A_214 = arith.constant 4 : i32
    %dma_start3A_215 = arith.constant 76 : i32
    %dma_start3A_216 = arith.constant 0 : i32
    %dma_start3A_217 = arith.constant 0 : i32
    %dma_start3A_218 = tpu.memref_slice %arg8[%dma_start3A_214, %dma_start3A_216, %dma_start3A_217] : memref<8x125x64xf32, #tpu.memory_space<vmem>> -> memref<1x125x64xf32, #tpu.memory_space<vmem>>
    %dma_start3A_219 = tpu.memref_squeeze %dma_start3A_218 : memref<1x125x64xf32, #tpu.memory_space<vmem>> -> memref<125x64xf32, #tpu.memory_space<vmem>>
    %dma_start3A_220 = arith.constant 0 : i32
    %dma_start3A_221 = tpu.memref_slice %arg7[%dma_start3A_215, %dma_start3A_220] : memref<80x125xi32, #tpu.memory_space<vmem>> -> memref<1x125xi32, #tpu.memory_space<vmem>>
    %dma_start3A_222 = tpu.memref_squeeze %dma_start3A_221 : memref<1x125xi32, #tpu.memory_space<vmem>> -> memref<125xi32, #tpu.memory_space<vmem>>
    %dma_start3A_223 = arith.constant 0 : i32
    %dma_start3A_224 = arith.constant 0 : i32
    %dma_start3A_225 = tpu.memref_slice %arg9[%dma_start3A_223, %dma_start3A_224] : memref<10112x64xf32, #tpu.memory_space<vmem_shared>> -> memref<10112x64xf32, #tpu.memory_space<vmem_shared>>
    tpu.enqueue_indirect_dma source(%dma_start3A_219 : memref<125x64xf32, #tpu.memory_space<vmem>>) target(%dma_start3A_225 : memref<10112x64xf32, #tpu.memory_space<vmem_shared>>) offsets(%dma_start3A_222 : memref<125xi32, #tpu.memory_space<vmem>>) semaphore(%arg22 : memref<!tpu.dma_semaphore, #tpu.memory_space<semaphore_mem>>) {add = true}
    %dma_wait3A_226 = arith.constant 77 : i32
    %dma_wait3A_227 = arith.constant 5 : i32
    %dma_wait3A_228 = arith.constant 0 : i32
    %dma_wait3A_229 = arith.constant 0 : i32
    %dma_wait3A_230 = tpu.memref_slice %arg8[%dma_wait3A_227, %dma_wait3A_228, %dma_wait3A_229] : memref<8x125x64xf32, #tpu.memory_space<vmem>> -> memref<1x125x64xf32, #tpu.memory_space<vmem>>
    %dma_wait3A_231 = tpu.memref_squeeze %dma_wait3A_230 : memref<1x125x64xf32, #tpu.memory_space<vmem>> -> memref<125x64xf32, #tpu.memory_space<vmem>>
    %dma_wait3A_232 = arith.constant 0 : i32
    %dma_wait3A_233 = tpu.memref_slice %arg6[%dma_wait3A_226, %dma_wait3A_232] : memref<80x125xi32, #tpu.memory_space<vmem>> -> memref<1x125xi32, #tpu.memory_space<vmem>>
    %dma_wait3A_234 = tpu.memref_squeeze %dma_wait3A_233 : memref<1x125xi32, #tpu.memory_space<vmem>> -> memref<125xi32, #tpu.memory_space<vmem>>
    %dma_wait3A_235 = arith.constant 0 : i32
    %dma_wait3A_236 = arith.constant 0 : i32
    %dma_wait3A_237 = tpu.memref_slice %arg2[%dma_wait3A_235, %dma_wait3A_236] : memref<10112x64xf32, #tpu.memory_space<hbm>> -> memref<10112x64xf32, #tpu.memory_space<hbm>>
    tpu.wait_indirect_dma semaphore(%arg15 : memref<!tpu.dma_semaphore, #tpu.memory_space<semaphore_mem>>) src(%dma_wait3A_237 : memref<10112x64xf32, #tpu.memory_space<hbm>>) dst(%dma_wait3A_231 : memref<125x64xf32, #tpu.memory_space<vmem>>)
    %dma_start3A_238 = arith.constant 5 : i32
    %dma_start3A_239 = arith.constant 77 : i32
    %dma_start3A_240 = arith.constant 0 : i32
    %dma_start3A_241 = arith.constant 0 : i32
    %dma_start3A_242 = tpu.memref_slice %arg8[%dma_start3A_238, %dma_start3A_240, %dma_start3A_241] : memref<8x125x64xf32, #tpu.memory_space<vmem>> -> memref<1x125x64xf32, #tpu.memory_space<vmem>>
    %dma_start3A_243 = tpu.memref_squeeze %dma_start3A_242 : memref<1x125x64xf32, #tpu.memory_space<vmem>> -> memref<125x64xf32, #tpu.memory_space<vmem>>
    %dma_start3A_244 = arith.constant 0 : i32
    %dma_start3A_245 = tpu.memref_slice %arg7[%dma_start3A_239, %dma_start3A_244] : memref<80x125xi32, #tpu.memory_space<vmem>> -> memref<1x125xi32, #tpu.memory_space<vmem>>
    %dma_start3A_246 = tpu.memref_squeeze %dma_start3A_245 : memref<1x125xi32, #tpu.memory_space<vmem>> -> memref<125xi32, #tpu.memory_space<vmem>>
    %dma_start3A_247 = arith.constant 0 : i32
    %dma_start3A_248 = arith.constant 0 : i32
    %dma_start3A_249 = tpu.memref_slice %arg9[%dma_start3A_247, %dma_start3A_248] : memref<10112x64xf32, #tpu.memory_space<vmem_shared>> -> memref<10112x64xf32, #tpu.memory_space<vmem_shared>>
    tpu.enqueue_indirect_dma source(%dma_start3A_243 : memref<125x64xf32, #tpu.memory_space<vmem>>) target(%dma_start3A_249 : memref<10112x64xf32, #tpu.memory_space<vmem_shared>>) offsets(%dma_start3A_246 : memref<125xi32, #tpu.memory_space<vmem>>) semaphore(%arg23 : memref<!tpu.dma_semaphore, #tpu.memory_space<semaphore_mem>>) {add = true}
    %dma_wait3A_250 = arith.constant 78 : i32
    %dma_wait3A_251 = arith.constant 6 : i32
    %dma_wait3A_252 = arith.constant 0 : i32
    %dma_wait3A_253 = arith.constant 0 : i32
    %dma_wait3A_254 = tpu.memref_slice %arg8[%dma_wait3A_251, %dma_wait3A_252, %dma_wait3A_253] : memref<8x125x64xf32, #tpu.memory_space<vmem>> -> memref<1x125x64xf32, #tpu.memory_space<vmem>>
    %dma_wait3A_255 = tpu.memref_squeeze %dma_wait3A_254 : memref<1x125x64xf32, #tpu.memory_space<vmem>> -> memref<125x64xf32, #tpu.memory_space<vmem>>
    %dma_wait3A_256 = arith.constant 0 : i32
    %dma_wait3A_257 = tpu.memref_slice %arg6[%dma_wait3A_250, %dma_wait3A_256] : memref<80x125xi32, #tpu.memory_space<vmem>> -> memref<1x125xi32, #tpu.memory_space<vmem>>
    %dma_wait3A_258 = tpu.memref_squeeze %dma_wait3A_257 : memref<1x125xi32, #tpu.memory_space<vmem>> -> memref<125xi32, #tpu.memory_space<vmem>>
    %dma_wait3A_259 = arith.constant 0 : i32
    %dma_wait3A_260 = arith.constant 0 : i32
    %dma_wait3A_261 = tpu.memref_slice %arg2[%dma_wait3A_259, %dma_wait3A_260] : memref<10112x64xf32, #tpu.memory_space<hbm>> -> memref<10112x64xf32, #tpu.memory_space<hbm>>
    tpu.wait_indirect_dma semaphore(%arg16 : memref<!tpu.dma_semaphore, #tpu.memory_space<semaphore_mem>>) src(%dma_wait3A_261 : memref<10112x64xf32, #tpu.memory_space<hbm>>) dst(%dma_wait3A_255 : memref<125x64xf32, #tpu.memory_space<vmem>>)
    %dma_start3A_262 = arith.constant 6 : i32
    %dma_start3A_263 = arith.constant 78 : i32
    %dma_start3A_264 = arith.constant 0 : i32
    %dma_start3A_265 = arith.constant 0 : i32
    %dma_start3A_266 = tpu.memref_slice %arg8[%dma_start3A_262, %dma_start3A_264, %dma_start3A_265] : memref<8x125x64xf32, #tpu.memory_space<vmem>> -> memref<1x125x64xf32, #tpu.memory_space<vmem>>
    %dma_start3A_267 = tpu.memref_squeeze %dma_start3A_266 : memref<1x125x64xf32, #tpu.memory_space<vmem>> -> memref<125x64xf32, #tpu.memory_space<vmem>>
    %dma_start3A_268 = arith.constant 0 : i32
    %dma_start3A_269 = tpu.memref_slice %arg7[%dma_start3A_263, %dma_start3A_268] : memref<80x125xi32, #tpu.memory_space<vmem>> -> memref<1x125xi32, #tpu.memory_space<vmem>>
    %dma_start3A_270 = tpu.memref_squeeze %dma_start3A_269 : memref<1x125xi32, #tpu.memory_space<vmem>> -> memref<125xi32, #tpu.memory_space<vmem>>
    %dma_start3A_271 = arith.constant 0 : i32
    %dma_start3A_272 = arith.constant 0 : i32
    %dma_start3A_273 = tpu.memref_slice %arg9[%dma_start3A_271, %dma_start3A_272] : memref<10112x64xf32, #tpu.memory_space<vmem_shared>> -> memref<10112x64xf32, #tpu.memory_space<vmem_shared>>
    tpu.enqueue_indirect_dma source(%dma_start3A_267 : memref<125x64xf32, #tpu.memory_space<vmem>>) target(%dma_start3A_273 : memref<10112x64xf32, #tpu.memory_space<vmem_shared>>) offsets(%dma_start3A_270 : memref<125xi32, #tpu.memory_space<vmem>>) semaphore(%arg24 : memref<!tpu.dma_semaphore, #tpu.memory_space<semaphore_mem>>) {add = true}
    %dma_wait3A_274 = arith.constant 79 : i32
    %dma_wait3A_275 = arith.constant 7 : i32
    %dma_wait3A_276 = arith.constant 0 : i32
    %dma_wait3A_277 = arith.constant 0 : i32
    %dma_wait3A_278 = tpu.memref_slice %arg8[%dma_wait3A_275, %dma_wait3A_276, %dma_wait3A_277] : memref<8x125x64xf32, #tpu.memory_space<vmem>> -> memref<1x125x64xf32, #tpu.memory_space<vmem>>
    %dma_wait3A_279 = tpu.memref_squeeze %dma_wait3A_278 : memref<1x125x64xf32, #tpu.memory_space<vmem>> -> memref<125x64xf32, #tpu.memory_space<vmem>>
    %dma_wait3A_280 = arith.constant 0 : i32
    %dma_wait3A_281 = tpu.memref_slice %arg6[%dma_wait3A_274, %dma_wait3A_280] : memref<80x125xi32, #tpu.memory_space<vmem>> -> memref<1x125xi32, #tpu.memory_space<vmem>>
    %dma_wait3A_282 = tpu.memref_squeeze %dma_wait3A_281 : memref<1x125xi32, #tpu.memory_space<vmem>> -> memref<125xi32, #tpu.memory_space<vmem>>
    %dma_wait3A_283 = arith.constant 0 : i32
    %dma_wait3A_284 = arith.constant 0 : i32
    %dma_wait3A_285 = tpu.memref_slice %arg2[%dma_wait3A_283, %dma_wait3A_284] : memref<10112x64xf32, #tpu.memory_space<hbm>> -> memref<10112x64xf32, #tpu.memory_space<hbm>>
    tpu.wait_indirect_dma semaphore(%arg17 : memref<!tpu.dma_semaphore, #tpu.memory_space<semaphore_mem>>) src(%dma_wait3A_285 : memref<10112x64xf32, #tpu.memory_space<hbm>>) dst(%dma_wait3A_279 : memref<125x64xf32, #tpu.memory_space<vmem>>)
    %dma_start3A_286 = arith.constant 7 : i32
    %dma_start3A_287 = arith.constant 79 : i32
    %dma_start3A_288 = arith.constant 0 : i32
    %dma_start3A_289 = arith.constant 0 : i32
    %dma_start3A_290 = tpu.memref_slice %arg8[%dma_start3A_286, %dma_start3A_288, %dma_start3A_289] : memref<8x125x64xf32, #tpu.memory_space<vmem>> -> memref<1x125x64xf32, #tpu.memory_space<vmem>>
    %dma_start3A_291 = tpu.memref_squeeze %dma_start3A_290 : memref<1x125x64xf32, #tpu.memory_space<vmem>> -> memref<125x64xf32, #tpu.memory_space<vmem>>
    %dma_start3A_292 = arith.constant 0 : i32
    %dma_start3A_293 = tpu.memref_slice %arg7[%dma_start3A_287, %dma_start3A_292] : memref<80x125xi32, #tpu.memory_space<vmem>> -> memref<1x125xi32, #tpu.memory_space<vmem>>
    %dma_start3A_294 = tpu.memref_squeeze %dma_start3A_293 : memref<1x125xi32, #tpu.memory_space<vmem>> -> memref<125xi32, #tpu.memory_space<vmem>>
    %dma_start3A_295 = arith.constant 0 : i32
    %dma_start3A_296 = arith.constant 0 : i32
    %dma_start3A_297 = tpu.memref_slice %arg9[%dma_start3A_295, %dma_start3A_296] : memref<10112x64xf32, #tpu.memory_space<vmem_shared>> -> memref<10112x64xf32, #tpu.memory_space<vmem_shared>>
    tpu.enqueue_indirect_dma source(%dma_start3A_291 : memref<125x64xf32, #tpu.memory_space<vmem>>) target(%dma_start3A_297 : memref<10112x64xf32, #tpu.memory_space<vmem_shared>>) offsets(%dma_start3A_294 : memref<125xi32, #tpu.memory_space<vmem>>) semaphore(%arg25 : memref<!tpu.dma_semaphore, #tpu.memory_space<semaphore_mem>>) {add = true}
    %dma_wait3A_298 = arith.constant 0 : i32
    %dma_wait3A_299 = arith.constant 72 : i32
    %dma_wait3A_300 = arith.constant 0 : i32
    %dma_wait3A_301 = arith.constant 0 : i32
    %dma_wait3A_302 = tpu.memref_slice %arg8[%dma_wait3A_298, %dma_wait3A_300, %dma_wait3A_301] : memref<8x125x64xf32, #tpu.memory_space<vmem>> -> memref<1x125x64xf32, #tpu.memory_space<vmem>>
    %dma_wait3A_303 = tpu.memref_squeeze %dma_wait3A_302 : memref<1x125x64xf32, #tpu.memory_space<vmem>> -> memref<125x64xf32, #tpu.memory_space<vmem>>
    %dma_wait3A_304 = arith.constant 0 : i32
    %dma_wait3A_305 = tpu.memref_slice %arg7[%dma_wait3A_299, %dma_wait3A_304] : memref<80x125xi32, #tpu.memory_space<vmem>> -> memref<1x125xi32, #tpu.memory_space<vmem>>
    %dma_wait3A_306 = tpu.memref_squeeze %dma_wait3A_305 : memref<1x125xi32, #tpu.memory_space<vmem>> -> memref<125xi32, #tpu.memory_space<vmem>>
    %dma_wait3A_307 = arith.constant 0 : i32
    %dma_wait3A_308 = arith.constant 0 : i32
    %dma_wait3A_309 = tpu.memref_slice %arg9[%dma_wait3A_307, %dma_wait3A_308] : memref<10112x64xf32, #tpu.memory_space<vmem_shared>> -> memref<10112x64xf32, #tpu.memory_space<vmem_shared>>
    tpu.wait_indirect_dma semaphore(%arg18 : memref<!tpu.dma_semaphore, #tpu.memory_space<semaphore_mem>>) src(%dma_wait3A_303 : memref<125x64xf32, #tpu.memory_space<vmem>>) dst(%dma_wait3A_309 : memref<10112x64xf32, #tpu.memory_space<vmem_shared>>)
    %dma_wait3A_310 = arith.constant 1 : i32
    %dma_wait3A_311 = arith.constant 73 : i32
    %dma_wait3A_312 = arith.constant 0 : i32
    %dma_wait3A_313 = arith.constant 0 : i32
    %dma_wait3A_314 = tpu.memref_slice %arg8[%dma_wait3A_310, %dma_wait3A_312, %dma_wait3A_313] : memref<8x125x64xf32, #tpu.memory_space<vmem>> -> memref<1x125x64xf32, #tpu.memory_space<vmem>>
    %dma_wait3A_315 = tpu.memref_squeeze %dma_wait3A_314 : memref<1x125x64xf32, #tpu.memory_space<vmem>> -> memref<125x64xf32, #tpu.memory_space<vmem>>
    %dma_wait3A_316 = arith.constant 0 : i32
    %dma_wait3A_317 = tpu.memref_slice %arg7[%dma_wait3A_311, %dma_wait3A_316] : memref<80x125xi32, #tpu.memory_space<vmem>> -> memref<1x125xi32, #tpu.memory_space<vmem>>
    %dma_wait3A_318 = tpu.memref_squeeze %dma_wait3A_317 : memref<1x125xi32, #tpu.memory_space<vmem>> -> memref<125xi32, #tpu.memory_space<vmem>>
    %dma_wait3A_319 = arith.constant 0 : i32
    %dma_wait3A_320 = arith.constant 0 : i32
    %dma_wait3A_321 = tpu.memref_slice %arg9[%dma_wait3A_319, %dma_wait3A_320] : memref<10112x64xf32, #tpu.memory_space<vmem_shared>> -> memref<10112x64xf32, #tpu.memory_space<vmem_shared>>
    tpu.wait_indirect_dma semaphore(%arg19 : memref<!tpu.dma_semaphore, #tpu.memory_space<semaphore_mem>>) src(%dma_wait3A_315 : memref<125x64xf32, #tpu.memory_space<vmem>>) dst(%dma_wait3A_321 : memref<10112x64xf32, #tpu.memory_space<vmem_shared>>)
    %dma_wait3A_322 = arith.constant 2 : i32
    %dma_wait3A_323 = arith.constant 74 : i32
    %dma_wait3A_324 = arith.constant 0 : i32
    %dma_wait3A_325 = arith.constant 0 : i32
    %dma_wait3A_326 = tpu.memref_slice %arg8[%dma_wait3A_322, %dma_wait3A_324, %dma_wait3A_325] : memref<8x125x64xf32, #tpu.memory_space<vmem>> -> memref<1x125x64xf32, #tpu.memory_space<vmem>>
    %dma_wait3A_327 = tpu.memref_squeeze %dma_wait3A_326 : memref<1x125x64xf32, #tpu.memory_space<vmem>> -> memref<125x64xf32, #tpu.memory_space<vmem>>
    %dma_wait3A_328 = arith.constant 0 : i32
    %dma_wait3A_329 = tpu.memref_slice %arg7[%dma_wait3A_323, %dma_wait3A_328] : memref<80x125xi32, #tpu.memory_space<vmem>> -> memref<1x125xi32, #tpu.memory_space<vmem>>
    %dma_wait3A_330 = tpu.memref_squeeze %dma_wait3A_329 : memref<1x125xi32, #tpu.memory_space<vmem>> -> memref<125xi32, #tpu.memory_space<vmem>>
    %dma_wait3A_331 = arith.constant 0 : i32
    %dma_wait3A_332 = arith.constant 0 : i32
    %dma_wait3A_333 = tpu.memref_slice %arg9[%dma_wait3A_331, %dma_wait3A_332] : memref<10112x64xf32, #tpu.memory_space<vmem_shared>> -> memref<10112x64xf32, #tpu.memory_space<vmem_shared>>
    tpu.wait_indirect_dma semaphore(%arg20 : memref<!tpu.dma_semaphore, #tpu.memory_space<semaphore_mem>>) src(%dma_wait3A_327 : memref<125x64xf32, #tpu.memory_space<vmem>>) dst(%dma_wait3A_333 : memref<10112x64xf32, #tpu.memory_space<vmem_shared>>)
    %dma_wait3A_334 = arith.constant 3 : i32
    %dma_wait3A_335 = arith.constant 75 : i32
    %dma_wait3A_336 = arith.constant 0 : i32
    %dma_wait3A_337 = arith.constant 0 : i32
    %dma_wait3A_338 = tpu.memref_slice %arg8[%dma_wait3A_334, %dma_wait3A_336, %dma_wait3A_337] : memref<8x125x64xf32, #tpu.memory_space<vmem>> -> memref<1x125x64xf32, #tpu.memory_space<vmem>>
    %dma_wait3A_339 = tpu.memref_squeeze %dma_wait3A_338 : memref<1x125x64xf32, #tpu.memory_space<vmem>> -> memref<125x64xf32, #tpu.memory_space<vmem>>
    %dma_wait3A_340 = arith.constant 0 : i32
    %dma_wait3A_341 = tpu.memref_slice %arg7[%dma_wait3A_335, %dma_wait3A_340] : memref<80x125xi32, #tpu.memory_space<vmem>> -> memref<1x125xi32, #tpu.memory_space<vmem>>
    %dma_wait3A_342 = tpu.memref_squeeze %dma_wait3A_341 : memref<1x125xi32, #tpu.memory_space<vmem>> -> memref<125xi32, #tpu.memory_space<vmem>>
    %dma_wait3A_343 = arith.constant 0 : i32
    %dma_wait3A_344 = arith.constant 0 : i32
    %dma_wait3A_345 = tpu.memref_slice %arg9[%dma_wait3A_343, %dma_wait3A_344] : memref<10112x64xf32, #tpu.memory_space<vmem_shared>> -> memref<10112x64xf32, #tpu.memory_space<vmem_shared>>
    tpu.wait_indirect_dma semaphore(%arg21 : memref<!tpu.dma_semaphore, #tpu.memory_space<semaphore_mem>>) src(%dma_wait3A_339 : memref<125x64xf32, #tpu.memory_space<vmem>>) dst(%dma_wait3A_345 : memref<10112x64xf32, #tpu.memory_space<vmem_shared>>)
    %dma_wait3A_346 = arith.constant 4 : i32
    %dma_wait3A_347 = arith.constant 76 : i32
    %dma_wait3A_348 = arith.constant 0 : i32
    %dma_wait3A_349 = arith.constant 0 : i32
    %dma_wait3A_350 = tpu.memref_slice %arg8[%dma_wait3A_346, %dma_wait3A_348, %dma_wait3A_349] : memref<8x125x64xf32, #tpu.memory_space<vmem>> -> memref<1x125x64xf32, #tpu.memory_space<vmem>>
    %dma_wait3A_351 = tpu.memref_squeeze %dma_wait3A_350 : memref<1x125x64xf32, #tpu.memory_space<vmem>> -> memref<125x64xf32, #tpu.memory_space<vmem>>
    %dma_wait3A_352 = arith.constant 0 : i32
    %dma_wait3A_353 = tpu.memref_slice %arg7[%dma_wait3A_347, %dma_wait3A_352] : memref<80x125xi32, #tpu.memory_space<vmem>> -> memref<1x125xi32, #tpu.memory_space<vmem>>
    %dma_wait3A_354 = tpu.memref_squeeze %dma_wait3A_353 : memref<1x125xi32, #tpu.memory_space<vmem>> -> memref<125xi32, #tpu.memory_space<vmem>>
    %dma_wait3A_355 = arith.constant 0 : i32
    %dma_wait3A_356 = arith.constant 0 : i32
    %dma_wait3A_357 = tpu.memref_slice %arg9[%dma_wait3A_355, %dma_wait3A_356] : memref<10112x64xf32, #tpu.memory_space<vmem_shared>> -> memref<10112x64xf32, #tpu.memory_space<vmem_shared>>
    tpu.wait_indirect_dma semaphore(%arg22 : memref<!tpu.dma_semaphore, #tpu.memory_space<semaphore_mem>>) src(%dma_wait3A_351 : memref<125x64xf32, #tpu.memory_space<vmem>>) dst(%dma_wait3A_357 : memref<10112x64xf32, #tpu.memory_space<vmem_shared>>)
    %dma_wait3A_358 = arith.constant 5 : i32
    %dma_wait3A_359 = arith.constant 77 : i32
    %dma_wait3A_360 = arith.constant 0 : i32
    %dma_wait3A_361 = arith.constant 0 : i32
    %dma_wait3A_362 = tpu.memref_slice %arg8[%dma_wait3A_358, %dma_wait3A_360, %dma_wait3A_361] : memref<8x125x64xf32, #tpu.memory_space<vmem>> -> memref<1x125x64xf32, #tpu.memory_space<vmem>>
    %dma_wait3A_363 = tpu.memref_squeeze %dma_wait3A_362 : memref<1x125x64xf32, #tpu.memory_space<vmem>> -> memref<125x64xf32, #tpu.memory_space<vmem>>
    %dma_wait3A_364 = arith.constant 0 : i32
    %dma_wait3A_365 = tpu.memref_slice %arg7[%dma_wait3A_359, %dma_wait3A_364] : memref<80x125xi32, #tpu.memory_space<vmem>> -> memref<1x125xi32, #tpu.memory_space<vmem>>
    %dma_wait3A_366 = tpu.memref_squeeze %dma_wait3A_365 : memref<1x125xi32, #tpu.memory_space<vmem>> -> memref<125xi32, #tpu.memory_space<vmem>>
    %dma_wait3A_367 = arith.constant 0 : i32
    %dma_wait3A_368 = arith.constant 0 : i32
    %dma_wait3A_369 = tpu.memref_slice %arg9[%dma_wait3A_367, %dma_wait3A_368] : memref<10112x64xf32, #tpu.memory_space<vmem_shared>> -> memref<10112x64xf32, #tpu.memory_space<vmem_shared>>
    tpu.wait_indirect_dma semaphore(%arg23 : memref<!tpu.dma_semaphore, #tpu.memory_space<semaphore_mem>>) src(%dma_wait3A_363 : memref<125x64xf32, #tpu.memory_space<vmem>>) dst(%dma_wait3A_369 : memref<10112x64xf32, #tpu.memory_space<vmem_shared>>)
    %dma_wait3A_370 = arith.constant 6 : i32
    %dma_wait3A_371 = arith.constant 78 : i32
    %dma_wait3A_372 = arith.constant 0 : i32
    %dma_wait3A_373 = arith.constant 0 : i32
    %dma_wait3A_374 = tpu.memref_slice %arg8[%dma_wait3A_370, %dma_wait3A_372, %dma_wait3A_373] : memref<8x125x64xf32, #tpu.memory_space<vmem>> -> memref<1x125x64xf32, #tpu.memory_space<vmem>>
    %dma_wait3A_375 = tpu.memref_squeeze %dma_wait3A_374 : memref<1x125x64xf32, #tpu.memory_space<vmem>> -> memref<125x64xf32, #tpu.memory_space<vmem>>
    %dma_wait3A_376 = arith.constant 0 : i32
    %dma_wait3A_377 = tpu.memref_slice %arg7[%dma_wait3A_371, %dma_wait3A_376] : memref<80x125xi32, #tpu.memory_space<vmem>> -> memref<1x125xi32, #tpu.memory_space<vmem>>
    %dma_wait3A_378 = tpu.memref_squeeze %dma_wait3A_377 : memref<1x125xi32, #tpu.memory_space<vmem>> -> memref<125xi32, #tpu.memory_space<vmem>>
    %dma_wait3A_379 = arith.constant 0 : i32
    %dma_wait3A_380 = arith.constant 0 : i32
    %dma_wait3A_381 = tpu.memref_slice %arg9[%dma_wait3A_379, %dma_wait3A_380] : memref<10112x64xf32, #tpu.memory_space<vmem_shared>> -> memref<10112x64xf32, #tpu.memory_space<vmem_shared>>
    tpu.wait_indirect_dma semaphore(%arg24 : memref<!tpu.dma_semaphore, #tpu.memory_space<semaphore_mem>>) src(%dma_wait3A_375 : memref<125x64xf32, #tpu.memory_space<vmem>>) dst(%dma_wait3A_381 : memref<10112x64xf32, #tpu.memory_space<vmem_shared>>)
    %dma_wait3A_382 = arith.constant 7 : i32
    %dma_wait3A_383 = arith.constant 79 : i32
    %dma_wait3A_384 = arith.constant 0 : i32
    %dma_wait3A_385 = arith.constant 0 : i32
    %dma_wait3A_386 = tpu.memref_slice %arg8[%dma_wait3A_382, %dma_wait3A_384, %dma_wait3A_385] : memref<8x125x64xf32, #tpu.memory_space<vmem>> -> memref<1x125x64xf32, #tpu.memory_space<vmem>>
    %dma_wait3A_387 = tpu.memref_squeeze %dma_wait3A_386 : memref<1x125x64xf32, #tpu.memory_space<vmem>> -> memref<125x64xf32, #tpu.memory_space<vmem>>
    %dma_wait3A_388 = arith.constant 0 : i32
    %dma_wait3A_389 = tpu.memref_slice %arg7[%dma_wait3A_383, %dma_wait3A_388] : memref<80x125xi32, #tpu.memory_space<vmem>> -> memref<1x125xi32, #tpu.memory_space<vmem>>
    %dma_wait3A_390 = tpu.memref_squeeze %dma_wait3A_389 : memref<1x125xi32, #tpu.memory_space<vmem>> -> memref<125xi32, #tpu.memory_space<vmem>>
    %dma_wait3A_391 = arith.constant 0 : i32
    %dma_wait3A_392 = arith.constant 0 : i32
    %dma_wait3A_393 = tpu.memref_slice %arg9[%dma_wait3A_391, %dma_wait3A_392] : memref<10112x64xf32, #tpu.memory_space<vmem_shared>> -> memref<10112x64xf32, #tpu.memory_space<vmem_shared>>
    tpu.wait_indirect_dma semaphore(%arg25 : memref<!tpu.dma_semaphore, #tpu.memory_space<semaphore_mem>>) src(%dma_wait3A_387 : memref<125x64xf32, #tpu.memory_space<vmem>>) dst(%dma_wait3A_393 : memref<10112x64xf32, #tpu.memory_space<vmem_shared>>)
    %barrier3A_394 = arith.constant 0 : index
    tpu.barrier barrier_id(%barrier3A_394)
    %mul3A_395 = arith.constant 632 : i32
    %mul3A_396 = arith.muli %arg1, %mul3A_395 : i32
    %mul3A_397 = arith.constant 632 : i32
    %mul3A_398 = arith.muli %arg1, %mul3A_397 : i32
    %mul3A_399 = arith.constant 64 : i32
    %mul3A_400 = arith.muli %arg0, %mul3A_399 : i32
    "tpu.region"() ({
      %run_scoped3A_401 = tpu.sem_alloc : memref<!tpu.dma_semaphore, #tpu.memory_space<semaphore_mem>>
      %dma_start3A_402 = tpu.memref_slice %arg5[%mul3A_398, %mul3A_400] : memref<10112x128xf32, #tpu.memory_space<hbm>> -> memref<632x64xf32, #tpu.memory_space<hbm>>
      %dma_start3A_403 = arith.constant 0 : i32
      %dma_start3A_404 = tpu.memref_slice %arg9[%mul3A_396, %dma_start3A_403] : memref<10112x64xf32, #tpu.memory_space<vmem_shared>> -> memref<632x64xf32, #tpu.memory_space<vmem_shared>>
      tpu.enqueue_dma source(%dma_start3A_404 : memref<632x64xf32, #tpu.memory_space<vmem_shared>>) target(%dma_start3A_402 : memref<632x64xf32, #tpu.memory_space<hbm>>) target_semaphore(%run_scoped3A_401 : memref<!tpu.dma_semaphore, #tpu.memory_space<semaphore_mem>>)
      %dma_wait3A_405 = tpu.memref_slice %arg5[%mul3A_398, %mul3A_400] : memref<10112x128xf32, #tpu.memory_space<hbm>> -> memref<632x64xf32, #tpu.memory_space<hbm>>
      %dma_wait3A_406 = arith.constant 0 : i32
      %dma_wait3A_407 = tpu.memref_slice %arg9[%mul3A_396, %dma_wait3A_406] : memref<10112x64xf32, #tpu.memory_space<vmem_shared>> -> memref<632x64xf32, #tpu.memory_space<vmem_shared>>
      tpu.wait_dma2 semaphore(%run_scoped3A_401 : memref<!tpu.dma_semaphore, #tpu.memory_space<semaphore_mem>>) src(%dma_wait3A_407 : memref<632x64xf32, #tpu.memory_space<vmem_shared>>) dst(%dma_wait3A_405 : memref<632x64xf32, #tpu.memory_space<hbm>>)
      tpu.yield
    }) : () -> ()
    return
  }
}

#map = affine_map<(d0, d1) -> (0, 0, 0)>
#map1 = affine_map<(d0, d1) -> (0, 0)>
module attributes {stable_mosaic.version = 14 : i64} {
  func.func @_deg_body(%arg0: i32, %arg1: i32, %arg2: memref<2x2560x125xi32, #tpu.memory_space<hbm>>, %arg3: memref<125x16xf32, #tpu.memory_space<hbm>>, %arg4: memref<632x16xf32, #tpu.memory_space<hbm>>, %arg5: memref<10112x32xf32, #tpu.memory_space<hbm>>, %arg6: memref<80x125xi32, #tpu.memory_space<vmem>>, %arg7: memref<125x16xf32, #tpu.memory_space<vmem>>, %arg8: memref<10112x16xf32, #tpu.memory_space<vmem_shared>>, %arg9: memref<!tpu.dma_semaphore, #tpu.memory_space<semaphore_mem>>) attributes {dimension_semantics = [#tpu.dimension_semantics<core_parallel>, #tpu.dimension_semantics<subcore_parallel>], iteration_bounds = array<i64: 2, 16>, scalar_prefetch = 0 : i64, scratch_operands = 4 : i64, tpu.core_type = #tpu.core_type<sc_vector_subcore>, window_params = [{transform_indices = #map}, {transform_indices = #map1}, {transform_indices = #map1}, {transform_indices = #map1}]} {
    %mul3A = arith.constant 16 : i32
    %mul3A_0 = arith.muli %arg0, %mul3A : i32
    %add3A = arith.addi %mul3A_0, %arg1 : i32
    %mul3A_1 = arith.constant 80 : i32
    %mul3A_2 = arith.muli %add3A, %mul3A_1 : i32
    %run_scoped3A = arith.constant 1 : i32
    "tpu.region"() ({
      %run_scoped3A_21 = tpu.sem_alloc : memref<!tpu.dma_semaphore, #tpu.memory_space<semaphore_mem>>
      %dma_start3A = arith.constant 0 : i32
      %dma_start3A_22 = tpu.memref_slice %arg2[%run_scoped3A, %mul3A_2, %dma_start3A] : memref<2x2560x125xi32, #tpu.memory_space<hbm>> -> memref<1x80x125xi32, #tpu.memory_space<hbm>>
      %dma_start3A_23 = tpu.memref_squeeze %dma_start3A_22 : memref<1x80x125xi32, #tpu.memory_space<hbm>> -> memref<80x125xi32, #tpu.memory_space<hbm>>
      %dma_start3A_24 = arith.constant 0 : i32
      %dma_start3A_25 = tpu.memref_slice %arg2[%run_scoped3A, %mul3A_2, %dma_start3A_24] : memref<2x2560x125xi32, #tpu.memory_space<hbm>> -> memref<1x80x125xi32, #tpu.memory_space<hbm>>
      %dma_start3A_26 = tpu.memref_squeeze %dma_start3A_25 : memref<1x80x125xi32, #tpu.memory_space<hbm>> -> memref<80x125xi32, #tpu.memory_space<hbm>>
      tpu.enqueue_dma source(%dma_start3A_26 : memref<80x125xi32, #tpu.memory_space<hbm>>) target(%arg6 : memref<80x125xi32, #tpu.memory_space<vmem>>) target_semaphore(%run_scoped3A_21 : memref<!tpu.dma_semaphore, #tpu.memory_space<semaphore_mem>>)
      %dma_wait3A = arith.constant 0 : i32
      %dma_wait3A_27 = tpu.memref_slice %arg2[%run_scoped3A, %mul3A_2, %dma_wait3A] : memref<2x2560x125xi32, #tpu.memory_space<hbm>> -> memref<1x80x125xi32, #tpu.memory_space<hbm>>
      %dma_wait3A_28 = tpu.memref_squeeze %dma_wait3A_27 : memref<1x80x125xi32, #tpu.memory_space<hbm>> -> memref<80x125xi32, #tpu.memory_space<hbm>>
      %dma_wait3A_29 = arith.constant 0 : i32
      %dma_wait3A_30 = tpu.memref_slice %arg2[%run_scoped3A, %mul3A_2, %dma_wait3A_29] : memref<2x2560x125xi32, #tpu.memory_space<hbm>> -> memref<1x80x125xi32, #tpu.memory_space<hbm>>
      %dma_wait3A_31 = tpu.memref_squeeze %dma_wait3A_30 : memref<1x80x125xi32, #tpu.memory_space<hbm>> -> memref<80x125xi32, #tpu.memory_space<hbm>>
      tpu.wait_dma2 semaphore(%run_scoped3A_21 : memref<!tpu.dma_semaphore, #tpu.memory_space<semaphore_mem>>) src(%dma_wait3A_31 : memref<80x125xi32, #tpu.memory_space<hbm>>) dst(%arg6 : memref<80x125xi32, #tpu.memory_space<vmem>>)
      tpu.yield
    }) : () -> ()
    "tpu.region"() ({
      %run_scoped3A_21 = tpu.sem_alloc : memref<!tpu.dma_semaphore, #tpu.memory_space<semaphore_mem>>
      tpu.enqueue_dma source(%arg3 : memref<125x16xf32, #tpu.memory_space<hbm>>) target(%arg7 : memref<125x16xf32, #tpu.memory_space<vmem>>) target_semaphore(%run_scoped3A_21 : memref<!tpu.dma_semaphore, #tpu.memory_space<semaphore_mem>>)
      tpu.wait_dma2 semaphore(%run_scoped3A_21 : memref<!tpu.dma_semaphore, #tpu.memory_space<semaphore_mem>>) src(%arg3 : memref<125x16xf32, #tpu.memory_space<hbm>>) dst(%arg7 : memref<125x16xf32, #tpu.memory_space<vmem>>)
      tpu.yield
    }) : () -> ()
    %mul3A_3 = arith.constant 632 : i32
    %mul3A_4 = arith.muli %arg1, %mul3A_3 : i32
    "tpu.region"() ({
      %run_scoped3A_21 = tpu.sem_alloc : memref<!tpu.dma_semaphore, #tpu.memory_space<semaphore_mem>>
      %dma_start3A = arith.constant 0 : i32
      %dma_start3A_22 = tpu.memref_slice %arg8[%mul3A_4, %dma_start3A] : memref<10112x16xf32, #tpu.memory_space<vmem_shared>> -> memref<632x16xf32, #tpu.memory_space<vmem_shared>>
      tpu.enqueue_dma source(%arg4 : memref<632x16xf32, #tpu.memory_space<hbm>>) target(%dma_start3A_22 : memref<632x16xf32, #tpu.memory_space<vmem_shared>>) target_semaphore(%run_scoped3A_21 : memref<!tpu.dma_semaphore, #tpu.memory_space<semaphore_mem>>)
      %dma_wait3A = arith.constant 0 : i32
      %dma_wait3A_23 = tpu.memref_slice %arg8[%mul3A_4, %dma_wait3A] : memref<10112x16xf32, #tpu.memory_space<vmem_shared>> -> memref<632x16xf32, #tpu.memory_space<vmem_shared>>
      tpu.wait_dma2 semaphore(%run_scoped3A_21 : memref<!tpu.dma_semaphore, #tpu.memory_space<semaphore_mem>>) src(%arg4 : memref<632x16xf32, #tpu.memory_space<hbm>>) dst(%dma_wait3A_23 : memref<632x16xf32, #tpu.memory_space<vmem_shared>>)
      tpu.yield
    }) : () -> ()
    %barrier3A = arith.constant 0 : index
    tpu.barrier barrier_id(%barrier3A)
    %scan3A = arith.constant 0 : i32
    %scan3A_5 = arith.constant 80 : i32
    %scan3A_6 = arith.addi %scan3A, %scan3A_5 : i32
    %scan3A_7 = arith.constant 1 : i32
    scf.for %scan3A_21 = %scan3A to %scan3A_6 step %scan3A_7  : i32 {
      %mul3A_22 = arith.constant 1 : i32
      %mul3A_23 = arith.muli %scan3A_21, %mul3A_22 : i32
      %add3A_24 = arith.constant 0 : i32
      %add3A_25 = arith.addi %add3A_24, %mul3A_23 : i32
      %dma_start3A = arith.constant 0 : i32
      %dma_start3A_26 = tpu.memref_slice %arg6[%add3A_25, %dma_start3A] : memref<80x125xi32, #tpu.memory_space<vmem>> -> memref<1x125xi32, #tpu.memory_space<vmem>>
      %dma_start3A_27 = tpu.memref_squeeze %dma_start3A_26 : memref<1x125xi32, #tpu.memory_space<vmem>> -> memref<125xi32, #tpu.memory_space<vmem>>
      %dma_start3A_28 = arith.constant 0 : i32
      %dma_start3A_29 = arith.constant 0 : i32
      %dma_start3A_30 = tpu.memref_slice %arg8[%dma_start3A_28, %dma_start3A_29] : memref<10112x16xf32, #tpu.memory_space<vmem_shared>> -> memref<10112x16xf32, #tpu.memory_space<vmem_shared>>
      tpu.enqueue_indirect_dma source(%arg7 : memref<125x16xf32, #tpu.memory_space<vmem>>) target(%dma_start3A_30 : memref<10112x16xf32, #tpu.memory_space<vmem_shared>>) offsets(%dma_start3A_27 : memref<125xi32, #tpu.memory_space<vmem>>) semaphore(%arg9 : memref<!tpu.dma_semaphore, #tpu.memory_space<semaphore_mem>>) {add = true}
    }
    %scan3A_8 = arith.constant 80 : i32
    %scan3A_9 = arith.constant 0 : i32
    %scan3A_10 = arith.constant 80 : i32
    %scan3A_11 = arith.addi %scan3A_9, %scan3A_10 : i32
    %scan3A_12 = arith.constant 1 : i32
    scf.for %scan3A_21 = %scan3A_9 to %scan3A_11 step %scan3A_12  : i32 {
      %mul3A_22 = arith.constant 1 : i32
      %mul3A_23 = arith.muli %scan3A_21, %mul3A_22 : i32
      %add3A_24 = arith.constant 0 : i32
      %add3A_25 = arith.addi %add3A_24, %mul3A_23 : i32
      %dma_wait3A = arith.constant 0 : i32
      %dma_wait3A_26 = tpu.memref_slice %arg6[%add3A_25, %dma_wait3A] : memref<80x125xi32, #tpu.memory_space<vmem>> -> memref<1x125xi32, #tpu.memory_space<vmem>>
      %dma_wait3A_27 = tpu.memref_squeeze %dma_wait3A_26 : memref<1x125xi32, #tpu.memory_space<vmem>> -> memref<125xi32, #tpu.memory_space<vmem>>
      %dma_wait3A_28 = arith.constant 0 : i32
      %dma_wait3A_29 = arith.constant 0 : i32
      %dma_wait3A_30 = tpu.memref_slice %arg8[%dma_wait3A_28, %dma_wait3A_29] : memref<10112x16xf32, #tpu.memory_space<vmem_shared>> -> memref<10112x16xf32, #tpu.memory_space<vmem_shared>>
      tpu.wait_indirect_dma semaphore(%arg9 : memref<!tpu.dma_semaphore, #tpu.memory_space<semaphore_mem>>) src(%arg7 : memref<125x16xf32, #tpu.memory_space<vmem>>) dst(%dma_wait3A_30 : memref<10112x16xf32, #tpu.memory_space<vmem_shared>>)
    }
    %scan3A_13 = arith.constant 80 : i32
    %barrier3A_14 = arith.constant 0 : index
    tpu.barrier barrier_id(%barrier3A_14)
    %mul3A_15 = arith.constant 632 : i32
    %mul3A_16 = arith.muli %arg1, %mul3A_15 : i32
    %mul3A_17 = arith.constant 632 : i32
    %mul3A_18 = arith.muli %arg1, %mul3A_17 : i32
    %mul3A_19 = arith.constant 16 : i32
    %mul3A_20 = arith.muli %arg0, %mul3A_19 : i32
    "tpu.region"() ({
      %run_scoped3A_21 = tpu.sem_alloc : memref<!tpu.dma_semaphore, #tpu.memory_space<semaphore_mem>>
      %dma_start3A = tpu.memref_slice %arg5[%mul3A_18, %mul3A_20] : memref<10112x32xf32, #tpu.memory_space<hbm>> -> memref<632x16xf32, #tpu.memory_space<hbm>>
      %dma_start3A_22 = arith.constant 0 : i32
      %dma_start3A_23 = tpu.memref_slice %arg8[%mul3A_16, %dma_start3A_22] : memref<10112x16xf32, #tpu.memory_space<vmem_shared>> -> memref<632x16xf32, #tpu.memory_space<vmem_shared>>
      tpu.enqueue_dma source(%dma_start3A_23 : memref<632x16xf32, #tpu.memory_space<vmem_shared>>) target(%dma_start3A : memref<632x16xf32, #tpu.memory_space<hbm>>) target_semaphore(%run_scoped3A_21 : memref<!tpu.dma_semaphore, #tpu.memory_space<semaphore_mem>>)
      %dma_wait3A = tpu.memref_slice %arg5[%mul3A_18, %mul3A_20] : memref<10112x32xf32, #tpu.memory_space<hbm>> -> memref<632x16xf32, #tpu.memory_space<hbm>>
      %dma_wait3A_24 = arith.constant 0 : i32
      %dma_wait3A_25 = tpu.memref_slice %arg8[%mul3A_16, %dma_wait3A_24] : memref<10112x16xf32, #tpu.memory_space<vmem_shared>> -> memref<632x16xf32, #tpu.memory_space<vmem_shared>>
      tpu.wait_dma2 semaphore(%run_scoped3A_21 : memref<!tpu.dma_semaphore, #tpu.memory_space<semaphore_mem>>) src(%dma_wait3A_25 : memref<632x16xf32, #tpu.memory_space<vmem_shared>>) dst(%dma_wait3A : memref<632x16xf32, #tpu.memory_space<hbm>>)
      tpu.yield
    }) : () -> ()
    return
  }
}

#map = affine_map<(d0, d1) -> (0, 0)>
#map1 = affine_map<(d0, d1) -> (0, 0, 0)>
module attributes {stable_mosaic.version = 14 : i64} {
  func.func @_prop_body(%arg0: i32, %arg1: i32, %arg2: memref<10112x64xf32, #tpu.memory_space<hbm>>, %arg3: memref<2x2560x125xi32, #tpu.memory_space<hbm>>, %arg4: memref<632x64xf32, #tpu.memory_space<hbm>>, %arg5: memref<10112x128xf32, #tpu.memory_space<hbm>>, %arg6: memref<80x125xi32, #tpu.memory_space<vmem>>, %arg7: memref<80x125xi32, #tpu.memory_space<vmem>>, %arg8: memref<8x125x64xf32, #tpu.memory_space<vmem>>, %arg9: memref<10112x64xf32, #tpu.memory_space<vmem_shared>>, %arg10: memref<!tpu.dma_semaphore, #tpu.memory_space<semaphore_mem>>, %arg11: memref<!tpu.dma_semaphore, #tpu.memory_space<semaphore_mem>>, %arg12: memref<!tpu.dma_semaphore, #tpu.memory_space<semaphore_mem>>, %arg13: memref<!tpu.dma_semaphore, #tpu.memory_space<semaphore_mem>>, %arg14: memref<!tpu.dma_semaphore, #tpu.memory_space<semaphore_mem>>, %arg15: memref<!tpu.dma_semaphore, #tpu.memory_space<semaphore_mem>>, %arg16: memref<!tpu.dma_semaphore, #tpu.memory_space<semaphore_mem>>, %arg17: memref<!tpu.dma_semaphore, #tpu.memory_space<semaphore_mem>>, %arg18: memref<!tpu.dma_semaphore, #tpu.memory_space<semaphore_mem>>, %arg19: memref<!tpu.dma_semaphore, #tpu.memory_space<semaphore_mem>>, %arg20: memref<!tpu.dma_semaphore, #tpu.memory_space<semaphore_mem>>, %arg21: memref<!tpu.dma_semaphore, #tpu.memory_space<semaphore_mem>>, %arg22: memref<!tpu.dma_semaphore, #tpu.memory_space<semaphore_mem>>, %arg23: memref<!tpu.dma_semaphore, #tpu.memory_space<semaphore_mem>>, %arg24: memref<!tpu.dma_semaphore, #tpu.memory_space<semaphore_mem>>, %arg25: memref<!tpu.dma_semaphore, #tpu.memory_space<semaphore_mem>>) attributes {dimension_semantics = [#tpu.dimension_semantics<core_parallel>, #tpu.dimension_semantics<subcore_parallel>], iteration_bounds = array<i64: 2, 16>, scalar_prefetch = 0 : i64, scratch_operands = 20 : i64, tpu.core_type = #tpu.core_type<sc_vector_subcore>, window_params = [{transform_indices = #map}, {transform_indices = #map1}, {transform_indices = #map}, {transform_indices = #map}]} {
    %mul3A = arith.constant 16 : i32
    %mul3A_0 = arith.muli %arg0, %mul3A : i32
    %add3A = arith.addi %mul3A_0, %arg1 : i32
    %mul3A_1 = arith.constant 80 : i32
    %mul3A_2 = arith.muli %add3A, %mul3A_1 : i32
    %run_scoped3A = arith.constant 0 : i32
    "tpu.region"() ({
      %run_scoped3A_401 = tpu.sem_alloc : memref<!tpu.dma_semaphore, #tpu.memory_space<semaphore_mem>>
      %dma_start3A_402 = arith.constant 0 : i32
      %dma_start3A_403 = tpu.memref_slice %arg3[%run_scoped3A, %mul3A_2, %dma_start3A_402] : memref<2x2560x125xi32, #tpu.memory_space<hbm>> -> memref<1x80x125xi32, #tpu.memory_space<hbm>>
      %dma_start3A_404 = tpu.memref_squeeze %dma_start3A_403 : memref<1x80x125xi32, #tpu.memory_space<hbm>> -> memref<80x125xi32, #tpu.memory_space<hbm>>
      %dma_start3A_405 = arith.constant 0 : i32
      %dma_start3A_406 = tpu.memref_slice %arg3[%run_scoped3A, %mul3A_2, %dma_start3A_405] : memref<2x2560x125xi32, #tpu.memory_space<hbm>> -> memref<1x80x125xi32, #tpu.memory_space<hbm>>
      %dma_start3A_407 = tpu.memref_squeeze %dma_start3A_406 : memref<1x80x125xi32, #tpu.memory_space<hbm>> -> memref<80x125xi32, #tpu.memory_space<hbm>>
      tpu.enqueue_dma source(%dma_start3A_407 : memref<80x125xi32, #tpu.memory_space<hbm>>) target(%arg6 : memref<80x125xi32, #tpu.memory_space<vmem>>) target_semaphore(%run_scoped3A_401 : memref<!tpu.dma_semaphore, #tpu.memory_space<semaphore_mem>>)
      %dma_wait3A_408 = arith.constant 0 : i32
      %dma_wait3A_409 = tpu.memref_slice %arg3[%run_scoped3A, %mul3A_2, %dma_wait3A_408] : memref<2x2560x125xi32, #tpu.memory_space<hbm>> -> memref<1x80x125xi32, #tpu.memory_space<hbm>>
      %dma_wait3A_410 = tpu.memref_squeeze %dma_wait3A_409 : memref<1x80x125xi32, #tpu.memory_space<hbm>> -> memref<80x125xi32, #tpu.memory_space<hbm>>
      %dma_wait3A_411 = arith.constant 0 : i32
      %dma_wait3A_412 = tpu.memref_slice %arg3[%run_scoped3A, %mul3A_2, %dma_wait3A_411] : memref<2x2560x125xi32, #tpu.memory_space<hbm>> -> memref<1x80x125xi32, #tpu.memory_space<hbm>>
      %dma_wait3A_413 = tpu.memref_squeeze %dma_wait3A_412 : memref<1x80x125xi32, #tpu.memory_space<hbm>> -> memref<80x125xi32, #tpu.memory_space<hbm>>
      tpu.wait_dma2 semaphore(%run_scoped3A_401 : memref<!tpu.dma_semaphore, #tpu.memory_space<semaphore_mem>>) src(%dma_wait3A_413 : memref<80x125xi32, #tpu.memory_space<hbm>>) dst(%arg6 : memref<80x125xi32, #tpu.memory_space<vmem>>)
      tpu.yield
    }) : () -> ()
    %mul3A_3 = arith.constant 80 : i32
    %mul3A_4 = arith.muli %add3A, %mul3A_3 : i32
    %run_scoped3A_5 = arith.constant 1 : i32
    "tpu.region"() ({
      %run_scoped3A_401 = tpu.sem_alloc : memref<!tpu.dma_semaphore, #tpu.memory_space<semaphore_mem>>
      %dma_start3A_402 = arith.constant 0 : i32
      %dma_start3A_403 = tpu.memref_slice %arg3[%run_scoped3A_5, %mul3A_4, %dma_start3A_402] : memref<2x2560x125xi32, #tpu.memory_space<hbm>> -> memref<1x80x125xi32, #tpu.memory_space<hbm>>
      %dma_start3A_404 = tpu.memref_squeeze %dma_start3A_403 : memref<1x80x125xi32, #tpu.memory_space<hbm>> -> memref<80x125xi32, #tpu.memory_space<hbm>>
      %dma_start3A_405 = arith.constant 0 : i32
      %dma_start3A_406 = tpu.memref_slice %arg3[%run_scoped3A_5, %mul3A_4, %dma_start3A_405] : memref<2x2560x125xi32, #tpu.memory_space<hbm>> -> memref<1x80x125xi32, #tpu.memory_space<hbm>>
      %dma_start3A_407 = tpu.memref_squeeze %dma_start3A_406 : memref<1x80x125xi32, #tpu.memory_space<hbm>> -> memref<80x125xi32, #tpu.memory_space<hbm>>
      tpu.enqueue_dma source(%dma_start3A_407 : memref<80x125xi32, #tpu.memory_space<hbm>>) target(%arg7 : memref<80x125xi32, #tpu.memory_space<vmem>>) target_semaphore(%run_scoped3A_401 : memref<!tpu.dma_semaphore, #tpu.memory_space<semaphore_mem>>)
      %dma_wait3A_408 = arith.constant 0 : i32
      %dma_wait3A_409 = tpu.memref_slice %arg3[%run_scoped3A_5, %mul3A_4, %dma_wait3A_408] : memref<2x2560x125xi32, #tpu.memory_space<hbm>> -> memref<1x80x125xi32, #tpu.memory_space<hbm>>
      %dma_wait3A_410 = tpu.memref_squeeze %dma_wait3A_409 : memref<1x80x125xi32, #tpu.memory_space<hbm>> -> memref<80x125xi32, #tpu.memory_space<hbm>>
      %dma_wait3A_411 = arith.constant 0 : i32
      %dma_wait3A_412 = tpu.memref_slice %arg3[%run_scoped3A_5, %mul3A_4, %dma_wait3A_411] : memref<2x2560x125xi32, #tpu.memory_space<hbm>> -> memref<1x80x125xi32, #tpu.memory_space<hbm>>
      %dma_wait3A_413 = tpu.memref_squeeze %dma_wait3A_412 : memref<1x80x125xi32, #tpu.memory_space<hbm>> -> memref<80x125xi32, #tpu.memory_space<hbm>>
      tpu.wait_dma2 semaphore(%run_scoped3A_401 : memref<!tpu.dma_semaphore, #tpu.memory_space<semaphore_mem>>) src(%dma_wait3A_413 : memref<80x125xi32, #tpu.memory_space<hbm>>) dst(%arg7 : memref<80x125xi32, #tpu.memory_space<vmem>>)
      tpu.yield
    }) : () -> ()
    %mul3A_6 = arith.constant 632 : i32
    %mul3A_7 = arith.muli %arg1, %mul3A_6 : i32
    "tpu.region"() ({
      %run_scoped3A_401 = tpu.sem_alloc : memref<!tpu.dma_semaphore, #tpu.memory_space<semaphore_mem>>
      %dma_start3A_402 = arith.constant 0 : i32
      %dma_start3A_403 = tpu.memref_slice %arg9[%mul3A_7, %dma_start3A_402] : memref<10112x64xf32, #tpu.memory_space<vmem_shared>> -> memref<632x64xf32, #tpu.memory_space<vmem_shared>>
      tpu.enqueue_dma source(%arg4 : memref<632x64xf32, #tpu.memory_space<hbm>>) target(%dma_start3A_403 : memref<632x64xf32, #tpu.memory_space<vmem_shared>>) target_semaphore(%run_scoped3A_401 : memref<!tpu.dma_semaphore, #tpu.memory_space<semaphore_mem>>)
      %dma_wait3A_404 = arith.constant 0 : i32
      %dma_wait3A_405 = tpu.memref_slice %arg9[%mul3A_7, %dma_wait3A_404] : memref<10112x64xf32, #tpu.memory_space<vmem_shared>> -> memref<632x64xf32, #tpu.memory_space<vmem_shared>>
      tpu.wait_dma2 semaphore(%run_scoped3A_401 : memref<!tpu.dma_semaphore, #tpu.memory_space<semaphore_mem>>) src(%arg4 : memref<632x64xf32, #tpu.memory_space<hbm>>) dst(%dma_wait3A_405 : memref<632x64xf32, #tpu.memory_space<vmem_shared>>)
      tpu.yield
    }) : () -> ()
    %barrier3A = arith.constant 0 : index
    tpu.barrier barrier_id(%barrier3A)
    %dma_start3A = arith.constant 0 : i32
    %dma_start3A_8 = arith.constant 0 : i32
    %dma_start3A_9 = arith.constant 0 : i32
    %dma_start3A_10 = arith.constant 0 : i32
    %dma_start3A_11 = tpu.memref_slice %arg8[%dma_start3A_8, %dma_start3A_9, %dma_start3A_10] : memref<8x125x64xf32, #tpu.memory_space<vmem>> -> memref<1x125x64xf32, #tpu.memory_space<vmem>>
    %dma_start3A_12 = tpu.memref_squeeze %dma_start3A_11 : memref<1x125x64xf32, #tpu.memory_space<vmem>> -> memref<125x64xf32, #tpu.memory_space<vmem>>
    %dma_start3A_13 = arith.constant 0 : i32
    %dma_start3A_14 = tpu.memref_slice %arg6[%dma_start3A, %dma_start3A_13] : memref<80x125xi32, #tpu.memory_space<vmem>> -> memref<1x125xi32, #tpu.memory_space<vmem>>
    %dma_start3A_15 = tpu.memref_squeeze %dma_start3A_14 : memref<1x125xi32, #tpu.memory_space<vmem>> -> memref<125xi32, #tpu.memory_space<vmem>>
    %dma_start3A_16 = arith.constant 0 : i32
    %dma_start3A_17 = arith.constant 0 : i32
    %dma_start3A_18 = tpu.memref_slice %arg2[%dma_start3A_16, %dma_start3A_17] : memref<10112x64xf32, #tpu.memory_space<hbm>> -> memref<10112x64xf32, #tpu.memory_space<hbm>>
    tpu.enqueue_indirect_dma source(%dma_start3A_18 : memref<10112x64xf32, #tpu.memory_space<hbm>>) target(%dma_start3A_12 : memref<125x64xf32, #tpu.memory_space<vmem>>) offsets(%dma_start3A_15 : memref<125xi32, #tpu.memory_space<vmem>>) semaphore(%arg10 : memref<!tpu.dma_semaphore, #tpu.memory_space<semaphore_mem>>)
    %dma_start3A_19 = arith.constant 1 : i32
    %dma_start3A_20 = arith.constant 1 : i32
    %dma_start3A_21 = arith.constant 0 : i32
    %dma_start3A_22 = arith.constant 0 : i32
    %dma_start3A_23 = tpu.memref_slice %arg8[%dma_start3A_20, %dma_start3A_21, %dma_start3A_22] : memref<8x125x64xf32, #tpu.memory_space<vmem>> -> memref<1x125x64xf32, #tpu.memory_space<vmem>>
    %dma_start3A_24 = tpu.memref_squeeze %dma_start3A_23 : memref<1x125x64xf32, #tpu.memory_space<vmem>> -> memref<125x64xf32, #tpu.memory_space<vmem>>
    %dma_start3A_25 = arith.constant 0 : i32
    %dma_start3A_26 = tpu.memref_slice %arg6[%dma_start3A_19, %dma_start3A_25] : memref<80x125xi32, #tpu.memory_space<vmem>> -> memref<1x125xi32, #tpu.memory_space<vmem>>
    %dma_start3A_27 = tpu.memref_squeeze %dma_start3A_26 : memref<1x125xi32, #tpu.memory_space<vmem>> -> memref<125xi32, #tpu.memory_space<vmem>>
    %dma_start3A_28 = arith.constant 0 : i32
    %dma_start3A_29 = arith.constant 0 : i32
    %dma_start3A_30 = tpu.memref_slice %arg2[%dma_start3A_28, %dma_start3A_29] : memref<10112x64xf32, #tpu.memory_space<hbm>> -> memref<10112x64xf32, #tpu.memory_space<hbm>>
    tpu.enqueue_indirect_dma source(%dma_start3A_30 : memref<10112x64xf32, #tpu.memory_space<hbm>>) target(%dma_start3A_24 : memref<125x64xf32, #tpu.memory_space<vmem>>) offsets(%dma_start3A_27 : memref<125xi32, #tpu.memory_space<vmem>>) semaphore(%arg11 : memref<!tpu.dma_semaphore, #tpu.memory_space<semaphore_mem>>)
    %dma_start3A_31 = arith.constant 2 : i32
    %dma_start3A_32 = arith.constant 2 : i32
    %dma_start3A_33 = arith.constant 0 : i32
    %dma_start3A_34 = arith.constant 0 : i32
    %dma_start3A_35 = tpu.memref_slice %arg8[%dma_start3A_32, %dma_start3A_33, %dma_start3A_34] : memref<8x125x64xf32, #tpu.memory_space<vmem>> -> memref<1x125x64xf32, #tpu.memory_space<vmem>>
    %dma_start3A_36 = tpu.memref_squeeze %dma_start3A_35 : memref<1x125x64xf32, #tpu.memory_space<vmem>> -> memref<125x64xf32, #tpu.memory_space<vmem>>
    %dma_start3A_37 = arith.constant 0 : i32
    %dma_start3A_38 = tpu.memref_slice %arg6[%dma_start3A_31, %dma_start3A_37] : memref<80x125xi32, #tpu.memory_space<vmem>> -> memref<1x125xi32, #tpu.memory_space<vmem>>
    %dma_start3A_39 = tpu.memref_squeeze %dma_start3A_38 : memref<1x125xi32, #tpu.memory_space<vmem>> -> memref<125xi32, #tpu.memory_space<vmem>>
    %dma_start3A_40 = arith.constant 0 : i32
    %dma_start3A_41 = arith.constant 0 : i32
    %dma_start3A_42 = tpu.memref_slice %arg2[%dma_start3A_40, %dma_start3A_41] : memref<10112x64xf32, #tpu.memory_space<hbm>> -> memref<10112x64xf32, #tpu.memory_space<hbm>>
    tpu.enqueue_indirect_dma source(%dma_start3A_42 : memref<10112x64xf32, #tpu.memory_space<hbm>>) target(%dma_start3A_36 : memref<125x64xf32, #tpu.memory_space<vmem>>) offsets(%dma_start3A_39 : memref<125xi32, #tpu.memory_space<vmem>>) semaphore(%arg12 : memref<!tpu.dma_semaphore, #tpu.memory_space<semaphore_mem>>)
    %dma_start3A_43 = arith.constant 3 : i32
    %dma_start3A_44 = arith.constant 3 : i32
    %dma_start3A_45 = arith.constant 0 : i32
    %dma_start3A_46 = arith.constant 0 : i32
    %dma_start3A_47 = tpu.memref_slice %arg8[%dma_start3A_44, %dma_start3A_45, %dma_start3A_46] : memref<8x125x64xf32, #tpu.memory_space<vmem>> -> memref<1x125x64xf32, #tpu.memory_space<vmem>>
    %dma_start3A_48 = tpu.memref_squeeze %dma_start3A_47 : memref<1x125x64xf32, #tpu.memory_space<vmem>> -> memref<125x64xf32, #tpu.memory_space<vmem>>
    %dma_start3A_49 = arith.constant 0 : i32
    %dma_start3A_50 = tpu.memref_slice %arg6[%dma_start3A_43, %dma_start3A_49] : memref<80x125xi32, #tpu.memory_space<vmem>> -> memref<1x125xi32, #tpu.memory_space<vmem>>
    %dma_start3A_51 = tpu.memref_squeeze %dma_start3A_50 : memref<1x125xi32, #tpu.memory_space<vmem>> -> memref<125xi32, #tpu.memory_space<vmem>>
    %dma_start3A_52 = arith.constant 0 : i32
    %dma_start3A_53 = arith.constant 0 : i32
    %dma_start3A_54 = tpu.memref_slice %arg2[%dma_start3A_52, %dma_start3A_53] : memref<10112x64xf32, #tpu.memory_space<hbm>> -> memref<10112x64xf32, #tpu.memory_space<hbm>>
    tpu.enqueue_indirect_dma source(%dma_start3A_54 : memref<10112x64xf32, #tpu.memory_space<hbm>>) target(%dma_start3A_48 : memref<125x64xf32, #tpu.memory_space<vmem>>) offsets(%dma_start3A_51 : memref<125xi32, #tpu.memory_space<vmem>>) semaphore(%arg13 : memref<!tpu.dma_semaphore, #tpu.memory_space<semaphore_mem>>)
    %dma_start3A_55 = arith.constant 4 : i32
    %dma_start3A_56 = arith.constant 4 : i32
    %dma_start3A_57 = arith.constant 0 : i32
    %dma_start3A_58 = arith.constant 0 : i32
    %dma_start3A_59 = tpu.memref_slice %arg8[%dma_start3A_56, %dma_start3A_57, %dma_start3A_58] : memref<8x125x64xf32, #tpu.memory_space<vmem>> -> memref<1x125x64xf32, #tpu.memory_space<vmem>>
    %dma_start3A_60 = tpu.memref_squeeze %dma_start3A_59 : memref<1x125x64xf32, #tpu.memory_space<vmem>> -> memref<125x64xf32, #tpu.memory_space<vmem>>
    %dma_start3A_61 = arith.constant 0 : i32
    %dma_start3A_62 = tpu.memref_slice %arg6[%dma_start3A_55, %dma_start3A_61] : memref<80x125xi32, #tpu.memory_space<vmem>> -> memref<1x125xi32, #tpu.memory_space<vmem>>
    %dma_start3A_63 = tpu.memref_squeeze %dma_start3A_62 : memref<1x125xi32, #tpu.memory_space<vmem>> -> memref<125xi32, #tpu.memory_space<vmem>>
    %dma_start3A_64 = arith.constant 0 : i32
    %dma_start3A_65 = arith.constant 0 : i32
    %dma_start3A_66 = tpu.memref_slice %arg2[%dma_start3A_64, %dma_start3A_65] : memref<10112x64xf32, #tpu.memory_space<hbm>> -> memref<10112x64xf32, #tpu.memory_space<hbm>>
    tpu.enqueue_indirect_dma source(%dma_start3A_66 : memref<10112x64xf32, #tpu.memory_space<hbm>>) target(%dma_start3A_60 : memref<125x64xf32, #tpu.memory_space<vmem>>) offsets(%dma_start3A_63 : memref<125xi32, #tpu.memory_space<vmem>>) semaphore(%arg14 : memref<!tpu.dma_semaphore, #tpu.memory_space<semaphore_mem>>)
    %dma_start3A_67 = arith.constant 5 : i32
    %dma_start3A_68 = arith.constant 5 : i32
    %dma_start3A_69 = arith.constant 0 : i32
    %dma_start3A_70 = arith.constant 0 : i32
    %dma_start3A_71 = tpu.memref_slice %arg8[%dma_start3A_68, %dma_start3A_69, %dma_start3A_70] : memref<8x125x64xf32, #tpu.memory_space<vmem>> -> memref<1x125x64xf32, #tpu.memory_space<vmem>>
    %dma_start3A_72 = tpu.memref_squeeze %dma_start3A_71 : memref<1x125x64xf32, #tpu.memory_space<vmem>> -> memref<125x64xf32, #tpu.memory_space<vmem>>
    %dma_start3A_73 = arith.constant 0 : i32
    %dma_start3A_74 = tpu.memref_slice %arg6[%dma_start3A_67, %dma_start3A_73] : memref<80x125xi32, #tpu.memory_space<vmem>> -> memref<1x125xi32, #tpu.memory_space<vmem>>
    %dma_start3A_75 = tpu.memref_squeeze %dma_start3A_74 : memref<1x125xi32, #tpu.memory_space<vmem>> -> memref<125xi32, #tpu.memory_space<vmem>>
    %dma_start3A_76 = arith.constant 0 : i32
    %dma_start3A_77 = arith.constant 0 : i32
    %dma_start3A_78 = tpu.memref_slice %arg2[%dma_start3A_76, %dma_start3A_77] : memref<10112x64xf32, #tpu.memory_space<hbm>> -> memref<10112x64xf32, #tpu.memory_space<hbm>>
    tpu.enqueue_indirect_dma source(%dma_start3A_78 : memref<10112x64xf32, #tpu.memory_space<hbm>>) target(%dma_start3A_72 : memref<125x64xf32, #tpu.memory_space<vmem>>) offsets(%dma_start3A_75 : memref<125xi32, #tpu.memory_space<vmem>>) semaphore(%arg15 : memref<!tpu.dma_semaphore, #tpu.memory_space<semaphore_mem>>)
    %dma_start3A_79 = arith.constant 6 : i32
    %dma_start3A_80 = arith.constant 6 : i32
    %dma_start3A_81 = arith.constant 0 : i32
    %dma_start3A_82 = arith.constant 0 : i32
    %dma_start3A_83 = tpu.memref_slice %arg8[%dma_start3A_80, %dma_start3A_81, %dma_start3A_82] : memref<8x125x64xf32, #tpu.memory_space<vmem>> -> memref<1x125x64xf32, #tpu.memory_space<vmem>>
    %dma_start3A_84 = tpu.memref_squeeze %dma_start3A_83 : memref<1x125x64xf32, #tpu.memory_space<vmem>> -> memref<125x64xf32, #tpu.memory_space<vmem>>
    %dma_start3A_85 = arith.constant 0 : i32
    %dma_start3A_86 = tpu.memref_slice %arg6[%dma_start3A_79, %dma_start3A_85] : memref<80x125xi32, #tpu.memory_space<vmem>> -> memref<1x125xi32, #tpu.memory_space<vmem>>
    %dma_start3A_87 = tpu.memref_squeeze %dma_start3A_86 : memref<1x125xi32, #tpu.memory_space<vmem>> -> memref<125xi32, #tpu.memory_space<vmem>>
    %dma_start3A_88 = arith.constant 0 : i32
    %dma_start3A_89 = arith.constant 0 : i32
    %dma_start3A_90 = tpu.memref_slice %arg2[%dma_start3A_88, %dma_start3A_89] : memref<10112x64xf32, #tpu.memory_space<hbm>> -> memref<10112x64xf32, #tpu.memory_space<hbm>>
    tpu.enqueue_indirect_dma source(%dma_start3A_90 : memref<10112x64xf32, #tpu.memory_space<hbm>>) target(%dma_start3A_84 : memref<125x64xf32, #tpu.memory_space<vmem>>) offsets(%dma_start3A_87 : memref<125xi32, #tpu.memory_space<vmem>>) semaphore(%arg16 : memref<!tpu.dma_semaphore, #tpu.memory_space<semaphore_mem>>)
    %dma_start3A_91 = arith.constant 7 : i32
    %dma_start3A_92 = arith.constant 7 : i32
    %dma_start3A_93 = arith.constant 0 : i32
    %dma_start3A_94 = arith.constant 0 : i32
    %dma_start3A_95 = tpu.memref_slice %arg8[%dma_start3A_92, %dma_start3A_93, %dma_start3A_94] : memref<8x125x64xf32, #tpu.memory_space<vmem>> -> memref<1x125x64xf32, #tpu.memory_space<vmem>>
    %dma_start3A_96 = tpu.memref_squeeze %dma_start3A_95 : memref<1x125x64xf32, #tpu.memory_space<vmem>> -> memref<125x64xf32, #tpu.memory_space<vmem>>
    %dma_start3A_97 = arith.constant 0 : i32
    %dma_start3A_98 = tpu.memref_slice %arg6[%dma_start3A_91, %dma_start3A_97] : memref<80x125xi32, #tpu.memory_space<vmem>> -> memref<1x125xi32, #tpu.memory_space<vmem>>
    %dma_start3A_99 = tpu.memref_squeeze %dma_start3A_98 : memref<1x125xi32, #tpu.memory_space<vmem>> -> memref<125xi32, #tpu.memory_space<vmem>>
    %dma_start3A_100 = arith.constant 0 : i32
    %dma_start3A_101 = arith.constant 0 : i32
    %dma_start3A_102 = tpu.memref_slice %arg2[%dma_start3A_100, %dma_start3A_101] : memref<10112x64xf32, #tpu.memory_space<hbm>> -> memref<10112x64xf32, #tpu.memory_space<hbm>>
    tpu.enqueue_indirect_dma source(%dma_start3A_102 : memref<10112x64xf32, #tpu.memory_space<hbm>>) target(%dma_start3A_96 : memref<125x64xf32, #tpu.memory_space<vmem>>) offsets(%dma_start3A_99 : memref<125xi32, #tpu.memory_space<vmem>>) semaphore(%arg17 : memref<!tpu.dma_semaphore, #tpu.memory_space<semaphore_mem>>)
    %scan3A = arith.constant 0 : i32
    %scan3A_103 = arith.constant 9 : i32
    %scan3A_104 = arith.addi %scan3A, %scan3A_103 : i32
    %scan3A_105 = arith.constant 1 : i32
    scf.for %scan3A_401 = %scan3A to %scan3A_104 step %scan3A_105  : i32 {
      %mul3A_402 = arith.constant 1 : i32
      %mul3A_403 = arith.muli %scan3A_401, %mul3A_402 : i32
      %add3A_404 = arith.constant 0 : i32
      %add3A_405 = arith.addi %add3A_404, %mul3A_403 : i32
      %mul3A_406 = arith.constant 8 : i32
      %mul3A_407 = arith.muli %add3A_405, %mul3A_406 : i32
      %add3A_408 = arith.constant 0 : i32
      %add3A_409 = arith.addi %mul3A_407, %add3A_408 : i32
      %dma_wait3A_410 = arith.constant 0 : i32
      %dma_wait3A_411 = arith.constant 0 : i32
      %dma_wait3A_412 = arith.constant 0 : i32
      %dma_wait3A_413 = tpu.memref_slice %arg8[%dma_wait3A_410, %dma_wait3A_411, %dma_wait3A_412] : memref<8x125x64xf32, #tpu.memory_space<vmem>> -> memref<1x125x64xf32, #tpu.memory_space<vmem>>
      %dma_wait3A_414 = tpu.memref_squeeze %dma_wait3A_413 : memref<1x125x64xf32, #tpu.memory_space<vmem>> -> memref<125x64xf32, #tpu.memory_space<vmem>>
      %dma_wait3A_415 = arith.constant 0 : i32
      %dma_wait3A_416 = tpu.memref_slice %arg6[%add3A_409, %dma_wait3A_415] : memref<80x125xi32, #tpu.memory_space<vmem>> -> memref<1x125xi32, #tpu.memory_space<vmem>>
      %dma_wait3A_417 = tpu.memref_squeeze %dma_wait3A_416 : memref<1x125xi32, #tpu.memory_space<vmem>> -> memref<125xi32, #tpu.memory_space<vmem>>
      %dma_wait3A_418 = arith.constant 0 : i32
      %dma_wait3A_419 = arith.constant 0 : i32
      %dma_wait3A_420 = tpu.memref_slice %arg2[%dma_wait3A_418, %dma_wait3A_419] : memref<10112x64xf32, #tpu.memory_space<hbm>> -> memref<10112x64xf32, #tpu.memory_space<hbm>>
      tpu.wait_indirect_dma semaphore(%arg10 : memref<!tpu.dma_semaphore, #tpu.memory_space<semaphore_mem>>) src(%dma_wait3A_420 : memref<10112x64xf32, #tpu.memory_space<hbm>>) dst(%dma_wait3A_414 : memref<125x64xf32, #tpu.memory_space<vmem>>)
      %add3A_421 = arith.constant 0 : i32
      %add3A_422 = arith.addi %mul3A_407, %add3A_421 : i32
      %dma_start3A_423 = arith.constant 0 : i32
      %dma_start3A_424 = arith.constant 0 : i32
      %dma_start3A_425 = arith.constant 0 : i32
      %dma_start3A_426 = tpu.memref_slice %arg8[%dma_start3A_423, %dma_start3A_424, %dma_start3A_425] : memref<8x125x64xf32, #tpu.memory_space<vmem>> -> memref<1x125x64xf32, #tpu.memory_space<vmem>>
      %dma_start3A_427 = tpu.memref_squeeze %dma_start3A_426 : memref<1x125x64xf32, #tpu.memory_space<vmem>> -> memref<125x64xf32, #tpu.memory_space<vmem>>
      %dma_start3A_428 = arith.constant 0 : i32
      %dma_start3A_429 = tpu.memref_slice %arg7[%add3A_422, %dma_start3A_428] : memref<80x125xi32, #tpu.memory_space<vmem>> -> memref<1x125xi32, #tpu.memory_space<vmem>>
      %dma_start3A_430 = tpu.memref_squeeze %dma_start3A_429 : memref<1x125xi32, #tpu.memory_space<vmem>> -> memref<125xi32, #tpu.memory_space<vmem>>
      %dma_start3A_431 = arith.constant 0 : i32
      %dma_start3A_432 = arith.constant 0 : i32
      %dma_start3A_433 = tpu.memref_slice %arg9[%dma_start3A_431, %dma_start3A_432] : memref<10112x64xf32, #tpu.memory_space<vmem_shared>> -> memref<10112x64xf32, #tpu.memory_space<vmem_shared>>
      tpu.enqueue_indirect_dma source(%dma_start3A_427 : memref<125x64xf32, #tpu.memory_space<vmem>>) target(%dma_start3A_433 : memref<10112x64xf32, #tpu.memory_space<vmem_shared>>) offsets(%dma_start3A_430 : memref<125xi32, #tpu.memory_space<vmem>>) semaphore(%arg18 : memref<!tpu.dma_semaphore, #tpu.memory_space<semaphore_mem>>) {add = true}
      %add3A_434 = arith.constant 1 : i32
      %add3A_435 = arith.addi %mul3A_407, %add3A_434 : i32
      %dma_wait3A_436 = arith.constant 1 : i32
      %dma_wait3A_437 = arith.constant 0 : i32
      %dma_wait3A_438 = arith.constant 0 : i32
      %dma_wait3A_439 = tpu.memref_slice %arg8[%dma_wait3A_436, %dma_wait3A_437, %dma_wait3A_438] : memref<8x125x64xf32, #tpu.memory_space<vmem>> -> memref<1x125x64xf32, #tpu.memory_space<vmem>>
      %dma_wait3A_440 = tpu.memref_squeeze %dma_wait3A_439 : memref<1x125x64xf32, #tpu.memory_space<vmem>> -> memref<125x64xf32, #tpu.memory_space<vmem>>
      %dma_wait3A_441 = arith.constant 0 : i32
      %dma_wait3A_442 = tpu.memref_slice %arg6[%add3A_435, %dma_wait3A_441] : memref<80x125xi32, #tpu.memory_space<vmem>> -> memref<1x125xi32, #tpu.memory_space<vmem>>
      %dma_wait3A_443 = tpu.memref_squeeze %dma_wait3A_442 : memref<1x125xi32, #tpu.memory_space<vmem>> -> memref<125xi32, #tpu.memory_space<vmem>>
      %dma_wait3A_444 = arith.constant 0 : i32
      %dma_wait3A_445 = arith.constant 0 : i32
      %dma_wait3A_446 = tpu.memref_slice %arg2[%dma_wait3A_444, %dma_wait3A_445] : memref<10112x64xf32, #tpu.memory_space<hbm>> -> memref<10112x64xf32, #tpu.memory_space<hbm>>
      tpu.wait_indirect_dma semaphore(%arg11 : memref<!tpu.dma_semaphore, #tpu.memory_space<semaphore_mem>>) src(%dma_wait3A_446 : memref<10112x64xf32, #tpu.memory_space<hbm>>) dst(%dma_wait3A_440 : memref<125x64xf32, #tpu.memory_space<vmem>>)
      %add3A_447 = arith.constant 1 : i32
      %add3A_448 = arith.addi %mul3A_407, %add3A_447 : i32
      %dma_start3A_449 = arith.constant 1 : i32
      %dma_start3A_450 = arith.constant 0 : i32
      %dma_start3A_451 = arith.constant 0 : i32
      %dma_start3A_452 = tpu.memref_slice %arg8[%dma_start3A_449, %dma_start3A_450, %dma_start3A_451] : memref<8x125x64xf32, #tpu.memory_space<vmem>> -> memref<1x125x64xf32, #tpu.memory_space<vmem>>
      %dma_start3A_453 = tpu.memref_squeeze %dma_start3A_452 : memref<1x125x64xf32, #tpu.memory_space<vmem>> -> memref<125x64xf32, #tpu.memory_space<vmem>>
      %dma_start3A_454 = arith.constant 0 : i32
      %dma_start3A_455 = tpu.memref_slice %arg7[%add3A_448, %dma_start3A_454] : memref<80x125xi32, #tpu.memory_space<vmem>> -> memref<1x125xi32, #tpu.memory_space<vmem>>
      %dma_start3A_456 = tpu.memref_squeeze %dma_start3A_455 : memref<1x125xi32, #tpu.memory_space<vmem>> -> memref<125xi32, #tpu.memory_space<vmem>>
      %dma_start3A_457 = arith.constant 0 : i32
      %dma_start3A_458 = arith.constant 0 : i32
      %dma_start3A_459 = tpu.memref_slice %arg9[%dma_start3A_457, %dma_start3A_458] : memref<10112x64xf32, #tpu.memory_space<vmem_shared>> -> memref<10112x64xf32, #tpu.memory_space<vmem_shared>>
      tpu.enqueue_indirect_dma source(%dma_start3A_453 : memref<125x64xf32, #tpu.memory_space<vmem>>) target(%dma_start3A_459 : memref<10112x64xf32, #tpu.memory_space<vmem_shared>>) offsets(%dma_start3A_456 : memref<125xi32, #tpu.memory_space<vmem>>) semaphore(%arg19 : memref<!tpu.dma_semaphore, #tpu.memory_space<semaphore_mem>>) {add = true}
      %add3A_460 = arith.constant 2 : i32
      %add3A_461 = arith.addi %mul3A_407, %add3A_460 : i32
      %dma_wait3A_462 = arith.constant 2 : i32
      %dma_wait3A_463 = arith.constant 0 : i32
      %dma_wait3A_464 = arith.constant 0 : i32
      %dma_wait3A_465 = tpu.memref_slice %arg8[%dma_wait3A_462, %dma_wait3A_463, %dma_wait3A_464] : memref<8x125x64xf32, #tpu.memory_space<vmem>> -> memref<1x125x64xf32, #tpu.memory_space<vmem>>
      %dma_wait3A_466 = tpu.memref_squeeze %dma_wait3A_465 : memref<1x125x64xf32, #tpu.memory_space<vmem>> -> memref<125x64xf32, #tpu.memory_space<vmem>>
      %dma_wait3A_467 = arith.constant 0 : i32
      %dma_wait3A_468 = tpu.memref_slice %arg6[%add3A_461, %dma_wait3A_467] : memref<80x125xi32, #tpu.memory_space<vmem>> -> memref<1x125xi32, #tpu.memory_space<vmem>>
      %dma_wait3A_469 = tpu.memref_squeeze %dma_wait3A_468 : memref<1x125xi32, #tpu.memory_space<vmem>> -> memref<125xi32, #tpu.memory_space<vmem>>
      %dma_wait3A_470 = arith.constant 0 : i32
      %dma_wait3A_471 = arith.constant 0 : i32
      %dma_wait3A_472 = tpu.memref_slice %arg2[%dma_wait3A_470, %dma_wait3A_471] : memref<10112x64xf32, #tpu.memory_space<hbm>> -> memref<10112x64xf32, #tpu.memory_space<hbm>>
      tpu.wait_indirect_dma semaphore(%arg12 : memref<!tpu.dma_semaphore, #tpu.memory_space<semaphore_mem>>) src(%dma_wait3A_472 : memref<10112x64xf32, #tpu.memory_space<hbm>>) dst(%dma_wait3A_466 : memref<125x64xf32, #tpu.memory_space<vmem>>)
      %add3A_473 = arith.constant 2 : i32
      %add3A_474 = arith.addi %mul3A_407, %add3A_473 : i32
      %dma_start3A_475 = arith.constant 2 : i32
      %dma_start3A_476 = arith.constant 0 : i32
      %dma_start3A_477 = arith.constant 0 : i32
      %dma_start3A_478 = tpu.memref_slice %arg8[%dma_start3A_475, %dma_start3A_476, %dma_start3A_477] : memref<8x125x64xf32, #tpu.memory_space<vmem>> -> memref<1x125x64xf32, #tpu.memory_space<vmem>>
      %dma_start3A_479 = tpu.memref_squeeze %dma_start3A_478 : memref<1x125x64xf32, #tpu.memory_space<vmem>> -> memref<125x64xf32, #tpu.memory_space<vmem>>
      %dma_start3A_480 = arith.constant 0 : i32
      %dma_start3A_481 = tpu.memref_slice %arg7[%add3A_474, %dma_start3A_480] : memref<80x125xi32, #tpu.memory_space<vmem>> -> memref<1x125xi32, #tpu.memory_space<vmem>>
      %dma_start3A_482 = tpu.memref_squeeze %dma_start3A_481 : memref<1x125xi32, #tpu.memory_space<vmem>> -> memref<125xi32, #tpu.memory_space<vmem>>
      %dma_start3A_483 = arith.constant 0 : i32
      %dma_start3A_484 = arith.constant 0 : i32
      %dma_start3A_485 = tpu.memref_slice %arg9[%dma_start3A_483, %dma_start3A_484] : memref<10112x64xf32, #tpu.memory_space<vmem_shared>> -> memref<10112x64xf32, #tpu.memory_space<vmem_shared>>
      tpu.enqueue_indirect_dma source(%dma_start3A_479 : memref<125x64xf32, #tpu.memory_space<vmem>>) target(%dma_start3A_485 : memref<10112x64xf32, #tpu.memory_space<vmem_shared>>) offsets(%dma_start3A_482 : memref<125xi32, #tpu.memory_space<vmem>>) semaphore(%arg20 : memref<!tpu.dma_semaphore, #tpu.memory_space<semaphore_mem>>) {add = true}
      %add3A_486 = arith.constant 3 : i32
      %add3A_487 = arith.addi %mul3A_407, %add3A_486 : i32
      %dma_wait3A_488 = arith.constant 3 : i32
      %dma_wait3A_489 = arith.constant 0 : i32
      %dma_wait3A_490 = arith.constant 0 : i32
      %dma_wait3A_491 = tpu.memref_slice %arg8[%dma_wait3A_488, %dma_wait3A_489, %dma_wait3A_490] : memref<8x125x64xf32, #tpu.memory_space<vmem>> -> memref<1x125x64xf32, #tpu.memory_space<vmem>>
      %dma_wait3A_492 = tpu.memref_squeeze %dma_wait3A_491 : memref<1x125x64xf32, #tpu.memory_space<vmem>> -> memref<125x64xf32, #tpu.memory_space<vmem>>
      %dma_wait3A_493 = arith.constant 0 : i32
      %dma_wait3A_494 = tpu.memref_slice %arg6[%add3A_487, %dma_wait3A_493] : memref<80x125xi32, #tpu.memory_space<vmem>> -> memref<1x125xi32, #tpu.memory_space<vmem>>
      %dma_wait3A_495 = tpu.memref_squeeze %dma_wait3A_494 : memref<1x125xi32, #tpu.memory_space<vmem>> -> memref<125xi32, #tpu.memory_space<vmem>>
      %dma_wait3A_496 = arith.constant 0 : i32
      %dma_wait3A_497 = arith.constant 0 : i32
      %dma_wait3A_498 = tpu.memref_slice %arg2[%dma_wait3A_496, %dma_wait3A_497] : memref<10112x64xf32, #tpu.memory_space<hbm>> -> memref<10112x64xf32, #tpu.memory_space<hbm>>
      tpu.wait_indirect_dma semaphore(%arg13 : memref<!tpu.dma_semaphore, #tpu.memory_space<semaphore_mem>>) src(%dma_wait3A_498 : memref<10112x64xf32, #tpu.memory_space<hbm>>) dst(%dma_wait3A_492 : memref<125x64xf32, #tpu.memory_space<vmem>>)
      %add3A_499 = arith.constant 3 : i32
      %add3A_500 = arith.addi %mul3A_407, %add3A_499 : i32
      %dma_start3A_501 = arith.constant 3 : i32
      %dma_start3A_502 = arith.constant 0 : i32
      %dma_start3A_503 = arith.constant 0 : i32
      %dma_start3A_504 = tpu.memref_slice %arg8[%dma_start3A_501, %dma_start3A_502, %dma_start3A_503] : memref<8x125x64xf32, #tpu.memory_space<vmem>> -> memref<1x125x64xf32, #tpu.memory_space<vmem>>
      %dma_start3A_505 = tpu.memref_squeeze %dma_start3A_504 : memref<1x125x64xf32, #tpu.memory_space<vmem>> -> memref<125x64xf32, #tpu.memory_space<vmem>>
      %dma_start3A_506 = arith.constant 0 : i32
      %dma_start3A_507 = tpu.memref_slice %arg7[%add3A_500, %dma_start3A_506] : memref<80x125xi32, #tpu.memory_space<vmem>> -> memref<1x125xi32, #tpu.memory_space<vmem>>
      %dma_start3A_508 = tpu.memref_squeeze %dma_start3A_507 : memref<1x125xi32, #tpu.memory_space<vmem>> -> memref<125xi32, #tpu.memory_space<vmem>>
      %dma_start3A_509 = arith.constant 0 : i32
      %dma_start3A_510 = arith.constant 0 : i32
      %dma_start3A_511 = tpu.memref_slice %arg9[%dma_start3A_509, %dma_start3A_510] : memref<10112x64xf32, #tpu.memory_space<vmem_shared>> -> memref<10112x64xf32, #tpu.memory_space<vmem_shared>>
      tpu.enqueue_indirect_dma source(%dma_start3A_505 : memref<125x64xf32, #tpu.memory_space<vmem>>) target(%dma_start3A_511 : memref<10112x64xf32, #tpu.memory_space<vmem_shared>>) offsets(%dma_start3A_508 : memref<125xi32, #tpu.memory_space<vmem>>) semaphore(%arg21 : memref<!tpu.dma_semaphore, #tpu.memory_space<semaphore_mem>>) {add = true}
      %add3A_512 = arith.constant 4 : i32
      %add3A_513 = arith.addi %mul3A_407, %add3A_512 : i32
      %dma_wait3A_514 = arith.constant 4 : i32
      %dma_wait3A_515 = arith.constant 0 : i32
      %dma_wait3A_516 = arith.constant 0 : i32
      %dma_wait3A_517 = tpu.memref_slice %arg8[%dma_wait3A_514, %dma_wait3A_515, %dma_wait3A_516] : memref<8x125x64xf32, #tpu.memory_space<vmem>> -> memref<1x125x64xf32, #tpu.memory_space<vmem>>
      %dma_wait3A_518 = tpu.memref_squeeze %dma_wait3A_517 : memref<1x125x64xf32, #tpu.memory_space<vmem>> -> memref<125x64xf32, #tpu.memory_space<vmem>>
      %dma_wait3A_519 = arith.constant 0 : i32
      %dma_wait3A_520 = tpu.memref_slice %arg6[%add3A_513, %dma_wait3A_519] : memref<80x125xi32, #tpu.memory_space<vmem>> -> memref<1x125xi32, #tpu.memory_space<vmem>>
      %dma_wait3A_521 = tpu.memref_squeeze %dma_wait3A_520 : memref<1x125xi32, #tpu.memory_space<vmem>> -> memref<125xi32, #tpu.memory_space<vmem>>
      %dma_wait3A_522 = arith.constant 0 : i32
      %dma_wait3A_523 = arith.constant 0 : i32
      %dma_wait3A_524 = tpu.memref_slice %arg2[%dma_wait3A_522, %dma_wait3A_523] : memref<10112x64xf32, #tpu.memory_space<hbm>> -> memref<10112x64xf32, #tpu.memory_space<hbm>>
      tpu.wait_indirect_dma semaphore(%arg14 : memref<!tpu.dma_semaphore, #tpu.memory_space<semaphore_mem>>) src(%dma_wait3A_524 : memref<10112x64xf32, #tpu.memory_space<hbm>>) dst(%dma_wait3A_518 : memref<125x64xf32, #tpu.memory_space<vmem>>)
      %add3A_525 = arith.constant 4 : i32
      %add3A_526 = arith.addi %mul3A_407, %add3A_525 : i32
      %dma_start3A_527 = arith.constant 4 : i32
      %dma_start3A_528 = arith.constant 0 : i32
      %dma_start3A_529 = arith.constant 0 : i32
      %dma_start3A_530 = tpu.memref_slice %arg8[%dma_start3A_527, %dma_start3A_528, %dma_start3A_529] : memref<8x125x64xf32, #tpu.memory_space<vmem>> -> memref<1x125x64xf32, #tpu.memory_space<vmem>>
      %dma_start3A_531 = tpu.memref_squeeze %dma_start3A_530 : memref<1x125x64xf32, #tpu.memory_space<vmem>> -> memref<125x64xf32, #tpu.memory_space<vmem>>
      %dma_start3A_532 = arith.constant 0 : i32
      %dma_start3A_533 = tpu.memref_slice %arg7[%add3A_526, %dma_start3A_532] : memref<80x125xi32, #tpu.memory_space<vmem>> -> memref<1x125xi32, #tpu.memory_space<vmem>>
      %dma_start3A_534 = tpu.memref_squeeze %dma_start3A_533 : memref<1x125xi32, #tpu.memory_space<vmem>> -> memref<125xi32, #tpu.memory_space<vmem>>
      %dma_start3A_535 = arith.constant 0 : i32
      %dma_start3A_536 = arith.constant 0 : i32
      %dma_start3A_537 = tpu.memref_slice %arg9[%dma_start3A_535, %dma_start3A_536] : memref<10112x64xf32, #tpu.memory_space<vmem_shared>> -> memref<10112x64xf32, #tpu.memory_space<vmem_shared>>
      tpu.enqueue_indirect_dma source(%dma_start3A_531 : memref<125x64xf32, #tpu.memory_space<vmem>>) target(%dma_start3A_537 : memref<10112x64xf32, #tpu.memory_space<vmem_shared>>) offsets(%dma_start3A_534 : memref<125xi32, #tpu.memory_space<vmem>>) semaphore(%arg22 : memref<!tpu.dma_semaphore, #tpu.memory_space<semaphore_mem>>) {add = true}
      %add3A_538 = arith.constant 5 : i32
      %add3A_539 = arith.addi %mul3A_407, %add3A_538 : i32
      %dma_wait3A_540 = arith.constant 5 : i32
      %dma_wait3A_541 = arith.constant 0 : i32
      %dma_wait3A_542 = arith.constant 0 : i32
      %dma_wait3A_543 = tpu.memref_slice %arg8[%dma_wait3A_540, %dma_wait3A_541, %dma_wait3A_542] : memref<8x125x64xf32, #tpu.memory_space<vmem>> -> memref<1x125x64xf32, #tpu.memory_space<vmem>>
      %dma_wait3A_544 = tpu.memref_squeeze %dma_wait3A_543 : memref<1x125x64xf32, #tpu.memory_space<vmem>> -> memref<125x64xf32, #tpu.memory_space<vmem>>
      %dma_wait3A_545 = arith.constant 0 : i32
      %dma_wait3A_546 = tpu.memref_slice %arg6[%add3A_539, %dma_wait3A_545] : memref<80x125xi32, #tpu.memory_space<vmem>> -> memref<1x125xi32, #tpu.memory_space<vmem>>
      %dma_wait3A_547 = tpu.memref_squeeze %dma_wait3A_546 : memref<1x125xi32, #tpu.memory_space<vmem>> -> memref<125xi32, #tpu.memory_space<vmem>>
      %dma_wait3A_548 = arith.constant 0 : i32
      %dma_wait3A_549 = arith.constant 0 : i32
      %dma_wait3A_550 = tpu.memref_slice %arg2[%dma_wait3A_548, %dma_wait3A_549] : memref<10112x64xf32, #tpu.memory_space<hbm>> -> memref<10112x64xf32, #tpu.memory_space<hbm>>
      tpu.wait_indirect_dma semaphore(%arg15 : memref<!tpu.dma_semaphore, #tpu.memory_space<semaphore_mem>>) src(%dma_wait3A_550 : memref<10112x64xf32, #tpu.memory_space<hbm>>) dst(%dma_wait3A_544 : memref<125x64xf32, #tpu.memory_space<vmem>>)
      %add3A_551 = arith.constant 5 : i32
      %add3A_552 = arith.addi %mul3A_407, %add3A_551 : i32
      %dma_start3A_553 = arith.constant 5 : i32
      %dma_start3A_554 = arith.constant 0 : i32
      %dma_start3A_555 = arith.constant 0 : i32
      %dma_start3A_556 = tpu.memref_slice %arg8[%dma_start3A_553, %dma_start3A_554, %dma_start3A_555] : memref<8x125x64xf32, #tpu.memory_space<vmem>> -> memref<1x125x64xf32, #tpu.memory_space<vmem>>
      %dma_start3A_557 = tpu.memref_squeeze %dma_start3A_556 : memref<1x125x64xf32, #tpu.memory_space<vmem>> -> memref<125x64xf32, #tpu.memory_space<vmem>>
      %dma_start3A_558 = arith.constant 0 : i32
      %dma_start3A_559 = tpu.memref_slice %arg7[%add3A_552, %dma_start3A_558] : memref<80x125xi32, #tpu.memory_space<vmem>> -> memref<1x125xi32, #tpu.memory_space<vmem>>
      %dma_start3A_560 = tpu.memref_squeeze %dma_start3A_559 : memref<1x125xi32, #tpu.memory_space<vmem>> -> memref<125xi32, #tpu.memory_space<vmem>>
      %dma_start3A_561 = arith.constant 0 : i32
      %dma_start3A_562 = arith.constant 0 : i32
      %dma_start3A_563 = tpu.memref_slice %arg9[%dma_start3A_561, %dma_start3A_562] : memref<10112x64xf32, #tpu.memory_space<vmem_shared>> -> memref<10112x64xf32, #tpu.memory_space<vmem_shared>>
      tpu.enqueue_indirect_dma source(%dma_start3A_557 : memref<125x64xf32, #tpu.memory_space<vmem>>) target(%dma_start3A_563 : memref<10112x64xf32, #tpu.memory_space<vmem_shared>>) offsets(%dma_start3A_560 : memref<125xi32, #tpu.memory_space<vmem>>) semaphore(%arg23 : memref<!tpu.dma_semaphore, #tpu.memory_space<semaphore_mem>>) {add = true}
      %add3A_564 = arith.constant 6 : i32
      %add3A_565 = arith.addi %mul3A_407, %add3A_564 : i32
      %dma_wait3A_566 = arith.constant 6 : i32
      %dma_wait3A_567 = arith.constant 0 : i32
      %dma_wait3A_568 = arith.constant 0 : i32
      %dma_wait3A_569 = tpu.memref_slice %arg8[%dma_wait3A_566, %dma_wait3A_567, %dma_wait3A_568] : memref<8x125x64xf32, #tpu.memory_space<vmem>> -> memref<1x125x64xf32, #tpu.memory_space<vmem>>
      %dma_wait3A_570 = tpu.memref_squeeze %dma_wait3A_569 : memref<1x125x64xf32, #tpu.memory_space<vmem>> -> memref<125x64xf32, #tpu.memory_space<vmem>>
      %dma_wait3A_571 = arith.constant 0 : i32
      %dma_wait3A_572 = tpu.memref_slice %arg6[%add3A_565, %dma_wait3A_571] : memref<80x125xi32, #tpu.memory_space<vmem>> -> memref<1x125xi32, #tpu.memory_space<vmem>>
      %dma_wait3A_573 = tpu.memref_squeeze %dma_wait3A_572 : memref<1x125xi32, #tpu.memory_space<vmem>> -> memref<125xi32, #tpu.memory_space<vmem>>
      %dma_wait3A_574 = arith.constant 0 : i32
      %dma_wait3A_575 = arith.constant 0 : i32
      %dma_wait3A_576 = tpu.memref_slice %arg2[%dma_wait3A_574, %dma_wait3A_575] : memref<10112x64xf32, #tpu.memory_space<hbm>> -> memref<10112x64xf32, #tpu.memory_space<hbm>>
      tpu.wait_indirect_dma semaphore(%arg16 : memref<!tpu.dma_semaphore, #tpu.memory_space<semaphore_mem>>) src(%dma_wait3A_576 : memref<10112x64xf32, #tpu.memory_space<hbm>>) dst(%dma_wait3A_570 : memref<125x64xf32, #tpu.memory_space<vmem>>)
      %add3A_577 = arith.constant 6 : i32
      %add3A_578 = arith.addi %mul3A_407, %add3A_577 : i32
      %dma_start3A_579 = arith.constant 6 : i32
      %dma_start3A_580 = arith.constant 0 : i32
      %dma_start3A_581 = arith.constant 0 : i32
      %dma_start3A_582 = tpu.memref_slice %arg8[%dma_start3A_579, %dma_start3A_580, %dma_start3A_581] : memref<8x125x64xf32, #tpu.memory_space<vmem>> -> memref<1x125x64xf32, #tpu.memory_space<vmem>>
      %dma_start3A_583 = tpu.memref_squeeze %dma_start3A_582 : memref<1x125x64xf32, #tpu.memory_space<vmem>> -> memref<125x64xf32, #tpu.memory_space<vmem>>
      %dma_start3A_584 = arith.constant 0 : i32
      %dma_start3A_585 = tpu.memref_slice %arg7[%add3A_578, %dma_start3A_584] : memref<80x125xi32, #tpu.memory_space<vmem>> -> memref<1x125xi32, #tpu.memory_space<vmem>>
      %dma_start3A_586 = tpu.memref_squeeze %dma_start3A_585 : memref<1x125xi32, #tpu.memory_space<vmem>> -> memref<125xi32, #tpu.memory_space<vmem>>
      %dma_start3A_587 = arith.constant 0 : i32
      %dma_start3A_588 = arith.constant 0 : i32
      %dma_start3A_589 = tpu.memref_slice %arg9[%dma_start3A_587, %dma_start3A_588] : memref<10112x64xf32, #tpu.memory_space<vmem_shared>> -> memref<10112x64xf32, #tpu.memory_space<vmem_shared>>
      tpu.enqueue_indirect_dma source(%dma_start3A_583 : memref<125x64xf32, #tpu.memory_space<vmem>>) target(%dma_start3A_589 : memref<10112x64xf32, #tpu.memory_space<vmem_shared>>) offsets(%dma_start3A_586 : memref<125xi32, #tpu.memory_space<vmem>>) semaphore(%arg24 : memref<!tpu.dma_semaphore, #tpu.memory_space<semaphore_mem>>) {add = true}
      %add3A_590 = arith.constant 7 : i32
      %add3A_591 = arith.addi %mul3A_407, %add3A_590 : i32
      %dma_wait3A_592 = arith.constant 7 : i32
      %dma_wait3A_593 = arith.constant 0 : i32
      %dma_wait3A_594 = arith.constant 0 : i32
      %dma_wait3A_595 = tpu.memref_slice %arg8[%dma_wait3A_592, %dma_wait3A_593, %dma_wait3A_594] : memref<8x125x64xf32, #tpu.memory_space<vmem>> -> memref<1x125x64xf32, #tpu.memory_space<vmem>>
      %dma_wait3A_596 = tpu.memref_squeeze %dma_wait3A_595 : memref<1x125x64xf32, #tpu.memory_space<vmem>> -> memref<125x64xf32, #tpu.memory_space<vmem>>
      %dma_wait3A_597 = arith.constant 0 : i32
      %dma_wait3A_598 = tpu.memref_slice %arg6[%add3A_591, %dma_wait3A_597] : memref<80x125xi32, #tpu.memory_space<vmem>> -> memref<1x125xi32, #tpu.memory_space<vmem>>
      %dma_wait3A_599 = tpu.memref_squeeze %dma_wait3A_598 : memref<1x125xi32, #tpu.memory_space<vmem>> -> memref<125xi32, #tpu.memory_space<vmem>>
      %dma_wait3A_600 = arith.constant 0 : i32
      %dma_wait3A_601 = arith.constant 0 : i32
      %dma_wait3A_602 = tpu.memref_slice %arg2[%dma_wait3A_600, %dma_wait3A_601] : memref<10112x64xf32, #tpu.memory_space<hbm>> -> memref<10112x64xf32, #tpu.memory_space<hbm>>
      tpu.wait_indirect_dma semaphore(%arg17 : memref<!tpu.dma_semaphore, #tpu.memory_space<semaphore_mem>>) src(%dma_wait3A_602 : memref<10112x64xf32, #tpu.memory_space<hbm>>) dst(%dma_wait3A_596 : memref<125x64xf32, #tpu.memory_space<vmem>>)
      %add3A_603 = arith.constant 7 : i32
      %add3A_604 = arith.addi %mul3A_407, %add3A_603 : i32
      %dma_start3A_605 = arith.constant 7 : i32
      %dma_start3A_606 = arith.constant 0 : i32
      %dma_start3A_607 = arith.constant 0 : i32
      %dma_start3A_608 = tpu.memref_slice %arg8[%dma_start3A_605, %dma_start3A_606, %dma_start3A_607] : memref<8x125x64xf32, #tpu.memory_space<vmem>> -> memref<1x125x64xf32, #tpu.memory_space<vmem>>
      %dma_start3A_609 = tpu.memref_squeeze %dma_start3A_608 : memref<1x125x64xf32, #tpu.memory_space<vmem>> -> memref<125x64xf32, #tpu.memory_space<vmem>>
      %dma_start3A_610 = arith.constant 0 : i32
      %dma_start3A_611 = tpu.memref_slice %arg7[%add3A_604, %dma_start3A_610] : memref<80x125xi32, #tpu.memory_space<vmem>> -> memref<1x125xi32, #tpu.memory_space<vmem>>
      %dma_start3A_612 = tpu.memref_squeeze %dma_start3A_611 : memref<1x125xi32, #tpu.memory_space<vmem>> -> memref<125xi32, #tpu.memory_space<vmem>>
      %dma_start3A_613 = arith.constant 0 : i32
      %dma_start3A_614 = arith.constant 0 : i32
      %dma_start3A_615 = tpu.memref_slice %arg9[%dma_start3A_613, %dma_start3A_614] : memref<10112x64xf32, #tpu.memory_space<vmem_shared>> -> memref<10112x64xf32, #tpu.memory_space<vmem_shared>>
      tpu.enqueue_indirect_dma source(%dma_start3A_609 : memref<125x64xf32, #tpu.memory_space<vmem>>) target(%dma_start3A_615 : memref<10112x64xf32, #tpu.memory_space<vmem_shared>>) offsets(%dma_start3A_612 : memref<125xi32, #tpu.memory_space<vmem>>) semaphore(%arg25 : memref<!tpu.dma_semaphore, #tpu.memory_space<semaphore_mem>>) {add = true}
      %add3A_616 = arith.constant 0 : i32
      %add3A_617 = arith.addi %mul3A_407, %add3A_616 : i32
      %dma_wait3A_618 = arith.constant 0 : i32
      %dma_wait3A_619 = arith.constant 0 : i32
      %dma_wait3A_620 = arith.constant 0 : i32
      %dma_wait3A_621 = tpu.memref_slice %arg8[%dma_wait3A_618, %dma_wait3A_619, %dma_wait3A_620] : memref<8x125x64xf32, #tpu.memory_space<vmem>> -> memref<1x125x64xf32, #tpu.memory_space<vmem>>
      %dma_wait3A_622 = tpu.memref_squeeze %dma_wait3A_621 : memref<1x125x64xf32, #tpu.memory_space<vmem>> -> memref<125x64xf32, #tpu.memory_space<vmem>>
      %dma_wait3A_623 = arith.constant 0 : i32
      %dma_wait3A_624 = tpu.memref_slice %arg7[%add3A_617, %dma_wait3A_623] : memref<80x125xi32, #tpu.memory_space<vmem>> -> memref<1x125xi32, #tpu.memory_space<vmem>>
      %dma_wait3A_625 = tpu.memref_squeeze %dma_wait3A_624 : memref<1x125xi32, #tpu.memory_space<vmem>> -> memref<125xi32, #tpu.memory_space<vmem>>
      %dma_wait3A_626 = arith.constant 0 : i32
      %dma_wait3A_627 = arith.constant 0 : i32
      %dma_wait3A_628 = tpu.memref_slice %arg9[%dma_wait3A_626, %dma_wait3A_627] : memref<10112x64xf32, #tpu.memory_space<vmem_shared>> -> memref<10112x64xf32, #tpu.memory_space<vmem_shared>>
      tpu.wait_indirect_dma semaphore(%arg18 : memref<!tpu.dma_semaphore, #tpu.memory_space<semaphore_mem>>) src(%dma_wait3A_622 : memref<125x64xf32, #tpu.memory_space<vmem>>) dst(%dma_wait3A_628 : memref<10112x64xf32, #tpu.memory_space<vmem_shared>>)
      %add3A_629 = arith.constant 8 : i32
      %add3A_630 = arith.addi %mul3A_407, %add3A_629 : i32
      %add3A_631 = arith.constant 0 : i32
      %add3A_632 = arith.addi %add3A_630, %add3A_631 : i32
      %dma_start3A_633 = arith.constant 0 : i32
      %dma_start3A_634 = arith.constant 0 : i32
      %dma_start3A_635 = arith.constant 0 : i32
      %dma_start3A_636 = tpu.memref_slice %arg8[%dma_start3A_633, %dma_start3A_634, %dma_start3A_635] : memref<8x125x64xf32, #tpu.memory_space<vmem>> -> memref<1x125x64xf32, #tpu.memory_space<vmem>>
      %dma_start3A_637 = tpu.memref_squeeze %dma_start3A_636 : memref<1x125x64xf32, #tpu.memory_space<vmem>> -> memref<125x64xf32, #tpu.memory_space<vmem>>
      %dma_start3A_638 = arith.constant 0 : i32
      %dma_start3A_639 = tpu.memref_slice %arg6[%add3A_632, %dma_start3A_638] : memref<80x125xi32, #tpu.memory_space<vmem>> -> memref<1x125xi32, #tpu.memory_space<vmem>>
      %dma_start3A_640 = tpu.memref_squeeze %dma_start3A_639 : memref<1x125xi32, #tpu.memory_space<vmem>> -> memref<125xi32, #tpu.memory_space<vmem>>
      %dma_start3A_641 = arith.constant 0 : i32
      %dma_start3A_642 = arith.constant 0 : i32
      %dma_start3A_643 = tpu.memref_slice %arg2[%dma_start3A_641, %dma_start3A_642] : memref<10112x64xf32, #tpu.memory_space<hbm>> -> memref<10112x64xf32, #tpu.memory_space<hbm>>
      tpu.enqueue_indirect_dma source(%dma_start3A_643 : memref<10112x64xf32, #tpu.memory_space<hbm>>) target(%dma_start3A_637 : memref<125x64xf32, #tpu.memory_space<vmem>>) offsets(%dma_start3A_640 : memref<125xi32, #tpu.memory_space<vmem>>) semaphore(%arg10 : memref<!tpu.dma_semaphore, #tpu.memory_space<semaphore_mem>>)
      %add3A_644 = arith.constant 1 : i32
      %add3A_645 = arith.addi %mul3A_407, %add3A_644 : i32
      %dma_wait3A_646 = arith.constant 1 : i32
      %dma_wait3A_647 = arith.constant 0 : i32
      %dma_wait3A_648 = arith.constant 0 : i32
      %dma_wait3A_649 = tpu.memref_slice %arg8[%dma_wait3A_646, %dma_wait3A_647, %dma_wait3A_648] : memref<8x125x64xf32, #tpu.memory_space<vmem>> -> memref<1x125x64xf32, #tpu.memory_space<vmem>>
      %dma_wait3A_650 = tpu.memref_squeeze %dma_wait3A_649 : memref<1x125x64xf32, #tpu.memory_space<vmem>> -> memref<125x64xf32, #tpu.memory_space<vmem>>
      %dma_wait3A_651 = arith.constant 0 : i32
      %dma_wait3A_652 = tpu.memref_slice %arg7[%add3A_645, %dma_wait3A_651] : memref<80x125xi32, #tpu.memory_space<vmem>> -> memref<1x125xi32, #tpu.memory_space<vmem>>
      %dma_wait3A_653 = tpu.memref_squeeze %dma_wait3A_652 : memref<1x125xi32, #tpu.memory_space<vmem>> -> memref<125xi32, #tpu.memory_space<vmem>>
      %dma_wait3A_654 = arith.constant 0 : i32
      %dma_wait3A_655 = arith.constant 0 : i32
      %dma_wait3A_656 = tpu.memref_slice %arg9[%dma_wait3A_654, %dma_wait3A_655] : memref<10112x64xf32, #tpu.memory_space<vmem_shared>> -> memref<10112x64xf32, #tpu.memory_space<vmem_shared>>
      tpu.wait_indirect_dma semaphore(%arg19 : memref<!tpu.dma_semaphore, #tpu.memory_space<semaphore_mem>>) src(%dma_wait3A_650 : memref<125x64xf32, #tpu.memory_space<vmem>>) dst(%dma_wait3A_656 : memref<10112x64xf32, #tpu.memory_space<vmem_shared>>)
      %add3A_657 = arith.constant 8 : i32
      %add3A_658 = arith.addi %mul3A_407, %add3A_657 : i32
      %add3A_659 = arith.constant 1 : i32
      %add3A_660 = arith.addi %add3A_658, %add3A_659 : i32
      %dma_start3A_661 = arith.constant 1 : i32
      %dma_start3A_662 = arith.constant 0 : i32
      %dma_start3A_663 = arith.constant 0 : i32
      %dma_start3A_664 = tpu.memref_slice %arg8[%dma_start3A_661, %dma_start3A_662, %dma_start3A_663] : memref<8x125x64xf32, #tpu.memory_space<vmem>> -> memref<1x125x64xf32, #tpu.memory_space<vmem>>
      %dma_start3A_665 = tpu.memref_squeeze %dma_start3A_664 : memref<1x125x64xf32, #tpu.memory_space<vmem>> -> memref<125x64xf32, #tpu.memory_space<vmem>>
      %dma_start3A_666 = arith.constant 0 : i32
      %dma_start3A_667 = tpu.memref_slice %arg6[%add3A_660, %dma_start3A_666] : memref<80x125xi32, #tpu.memory_space<vmem>> -> memref<1x125xi32, #tpu.memory_space<vmem>>
      %dma_start3A_668 = tpu.memref_squeeze %dma_start3A_667 : memref<1x125xi32, #tpu.memory_space<vmem>> -> memref<125xi32, #tpu.memory_space<vmem>>
      %dma_start3A_669 = arith.constant 0 : i32
      %dma_start3A_670 = arith.constant 0 : i32
      %dma_start3A_671 = tpu.memref_slice %arg2[%dma_start3A_669, %dma_start3A_670] : memref<10112x64xf32, #tpu.memory_space<hbm>> -> memref<10112x64xf32, #tpu.memory_space<hbm>>
      tpu.enqueue_indirect_dma source(%dma_start3A_671 : memref<10112x64xf32, #tpu.memory_space<hbm>>) target(%dma_start3A_665 : memref<125x64xf32, #tpu.memory_space<vmem>>) offsets(%dma_start3A_668 : memref<125xi32, #tpu.memory_space<vmem>>) semaphore(%arg11 : memref<!tpu.dma_semaphore, #tpu.memory_space<semaphore_mem>>)
      %add3A_672 = arith.constant 2 : i32
      %add3A_673 = arith.addi %mul3A_407, %add3A_672 : i32
      %dma_wait3A_674 = arith.constant 2 : i32
      %dma_wait3A_675 = arith.constant 0 : i32
      %dma_wait3A_676 = arith.constant 0 : i32
      %dma_wait3A_677 = tpu.memref_slice %arg8[%dma_wait3A_674, %dma_wait3A_675, %dma_wait3A_676] : memref<8x125x64xf32, #tpu.memory_space<vmem>> -> memref<1x125x64xf32, #tpu.memory_space<vmem>>
      %dma_wait3A_678 = tpu.memref_squeeze %dma_wait3A_677 : memref<1x125x64xf32, #tpu.memory_space<vmem>> -> memref<125x64xf32, #tpu.memory_space<vmem>>
      %dma_wait3A_679 = arith.constant 0 : i32
      %dma_wait3A_680 = tpu.memref_slice %arg7[%add3A_673, %dma_wait3A_679] : memref<80x125xi32, #tpu.memory_space<vmem>> -> memref<1x125xi32, #tpu.memory_space<vmem>>
      %dma_wait3A_681 = tpu.memref_squeeze %dma_wait3A_680 : memref<1x125xi32, #tpu.memory_space<vmem>> -> memref<125xi32, #tpu.memory_space<vmem>>
      %dma_wait3A_682 = arith.constant 0 : i32
      %dma_wait3A_683 = arith.constant 0 : i32
      %dma_wait3A_684 = tpu.memref_slice %arg9[%dma_wait3A_682, %dma_wait3A_683] : memref<10112x64xf32, #tpu.memory_space<vmem_shared>> -> memref<10112x64xf32, #tpu.memory_space<vmem_shared>>
      tpu.wait_indirect_dma semaphore(%arg20 : memref<!tpu.dma_semaphore, #tpu.memory_space<semaphore_mem>>) src(%dma_wait3A_678 : memref<125x64xf32, #tpu.memory_space<vmem>>) dst(%dma_wait3A_684 : memref<10112x64xf32, #tpu.memory_space<vmem_shared>>)
      %add3A_685 = arith.constant 8 : i32
      %add3A_686 = arith.addi %mul3A_407, %add3A_685 : i32
      %add3A_687 = arith.constant 2 : i32
      %add3A_688 = arith.addi %add3A_686, %add3A_687 : i32
      %dma_start3A_689 = arith.constant 2 : i32
      %dma_start3A_690 = arith.constant 0 : i32
      %dma_start3A_691 = arith.constant 0 : i32
      %dma_start3A_692 = tpu.memref_slice %arg8[%dma_start3A_689, %dma_start3A_690, %dma_start3A_691] : memref<8x125x64xf32, #tpu.memory_space<vmem>> -> memref<1x125x64xf32, #tpu.memory_space<vmem>>
      %dma_start3A_693 = tpu.memref_squeeze %dma_start3A_692 : memref<1x125x64xf32, #tpu.memory_space<vmem>> -> memref<125x64xf32, #tpu.memory_space<vmem>>
      %dma_start3A_694 = arith.constant 0 : i32
      %dma_start3A_695 = tpu.memref_slice %arg6[%add3A_688, %dma_start3A_694] : memref<80x125xi32, #tpu.memory_space<vmem>> -> memref<1x125xi32, #tpu.memory_space<vmem>>
      %dma_start3A_696 = tpu.memref_squeeze %dma_start3A_695 : memref<1x125xi32, #tpu.memory_space<vmem>> -> memref<125xi32, #tpu.memory_space<vmem>>
      %dma_start3A_697 = arith.constant 0 : i32
      %dma_start3A_698 = arith.constant 0 : i32
      %dma_start3A_699 = tpu.memref_slice %arg2[%dma_start3A_697, %dma_start3A_698] : memref<10112x64xf32, #tpu.memory_space<hbm>> -> memref<10112x64xf32, #tpu.memory_space<hbm>>
      tpu.enqueue_indirect_dma source(%dma_start3A_699 : memref<10112x64xf32, #tpu.memory_space<hbm>>) target(%dma_start3A_693 : memref<125x64xf32, #tpu.memory_space<vmem>>) offsets(%dma_start3A_696 : memref<125xi32, #tpu.memory_space<vmem>>) semaphore(%arg12 : memref<!tpu.dma_semaphore, #tpu.memory_space<semaphore_mem>>)
      %add3A_700 = arith.constant 3 : i32
      %add3A_701 = arith.addi %mul3A_407, %add3A_700 : i32
      %dma_wait3A_702 = arith.constant 3 : i32
      %dma_wait3A_703 = arith.constant 0 : i32
      %dma_wait3A_704 = arith.constant 0 : i32
      %dma_wait3A_705 = tpu.memref_slice %arg8[%dma_wait3A_702, %dma_wait3A_703, %dma_wait3A_704] : memref<8x125x64xf32, #tpu.memory_space<vmem>> -> memref<1x125x64xf32, #tpu.memory_space<vmem>>
      %dma_wait3A_706 = tpu.memref_squeeze %dma_wait3A_705 : memref<1x125x64xf32, #tpu.memory_space<vmem>> -> memref<125x64xf32, #tpu.memory_space<vmem>>
      %dma_wait3A_707 = arith.constant 0 : i32
      %dma_wait3A_708 = tpu.memref_slice %arg7[%add3A_701, %dma_wait3A_707] : memref<80x125xi32, #tpu.memory_space<vmem>> -> memref<1x125xi32, #tpu.memory_space<vmem>>
      %dma_wait3A_709 = tpu.memref_squeeze %dma_wait3A_708 : memref<1x125xi32, #tpu.memory_space<vmem>> -> memref<125xi32, #tpu.memory_space<vmem>>
      %dma_wait3A_710 = arith.constant 0 : i32
      %dma_wait3A_711 = arith.constant 0 : i32
      %dma_wait3A_712 = tpu.memref_slice %arg9[%dma_wait3A_710, %dma_wait3A_711] : memref<10112x64xf32, #tpu.memory_space<vmem_shared>> -> memref<10112x64xf32, #tpu.memory_space<vmem_shared>>
      tpu.wait_indirect_dma semaphore(%arg21 : memref<!tpu.dma_semaphore, #tpu.memory_space<semaphore_mem>>) src(%dma_wait3A_706 : memref<125x64xf32, #tpu.memory_space<vmem>>) dst(%dma_wait3A_712 : memref<10112x64xf32, #tpu.memory_space<vmem_shared>>)
      %add3A_713 = arith.constant 8 : i32
      %add3A_714 = arith.addi %mul3A_407, %add3A_713 : i32
      %add3A_715 = arith.constant 3 : i32
      %add3A_716 = arith.addi %add3A_714, %add3A_715 : i32
      %dma_start3A_717 = arith.constant 3 : i32
      %dma_start3A_718 = arith.constant 0 : i32
      %dma_start3A_719 = arith.constant 0 : i32
      %dma_start3A_720 = tpu.memref_slice %arg8[%dma_start3A_717, %dma_start3A_718, %dma_start3A_719] : memref<8x125x64xf32, #tpu.memory_space<vmem>> -> memref<1x125x64xf32, #tpu.memory_space<vmem>>
      %dma_start3A_721 = tpu.memref_squeeze %dma_start3A_720 : memref<1x125x64xf32, #tpu.memory_space<vmem>> -> memref<125x64xf32, #tpu.memory_space<vmem>>
      %dma_start3A_722 = arith.constant 0 : i32
      %dma_start3A_723 = tpu.memref_slice %arg6[%add3A_716, %dma_start3A_722] : memref<80x125xi32, #tpu.memory_space<vmem>> -> memref<1x125xi32, #tpu.memory_space<vmem>>
      %dma_start3A_724 = tpu.memref_squeeze %dma_start3A_723 : memref<1x125xi32, #tpu.memory_space<vmem>> -> memref<125xi32, #tpu.memory_space<vmem>>
      %dma_start3A_725 = arith.constant 0 : i32
      %dma_start3A_726 = arith.constant 0 : i32
      %dma_start3A_727 = tpu.memref_slice %arg2[%dma_start3A_725, %dma_start3A_726] : memref<10112x64xf32, #tpu.memory_space<hbm>> -> memref<10112x64xf32, #tpu.memory_space<hbm>>
      tpu.enqueue_indirect_dma source(%dma_start3A_727 : memref<10112x64xf32, #tpu.memory_space<hbm>>) target(%dma_start3A_721 : memref<125x64xf32, #tpu.memory_space<vmem>>) offsets(%dma_start3A_724 : memref<125xi32, #tpu.memory_space<vmem>>) semaphore(%arg13 : memref<!tpu.dma_semaphore, #tpu.memory_space<semaphore_mem>>)
      %add3A_728 = arith.constant 4 : i32
      %add3A_729 = arith.addi %mul3A_407, %add3A_728 : i32
      %dma_wait3A_730 = arith.constant 4 : i32
      %dma_wait3A_731 = arith.constant 0 : i32
      %dma_wait3A_732 = arith.constant 0 : i32
      %dma_wait3A_733 = tpu.memref_slice %arg8[%dma_wait3A_730, %dma_wait3A_731, %dma_wait3A_732] : memref<8x125x64xf32, #tpu.memory_space<vmem>> -> memref<1x125x64xf32, #tpu.memory_space<vmem>>
      %dma_wait3A_734 = tpu.memref_squeeze %dma_wait3A_733 : memref<1x125x64xf32, #tpu.memory_space<vmem>> -> memref<125x64xf32, #tpu.memory_space<vmem>>
      %dma_wait3A_735 = arith.constant 0 : i32
      %dma_wait3A_736 = tpu.memref_slice %arg7[%add3A_729, %dma_wait3A_735] : memref<80x125xi32, #tpu.memory_space<vmem>> -> memref<1x125xi32, #tpu.memory_space<vmem>>
      %dma_wait3A_737 = tpu.memref_squeeze %dma_wait3A_736 : memref<1x125xi32, #tpu.memory_space<vmem>> -> memref<125xi32, #tpu.memory_space<vmem>>
      %dma_wait3A_738 = arith.constant 0 : i32
      %dma_wait3A_739 = arith.constant 0 : i32
      %dma_wait3A_740 = tpu.memref_slice %arg9[%dma_wait3A_738, %dma_wait3A_739] : memref<10112x64xf32, #tpu.memory_space<vmem_shared>> -> memref<10112x64xf32, #tpu.memory_space<vmem_shared>>
      tpu.wait_indirect_dma semaphore(%arg22 : memref<!tpu.dma_semaphore, #tpu.memory_space<semaphore_mem>>) src(%dma_wait3A_734 : memref<125x64xf32, #tpu.memory_space<vmem>>) dst(%dma_wait3A_740 : memref<10112x64xf32, #tpu.memory_space<vmem_shared>>)
      %add3A_741 = arith.constant 8 : i32
      %add3A_742 = arith.addi %mul3A_407, %add3A_741 : i32
      %add3A_743 = arith.constant 4 : i32
      %add3A_744 = arith.addi %add3A_742, %add3A_743 : i32
      %dma_start3A_745 = arith.constant 4 : i32
      %dma_start3A_746 = arith.constant 0 : i32
      %dma_start3A_747 = arith.constant 0 : i32
      %dma_start3A_748 = tpu.memref_slice %arg8[%dma_start3A_745, %dma_start3A_746, %dma_start3A_747] : memref<8x125x64xf32, #tpu.memory_space<vmem>> -> memref<1x125x64xf32, #tpu.memory_space<vmem>>
      %dma_start3A_749 = tpu.memref_squeeze %dma_start3A_748 : memref<1x125x64xf32, #tpu.memory_space<vmem>> -> memref<125x64xf32, #tpu.memory_space<vmem>>
      %dma_start3A_750 = arith.constant 0 : i32
      %dma_start3A_751 = tpu.memref_slice %arg6[%add3A_744, %dma_start3A_750] : memref<80x125xi32, #tpu.memory_space<vmem>> -> memref<1x125xi32, #tpu.memory_space<vmem>>
      %dma_start3A_752 = tpu.memref_squeeze %dma_start3A_751 : memref<1x125xi32, #tpu.memory_space<vmem>> -> memref<125xi32, #tpu.memory_space<vmem>>
      %dma_start3A_753 = arith.constant 0 : i32
      %dma_start3A_754 = arith.constant 0 : i32
      %dma_start3A_755 = tpu.memref_slice %arg2[%dma_start3A_753, %dma_start3A_754] : memref<10112x64xf32, #tpu.memory_space<hbm>> -> memref<10112x64xf32, #tpu.memory_space<hbm>>
      tpu.enqueue_indirect_dma source(%dma_start3A_755 : memref<10112x64xf32, #tpu.memory_space<hbm>>) target(%dma_start3A_749 : memref<125x64xf32, #tpu.memory_space<vmem>>) offsets(%dma_start3A_752 : memref<125xi32, #tpu.memory_space<vmem>>) semaphore(%arg14 : memref<!tpu.dma_semaphore, #tpu.memory_space<semaphore_mem>>)
      %add3A_756 = arith.constant 5 : i32
      %add3A_757 = arith.addi %mul3A_407, %add3A_756 : i32
      %dma_wait3A_758 = arith.constant 5 : i32
      %dma_wait3A_759 = arith.constant 0 : i32
      %dma_wait3A_760 = arith.constant 0 : i32
      %dma_wait3A_761 = tpu.memref_slice %arg8[%dma_wait3A_758, %dma_wait3A_759, %dma_wait3A_760] : memref<8x125x64xf32, #tpu.memory_space<vmem>> -> memref<1x125x64xf32, #tpu.memory_space<vmem>>
      %dma_wait3A_762 = tpu.memref_squeeze %dma_wait3A_761 : memref<1x125x64xf32, #tpu.memory_space<vmem>> -> memref<125x64xf32, #tpu.memory_space<vmem>>
      %dma_wait3A_763 = arith.constant 0 : i32
      %dma_wait3A_764 = tpu.memref_slice %arg7[%add3A_757, %dma_wait3A_763] : memref<80x125xi32, #tpu.memory_space<vmem>> -> memref<1x125xi32, #tpu.memory_space<vmem>>
      %dma_wait3A_765 = tpu.memref_squeeze %dma_wait3A_764 : memref<1x125xi32, #tpu.memory_space<vmem>> -> memref<125xi32, #tpu.memory_space<vmem>>
      %dma_wait3A_766 = arith.constant 0 : i32
      %dma_wait3A_767 = arith.constant 0 : i32
      %dma_wait3A_768 = tpu.memref_slice %arg9[%dma_wait3A_766, %dma_wait3A_767] : memref<10112x64xf32, #tpu.memory_space<vmem_shared>> -> memref<10112x64xf32, #tpu.memory_space<vmem_shared>>
      tpu.wait_indirect_dma semaphore(%arg23 : memref<!tpu.dma_semaphore, #tpu.memory_space<semaphore_mem>>) src(%dma_wait3A_762 : memref<125x64xf32, #tpu.memory_space<vmem>>) dst(%dma_wait3A_768 : memref<10112x64xf32, #tpu.memory_space<vmem_shared>>)
      %add3A_769 = arith.constant 8 : i32
      %add3A_770 = arith.addi %mul3A_407, %add3A_769 : i32
      %add3A_771 = arith.constant 5 : i32
      %add3A_772 = arith.addi %add3A_770, %add3A_771 : i32
      %dma_start3A_773 = arith.constant 5 : i32
      %dma_start3A_774 = arith.constant 0 : i32
      %dma_start3A_775 = arith.constant 0 : i32
      %dma_start3A_776 = tpu.memref_slice %arg8[%dma_start3A_773, %dma_start3A_774, %dma_start3A_775] : memref<8x125x64xf32, #tpu.memory_space<vmem>> -> memref<1x125x64xf32, #tpu.memory_space<vmem>>
      %dma_start3A_777 = tpu.memref_squeeze %dma_start3A_776 : memref<1x125x64xf32, #tpu.memory_space<vmem>> -> memref<125x64xf32, #tpu.memory_space<vmem>>
      %dma_start3A_778 = arith.constant 0 : i32
      %dma_start3A_779 = tpu.memref_slice %arg6[%add3A_772, %dma_start3A_778] : memref<80x125xi32, #tpu.memory_space<vmem>> -> memref<1x125xi32, #tpu.memory_space<vmem>>
      %dma_start3A_780 = tpu.memref_squeeze %dma_start3A_779 : memref<1x125xi32, #tpu.memory_space<vmem>> -> memref<125xi32, #tpu.memory_space<vmem>>
      %dma_start3A_781 = arith.constant 0 : i32
      %dma_start3A_782 = arith.constant 0 : i32
      %dma_start3A_783 = tpu.memref_slice %arg2[%dma_start3A_781, %dma_start3A_782] : memref<10112x64xf32, #tpu.memory_space<hbm>> -> memref<10112x64xf32, #tpu.memory_space<hbm>>
      tpu.enqueue_indirect_dma source(%dma_start3A_783 : memref<10112x64xf32, #tpu.memory_space<hbm>>) target(%dma_start3A_777 : memref<125x64xf32, #tpu.memory_space<vmem>>) offsets(%dma_start3A_780 : memref<125xi32, #tpu.memory_space<vmem>>) semaphore(%arg15 : memref<!tpu.dma_semaphore, #tpu.memory_space<semaphore_mem>>)
      %add3A_784 = arith.constant 6 : i32
      %add3A_785 = arith.addi %mul3A_407, %add3A_784 : i32
      %dma_wait3A_786 = arith.constant 6 : i32
      %dma_wait3A_787 = arith.constant 0 : i32
      %dma_wait3A_788 = arith.constant 0 : i32
      %dma_wait3A_789 = tpu.memref_slice %arg8[%dma_wait3A_786, %dma_wait3A_787, %dma_wait3A_788] : memref<8x125x64xf32, #tpu.memory_space<vmem>> -> memref<1x125x64xf32, #tpu.memory_space<vmem>>
      %dma_wait3A_790 = tpu.memref_squeeze %dma_wait3A_789 : memref<1x125x64xf32, #tpu.memory_space<vmem>> -> memref<125x64xf32, #tpu.memory_space<vmem>>
      %dma_wait3A_791 = arith.constant 0 : i32
      %dma_wait3A_792 = tpu.memref_slice %arg7[%add3A_785, %dma_wait3A_791] : memref<80x125xi32, #tpu.memory_space<vmem>> -> memref<1x125xi32, #tpu.memory_space<vmem>>
      %dma_wait3A_793 = tpu.memref_squeeze %dma_wait3A_792 : memref<1x125xi32, #tpu.memory_space<vmem>> -> memref<125xi32, #tpu.memory_space<vmem>>
      %dma_wait3A_794 = arith.constant 0 : i32
      %dma_wait3A_795 = arith.constant 0 : i32
      %dma_wait3A_796 = tpu.memref_slice %arg9[%dma_wait3A_794, %dma_wait3A_795] : memref<10112x64xf32, #tpu.memory_space<vmem_shared>> -> memref<10112x64xf32, #tpu.memory_space<vmem_shared>>
      tpu.wait_indirect_dma semaphore(%arg24 : memref<!tpu.dma_semaphore, #tpu.memory_space<semaphore_mem>>) src(%dma_wait3A_790 : memref<125x64xf32, #tpu.memory_space<vmem>>) dst(%dma_wait3A_796 : memref<10112x64xf32, #tpu.memory_space<vmem_shared>>)
      %add3A_797 = arith.constant 8 : i32
      %add3A_798 = arith.addi %mul3A_407, %add3A_797 : i32
      %add3A_799 = arith.constant 6 : i32
      %add3A_800 = arith.addi %add3A_798, %add3A_799 : i32
      %dma_start3A_801 = arith.constant 6 : i32
      %dma_start3A_802 = arith.constant 0 : i32
      %dma_start3A_803 = arith.constant 0 : i32
      %dma_start3A_804 = tpu.memref_slice %arg8[%dma_start3A_801, %dma_start3A_802, %dma_start3A_803] : memref<8x125x64xf32, #tpu.memory_space<vmem>> -> memref<1x125x64xf32, #tpu.memory_space<vmem>>
      %dma_start3A_805 = tpu.memref_squeeze %dma_start3A_804 : memref<1x125x64xf32, #tpu.memory_space<vmem>> -> memref<125x64xf32, #tpu.memory_space<vmem>>
      %dma_start3A_806 = arith.constant 0 : i32
      %dma_start3A_807 = tpu.memref_slice %arg6[%add3A_800, %dma_start3A_806] : memref<80x125xi32, #tpu.memory_space<vmem>> -> memref<1x125xi32, #tpu.memory_space<vmem>>
      %dma_start3A_808 = tpu.memref_squeeze %dma_start3A_807 : memref<1x125xi32, #tpu.memory_space<vmem>> -> memref<125xi32, #tpu.memory_space<vmem>>
      %dma_start3A_809 = arith.constant 0 : i32
      %dma_start3A_810 = arith.constant 0 : i32
      %dma_start3A_811 = tpu.memref_slice %arg2[%dma_start3A_809, %dma_start3A_810] : memref<10112x64xf32, #tpu.memory_space<hbm>> -> memref<10112x64xf32, #tpu.memory_space<hbm>>
      tpu.enqueue_indirect_dma source(%dma_start3A_811 : memref<10112x64xf32, #tpu.memory_space<hbm>>) target(%dma_start3A_805 : memref<125x64xf32, #tpu.memory_space<vmem>>) offsets(%dma_start3A_808 : memref<125xi32, #tpu.memory_space<vmem>>) semaphore(%arg16 : memref<!tpu.dma_semaphore, #tpu.memory_space<semaphore_mem>>)
      %add3A_812 = arith.constant 7 : i32
      %add3A_813 = arith.addi %mul3A_407, %add3A_812 : i32
      %dma_wait3A_814 = arith.constant 7 : i32
      %dma_wait3A_815 = arith.constant 0 : i32
      %dma_wait3A_816 = arith.constant 0 : i32
      %dma_wait3A_817 = tpu.memref_slice %arg8[%dma_wait3A_814, %dma_wait3A_815, %dma_wait3A_816] : memref<8x125x64xf32, #tpu.memory_space<vmem>> -> memref<1x125x64xf32, #tpu.memory_space<vmem>>
      %dma_wait3A_818 = tpu.memref_squeeze %dma_wait3A_817 : memref<1x125x64xf32, #tpu.memory_space<vmem>> -> memref<125x64xf32, #tpu.memory_space<vmem>>
      %dma_wait3A_819 = arith.constant 0 : i32
      %dma_wait3A_820 = tpu.memref_slice %arg7[%add3A_813, %dma_wait3A_819] : memref<80x125xi32, #tpu.memory_space<vmem>> -> memref<1x125xi32, #tpu.memory_space<vmem>>
      %dma_wait3A_821 = tpu.memref_squeeze %dma_wait3A_820 : memref<1x125xi32, #tpu.memory_space<vmem>> -> memref<125xi32, #tpu.memory_space<vmem>>
      %dma_wait3A_822 = arith.constant 0 : i32
      %dma_wait3A_823 = arith.constant 0 : i32
      %dma_wait3A_824 = tpu.memref_slice %arg9[%dma_wait3A_822, %dma_wait3A_823] : memref<10112x64xf32, #tpu.memory_space<vmem_shared>> -> memref<10112x64xf32, #tpu.memory_space<vmem_shared>>
      tpu.wait_indirect_dma semaphore(%arg25 : memref<!tpu.dma_semaphore, #tpu.memory_space<semaphore_mem>>) src(%dma_wait3A_818 : memref<125x64xf32, #tpu.memory_space<vmem>>) dst(%dma_wait3A_824 : memref<10112x64xf32, #tpu.memory_space<vmem_shared>>)
      %add3A_825 = arith.constant 8 : i32
      %add3A_826 = arith.addi %mul3A_407, %add3A_825 : i32
      %add3A_827 = arith.constant 7 : i32
      %add3A_828 = arith.addi %add3A_826, %add3A_827 : i32
      %dma_start3A_829 = arith.constant 7 : i32
      %dma_start3A_830 = arith.constant 0 : i32
      %dma_start3A_831 = arith.constant 0 : i32
      %dma_start3A_832 = tpu.memref_slice %arg8[%dma_start3A_829, %dma_start3A_830, %dma_start3A_831] : memref<8x125x64xf32, #tpu.memory_space<vmem>> -> memref<1x125x64xf32, #tpu.memory_space<vmem>>
      %dma_start3A_833 = tpu.memref_squeeze %dma_start3A_832 : memref<1x125x64xf32, #tpu.memory_space<vmem>> -> memref<125x64xf32, #tpu.memory_space<vmem>>
      %dma_start3A_834 = arith.constant 0 : i32
      %dma_start3A_835 = tpu.memref_slice %arg6[%add3A_828, %dma_start3A_834] : memref<80x125xi32, #tpu.memory_space<vmem>> -> memref<1x125xi32, #tpu.memory_space<vmem>>
      %dma_start3A_836 = tpu.memref_squeeze %dma_start3A_835 : memref<1x125xi32, #tpu.memory_space<vmem>> -> memref<125xi32, #tpu.memory_space<vmem>>
      %dma_start3A_837 = arith.constant 0 : i32
      %dma_start3A_838 = arith.constant 0 : i32
      %dma_start3A_839 = tpu.memref_slice %arg2[%dma_start3A_837, %dma_start3A_838] : memref<10112x64xf32, #tpu.memory_space<hbm>> -> memref<10112x64xf32, #tpu.memory_space<hbm>>
      tpu.enqueue_indirect_dma source(%dma_start3A_839 : memref<10112x64xf32, #tpu.memory_space<hbm>>) target(%dma_start3A_833 : memref<125x64xf32, #tpu.memory_space<vmem>>) offsets(%dma_start3A_836 : memref<125xi32, #tpu.memory_space<vmem>>) semaphore(%arg17 : memref<!tpu.dma_semaphore, #tpu.memory_space<semaphore_mem>>)
    }
    %scan3A_106 = arith.constant 9 : i32
    %dma_wait3A = arith.constant 72 : i32
    %dma_wait3A_107 = arith.constant 0 : i32
    %dma_wait3A_108 = arith.constant 0 : i32
    %dma_wait3A_109 = arith.constant 0 : i32
    %dma_wait3A_110 = tpu.memref_slice %arg8[%dma_wait3A_107, %dma_wait3A_108, %dma_wait3A_109] : memref<8x125x64xf32, #tpu.memory_space<vmem>> -> memref<1x125x64xf32, #tpu.memory_space<vmem>>
    %dma_wait3A_111 = tpu.memref_squeeze %dma_wait3A_110 : memref<1x125x64xf32, #tpu.memory_space<vmem>> -> memref<125x64xf32, #tpu.memory_space<vmem>>
    %dma_wait3A_112 = arith.constant 0 : i32
    %dma_wait3A_113 = tpu.memref_slice %arg6[%dma_wait3A, %dma_wait3A_112] : memref<80x125xi32, #tpu.memory_space<vmem>> -> memref<1x125xi32, #tpu.memory_space<vmem>>
    %dma_wait3A_114 = tpu.memref_squeeze %dma_wait3A_113 : memref<1x125xi32, #tpu.memory_space<vmem>> -> memref<125xi32, #tpu.memory_space<vmem>>
    %dma_wait3A_115 = arith.constant 0 : i32
    %dma_wait3A_116 = arith.constant 0 : i32
    %dma_wait3A_117 = tpu.memref_slice %arg2[%dma_wait3A_115, %dma_wait3A_116] : memref<10112x64xf32, #tpu.memory_space<hbm>> -> memref<10112x64xf32, #tpu.memory_space<hbm>>
    tpu.wait_indirect_dma semaphore(%arg10 : memref<!tpu.dma_semaphore, #tpu.memory_space<semaphore_mem>>) src(%dma_wait3A_117 : memref<10112x64xf32, #tpu.memory_space<hbm>>) dst(%dma_wait3A_111 : memref<125x64xf32, #tpu.memory_space<vmem>>)
    %dma_start3A_118 = arith.constant 0 : i32
    %dma_start3A_119 = arith.constant 72 : i32
    %dma_start3A_120 = arith.constant 0 : i32
    %dma_start3A_121 = arith.constant 0 : i32
    %dma_start3A_122 = tpu.memref_slice %arg8[%dma_start3A_118, %dma_start3A_120, %dma_start3A_121] : memref<8x125x64xf32, #tpu.memory_space<vmem>> -> memref<1x125x64xf32, #tpu.memory_space<vmem>>
    %dma_start3A_123 = tpu.memref_squeeze %dma_start3A_122 : memref<1x125x64xf32, #tpu.memory_space<vmem>> -> memref<125x64xf32, #tpu.memory_space<vmem>>
    %dma_start3A_124 = arith.constant 0 : i32
    %dma_start3A_125 = tpu.memref_slice %arg7[%dma_start3A_119, %dma_start3A_124] : memref<80x125xi32, #tpu.memory_space<vmem>> -> memref<1x125xi32, #tpu.memory_space<vmem>>
    %dma_start3A_126 = tpu.memref_squeeze %dma_start3A_125 : memref<1x125xi32, #tpu.memory_space<vmem>> -> memref<125xi32, #tpu.memory_space<vmem>>
    %dma_start3A_127 = arith.constant 0 : i32
    %dma_start3A_128 = arith.constant 0 : i32
    %dma_start3A_129 = tpu.memref_slice %arg9[%dma_start3A_127, %dma_start3A_128] : memref<10112x64xf32, #tpu.memory_space<vmem_shared>> -> memref<10112x64xf32, #tpu.memory_space<vmem_shared>>
    tpu.enqueue_indirect_dma source(%dma_start3A_123 : memref<125x64xf32, #tpu.memory_space<vmem>>) target(%dma_start3A_129 : memref<10112x64xf32, #tpu.memory_space<vmem_shared>>) offsets(%dma_start3A_126 : memref<125xi32, #tpu.memory_space<vmem>>) semaphore(%arg18 : memref<!tpu.dma_semaphore, #tpu.memory_space<semaphore_mem>>) {add = true}
    %dma_wait3A_130 = arith.constant 73 : i32
    %dma_wait3A_131 = arith.constant 1 : i32
    %dma_wait3A_132 = arith.constant 0 : i32
    %dma_wait3A_133 = arith.constant 0 : i32
    %dma_wait3A_134 = tpu.memref_slice %arg8[%dma_wait3A_131, %dma_wait3A_132, %dma_wait3A_133] : memref<8x125x64xf32, #tpu.memory_space<vmem>> -> memref<1x125x64xf32, #tpu.memory_space<vmem>>
    %dma_wait3A_135 = tpu.memref_squeeze %dma_wait3A_134 : memref<1x125x64xf32, #tpu.memory_space<vmem>> -> memref<125x64xf32, #tpu.memory_space<vmem>>
    %dma_wait3A_136 = arith.constant 0 : i32
    %dma_wait3A_137 = tpu.memref_slice %arg6[%dma_wait3A_130, %dma_wait3A_136] : memref<80x125xi32, #tpu.memory_space<vmem>> -> memref<1x125xi32, #tpu.memory_space<vmem>>
    %dma_wait3A_138 = tpu.memref_squeeze %dma_wait3A_137 : memref<1x125xi32, #tpu.memory_space<vmem>> -> memref<125xi32, #tpu.memory_space<vmem>>
    %dma_wait3A_139 = arith.constant 0 : i32
    %dma_wait3A_140 = arith.constant 0 : i32
    %dma_wait3A_141 = tpu.memref_slice %arg2[%dma_wait3A_139, %dma_wait3A_140] : memref<10112x64xf32, #tpu.memory_space<hbm>> -> memref<10112x64xf32, #tpu.memory_space<hbm>>
    tpu.wait_indirect_dma semaphore(%arg11 : memref<!tpu.dma_semaphore, #tpu.memory_space<semaphore_mem>>) src(%dma_wait3A_141 : memref<10112x64xf32, #tpu.memory_space<hbm>>) dst(%dma_wait3A_135 : memref<125x64xf32, #tpu.memory_space<vmem>>)
    %dma_start3A_142 = arith.constant 1 : i32
    %dma_start3A_143 = arith.constant 73 : i32
    %dma_start3A_144 = arith.constant 0 : i32
    %dma_start3A_145 = arith.constant 0 : i32
    %dma_start3A_146 = tpu.memref_slice %arg8[%dma_start3A_142, %dma_start3A_144, %dma_start3A_145] : memref<8x125x64xf32, #tpu.memory_space<vmem>> -> memref<1x125x64xf32, #tpu.memory_space<vmem>>
    %dma_start3A_147 = tpu.memref_squeeze %dma_start3A_146 : memref<1x125x64xf32, #tpu.memory_space<vmem>> -> memref<125x64xf32, #tpu.memory_space<vmem>>
    %dma_start3A_148 = arith.constant 0 : i32
    %dma_start3A_149 = tpu.memref_slice %arg7[%dma_start3A_143, %dma_start3A_148] : memref<80x125xi32, #tpu.memory_space<vmem>> -> memref<1x125xi32, #tpu.memory_space<vmem>>
    %dma_start3A_150 = tpu.memref_squeeze %dma_start3A_149 : memref<1x125xi32, #tpu.memory_space<vmem>> -> memref<125xi32, #tpu.memory_space<vmem>>
    %dma_start3A_151 = arith.constant 0 : i32
    %dma_start3A_152 = arith.constant 0 : i32
    %dma_start3A_153 = tpu.memref_slice %arg9[%dma_start3A_151, %dma_start3A_152] : memref<10112x64xf32, #tpu.memory_space<vmem_shared>> -> memref<10112x64xf32, #tpu.memory_space<vmem_shared>>
    tpu.enqueue_indirect_dma source(%dma_start3A_147 : memref<125x64xf32, #tpu.memory_space<vmem>>) target(%dma_start3A_153 : memref<10112x64xf32, #tpu.memory_space<vmem_shared>>) offsets(%dma_start3A_150 : memref<125xi32, #tpu.memory_space<vmem>>) semaphore(%arg19 : memref<!tpu.dma_semaphore, #tpu.memory_space<semaphore_mem>>) {add = true}
    %dma_wait3A_154 = arith.constant 74 : i32
    %dma_wait3A_155 = arith.constant 2 : i32
    %dma_wait3A_156 = arith.constant 0 : i32
    %dma_wait3A_157 = arith.constant 0 : i32
    %dma_wait3A_158 = tpu.memref_slice %arg8[%dma_wait3A_155, %dma_wait3A_156, %dma_wait3A_157] : memref<8x125x64xf32, #tpu.memory_space<vmem>> -> memref<1x125x64xf32, #tpu.memory_space<vmem>>
    %dma_wait3A_159 = tpu.memref_squeeze %dma_wait3A_158 : memref<1x125x64xf32, #tpu.memory_space<vmem>> -> memref<125x64xf32, #tpu.memory_space<vmem>>
    %dma_wait3A_160 = arith.constant 0 : i32
    %dma_wait3A_161 = tpu.memref_slice %arg6[%dma_wait3A_154, %dma_wait3A_160] : memref<80x125xi32, #tpu.memory_space<vmem>> -> memref<1x125xi32, #tpu.memory_space<vmem>>
    %dma_wait3A_162 = tpu.memref_squeeze %dma_wait3A_161 : memref<1x125xi32, #tpu.memory_space<vmem>> -> memref<125xi32, #tpu.memory_space<vmem>>
    %dma_wait3A_163 = arith.constant 0 : i32
    %dma_wait3A_164 = arith.constant 0 : i32
    %dma_wait3A_165 = tpu.memref_slice %arg2[%dma_wait3A_163, %dma_wait3A_164] : memref<10112x64xf32, #tpu.memory_space<hbm>> -> memref<10112x64xf32, #tpu.memory_space<hbm>>
    tpu.wait_indirect_dma semaphore(%arg12 : memref<!tpu.dma_semaphore, #tpu.memory_space<semaphore_mem>>) src(%dma_wait3A_165 : memref<10112x64xf32, #tpu.memory_space<hbm>>) dst(%dma_wait3A_159 : memref<125x64xf32, #tpu.memory_space<vmem>>)
    %dma_start3A_166 = arith.constant 2 : i32
    %dma_start3A_167 = arith.constant 74 : i32
    %dma_start3A_168 = arith.constant 0 : i32
    %dma_start3A_169 = arith.constant 0 : i32
    %dma_start3A_170 = tpu.memref_slice %arg8[%dma_start3A_166, %dma_start3A_168, %dma_start3A_169] : memref<8x125x64xf32, #tpu.memory_space<vmem>> -> memref<1x125x64xf32, #tpu.memory_space<vmem>>
    %dma_start3A_171 = tpu.memref_squeeze %dma_start3A_170 : memref<1x125x64xf32, #tpu.memory_space<vmem>> -> memref<125x64xf32, #tpu.memory_space<vmem>>
    %dma_start3A_172 = arith.constant 0 : i32
    %dma_start3A_173 = tpu.memref_slice %arg7[%dma_start3A_167, %dma_start3A_172] : memref<80x125xi32, #tpu.memory_space<vmem>> -> memref<1x125xi32, #tpu.memory_space<vmem>>
    %dma_start3A_174 = tpu.memref_squeeze %dma_start3A_173 : memref<1x125xi32, #tpu.memory_space<vmem>> -> memref<125xi32, #tpu.memory_space<vmem>>
    %dma_start3A_175 = arith.constant 0 : i32
    %dma_start3A_176 = arith.constant 0 : i32
    %dma_start3A_177 = tpu.memref_slice %arg9[%dma_start3A_175, %dma_start3A_176] : memref<10112x64xf32, #tpu.memory_space<vmem_shared>> -> memref<10112x64xf32, #tpu.memory_space<vmem_shared>>
    tpu.enqueue_indirect_dma source(%dma_start3A_171 : memref<125x64xf32, #tpu.memory_space<vmem>>) target(%dma_start3A_177 : memref<10112x64xf32, #tpu.memory_space<vmem_shared>>) offsets(%dma_start3A_174 : memref<125xi32, #tpu.memory_space<vmem>>) semaphore(%arg20 : memref<!tpu.dma_semaphore, #tpu.memory_space<semaphore_mem>>) {add = true}
    %dma_wait3A_178 = arith.constant 75 : i32
    %dma_wait3A_179 = arith.constant 3 : i32
    %dma_wait3A_180 = arith.constant 0 : i32
    %dma_wait3A_181 = arith.constant 0 : i32
    %dma_wait3A_182 = tpu.memref_slice %arg8[%dma_wait3A_179, %dma_wait3A_180, %dma_wait3A_181] : memref<8x125x64xf32, #tpu.memory_space<vmem>> -> memref<1x125x64xf32, #tpu.memory_space<vmem>>
    %dma_wait3A_183 = tpu.memref_squeeze %dma_wait3A_182 : memref<1x125x64xf32, #tpu.memory_space<vmem>> -> memref<125x64xf32, #tpu.memory_space<vmem>>
    %dma_wait3A_184 = arith.constant 0 : i32
    %dma_wait3A_185 = tpu.memref_slice %arg6[%dma_wait3A_178, %dma_wait3A_184] : memref<80x125xi32, #tpu.memory_space<vmem>> -> memref<1x125xi32, #tpu.memory_space<vmem>>
    %dma_wait3A_186 = tpu.memref_squeeze %dma_wait3A_185 : memref<1x125xi32, #tpu.memory_space<vmem>> -> memref<125xi32, #tpu.memory_space<vmem>>
    %dma_wait3A_187 = arith.constant 0 : i32
    %dma_wait3A_188 = arith.constant 0 : i32
    %dma_wait3A_189 = tpu.memref_slice %arg2[%dma_wait3A_187, %dma_wait3A_188] : memref<10112x64xf32, #tpu.memory_space<hbm>> -> memref<10112x64xf32, #tpu.memory_space<hbm>>
    tpu.wait_indirect_dma semaphore(%arg13 : memref<!tpu.dma_semaphore, #tpu.memory_space<semaphore_mem>>) src(%dma_wait3A_189 : memref<10112x64xf32, #tpu.memory_space<hbm>>) dst(%dma_wait3A_183 : memref<125x64xf32, #tpu.memory_space<vmem>>)
    %dma_start3A_190 = arith.constant 3 : i32
    %dma_start3A_191 = arith.constant 75 : i32
    %dma_start3A_192 = arith.constant 0 : i32
    %dma_start3A_193 = arith.constant 0 : i32
    %dma_start3A_194 = tpu.memref_slice %arg8[%dma_start3A_190, %dma_start3A_192, %dma_start3A_193] : memref<8x125x64xf32, #tpu.memory_space<vmem>> -> memref<1x125x64xf32, #tpu.memory_space<vmem>>
    %dma_start3A_195 = tpu.memref_squeeze %dma_start3A_194 : memref<1x125x64xf32, #tpu.memory_space<vmem>> -> memref<125x64xf32, #tpu.memory_space<vmem>>
    %dma_start3A_196 = arith.constant 0 : i32
    %dma_start3A_197 = tpu.memref_slice %arg7[%dma_start3A_191, %dma_start3A_196] : memref<80x125xi32, #tpu.memory_space<vmem>> -> memref<1x125xi32, #tpu.memory_space<vmem>>
    %dma_start3A_198 = tpu.memref_squeeze %dma_start3A_197 : memref<1x125xi32, #tpu.memory_space<vmem>> -> memref<125xi32, #tpu.memory_space<vmem>>
    %dma_start3A_199 = arith.constant 0 : i32
    %dma_start3A_200 = arith.constant 0 : i32
    %dma_start3A_201 = tpu.memref_slice %arg9[%dma_start3A_199, %dma_start3A_200] : memref<10112x64xf32, #tpu.memory_space<vmem_shared>> -> memref<10112x64xf32, #tpu.memory_space<vmem_shared>>
    tpu.enqueue_indirect_dma source(%dma_start3A_195 : memref<125x64xf32, #tpu.memory_space<vmem>>) target(%dma_start3A_201 : memref<10112x64xf32, #tpu.memory_space<vmem_shared>>) offsets(%dma_start3A_198 : memref<125xi32, #tpu.memory_space<vmem>>) semaphore(%arg21 : memref<!tpu.dma_semaphore, #tpu.memory_space<semaphore_mem>>) {add = true}
    %dma_wait3A_202 = arith.constant 76 : i32
    %dma_wait3A_203 = arith.constant 4 : i32
    %dma_wait3A_204 = arith.constant 0 : i32
    %dma_wait3A_205 = arith.constant 0 : i32
    %dma_wait3A_206 = tpu.memref_slice %arg8[%dma_wait3A_203, %dma_wait3A_204, %dma_wait3A_205] : memref<8x125x64xf32, #tpu.memory_space<vmem>> -> memref<1x125x64xf32, #tpu.memory_space<vmem>>
    %dma_wait3A_207 = tpu.memref_squeeze %dma_wait3A_206 : memref<1x125x64xf32, #tpu.memory_space<vmem>> -> memref<125x64xf32, #tpu.memory_space<vmem>>
    %dma_wait3A_208 = arith.constant 0 : i32
    %dma_wait3A_209 = tpu.memref_slice %arg6[%dma_wait3A_202, %dma_wait3A_208] : memref<80x125xi32, #tpu.memory_space<vmem>> -> memref<1x125xi32, #tpu.memory_space<vmem>>
    %dma_wait3A_210 = tpu.memref_squeeze %dma_wait3A_209 : memref<1x125xi32, #tpu.memory_space<vmem>> -> memref<125xi32, #tpu.memory_space<vmem>>
    %dma_wait3A_211 = arith.constant 0 : i32
    %dma_wait3A_212 = arith.constant 0 : i32
    %dma_wait3A_213 = tpu.memref_slice %arg2[%dma_wait3A_211, %dma_wait3A_212] : memref<10112x64xf32, #tpu.memory_space<hbm>> -> memref<10112x64xf32, #tpu.memory_space<hbm>>
    tpu.wait_indirect_dma semaphore(%arg14 : memref<!tpu.dma_semaphore, #tpu.memory_space<semaphore_mem>>) src(%dma_wait3A_213 : memref<10112x64xf32, #tpu.memory_space<hbm>>) dst(%dma_wait3A_207 : memref<125x64xf32, #tpu.memory_space<vmem>>)
    %dma_start3A_214 = arith.constant 4 : i32
    %dma_start3A_215 = arith.constant 76 : i32
    %dma_start3A_216 = arith.constant 0 : i32
    %dma_start3A_217 = arith.constant 0 : i32
    %dma_start3A_218 = tpu.memref_slice %arg8[%dma_start3A_214, %dma_start3A_216, %dma_start3A_217] : memref<8x125x64xf32, #tpu.memory_space<vmem>> -> memref<1x125x64xf32, #tpu.memory_space<vmem>>
    %dma_start3A_219 = tpu.memref_squeeze %dma_start3A_218 : memref<1x125x64xf32, #tpu.memory_space<vmem>> -> memref<125x64xf32, #tpu.memory_space<vmem>>
    %dma_start3A_220 = arith.constant 0 : i32
    %dma_start3A_221 = tpu.memref_slice %arg7[%dma_start3A_215, %dma_start3A_220] : memref<80x125xi32, #tpu.memory_space<vmem>> -> memref<1x125xi32, #tpu.memory_space<vmem>>
    %dma_start3A_222 = tpu.memref_squeeze %dma_start3A_221 : memref<1x125xi32, #tpu.memory_space<vmem>> -> memref<125xi32, #tpu.memory_space<vmem>>
    %dma_start3A_223 = arith.constant 0 : i32
    %dma_start3A_224 = arith.constant 0 : i32
    %dma_start3A_225 = tpu.memref_slice %arg9[%dma_start3A_223, %dma_start3A_224] : memref<10112x64xf32, #tpu.memory_space<vmem_shared>> -> memref<10112x64xf32, #tpu.memory_space<vmem_shared>>
    tpu.enqueue_indirect_dma source(%dma_start3A_219 : memref<125x64xf32, #tpu.memory_space<vmem>>) target(%dma_start3A_225 : memref<10112x64xf32, #tpu.memory_space<vmem_shared>>) offsets(%dma_start3A_222 : memref<125xi32, #tpu.memory_space<vmem>>) semaphore(%arg22 : memref<!tpu.dma_semaphore, #tpu.memory_space<semaphore_mem>>) {add = true}
    %dma_wait3A_226 = arith.constant 77 : i32
    %dma_wait3A_227 = arith.constant 5 : i32
    %dma_wait3A_228 = arith.constant 0 : i32
    %dma_wait3A_229 = arith.constant 0 : i32
    %dma_wait3A_230 = tpu.memref_slice %arg8[%dma_wait3A_227, %dma_wait3A_228, %dma_wait3A_229] : memref<8x125x64xf32, #tpu.memory_space<vmem>> -> memref<1x125x64xf32, #tpu.memory_space<vmem>>
    %dma_wait3A_231 = tpu.memref_squeeze %dma_wait3A_230 : memref<1x125x64xf32, #tpu.memory_space<vmem>> -> memref<125x64xf32, #tpu.memory_space<vmem>>
    %dma_wait3A_232 = arith.constant 0 : i32
    %dma_wait3A_233 = tpu.memref_slice %arg6[%dma_wait3A_226, %dma_wait3A_232] : memref<80x125xi32, #tpu.memory_space<vmem>> -> memref<1x125xi32, #tpu.memory_space<vmem>>
    %dma_wait3A_234 = tpu.memref_squeeze %dma_wait3A_233 : memref<1x125xi32, #tpu.memory_space<vmem>> -> memref<125xi32, #tpu.memory_space<vmem>>
    %dma_wait3A_235 = arith.constant 0 : i32
    %dma_wait3A_236 = arith.constant 0 : i32
    %dma_wait3A_237 = tpu.memref_slice %arg2[%dma_wait3A_235, %dma_wait3A_236] : memref<10112x64xf32, #tpu.memory_space<hbm>> -> memref<10112x64xf32, #tpu.memory_space<hbm>>
    tpu.wait_indirect_dma semaphore(%arg15 : memref<!tpu.dma_semaphore, #tpu.memory_space<semaphore_mem>>) src(%dma_wait3A_237 : memref<10112x64xf32, #tpu.memory_space<hbm>>) dst(%dma_wait3A_231 : memref<125x64xf32, #tpu.memory_space<vmem>>)
    %dma_start3A_238 = arith.constant 5 : i32
    %dma_start3A_239 = arith.constant 77 : i32
    %dma_start3A_240 = arith.constant 0 : i32
    %dma_start3A_241 = arith.constant 0 : i32
    %dma_start3A_242 = tpu.memref_slice %arg8[%dma_start3A_238, %dma_start3A_240, %dma_start3A_241] : memref<8x125x64xf32, #tpu.memory_space<vmem>> -> memref<1x125x64xf32, #tpu.memory_space<vmem>>
    %dma_start3A_243 = tpu.memref_squeeze %dma_start3A_242 : memref<1x125x64xf32, #tpu.memory_space<vmem>> -> memref<125x64xf32, #tpu.memory_space<vmem>>
    %dma_start3A_244 = arith.constant 0 : i32
    %dma_start3A_245 = tpu.memref_slice %arg7[%dma_start3A_239, %dma_start3A_244] : memref<80x125xi32, #tpu.memory_space<vmem>> -> memref<1x125xi32, #tpu.memory_space<vmem>>
    %dma_start3A_246 = tpu.memref_squeeze %dma_start3A_245 : memref<1x125xi32, #tpu.memory_space<vmem>> -> memref<125xi32, #tpu.memory_space<vmem>>
    %dma_start3A_247 = arith.constant 0 : i32
    %dma_start3A_248 = arith.constant 0 : i32
    %dma_start3A_249 = tpu.memref_slice %arg9[%dma_start3A_247, %dma_start3A_248] : memref<10112x64xf32, #tpu.memory_space<vmem_shared>> -> memref<10112x64xf32, #tpu.memory_space<vmem_shared>>
    tpu.enqueue_indirect_dma source(%dma_start3A_243 : memref<125x64xf32, #tpu.memory_space<vmem>>) target(%dma_start3A_249 : memref<10112x64xf32, #tpu.memory_space<vmem_shared>>) offsets(%dma_start3A_246 : memref<125xi32, #tpu.memory_space<vmem>>) semaphore(%arg23 : memref<!tpu.dma_semaphore, #tpu.memory_space<semaphore_mem>>) {add = true}
    %dma_wait3A_250 = arith.constant 78 : i32
    %dma_wait3A_251 = arith.constant 6 : i32
    %dma_wait3A_252 = arith.constant 0 : i32
    %dma_wait3A_253 = arith.constant 0 : i32
    %dma_wait3A_254 = tpu.memref_slice %arg8[%dma_wait3A_251, %dma_wait3A_252, %dma_wait3A_253] : memref<8x125x64xf32, #tpu.memory_space<vmem>> -> memref<1x125x64xf32, #tpu.memory_space<vmem>>
    %dma_wait3A_255 = tpu.memref_squeeze %dma_wait3A_254 : memref<1x125x64xf32, #tpu.memory_space<vmem>> -> memref<125x64xf32, #tpu.memory_space<vmem>>
    %dma_wait3A_256 = arith.constant 0 : i32
    %dma_wait3A_257 = tpu.memref_slice %arg6[%dma_wait3A_250, %dma_wait3A_256] : memref<80x125xi32, #tpu.memory_space<vmem>> -> memref<1x125xi32, #tpu.memory_space<vmem>>
    %dma_wait3A_258 = tpu.memref_squeeze %dma_wait3A_257 : memref<1x125xi32, #tpu.memory_space<vmem>> -> memref<125xi32, #tpu.memory_space<vmem>>
    %dma_wait3A_259 = arith.constant 0 : i32
    %dma_wait3A_260 = arith.constant 0 : i32
    %dma_wait3A_261 = tpu.memref_slice %arg2[%dma_wait3A_259, %dma_wait3A_260] : memref<10112x64xf32, #tpu.memory_space<hbm>> -> memref<10112x64xf32, #tpu.memory_space<hbm>>
    tpu.wait_indirect_dma semaphore(%arg16 : memref<!tpu.dma_semaphore, #tpu.memory_space<semaphore_mem>>) src(%dma_wait3A_261 : memref<10112x64xf32, #tpu.memory_space<hbm>>) dst(%dma_wait3A_255 : memref<125x64xf32, #tpu.memory_space<vmem>>)
    %dma_start3A_262 = arith.constant 6 : i32
    %dma_start3A_263 = arith.constant 78 : i32
    %dma_start3A_264 = arith.constant 0 : i32
    %dma_start3A_265 = arith.constant 0 : i32
    %dma_start3A_266 = tpu.memref_slice %arg8[%dma_start3A_262, %dma_start3A_264, %dma_start3A_265] : memref<8x125x64xf32, #tpu.memory_space<vmem>> -> memref<1x125x64xf32, #tpu.memory_space<vmem>>
    %dma_start3A_267 = tpu.memref_squeeze %dma_start3A_266 : memref<1x125x64xf32, #tpu.memory_space<vmem>> -> memref<125x64xf32, #tpu.memory_space<vmem>>
    %dma_start3A_268 = arith.constant 0 : i32
    %dma_start3A_269 = tpu.memref_slice %arg7[%dma_start3A_263, %dma_start3A_268] : memref<80x125xi32, #tpu.memory_space<vmem>> -> memref<1x125xi32, #tpu.memory_space<vmem>>
    %dma_start3A_270 = tpu.memref_squeeze %dma_start3A_269 : memref<1x125xi32, #tpu.memory_space<vmem>> -> memref<125xi32, #tpu.memory_space<vmem>>
    %dma_start3A_271 = arith.constant 0 : i32
    %dma_start3A_272 = arith.constant 0 : i32
    %dma_start3A_273 = tpu.memref_slice %arg9[%dma_start3A_271, %dma_start3A_272] : memref<10112x64xf32, #tpu.memory_space<vmem_shared>> -> memref<10112x64xf32, #tpu.memory_space<vmem_shared>>
    tpu.enqueue_indirect_dma source(%dma_start3A_267 : memref<125x64xf32, #tpu.memory_space<vmem>>) target(%dma_start3A_273 : memref<10112x64xf32, #tpu.memory_space<vmem_shared>>) offsets(%dma_start3A_270 : memref<125xi32, #tpu.memory_space<vmem>>) semaphore(%arg24 : memref<!tpu.dma_semaphore, #tpu.memory_space<semaphore_mem>>) {add = true}
    %dma_wait3A_274 = arith.constant 79 : i32
    %dma_wait3A_275 = arith.constant 7 : i32
    %dma_wait3A_276 = arith.constant 0 : i32
    %dma_wait3A_277 = arith.constant 0 : i32
    %dma_wait3A_278 = tpu.memref_slice %arg8[%dma_wait3A_275, %dma_wait3A_276, %dma_wait3A_277] : memref<8x125x64xf32, #tpu.memory_space<vmem>> -> memref<1x125x64xf32, #tpu.memory_space<vmem>>
    %dma_wait3A_279 = tpu.memref_squeeze %dma_wait3A_278 : memref<1x125x64xf32, #tpu.memory_space<vmem>> -> memref<125x64xf32, #tpu.memory_space<vmem>>
    %dma_wait3A_280 = arith.constant 0 : i32
    %dma_wait3A_281 = tpu.memref_slice %arg6[%dma_wait3A_274, %dma_wait3A_280] : memref<80x125xi32, #tpu.memory_space<vmem>> -> memref<1x125xi32, #tpu.memory_space<vmem>>
    %dma_wait3A_282 = tpu.memref_squeeze %dma_wait3A_281 : memref<1x125xi32, #tpu.memory_space<vmem>> -> memref<125xi32, #tpu.memory_space<vmem>>
    %dma_wait3A_283 = arith.constant 0 : i32
    %dma_wait3A_284 = arith.constant 0 : i32
    %dma_wait3A_285 = tpu.memref_slice %arg2[%dma_wait3A_283, %dma_wait3A_284] : memref<10112x64xf32, #tpu.memory_space<hbm>> -> memref<10112x64xf32, #tpu.memory_space<hbm>>
    tpu.wait_indirect_dma semaphore(%arg17 : memref<!tpu.dma_semaphore, #tpu.memory_space<semaphore_mem>>) src(%dma_wait3A_285 : memref<10112x64xf32, #tpu.memory_space<hbm>>) dst(%dma_wait3A_279 : memref<125x64xf32, #tpu.memory_space<vmem>>)
    %dma_start3A_286 = arith.constant 7 : i32
    %dma_start3A_287 = arith.constant 79 : i32
    %dma_start3A_288 = arith.constant 0 : i32
    %dma_start3A_289 = arith.constant 0 : i32
    %dma_start3A_290 = tpu.memref_slice %arg8[%dma_start3A_286, %dma_start3A_288, %dma_start3A_289] : memref<8x125x64xf32, #tpu.memory_space<vmem>> -> memref<1x125x64xf32, #tpu.memory_space<vmem>>
    %dma_start3A_291 = tpu.memref_squeeze %dma_start3A_290 : memref<1x125x64xf32, #tpu.memory_space<vmem>> -> memref<125x64xf32, #tpu.memory_space<vmem>>
    %dma_start3A_292 = arith.constant 0 : i32
    %dma_start3A_293 = tpu.memref_slice %arg7[%dma_start3A_287, %dma_start3A_292] : memref<80x125xi32, #tpu.memory_space<vmem>> -> memref<1x125xi32, #tpu.memory_space<vmem>>
    %dma_start3A_294 = tpu.memref_squeeze %dma_start3A_293 : memref<1x125xi32, #tpu.memory_space<vmem>> -> memref<125xi32, #tpu.memory_space<vmem>>
    %dma_start3A_295 = arith.constant 0 : i32
    %dma_start3A_296 = arith.constant 0 : i32
    %dma_start3A_297 = tpu.memref_slice %arg9[%dma_start3A_295, %dma_start3A_296] : memref<10112x64xf32, #tpu.memory_space<vmem_shared>> -> memref<10112x64xf32, #tpu.memory_space<vmem_shared>>
    tpu.enqueue_indirect_dma source(%dma_start3A_291 : memref<125x64xf32, #tpu.memory_space<vmem>>) target(%dma_start3A_297 : memref<10112x64xf32, #tpu.memory_space<vmem_shared>>) offsets(%dma_start3A_294 : memref<125xi32, #tpu.memory_space<vmem>>) semaphore(%arg25 : memref<!tpu.dma_semaphore, #tpu.memory_space<semaphore_mem>>) {add = true}
    %dma_wait3A_298 = arith.constant 0 : i32
    %dma_wait3A_299 = arith.constant 72 : i32
    %dma_wait3A_300 = arith.constant 0 : i32
    %dma_wait3A_301 = arith.constant 0 : i32
    %dma_wait3A_302 = tpu.memref_slice %arg8[%dma_wait3A_298, %dma_wait3A_300, %dma_wait3A_301] : memref<8x125x64xf32, #tpu.memory_space<vmem>> -> memref<1x125x64xf32, #tpu.memory_space<vmem>>
    %dma_wait3A_303 = tpu.memref_squeeze %dma_wait3A_302 : memref<1x125x64xf32, #tpu.memory_space<vmem>> -> memref<125x64xf32, #tpu.memory_space<vmem>>
    %dma_wait3A_304 = arith.constant 0 : i32
    %dma_wait3A_305 = tpu.memref_slice %arg7[%dma_wait3A_299, %dma_wait3A_304] : memref<80x125xi32, #tpu.memory_space<vmem>> -> memref<1x125xi32, #tpu.memory_space<vmem>>
    %dma_wait3A_306 = tpu.memref_squeeze %dma_wait3A_305 : memref<1x125xi32, #tpu.memory_space<vmem>> -> memref<125xi32, #tpu.memory_space<vmem>>
    %dma_wait3A_307 = arith.constant 0 : i32
    %dma_wait3A_308 = arith.constant 0 : i32
    %dma_wait3A_309 = tpu.memref_slice %arg9[%dma_wait3A_307, %dma_wait3A_308] : memref<10112x64xf32, #tpu.memory_space<vmem_shared>> -> memref<10112x64xf32, #tpu.memory_space<vmem_shared>>
    tpu.wait_indirect_dma semaphore(%arg18 : memref<!tpu.dma_semaphore, #tpu.memory_space<semaphore_mem>>) src(%dma_wait3A_303 : memref<125x64xf32, #tpu.memory_space<vmem>>) dst(%dma_wait3A_309 : memref<10112x64xf32, #tpu.memory_space<vmem_shared>>)
    %dma_wait3A_310 = arith.constant 1 : i32
    %dma_wait3A_311 = arith.constant 73 : i32
    %dma_wait3A_312 = arith.constant 0 : i32
    %dma_wait3A_313 = arith.constant 0 : i32
    %dma_wait3A_314 = tpu.memref_slice %arg8[%dma_wait3A_310, %dma_wait3A_312, %dma_wait3A_313] : memref<8x125x64xf32, #tpu.memory_space<vmem>> -> memref<1x125x64xf32, #tpu.memory_space<vmem>>
    %dma_wait3A_315 = tpu.memref_squeeze %dma_wait3A_314 : memref<1x125x64xf32, #tpu.memory_space<vmem>> -> memref<125x64xf32, #tpu.memory_space<vmem>>
    %dma_wait3A_316 = arith.constant 0 : i32
    %dma_wait3A_317 = tpu.memref_slice %arg7[%dma_wait3A_311, %dma_wait3A_316] : memref<80x125xi32, #tpu.memory_space<vmem>> -> memref<1x125xi32, #tpu.memory_space<vmem>>
    %dma_wait3A_318 = tpu.memref_squeeze %dma_wait3A_317 : memref<1x125xi32, #tpu.memory_space<vmem>> -> memref<125xi32, #tpu.memory_space<vmem>>
    %dma_wait3A_319 = arith.constant 0 : i32
    %dma_wait3A_320 = arith.constant 0 : i32
    %dma_wait3A_321 = tpu.memref_slice %arg9[%dma_wait3A_319, %dma_wait3A_320] : memref<10112x64xf32, #tpu.memory_space<vmem_shared>> -> memref<10112x64xf32, #tpu.memory_space<vmem_shared>>
    tpu.wait_indirect_dma semaphore(%arg19 : memref<!tpu.dma_semaphore, #tpu.memory_space<semaphore_mem>>) src(%dma_wait3A_315 : memref<125x64xf32, #tpu.memory_space<vmem>>) dst(%dma_wait3A_321 : memref<10112x64xf32, #tpu.memory_space<vmem_shared>>)
    %dma_wait3A_322 = arith.constant 2 : i32
    %dma_wait3A_323 = arith.constant 74 : i32
    %dma_wait3A_324 = arith.constant 0 : i32
    %dma_wait3A_325 = arith.constant 0 : i32
    %dma_wait3A_326 = tpu.memref_slice %arg8[%dma_wait3A_322, %dma_wait3A_324, %dma_wait3A_325] : memref<8x125x64xf32, #tpu.memory_space<vmem>> -> memref<1x125x64xf32, #tpu.memory_space<vmem>>
    %dma_wait3A_327 = tpu.memref_squeeze %dma_wait3A_326 : memref<1x125x64xf32, #tpu.memory_space<vmem>> -> memref<125x64xf32, #tpu.memory_space<vmem>>
    %dma_wait3A_328 = arith.constant 0 : i32
    %dma_wait3A_329 = tpu.memref_slice %arg7[%dma_wait3A_323, %dma_wait3A_328] : memref<80x125xi32, #tpu.memory_space<vmem>> -> memref<1x125xi32, #tpu.memory_space<vmem>>
    %dma_wait3A_330 = tpu.memref_squeeze %dma_wait3A_329 : memref<1x125xi32, #tpu.memory_space<vmem>> -> memref<125xi32, #tpu.memory_space<vmem>>
    %dma_wait3A_331 = arith.constant 0 : i32
    %dma_wait3A_332 = arith.constant 0 : i32
    %dma_wait3A_333 = tpu.memref_slice %arg9[%dma_wait3A_331, %dma_wait3A_332] : memref<10112x64xf32, #tpu.memory_space<vmem_shared>> -> memref<10112x64xf32, #tpu.memory_space<vmem_shared>>
    tpu.wait_indirect_dma semaphore(%arg20 : memref<!tpu.dma_semaphore, #tpu.memory_space<semaphore_mem>>) src(%dma_wait3A_327 : memref<125x64xf32, #tpu.memory_space<vmem>>) dst(%dma_wait3A_333 : memref<10112x64xf32, #tpu.memory_space<vmem_shared>>)
    %dma_wait3A_334 = arith.constant 3 : i32
    %dma_wait3A_335 = arith.constant 75 : i32
    %dma_wait3A_336 = arith.constant 0 : i32
    %dma_wait3A_337 = arith.constant 0 : i32
    %dma_wait3A_338 = tpu.memref_slice %arg8[%dma_wait3A_334, %dma_wait3A_336, %dma_wait3A_337] : memref<8x125x64xf32, #tpu.memory_space<vmem>> -> memref<1x125x64xf32, #tpu.memory_space<vmem>>
    %dma_wait3A_339 = tpu.memref_squeeze %dma_wait3A_338 : memref<1x125x64xf32, #tpu.memory_space<vmem>> -> memref<125x64xf32, #tpu.memory_space<vmem>>
    %dma_wait3A_340 = arith.constant 0 : i32
    %dma_wait3A_341 = tpu.memref_slice %arg7[%dma_wait3A_335, %dma_wait3A_340] : memref<80x125xi32, #tpu.memory_space<vmem>> -> memref<1x125xi32, #tpu.memory_space<vmem>>
    %dma_wait3A_342 = tpu.memref_squeeze %dma_wait3A_341 : memref<1x125xi32, #tpu.memory_space<vmem>> -> memref<125xi32, #tpu.memory_space<vmem>>
    %dma_wait3A_343 = arith.constant 0 : i32
    %dma_wait3A_344 = arith.constant 0 : i32
    %dma_wait3A_345 = tpu.memref_slice %arg9[%dma_wait3A_343, %dma_wait3A_344] : memref<10112x64xf32, #tpu.memory_space<vmem_shared>> -> memref<10112x64xf32, #tpu.memory_space<vmem_shared>>
    tpu.wait_indirect_dma semaphore(%arg21 : memref<!tpu.dma_semaphore, #tpu.memory_space<semaphore_mem>>) src(%dma_wait3A_339 : memref<125x64xf32, #tpu.memory_space<vmem>>) dst(%dma_wait3A_345 : memref<10112x64xf32, #tpu.memory_space<vmem_shared>>)
    %dma_wait3A_346 = arith.constant 4 : i32
    %dma_wait3A_347 = arith.constant 76 : i32
    %dma_wait3A_348 = arith.constant 0 : i32
    %dma_wait3A_349 = arith.constant 0 : i32
    %dma_wait3A_350 = tpu.memref_slice %arg8[%dma_wait3A_346, %dma_wait3A_348, %dma_wait3A_349] : memref<8x125x64xf32, #tpu.memory_space<vmem>> -> memref<1x125x64xf32, #tpu.memory_space<vmem>>
    %dma_wait3A_351 = tpu.memref_squeeze %dma_wait3A_350 : memref<1x125x64xf32, #tpu.memory_space<vmem>> -> memref<125x64xf32, #tpu.memory_space<vmem>>
    %dma_wait3A_352 = arith.constant 0 : i32
    %dma_wait3A_353 = tpu.memref_slice %arg7[%dma_wait3A_347, %dma_wait3A_352] : memref<80x125xi32, #tpu.memory_space<vmem>> -> memref<1x125xi32, #tpu.memory_space<vmem>>
    %dma_wait3A_354 = tpu.memref_squeeze %dma_wait3A_353 : memref<1x125xi32, #tpu.memory_space<vmem>> -> memref<125xi32, #tpu.memory_space<vmem>>
    %dma_wait3A_355 = arith.constant 0 : i32
    %dma_wait3A_356 = arith.constant 0 : i32
    %dma_wait3A_357 = tpu.memref_slice %arg9[%dma_wait3A_355, %dma_wait3A_356] : memref<10112x64xf32, #tpu.memory_space<vmem_shared>> -> memref<10112x64xf32, #tpu.memory_space<vmem_shared>>
    tpu.wait_indirect_dma semaphore(%arg22 : memref<!tpu.dma_semaphore, #tpu.memory_space<semaphore_mem>>) src(%dma_wait3A_351 : memref<125x64xf32, #tpu.memory_space<vmem>>) dst(%dma_wait3A_357 : memref<10112x64xf32, #tpu.memory_space<vmem_shared>>)
    %dma_wait3A_358 = arith.constant 5 : i32
    %dma_wait3A_359 = arith.constant 77 : i32
    %dma_wait3A_360 = arith.constant 0 : i32
    %dma_wait3A_361 = arith.constant 0 : i32
    %dma_wait3A_362 = tpu.memref_slice %arg8[%dma_wait3A_358, %dma_wait3A_360, %dma_wait3A_361] : memref<8x125x64xf32, #tpu.memory_space<vmem>> -> memref<1x125x64xf32, #tpu.memory_space<vmem>>
    %dma_wait3A_363 = tpu.memref_squeeze %dma_wait3A_362 : memref<1x125x64xf32, #tpu.memory_space<vmem>> -> memref<125x64xf32, #tpu.memory_space<vmem>>
    %dma_wait3A_364 = arith.constant 0 : i32
    %dma_wait3A_365 = tpu.memref_slice %arg7[%dma_wait3A_359, %dma_wait3A_364] : memref<80x125xi32, #tpu.memory_space<vmem>> -> memref<1x125xi32, #tpu.memory_space<vmem>>
    %dma_wait3A_366 = tpu.memref_squeeze %dma_wait3A_365 : memref<1x125xi32, #tpu.memory_space<vmem>> -> memref<125xi32, #tpu.memory_space<vmem>>
    %dma_wait3A_367 = arith.constant 0 : i32
    %dma_wait3A_368 = arith.constant 0 : i32
    %dma_wait3A_369 = tpu.memref_slice %arg9[%dma_wait3A_367, %dma_wait3A_368] : memref<10112x64xf32, #tpu.memory_space<vmem_shared>> -> memref<10112x64xf32, #tpu.memory_space<vmem_shared>>
    tpu.wait_indirect_dma semaphore(%arg23 : memref<!tpu.dma_semaphore, #tpu.memory_space<semaphore_mem>>) src(%dma_wait3A_363 : memref<125x64xf32, #tpu.memory_space<vmem>>) dst(%dma_wait3A_369 : memref<10112x64xf32, #tpu.memory_space<vmem_shared>>)
    %dma_wait3A_370 = arith.constant 6 : i32
    %dma_wait3A_371 = arith.constant 78 : i32
    %dma_wait3A_372 = arith.constant 0 : i32
    %dma_wait3A_373 = arith.constant 0 : i32
    %dma_wait3A_374 = tpu.memref_slice %arg8[%dma_wait3A_370, %dma_wait3A_372, %dma_wait3A_373] : memref<8x125x64xf32, #tpu.memory_space<vmem>> -> memref<1x125x64xf32, #tpu.memory_space<vmem>>
    %dma_wait3A_375 = tpu.memref_squeeze %dma_wait3A_374 : memref<1x125x64xf32, #tpu.memory_space<vmem>> -> memref<125x64xf32, #tpu.memory_space<vmem>>
    %dma_wait3A_376 = arith.constant 0 : i32
    %dma_wait3A_377 = tpu.memref_slice %arg7[%dma_wait3A_371, %dma_wait3A_376] : memref<80x125xi32, #tpu.memory_space<vmem>> -> memref<1x125xi32, #tpu.memory_space<vmem>>
    %dma_wait3A_378 = tpu.memref_squeeze %dma_wait3A_377 : memref<1x125xi32, #tpu.memory_space<vmem>> -> memref<125xi32, #tpu.memory_space<vmem>>
    %dma_wait3A_379 = arith.constant 0 : i32
    %dma_wait3A_380 = arith.constant 0 : i32
    %dma_wait3A_381 = tpu.memref_slice %arg9[%dma_wait3A_379, %dma_wait3A_380] : memref<10112x64xf32, #tpu.memory_space<vmem_shared>> -> memref<10112x64xf32, #tpu.memory_space<vmem_shared>>
    tpu.wait_indirect_dma semaphore(%arg24 : memref<!tpu.dma_semaphore, #tpu.memory_space<semaphore_mem>>) src(%dma_wait3A_375 : memref<125x64xf32, #tpu.memory_space<vmem>>) dst(%dma_wait3A_381 : memref<10112x64xf32, #tpu.memory_space<vmem_shared>>)
    %dma_wait3A_382 = arith.constant 7 : i32
    %dma_wait3A_383 = arith.constant 79 : i32
    %dma_wait3A_384 = arith.constant 0 : i32
    %dma_wait3A_385 = arith.constant 0 : i32
    %dma_wait3A_386 = tpu.memref_slice %arg8[%dma_wait3A_382, %dma_wait3A_384, %dma_wait3A_385] : memref<8x125x64xf32, #tpu.memory_space<vmem>> -> memref<1x125x64xf32, #tpu.memory_space<vmem>>
    %dma_wait3A_387 = tpu.memref_squeeze %dma_wait3A_386 : memref<1x125x64xf32, #tpu.memory_space<vmem>> -> memref<125x64xf32, #tpu.memory_space<vmem>>
    %dma_wait3A_388 = arith.constant 0 : i32
    %dma_wait3A_389 = tpu.memref_slice %arg7[%dma_wait3A_383, %dma_wait3A_388] : memref<80x125xi32, #tpu.memory_space<vmem>> -> memref<1x125xi32, #tpu.memory_space<vmem>>
    %dma_wait3A_390 = tpu.memref_squeeze %dma_wait3A_389 : memref<1x125xi32, #tpu.memory_space<vmem>> -> memref<125xi32, #tpu.memory_space<vmem>>
    %dma_wait3A_391 = arith.constant 0 : i32
    %dma_wait3A_392 = arith.constant 0 : i32
    %dma_wait3A_393 = tpu.memref_slice %arg9[%dma_wait3A_391, %dma_wait3A_392] : memref<10112x64xf32, #tpu.memory_space<vmem_shared>> -> memref<10112x64xf32, #tpu.memory_space<vmem_shared>>
    tpu.wait_indirect_dma semaphore(%arg25 : memref<!tpu.dma_semaphore, #tpu.memory_space<semaphore_mem>>) src(%dma_wait3A_387 : memref<125x64xf32, #tpu.memory_space<vmem>>) dst(%dma_wait3A_393 : memref<10112x64xf32, #tpu.memory_space<vmem_shared>>)
    %barrier3A_394 = arith.constant 0 : index
    tpu.barrier barrier_id(%barrier3A_394)
    %mul3A_395 = arith.constant 632 : i32
    %mul3A_396 = arith.muli %arg1, %mul3A_395 : i32
    %mul3A_397 = arith.constant 632 : i32
    %mul3A_398 = arith.muli %arg1, %mul3A_397 : i32
    %mul3A_399 = arith.constant 64 : i32
    %mul3A_400 = arith.muli %arg0, %mul3A_399 : i32
    "tpu.region"() ({
      %run_scoped3A_401 = tpu.sem_alloc : memref<!tpu.dma_semaphore, #tpu.memory_space<semaphore_mem>>
      %dma_start3A_402 = tpu.memref_slice %arg5[%mul3A_398, %mul3A_400] : memref<10112x128xf32, #tpu.memory_space<hbm>> -> memref<632x64xf32, #tpu.memory_space<hbm>>
      %dma_start3A_403 = arith.constant 0 : i32
      %dma_start3A_404 = tpu.memref_slice %arg9[%mul3A_396, %dma_start3A_403] : memref<10112x64xf32, #tpu.memory_space<vmem_shared>> -> memref<632x64xf32, #tpu.memory_space<vmem_shared>>
      tpu.enqueue_dma source(%dma_start3A_404 : memref<632x64xf32, #tpu.memory_space<vmem_shared>>) target(%dma_start3A_402 : memref<632x64xf32, #tpu.memory_space<hbm>>) target_semaphore(%run_scoped3A_401 : memref<!tpu.dma_semaphore, #tpu.memory_space<semaphore_mem>>)
      %dma_wait3A_405 = tpu.memref_slice %arg5[%mul3A_398, %mul3A_400] : memref<10112x128xf32, #tpu.memory_space<hbm>> -> memref<632x64xf32, #tpu.memory_space<hbm>>
      %dma_wait3A_406 = arith.constant 0 : i32
      %dma_wait3A_407 = tpu.memref_slice %arg9[%mul3A_396, %dma_wait3A_406] : memref<10112x64xf32, #tpu.memory_space<vmem_shared>> -> memref<632x64xf32, #tpu.memory_space<vmem_shared>>
      tpu.wait_dma2 semaphore(%run_scoped3A_401 : memref<!tpu.dma_semaphore, #tpu.memory_space<semaphore_mem>>) src(%dma_wait3A_407 : memref<632x64xf32, #tpu.memory_space<vmem_shared>>) dst(%dma_wait3A_405 : memref<632x64xf32, #tpu.memory_space<hbm>>)
      tpu.yield
    }) : () -> ()
    return
  }
}

module attributes {stable_mosaic.version = 14 : i64} {
  func.func @_tc_first_body(%arg0: i32, %arg1: memref<2528x128xf32, #tpu.memory_space<vmem>>, %arg2: memref<128x64xf32, #tpu.memory_space<vmem>>, %arg3: memref<2528x32xf32, #tpu.memory_space<vmem>>, %arg4: memref<2528x64xf32, #tpu.memory_space<vmem>>, %arg5: memref<2528x1xf32, #tpu.memory_space<vmem>>) attributes {dimension_semantics = [#tpu.dimension_semantics<arbitrary>], iteration_bounds = array<i64: 4>, scalar_prefetch = 0 : i64, scratch_operands = 0 : i64, tpu.core_type = #tpu.core_type<tc>, window_params = [{transform_indices = @transform_0, window_bounds = array<i64: 2528, 128>}, {pipeline_mode = #tpu.pipeline_mode<synchronous>, transform_indices = @transform_1, window_bounds = array<i64: 128, 64>}, {transform_indices = @transform_2, window_bounds = array<i64: 2528, 32>}, {transform_indices = @transform_3, window_bounds = array<i64: 2528, 64>}, {transform_indices = @transform_4, window_bounds = array<i64: 2528, 1>}]} {
    %get3A = arith.constant 0 : index
    %get3A_0 = arith.constant 0 : index
    %get3A_1 = vector.load %arg3[%get3A, %get3A_0] : memref<2528x32xf32, #tpu.memory_space<vmem>>, vector<2528x32xf32>
    %slice3A = vector.extract_strided_slice %get3A_1 {offsets = [0, 0], sizes = [2528, 1], strides = [1, 1]} : vector<2528x32xf32> to vector<2528x1xf32>
    %slice3A_2 = vector.extract_strided_slice %get3A_1 {offsets = [0, 16], sizes = [2528, 1], strides = [1, 1]} : vector<2528x32xf32> to vector<2528x1xf32>
    %add3A = arith.addf %slice3A, %slice3A_2 : vector<2528x1xf32>
    %add3A_3 = arith.constant 1.000000e+00 : f32
    %add3A_4 = vector.broadcast %add3A_3 : f32 to vector<2528x1xf32>
    %add3A_5 = arith.addf %add3A, %add3A_4 : vector<2528x1xf32>
    %rsqrt3A = math.rsqrt %add3A_5 : vector<2528x1xf32>
    %get3A_6 = arith.constant 0 : index
    %get3A_7 = arith.constant 0 : index
    %get3A_8 = vector.load %arg1[%get3A_6, %get3A_7] : memref<2528x128xf32, #tpu.memory_space<vmem>>, vector<2528x128xf32>
    %get3A_9 = arith.constant 0 : index
    %get3A_10 = arith.constant 0 : index
    %get3A_11 = vector.load %arg2[%get3A_9, %get3A_10] : memref<128x64xf32, #tpu.memory_space<vmem>>, vector<128x64xf32>
    %dot_general3A = arith.constant dense<0.000000e+00> : vector<2528x64xf32>
    %dot_general3A_12 = tpu.matmul %get3A_8, %get3A_11, %dot_general3A {dimension_numbers = #tpu.dot_dimension_numbers<[1], [0], [0], [1], [0, 0, 1, 1], [], []>, transpose_lhs_hint = false} : vector<2528x128xf32>, vector<128x64xf32>, vector<2528x64xf32> -> vector<2528x64xf32>
    %mul3A = vector.broadcast %rsqrt3A : vector<2528x1xf32> to vector<2528x64xf32>
    %mul3A_13 = arith.mulf %dot_general3A_12, %mul3A : vector<2528x64xf32>
    %swap3A = arith.constant 0 : index
    %swap3A_14 = arith.constant 0 : index
    %swap3A_15 = vector.load %arg4[%swap3A, %swap3A_14] : memref<2528x64xf32, #tpu.memory_space<vmem>>, vector<2528x64xf32>
    tpu.vector_store %arg4[%swap3A, %swap3A_14], %mul3A_13 {strides = array<i32>} : memref<2528x64xf32, #tpu.memory_space<vmem>>, vector<2528x64xf32>,
    %swap3A_16 = arith.constant 0 : index
    %swap3A_17 = arith.constant 0 : index
    %swap3A_18 = vector.load %arg5[%swap3A_16, %swap3A_17] : memref<2528x1xf32, #tpu.memory_space<vmem>>, vector<2528x1xf32>
    tpu.vector_store %arg5[%swap3A_16, %swap3A_17], %rsqrt3A {strides = array<i32>} : memref<2528x1xf32, #tpu.memory_space<vmem>>, vector<2528x1xf32>,
    return
  }
  func.func @transform_0(%arg0: i32) -> (i32, i32) {
    %c0_i32 = arith.constant 0 : i32
    %c0_i32_0 = arith.constant 0 : i32
    return %arg0, %c0_i32 : i32, i32
  }
  func.func @transform_1(%arg0: i32) -> (i32, i32) {
    %c0_i32 = arith.constant 0 : i32
    %c0_i32_0 = arith.constant 0 : i32
    %c0_i32_1 = arith.constant 0 : i32
    return %c0_i32, %c0_i32_0 : i32, i32
  }
  func.func @transform_2(%arg0: i32) -> (i32, i32) {
    %c0_i32 = arith.constant 0 : i32
    %c0_i32_0 = arith.constant 0 : i32
    return %arg0, %c0_i32 : i32, i32
  }
  func.func @transform_3(%arg0: i32) -> (i32, i32) {
    %c0_i32 = arith.constant 0 : i32
    %c0_i32_0 = arith.constant 0 : i32
    return %arg0, %c0_i32 : i32, i32
  }
  func.func @transform_4(%arg0: i32) -> (i32, i32) {
    %c0_i32 = arith.constant 0 : i32
    %c0_i32_0 = arith.constant 0 : i32
    return %arg0, %c0_i32 : i32, i32
  }
}

module attributes {stable_mosaic.version = 14 : i64} {
  func.func @_tc_mid_body(%arg0: i32, %arg1: memref<2528x128xf32, #tpu.memory_space<vmem>>, %arg2: memref<2528x64xf32, #tpu.memory_space<vmem>>, %arg3: memref<2528x1xf32, #tpu.memory_space<vmem>>, %arg4: memref<1x64xf32, #tpu.memory_space<vmem>>, %arg5: memref<64x64xf32, #tpu.memory_space<vmem>>, %arg6: memref<2528x64xf32, #tpu.memory_space<vmem>>) attributes {dimension_semantics = [#tpu.dimension_semantics<arbitrary>], iteration_bounds = array<i64: 4>, scalar_prefetch = 0 : i64, scratch_operands = 0 : i64, tpu.core_type = #tpu.core_type<tc>, window_params = [{transform_indices = @transform_0, window_bounds = array<i64: 2528, 128>}, {transform_indices = @transform_1, window_bounds = array<i64: 2528, 64>}, {transform_indices = @transform_2, window_bounds = array<i64: 2528, 1>}, {pipeline_mode = #tpu.pipeline_mode<synchronous>, transform_indices = @transform_3, window_bounds = array<i64: 1, 64>}, {pipeline_mode = #tpu.pipeline_mode<synchronous>, transform_indices = @transform_4, window_bounds = array<i64: 64, 64>}, {transform_indices = @transform_5, window_bounds = array<i64: 2528, 64>}]} {
    %get3A = arith.constant 0 : index
    %get3A_0 = arith.constant 0 : index
    %get3A_1 = vector.load %arg3[%get3A, %get3A_0] : memref<2528x1xf32, #tpu.memory_space<vmem>>, vector<2528x1xf32>
    %get3A_2 = arith.constant 0 : index
    %get3A_3 = arith.constant 0 : index
    %get3A_4 = vector.load %arg1[%get3A_2, %get3A_3] : memref<2528x128xf32, #tpu.memory_space<vmem>>, vector<2528x128xf32>
    %slice3A = vector.extract_strided_slice %get3A_4 {offsets = [0, 0], sizes = [2528, 64], strides = [1, 1]} : vector<2528x128xf32> to vector<2528x64xf32>
    %slice3A_5 = vector.extract_strided_slice %get3A_4 {offsets = [0, 64], sizes = [2528, 64], strides = [1, 1]} : vector<2528x128xf32> to vector<2528x64xf32>
    %add3A = arith.addf %slice3A, %slice3A_5 : vector<2528x64xf32>
    %get3A_6 = arith.constant 0 : index
    %get3A_7 = arith.constant 0 : index
    %get3A_8 = vector.load %arg2[%get3A_6, %get3A_7] : memref<2528x64xf32, #tpu.memory_space<vmem>>, vector<2528x64xf32>
    %add3A_9 = arith.addf %add3A, %get3A_8 : vector<2528x64xf32>
    %mul3A = vector.broadcast %get3A_1 : vector<2528x1xf32> to vector<2528x64xf32>
    %mul3A_10 = arith.mulf %mul3A, %add3A_9 : vector<2528x64xf32>
    %get3A_11 = arith.constant 0 : index
    %get3A_12 = arith.constant 0 : index
    %get3A_13 = vector.load %arg4[%get3A_11, %get3A_12] : memref<1x64xf32, #tpu.memory_space<vmem>>, vector<1x64xf32>
    %add3A_14 = vector.broadcast %get3A_13 : vector<1x64xf32> to vector<2528x64xf32>
    %add3A_15 = arith.addf %mul3A_10, %add3A_14 : vector<2528x64xf32>
    %max3A = arith.constant 0.000000e+00 : f32
    %max3A_16 = vector.broadcast %max3A : f32 to vector<2528x64xf32>
    %max3A_17 = arith.maximumf %add3A_15, %max3A_16 : vector<2528x64xf32>
    %get3A_18 = arith.constant 0 : index
    %get3A_19 = arith.constant 0 : index
    %get3A_20 = vector.load %arg5[%get3A_18, %get3A_19] : memref<64x64xf32, #tpu.memory_space<vmem>>, vector<64x64xf32>
    %dot_general3A = arith.constant dense<0.000000e+00> : vector<2528x64xf32>
    %dot_general3A_21 = tpu.matmul %max3A_17, %get3A_20, %dot_general3A {dimension_numbers = #tpu.dot_dimension_numbers<[1], [0], [0], [1], [0, 0, 1, 1], [], []>, transpose_lhs_hint = false} : vector<2528x64xf32>, vector<64x64xf32>, vector<2528x64xf32> -> vector<2528x64xf32>
    %mul3A_22 = vector.broadcast %get3A_1 : vector<2528x1xf32> to vector<2528x64xf32>
    %mul3A_23 = arith.mulf %dot_general3A_21, %mul3A_22 : vector<2528x64xf32>
    %swap3A = arith.constant 0 : index
    %swap3A_24 = arith.constant 0 : index
    %swap3A_25 = vector.load %arg6[%swap3A, %swap3A_24] : memref<2528x64xf32, #tpu.memory_space<vmem>>, vector<2528x64xf32>
    tpu.vector_store %arg6[%swap3A, %swap3A_24], %mul3A_23 {strides = array<i32>} : memref<2528x64xf32, #tpu.memory_space<vmem>>, vector<2528x64xf32>,
    return
  }
  func.func @transform_0(%arg0: i32) -> (i32, i32) {
    %c0_i32 = arith.constant 0 : i32
    %c0_i32_0 = arith.constant 0 : i32
    return %arg0, %c0_i32 : i32, i32
  }
  func.func @transform_1(%arg0: i32) -> (i32, i32) {
    %c0_i32 = arith.constant 0 : i32
    %c0_i32_0 = arith.constant 0 : i32
    return %arg0, %c0_i32 : i32, i32
  }
  func.func @transform_2(%arg0: i32) -> (i32, i32) {
    %c0_i32 = arith.constant 0 : i32
    %c0_i32_0 = arith.constant 0 : i32
    return %arg0, %c0_i32 : i32, i32
  }
  func.func @transform_3(%arg0: i32) -> (i32, i32) {
    %c0_i32 = arith.constant 0 : i32
    %c0_i32_0 = arith.constant 0 : i32
    %c0_i32_1 = arith.constant 0 : i32
    return %c0_i32, %c0_i32_0 : i32, i32
  }
  func.func @transform_4(%arg0: i32) -> (i32, i32) {
    %c0_i32 = arith.constant 0 : i32
    %c0_i32_0 = arith.constant 0 : i32
    %c0_i32_1 = arith.constant 0 : i32
    return %c0_i32, %c0_i32_0 : i32, i32
  }
  func.func @transform_5(%arg0: i32) -> (i32, i32) {
    %c0_i32 = arith.constant 0 : i32
    %c0_i32_0 = arith.constant 0 : i32
    return %arg0, %c0_i32 : i32, i32
  }
}

module attributes {stable_mosaic.version = 14 : i64} {
  func.func @_tc_mid_body(%arg0: i32, %arg1: memref<2528x128xf32, #tpu.memory_space<vmem>>, %arg2: memref<2528x64xf32, #tpu.memory_space<vmem>>, %arg3: memref<2528x1xf32, #tpu.memory_space<vmem>>, %arg4: memref<1x64xf32, #tpu.memory_space<vmem>>, %arg5: memref<64x16xf32, #tpu.memory_space<vmem>>, %arg6: memref<2528x16xf32, #tpu.memory_space<vmem>>) attributes {dimension_semantics = [#tpu.dimension_semantics<arbitrary>], iteration_bounds = array<i64: 4>, scalar_prefetch = 0 : i64, scratch_operands = 0 : i64, tpu.core_type = #tpu.core_type<tc>, window_params = [{transform_indices = @transform_0, window_bounds = array<i64: 2528, 128>}, {transform_indices = @transform_1, window_bounds = array<i64: 2528, 64>}, {transform_indices = @transform_2, window_bounds = array<i64: 2528, 1>}, {pipeline_mode = #tpu.pipeline_mode<synchronous>, transform_indices = @transform_3, window_bounds = array<i64: 1, 64>}, {pipeline_mode = #tpu.pipeline_mode<synchronous>, transform_indices = @transform_4, window_bounds = array<i64: 64, 16>}, {transform_indices = @transform_5, window_bounds = array<i64: 2528, 16>}]} {
    %get3A = arith.constant 0 : index
    %get3A_0 = arith.constant 0 : index
    %get3A_1 = vector.load %arg3[%get3A, %get3A_0] : memref<2528x1xf32, #tpu.memory_space<vmem>>, vector<2528x1xf32>
    %get3A_2 = arith.constant 0 : index
    %get3A_3 = arith.constant 0 : index
    %get3A_4 = vector.load %arg1[%get3A_2, %get3A_3] : memref<2528x128xf32, #tpu.memory_space<vmem>>, vector<2528x128xf32>
    %slice3A = vector.extract_strided_slice %get3A_4 {offsets = [0, 0], sizes = [2528, 64], strides = [1, 1]} : vector<2528x128xf32> to vector<2528x64xf32>
    %slice3A_5 = vector.extract_strided_slice %get3A_4 {offsets = [0, 64], sizes = [2528, 64], strides = [1, 1]} : vector<2528x128xf32> to vector<2528x64xf32>
    %add3A = arith.addf %slice3A, %slice3A_5 : vector<2528x64xf32>
    %get3A_6 = arith.constant 0 : index
    %get3A_7 = arith.constant 0 : index
    %get3A_8 = vector.load %arg2[%get3A_6, %get3A_7] : memref<2528x64xf32, #tpu.memory_space<vmem>>, vector<2528x64xf32>
    %add3A_9 = arith.addf %add3A, %get3A_8 : vector<2528x64xf32>
    %mul3A = vector.broadcast %get3A_1 : vector<2528x1xf32> to vector<2528x64xf32>
    %mul3A_10 = arith.mulf %mul3A, %add3A_9 : vector<2528x64xf32>
    %get3A_11 = arith.constant 0 : index
    %get3A_12 = arith.constant 0 : index
    %get3A_13 = vector.load %arg4[%get3A_11, %get3A_12] : memref<1x64xf32, #tpu.memory_space<vmem>>, vector<1x64xf32>
    %add3A_14 = vector.broadcast %get3A_13 : vector<1x64xf32> to vector<2528x64xf32>
    %add3A_15 = arith.addf %mul3A_10, %add3A_14 : vector<2528x64xf32>
    %max3A = arith.constant 0.000000e+00 : f32
    %max3A_16 = vector.broadcast %max3A : f32 to vector<2528x64xf32>
    %max3A_17 = arith.maximumf %add3A_15, %max3A_16 : vector<2528x64xf32>
    %get3A_18 = arith.constant 0 : index
    %get3A_19 = arith.constant 0 : index
    %get3A_20 = vector.load %arg5[%get3A_18, %get3A_19] : memref<64x16xf32, #tpu.memory_space<vmem>>, vector<64x16xf32>
    %dot_general3A = arith.constant dense<0.000000e+00> : vector<2528x16xf32>
    %dot_general3A_21 = tpu.matmul %max3A_17, %get3A_20, %dot_general3A {dimension_numbers = #tpu.dot_dimension_numbers<[1], [0], [0], [1], [0, 0, 1, 1], [], []>, transpose_lhs_hint = false} : vector<2528x64xf32>, vector<64x16xf32>, vector<2528x16xf32> -> vector<2528x16xf32>
    %mul3A_22 = vector.broadcast %get3A_1 : vector<2528x1xf32> to vector<2528x16xf32>
    %mul3A_23 = arith.mulf %dot_general3A_21, %mul3A_22 : vector<2528x16xf32>
    %swap3A = arith.constant 0 : index
    %swap3A_24 = arith.constant 0 : index
    %swap3A_25 = vector.load %arg6[%swap3A, %swap3A_24] : memref<2528x16xf32, #tpu.memory_space<vmem>>, vector<2528x16xf32>
    tpu.vector_store %arg6[%swap3A, %swap3A_24], %mul3A_23 {strides = array<i32>} : memref<2528x16xf32, #tpu.memory_space<vmem>>, vector<2528x16xf32>,
    return
  }
  func.func @transform_0(%arg0: i32) -> (i32, i32) {
    %c0_i32 = arith.constant 0 : i32
    %c0_i32_0 = arith.constant 0 : i32
    return %arg0, %c0_i32 : i32, i32
  }
  func.func @transform_1(%arg0: i32) -> (i32, i32) {
    %c0_i32 = arith.constant 0 : i32
    %c0_i32_0 = arith.constant 0 : i32
    return %arg0, %c0_i32 : i32, i32
  }
  func.func @transform_2(%arg0: i32) -> (i32, i32) {
    %c0_i32 = arith.constant 0 : i32
    %c0_i32_0 = arith.constant 0 : i32
    return %arg0, %c0_i32 : i32, i32
  }
  func.func @transform_3(%arg0: i32) -> (i32, i32) {
    %c0_i32 = arith.constant 0 : i32
    %c0_i32_0 = arith.constant 0 : i32
    %c0_i32_1 = arith.constant 0 : i32
    return %c0_i32, %c0_i32_0 : i32, i32
  }
  func.func @transform_4(%arg0: i32) -> (i32, i32) {
    %c0_i32 = arith.constant 0 : i32
    %c0_i32_0 = arith.constant 0 : i32
    %c0_i32_1 = arith.constant 0 : i32
    return %c0_i32, %c0_i32_0 : i32, i32
  }
  func.func @transform_5(%arg0: i32) -> (i32, i32) {
    %c0_i32 = arith.constant 0 : i32
    %c0_i32_0 = arith.constant 0 : i32
    return %arg0, %c0_i32 : i32, i32
  }
}

module attributes {stable_mosaic.version = 14 : i64} {
  func.func @_tc_last_body(%arg0: i32, %arg1: memref<2528x32xf32, #tpu.memory_space<vmem>>, %arg2: memref<2528x16xf32, #tpu.memory_space<vmem>>, %arg3: memref<2528x1xf32, #tpu.memory_space<vmem>>, %arg4: memref<1x4xf32, #tpu.memory_space<vmem>>, %arg5: memref<2528x4xf32, #tpu.memory_space<vmem>>) attributes {dimension_semantics = [#tpu.dimension_semantics<arbitrary>], iteration_bounds = array<i64: 4>, scalar_prefetch = 0 : i64, scratch_operands = 0 : i64, tpu.core_type = #tpu.core_type<tc>, window_params = [{transform_indices = @transform_0, window_bounds = array<i64: 2528, 32>}, {transform_indices = @transform_1, window_bounds = array<i64: 2528, 16>}, {transform_indices = @transform_2, window_bounds = array<i64: 2528, 1>}, {pipeline_mode = #tpu.pipeline_mode<synchronous>, transform_indices = @transform_3, window_bounds = array<i64: 1, 4>}, {transform_indices = @transform_4, window_bounds = array<i64: 2528, 4>}]} {
    %get3A = arith.constant 0 : index
    %get3A_0 = arith.constant 0 : index
    %get3A_1 = vector.load %arg1[%get3A, %get3A_0] : memref<2528x32xf32, #tpu.memory_space<vmem>>, vector<2528x32xf32>
    %get3A_2 = arith.constant 0 : index
    %get3A_3 = arith.constant 0 : index
    %get3A_4 = vector.load %arg3[%get3A_2, %get3A_3] : memref<2528x1xf32, #tpu.memory_space<vmem>>, vector<2528x1xf32>
    %slice3A = vector.extract_strided_slice %get3A_1 {offsets = [0, 0], sizes = [2528, 16], strides = [1, 1]} : vector<2528x32xf32> to vector<2528x16xf32>
    %slice3A_5 = vector.extract_strided_slice %get3A_1 {offsets = [0, 16], sizes = [2528, 16], strides = [1, 1]} : vector<2528x32xf32> to vector<2528x16xf32>
    %add3A = arith.addf %slice3A, %slice3A_5 : vector<2528x16xf32>
    %get3A_6 = arith.constant 0 : index
    %get3A_7 = arith.constant 0 : index
    %get3A_8 = vector.load %arg2[%get3A_6, %get3A_7] : memref<2528x16xf32, #tpu.memory_space<vmem>>, vector<2528x16xf32>
    %add3A_9 = arith.addf %add3A, %get3A_8 : vector<2528x16xf32>
    %mul3A = vector.broadcast %get3A_4 : vector<2528x1xf32> to vector<2528x16xf32>
    %mul3A_10 = arith.mulf %mul3A, %add3A_9 : vector<2528x16xf32>
    %slice3A_11 = vector.extract_strided_slice %mul3A_10 {offsets = [0, 0], sizes = [2528, 4], strides = [1, 1]} : vector<2528x16xf32> to vector<2528x4xf32>
    %get3A_12 = arith.constant 0 : index
    %get3A_13 = arith.constant 0 : index
    %get3A_14 = vector.load %arg4[%get3A_12, %get3A_13] : memref<1x4xf32, #tpu.memory_space<vmem>>, vector<1x4xf32>
    %add3A_15 = vector.broadcast %get3A_14 : vector<1x4xf32> to vector<2528x4xf32>
    %add3A_16 = arith.addf %slice3A_11, %add3A_15 : vector<2528x4xf32>
    %swap3A = arith.constant 0 : index
    %swap3A_17 = arith.constant 0 : index
    %swap3A_18 = vector.load %arg5[%swap3A, %swap3A_17] : memref<2528x4xf32, #tpu.memory_space<vmem>>, vector<2528x4xf32>
    tpu.vector_store %arg5[%swap3A, %swap3A_17], %add3A_16 {strides = array<i32>} : memref<2528x4xf32, #tpu.memory_space<vmem>>, vector<2528x4xf32>,
    return
  }
  func.func @transform_0(%arg0: i32) -> (i32, i32) {
    %c0_i32 = arith.constant 0 : i32
    %c0_i32_0 = arith.constant 0 : i32
    return %arg0, %c0_i32 : i32, i32
  }
  func.func @transform_1(%arg0: i32) -> (i32, i32) {
    %c0_i32 = arith.constant 0 : i32
    %c0_i32_0 = arith.constant 0 : i32
    return %arg0, %c0_i32 : i32, i32
  }
  func.func @transform_2(%arg0: i32) -> (i32, i32) {
    %c0_i32 = arith.constant 0 : i32
    %c0_i32_0 = arith.constant 0 : i32
    return %arg0, %c0_i32 : i32, i32
  }
  func.func @transform_3(%arg0: i32) -> (i32, i32) {
    %c0_i32 = arith.constant 0 : i32
    %c0_i32_0 = arith.constant 0 : i32
    %c0_i32_1 = arith.constant 0 : i32
    return %c0_i32, %c0_i32_0 : i32, i32
  }
  func.func @transform_4(%arg0: i32) -> (i32, i32) {
    %c0_i32 = arith.constant 0 : i32
    %c0_i32_0 = arith.constant 0 : i32
    return %arg0, %c0_i32 : i32, i32
  }
}

</mosaic_0001>

<sc_bundles>
// kernel: kernel.10.cloned.1.call-start
scs
__scs_entry_jumppad:
0x0: {  	(pc) =	sbr.rel $0x88, $3  }
0x1: {  	(tag) =	ssettag $0x0;
	lr =	simm.s32 $0x1  }
0x2: {  	[smem:$0x3F99] =	sst lr;
	_ =	strace $0xD0000000  }
0x3: {  	_ = 	snop  }
0x4: {  	_ = 	snop  }
0x5: {  	_ = 	snop  }
0x6: {  	_ = 	snop  }
0x7: {  	_ = 	snop  }
__scs_overlays_trampoline_lowered:
0x8: {  	[smem:$0x3FA8] =	sst s0  }
0x9: {  	[smem:$0x3FA9] =	sst s1  }
0xa: {  	[smem:$0x3FAA] =	sst s2  }
0xb: {  	[smem:$0x3FAB] =	sst s3  }
0xc: {  	[smem:$0x3FAC] =	sst s4  }
0xd: {  	[smem:$0x3FAD] =	sst s5  }
0xe: {  	[smem:$0x3FAE] =	sst s6  }
0xf: {  	[smem:$0x3FAF] =	sst s7  }
0x10: {  	[smem:$0x3FB0] =	sst s8  }
0x11: {  	[smem:$0x3FB1] =	sst s9;
	s0 =	simm.s32 @!p0 $0x0  }
0x12: {  	s1 =	sld [smem:$0x3F97];
	s0 =	simm.s32 @p0 $0x1  }
0x13: {  	[smem:$0x3FB2] =	sst s0;
	s0 =	simm.s32 @!p1 $0x0  }
0x14: {  	s2 =	sld [smem:$0x3F96];
	s0 =	simm.s32 @p1 $0x1  }
0x15: {  	[smem:$0x3FB3] =	sst s0;
	s0 =	simm.s32 @!p2 $0x0  }
0x16: {  	s3 =	sld [smem:$0x3FDB];
	s0 =	simm.s32 @p2 $0x1  }
0x17: {  	s4 =	simm.s32 $0x1BF5;
	[smem:$0x3FB5] =	sst s0  }
0x18: {  	s0 =	sld [smem:$0x3F98];
	_ =	swait.ge [sflag:s4], $0x0  }
0x19: {  	s7 =	sld [smem:$0x3F99]  }
0x1a: {  	s8 =	sadd.s32 $0xFFFFE003, lr  }
0x1b: {  	s9 =	sadd.s32 $0xFFFFFEF7, lr;
	s5 =	simm.s32 $0xFFFFFFFF;
	p2 =	slt.u32 s8, $0xFFFFF086  }
0x1c: {  	p1 =	slt.u32 s9, $0xF7A;
	s5 =	simm.s32 @!p2 $0x0  }
0x1d: {  	s5 =	simm.s32 @p1 $0x1;
	p0 =	seq.s32 s7, s2  }
0x1e: {  	s7 =	smul.u32 @!p0 $0xF7A, s2;
	p2 =	seq.s32 @!p0 s5, $0x0  }
0x1f: {  	s9 =	smul.u32 $0xF7A, s1;
	s8 =	simm.s32 @!p0 $0x1BF5;
	p2 =	por !p2, p0  }
0x20: {  	[sflag:s8] =	ssyncset.s32 @!p0 $0xFFFFF086;
	s6 =	sadd.s32 @!p0 s3, s7;
	s7 =	simm.s32 @!p0 $0x108  }
0x21: {  	s3 =	sadd.s32 s3, s9;
	s6 =	sadd.s32 @!p0 $0x88, s6;
	s7 =	simm.s32 @p2 $0x1082  }
0x22: {  	[simem:s7], [sflag:s8] =	dma.local @!p0 [hbm:s6], $0xF7A  }
0x23: {  	s9 =	sor.u32 $0xD0000000, s2;
	s6 =	simm.s32 $0x108;
	_ =	swait.ge @!p0 [sflag:s8], $0x0  }
0x24: {  	s3 =	sadd.s32 $0x88, s3;
	s6 =	simm.s32 @!p1 $0x1082;
	[sflag:s4] =	ssyncset.s32 $0xFFFFF086  }
0x25: {  	[simem:s6], [sflag:s4] =	dma.local [hbm:s3], $0xF7A  }
0x26: {  	[smem:$0x3F99] =	sst s1;
	(tag) =	ssettag s2;
	_ =	strace s9  }
0x27: {  	s1 =	sld [smem:$0x3FA9]  }
0x28: {  	s2 =	sld [smem:$0x3FAA]  }
0x29: {  	s4 =	sld [smem:$0x3FAC]  }
0x2a: {  	p0 =	seq.s32 s5, $0x0;
	s5 =	sld [smem:$0x3FAD]  }
0x2b: {  	s6 =	sld [smem:$0x3FAE]  }
0x2c: {  	s7 =	sld [smem:$0x3FAF]  }
0x2d: {  	s3 =	simm.s32 $0x108;
	s8 =	sld [smem:$0x3FB0]  }
0x2e: {  	s3 =	simm.s32 @!p0 $0x1082;
	s9 =	sld [smem:$0x3FB1]  }
0x2f: {  	lr =	sadd.s32 s0, s3;
	s0 =	sld [smem:$0x3FA8]  }
0x30: {  	s3 =	sld [smem:$0x3FAB]  }
0x31: {  	[smem:$0x3FB4] =	sst s10  }
0x32: {  	s10 =	sld [smem:$0x3FB2];
	_ =	sdelay $0x3  }
0x33: {  	p0 =	seq.s32 s10, $0x1;
	s10 =	sld [smem:$0x3FB4];
	_ =	sdelay $0x3  }
0x34: {  	[smem:$0x3FB4] =	sst s10  }
0x35: {  	s10 =	sld [smem:$0x3FB3];
	_ =	sdelay $0x3  }
0x36: {  	p1 =	seq.s32 s10, $0x1;
	s10 =	sld [smem:$0x3FB4];
	_ =	sdelay $0x3  }
0x37: {  	[smem:$0x3FB4] =	sst s10  }
0x38: {  	s10 =	sld [smem:$0x3FB5]  }
0x39: {  	_ = 	snop;
	(pc) =	sbr.ind lr, $3  }
0x3a: {  	_ = 	snop  }
0x3b: {  	_ = 	snop  }
0x3c: {  	p2 =	seq.s32 s10, $0x1;
	s10 =	sld [smem:$0x3FB4]  }
0x3d: {  	_ =	shalt  }
0x3e: {  	_ =	shalt  }
0x3f: {  	_ =	shalt  }
0x40: {  	_ =	shalt  }
0x41: {  	_ =	shalt  }
0x42: {  	_ =	shalt  }
0x43: {  	_ =	shalt  }
0x44: {  	_ =	shalt  }
0x45: {  	_ =	shalt  }
0x46: {  	_ =	shalt  }
0x47: {  	_ =	shalt  }
0x48: {  	_ =	shalt  }
0x49: {  	_ =	shalt  }
0x4a: {  	_ =	shalt  }
0x4b: {  	_ =	shalt  }
0x4c: {  	_ =	shalt  }
0x4d: {  	_ =	shalt  }
0x4e: {  	_ =	shalt  }
0x4f: {  	_ =	shalt  }
0x50: {  	_ =	shalt  }
0x51: {  	_ =	shalt  }
0x52: {  	_ =	shalt  }
0x53: {  	_ =	shalt  }
0x54: {  	_ =	shalt  }
0x55: {  	_ =	shalt  }
0x56: {  	_ =	shalt  }
0x57: {  	_ =	shalt  }
0x58: {  	_ =	shalt  }
0x59: {  	_ =	shalt  }
0x5a: {  	_ =	shalt  }
0x5b: {  	_ =	shalt  }
0x5c: {  	_ =	shalt  }
0x5d: {  	_ =	shalt  }
0x5e: {  	_ =	shalt  }
0x5f: {  	_ =	shalt  }
0x60: {  	_ =	shalt  }
0x61: {  	_ =	shalt  }
0x62: {  	_ =	shalt  }
0x63: {  	_ =	shalt  }
0x64: {  	_ =	shalt  }
0x65: {  	_ =	shalt  }
0x66: {  	_ =	shalt  }
0x67: {  	_ =	shalt  }
0x68: {  	_ =	shalt  }
0x69: {  	_ =	shalt  }
0x6a: {  	_ =	shalt  }
0x6b: {  	_ =	shalt  }
0x6c: {  	_ =	shalt  }
0x6d: {  	_ =	shalt  }
0x6e: {  	_ =	shalt  }
0x6f: {  	_ =	shalt  }
0x70: {  	_ =	shalt  }
0x71: {  	_ =	shalt  }
0x72: {  	_ =	shalt  }
0x73: {  	_ =	shalt  }
0x74: {  	_ =	shalt  }
0x75: {  	_ =	shalt  }
0x76: {  	_ =	shalt  }
0x77: {  	_ =	shalt  }
0x78: {  	_ =	shalt  }
0x79: {  	_ =	shalt  }
0x7a: {  	_ =	shalt  }
0x7b: {  	_ =	shalt  }
0x7c: {  	_ =	shalt  }
0x7d: {  	_ =	shalt  }
0x7e: {  	_ =	shalt  }
0x7f: {  	_ =	shalt  }
0x80: {  	_ =	shalt  }
0x81: {  	_ =	shalt  }
0x82: {  	_ =	shalt  }
0x83: {  	_ =	shalt  }
0x84: {  	_ =	shalt  }
0x85: {  	_ =	shalt  }
0x86: {  	_ =	shalt  }
0x87: {  	_ =	shalt  }
.Lfunc_end0:
.L_simem_size_0:
called_computation_lowered:
.L_overlay_start_0:
0x88: {  	s2 =	sld [smem:$0x3FD9]  }
0x89: {  	s3 =	sld [smem:$0x3FFE];
	_ =	sdelay $0x1  }
0x8a: {  	s1 =	srdreg.scid  }
0x8b: {  	s0 =	sand.u32 $0x1, s1  }
0x8c: {  	s17 =	sshll.u32 s0, $0xA;
	s2 =	sadd.s32 s3, s2  }
0x8d: {  	s2 =	sadd.s32 s2, s17  }
0x8e: {  	[smem:$0x3FC0] =	sst s2  }
0x8f: {  	_ = 	snop  }
0x90: {  	s2 =	sld [smem:$0x3FD0];
	(tm) =	ssettm $0x1  }
0x91: {  	s18 =	sld [smem:$0x3FFB];
	_ =	sdelay $0x3  }
0x92: {  	_ =	strace s18  }
0x93: {  	s3 =	sld [smem:$0x3FFC];
	_ =	sdelay $0x3  }
0x94: {  	_ =	strace s3  }
0x95: {  	s3 =	sld [smem:$0x3FFD];
	_ =	sdelay $0x3  }
0x96: {  	_ =	strace s3  }
0x97: {  	_ =	strace $0x8FFFFFFF  }
0x98: {  	s19 =	sld [smem:$0x3FDB];
	_ =	sdelay $0x1  }
0x99: {  	s4 =	simm.s32 $_scs_section_size  }
0x9a: {  	s5 =	simm.s32 $_size__tile_overlayer_lowered;
	s6 =	simm.s32 $_tile_overlayer_lowered  }
0x9b: {  	s22 =	simm.s32 $0x1BFF;
	s21 =	sshll.u32 s6, $0x1;
	s3 =	sadd.s32 s4, s19  }
0x9c: {  	s7 =	simm.s32 $0x0;
	s20 =	sshll.u32 s5, $0x1;
	s5 =	sadd.s32 s21, s3  }
0x9d: {  	[timem:s7], [sflag:s22] =	dma.local [hbm:s5], s20  }
0x9e: {  	_ =	swait.ge [sflag:s22], s20  }
0x9f: {  	s4 =	ssub.s32 $0x0, s20;
	[sflag:s22] =	ssyncset.done $0x0  }
0xa0: {  	[sflag:s22] =	ssyncadd.s32 s4;
	_ =	sdelay $0x1  }
0xa1: {  	s23 =	simm.s32 $0x1B8B  }
0xa2: {  	_ =	swait.ge [sflag:s23], $0x1  }
0xa3: {  	[sflag:s23] =	ssyncset.done $0x0  }
0xa4: {  	s25 =	simm.s32 $0x1B8E;
	s24 =	sld [smem:$0x3FFE];
	[sflag:s23] =	ssyncadd.s32 $0xFFFFFFFF  }
0xa5: {  	s26 =	simm.s32 $execute0_lowered;
	[smem:$0x3FD2] =	sst s25  }
0xa6: {  	s5 =	sshll.u32 s26, $0x1;
	_ =	strace $0x80000046;
	[dreg:$0x1] =	wrdreg $0xFFFFFFFF  }
0xa7: {  	s28 =	simm.s32 $_size_execute0_lowered;
	s3 =	sadd.s32 s3, s5;
	[dreg:$0x0] =	wrdreg $0x0  }
0xa8: {  	s5 =	sshll.u32 s28, $0x1;
	[dreg:$0x2] =	wrdreg s3  }
0xa9: {  	[dreg:$0x3] =	wrdreg s5  }
0xaa: {  	[dreg:$0x4] =	wrdreg $0xC0  }
0xab: {  	_ =	task [dreg:s7], $0x5FFFF  }
0xac: {  	[dreg:$0x1] =	wrdreg $0xFFFFFFFF  }
0xad: {  	[dreg:$0x0] =	wrdreg $0x60  }
0xae: {  	[dreg:$0x2] =	wrdreg s24  }
0xaf: {  	[dreg:$0x3] =	wrdreg s2  }
0xb0: {  	[dreg:$0x4] =	wrdreg $0x2FD00  }
0xb1: {  	[dreg:$0x5] =	wrdreg $0x9  }
0xb2: {  	_ =	task.clear_ibuf [dreg:s7], $0x6FFFF;
	_ =	strace $0x90000046  }
0xb3: {  	s29 =	simm.s32 $0x9;
	_ =	strace $0x80000048  }
0xb4: {  	_ =	swait.ge [sflag:s29], $0x1  }
0xb5: {  	[sflag:s29] =	ssyncadd.s32 $0xFFFFFFFF  }
0xb6: {  	_ =	strace $0x90000048  }
0xb7: {  	_ =	sfence  }
0xb8: {  	s30 =	sld [smem:$0x0];
	_ =	sdelay $0x2  }
0xb9: {  	s31 =	sshll.u32 s1, $0xD;
	s1 =	sshrl.u32 s1, $0x2  }
0xba: {  	s3 =	sand.u32 $0x4000, s31;
	s1 =	sadd.s32 s1, s30  }
0xbb: {  	s0 =	sor.u32 s3, s0;
	s1 =	sshll.u32 s1, $0x11  }
0xbc: {  	s0 =	sor.u32 s1, s0  }
0xbd: {  	s0 =	sadd.s32 $0x8F2B, s0  }
0xbe: {  	[sflag:s0] =	ssyncadd.remote.s32 $0x1  }
0xbf: {  	_ =	sfence.sel $0xFFFF  }
0xc0: {  	[dreg:$0x0] =	wrdreg $0xFFFFFFFF;
	(pc) =	sbr.abs _section_cstart, $3  }
0xc1: {  	[dreg:$0x1] =	wrdreg $0xFFFFFFFF  }
0xc2: {  	_ =	task.clear_ibuf [dreg:s7], $0x2FFFF;
	_ =	strace $0x9FFFFFFF  }
0xc3: {  	(tm) =	ssettm $0x7FFFFFFF  }
tec
execute0_lowered:
.L_overlay_start_1:
0x0: {  	(tag) =	ssettag $0x1  }
0x1: {  	s6 =	rddreg [dreg:$0x0]  }
0x2: {  	s1 =	srdreg.scid;
	s2 =	rddreg [dreg:$0x1]  }
0x3: {  	s0 =	stileid.u32;
	s3 =	rddreg [dreg:$0x2]  }
0x4: {  	s4 =	simm.s32 $0x0;
	s13 =	simm.s32 $0x7D;
	s14 =	simm.s32 $0x1  }
0x5: {  	s15 =	simm.s32 $0x4;
	s7 =	sand.u32 $0x1, s1;
	s1 =	rddreg [dreg:$0x3]  }
0x6: {  	s16 =	simm.s32 $0x0;
	s8 =	smul.u32 $0x4F00, s0;
	[smem:$0x7FF] =	sst s4  }
0x7: {  	s10 =	smul.u32 $0x9E00, s0;
	s31 =	sshll.u32 s0, $0x6;
	s5 =	sshll.u32 s7, $0x4  }
0x8: {  	_ =	strace $0x80000047;
	s7 =	ssub.s32 $0x2, s7;
	s9 =	sor.u32 s0, s5  }
0x9: {  	s8 =	sor.u32 s5, s8;
	s5 =	sadd.s32 $0x16E00, s6;
	s11 =	sshrl.u32 s7, $0x1  }
0xa: {  	s30 =	sshrl.u32 s10, $0x2;
	s10 =	simm.s32 $0x2800;
	s9 =	smul.u32 $0x2800, s9  }
0xb: {  	s8 =	sshrl.u32 s8, $0x3;
	s29 =	ssub.s32 s7, s11;
	s12 =	sadd.s32 s30, s3  }
0xc: {  	s11 =	sor.u32 $0x1C02, s31;
	s8 =	sadd.s32 s8, s6;
	s9 =	sshrl.u32 s9, $0x3  }
0xd: {  	s12 =	sshrl.u32 s12, $0x3;
	s7 =	sadd.s32 $0x17000, s8;
	s6 =	sadd.s32 s6, s9  }
0xe: {  	s8 =	smax.u32 s29, $0x1;
	s9 =	simm.s32 $0x2;
	s6 =	sadd.s32 $0xCE00, s6  }
.LBB2_1:
0xf: {  	[tilespmem:s4], [sflag:$0x2] =	stream.linear.gather [hbm4b:s6+s4], $0x2800, $0x38;
	[tilespmem:$0x5750] =	vst v63  }
0x10: {  	_ =	swait.ge [sflag:s9], $0x2800  }
0x11: {  	[sflag:s9] =	ssyncset.done $0x0  }
0x12: {  	[sflag:s9] =	ssyncadd.s32 $0xFFFFD800  }
0x13: {  	[tilespmem:s10], [sflag:$0x2] =	stream.linear.gather [hbm4b:s5+s4], $0x7D0, $0x38;
	[tilespmem:$0x5750] =	vst v63  }
0x14: {  	_ =	swait.ge [sflag:s9], $0x7D0  }
0x15: {  	[sflag:s9] =	ssyncset.done $0x0  }
0x16: {  	[sflag:s9] =	ssyncadd.s32 $0xFFFFF830  }
0x17: {  	[spmem:s12], [sflag:s11] =	dma.local [hbm:s2], $0x4F0  }
0x18: {  	_ =	swait.ge [sflag:s9], $0x4F0  }
0x19: {  	[sflag:s9] =	ssyncset.done $0x0  }
0x1a: {  	[sflag:s9] =	ssyncadd.s32 $0xFFFFFB10  }
0x1b: {  	s17 =	simm.s32 $0x0;
	[bflag:$0x0] =	sbarrier.arrive $0xFFFF  }
.LBB2_2:
0x1c: {  	p0 =	sne.s32 s17, $0x9E00  }
.Ltmp0:
0x1d: {  	_ = 	snop;
	(pc) =	sbr.rel @p0 .LBB2_2-.Ltmp0, $3  }
0x1e: {  	_ =	sdelay $0x1  }
0x1f: {  	s18 =	sshra.s32 s17, $0x2;
	s17 =	sadd.s32 $0x200, s17  }
0x20: {  	[spmem:s3] =	stream.indirect.scatter.add.f32 [tilespmem:s10], [sflag:$0x1], $0x10, s18, s13, $0xb8;
	[tilespmem:$0x5750] =	vst v63  }
0x21: {  	_ =	swait.ge [sflag:s14], $0x7D0  }
0x22: {  	s17 =	simm.s32 $0x4F;
	[sflag:s14] =	ssyncset.done $0x0  }
.LBB2_4:
0x23: {  	p0 =	sne.s32 s17, $0x1;
	s17 =	sadd.s32 $0xFFFFFFFF, s17;
	[sflag:s14] =	ssyncadd.s32 $0xFFFFF830  }
.Ltmp1:
0x24: {  	(pc) =	sbr.rel @p0 .LBB2_4-.Ltmp1, $3  }
0x25: {  	_ =	sdelay $0x1  }
0x26: {  	_ =	swait.ge [sflag:s14], $0x7D0  }
0x27: {  	[sflag:s14] =	ssyncset.done $0x0  }
0x28: {  	s16 =	sadd.s32 $0x1, s16  }
0x29: {  	[sflag:s14] =	ssyncadd.s32 $0xFFFFF830;
	p0 =	sne.s32 s16, s8  }
.Ltmp2:
0x2a: {  	[bflag:$0x0] =	sbarrier.arrive $0xFFFF;
	(pc) =	sbr.rel @p0 .LBB2_1-.Ltmp2, $4  }
0x2b: {  	[hbm:s7@s15], [sflag:s11] =	dma.strided [spmem:s12@s9], $0x4F0, s14, $0x2   }
0x2c: {  	_ =	swait.ge [sflag:s9], $0x4F0  }
0x2d: {  	[sflag:s9] =	ssyncset.done $0x0  }
0x2e: {  	[sflag:s9] =	ssyncadd.s32 $0xFFFFFB10  }
0x2f: {  	_ =	sfence.sel $0x180000  }
0x30: {  	[bflag:$0x0] =	sbarrier.arrive $0xFFFF  }
0x31: {  	p0 =	sne.s32 s0, $0x0;
	_ =	strace $0x90000047  }
0x32: {  	s0 =	sadd.s32 @!p0 $0x100000, s1;
	[bflag:$0x2] =	sbarrier.arrive $0xFFFF  }
0x33: {  	[sflag:s0] =	ssyncadd.tile.s32 @!p0 $0x1;
	_ =	shalt  }
.Lfunc_end2:
_tile_overlayer_lowered:
.L_overlay_start_2:
0x34: {  	(tag) =	ssettag $0x2  }
0x35: {  	s0 =	rddreg [dreg:$0x0];
	s2 =	stileid.u32  }
0x36: {  	s1 =	rddreg [dreg:$0x1];
	p0 =	sne.s32 s2, $0x0  }
0x37: {  	s3 =	rddreg [dreg:$0x2];
	[bflag:$0x3] =	sbarrier.arrive $0xFFFF;
	s2 =	simm.s32 @!p0 $0x1C02  }
0x38: {  	[timem:s3], [sflag:s2] =	dma.local @!p0 [hbm:s0], s1  }
0x39: {  	s0 =	simm.s32 @!p0 $0x2  }
0x3a: {  	_ =	swait.ge @!p0 [sflag:s0], s1  }
0x3b: {  	s1 =	ssub.s32 @!p0 $0x0, s1;
	[sflag:s0] =	ssyncset.done @!p0 $0x0  }
0x3c: {  	[sflag:s0] =	ssyncadd.s32 @!p0 s1  }
0x3d: {  	[bflag:$0x3] =	sbarrier.arrive $0xFFFF  }
0x3e: {  	_ =	shalt  }

// kernel: kernel.13.cloned.1.call-start
scs
__scs_entry_jumppad:
0x0: {  	(pc) =	sbr.rel $0x88, $3  }
0x1: {  	(tag) =	ssettag $0x0;
	lr =	simm.s32 $0x1  }
0x2: {  	[smem:$0x3F99] =	sst lr;
	_ =	strace $0xD0000000  }
0x3: {  	_ = 	snop  }
0x4: {  	_ = 	snop  }
0x5: {  	_ = 	snop  }
0x6: {  	_ = 	snop  }
0x7: {  	_ = 	snop  }
__scs_overlays_trampoline_lowered:
0x8: {  	[smem:$0x3FA8] =	sst s0  }
0x9: {  	[smem:$0x3FA9] =	sst s1  }
0xa: {  	[smem:$0x3FAA] =	sst s2  }
0xb: {  	[smem:$0x3FAB] =	sst s3  }
0xc: {  	[smem:$0x3FAC] =	sst s4  }
0xd: {  	[smem:$0x3FAD] =	sst s5  }
0xe: {  	[smem:$0x3FAE] =	sst s6  }
0xf: {  	[smem:$0x3FAF] =	sst s7  }
0x10: {  	[smem:$0x3FB0] =	sst s8  }
0x11: {  	[smem:$0x3FB1] =	sst s9;
	s0 =	simm.s32 @!p0 $0x0  }
0x12: {  	s1 =	sld [smem:$0x3F97];
	s0 =	simm.s32 @p0 $0x1  }
0x13: {  	[smem:$0x3FB2] =	sst s0;
	s0 =	simm.s32 @!p1 $0x0  }
0x14: {  	s2 =	sld [smem:$0x3F96];
	s0 =	simm.s32 @p1 $0x1  }
0x15: {  	[smem:$0x3FB3] =	sst s0;
	s0 =	simm.s32 @!p2 $0x0  }
0x16: {  	s3 =	sld [smem:$0x3FDB];
	s0 =	simm.s32 @p2 $0x1  }
0x17: {  	s4 =	simm.s32 $0x1BF5;
	[smem:$0x3FB5] =	sst s0  }
0x18: {  	s0 =	sld [smem:$0x3F98];
	_ =	swait.ge [sflag:s4], $0x0  }
0x19: {  	s7 =	sld [smem:$0x3F99]  }
0x1a: {  	s8 =	sadd.s32 $0xFFFFE003, lr  }
0x1b: {  	s9 =	sadd.s32 $0xFFFFFEF7, lr;
	s5 =	simm.s32 $0xFFFFFFFF;
	p2 =	slt.u32 s8, $0xFFFFF086  }
0x1c: {  	p1 =	slt.u32 s9, $0xF7A;
	s5 =	simm.s32 @!p2 $0x0  }
0x1d: {  	s5 =	simm.s32 @p1 $0x1;
	p0 =	seq.s32 s7, s2  }
0x1e: {  	s7 =	smul.u32 @!p0 $0xF7A, s2;
	p2 =	seq.s32 @!p0 s5, $0x0  }
0x1f: {  	s9 =	smul.u32 $0xF7A, s1;
	s8 =	simm.s32 @!p0 $0x1BF5;
	p2 =	por !p2, p0  }
0x20: {  	[sflag:s8] =	ssyncset.s32 @!p0 $0xFFFFF086;
	s6 =	sadd.s32 @!p0 s3, s7;
	s7 =	simm.s32 @!p0 $0x108  }
0x21: {  	s3 =	sadd.s32 s3, s9;
	s6 =	sadd.s32 @!p0 $0x88, s6;
	s7 =	simm.s32 @p2 $0x1082  }
0x22: {  	[simem:s7], [sflag:s8] =	dma.local @!p0 [hbm:s6], $0xF7A  }
0x23: {  	s9 =	sor.u32 $0xD0000000, s2;
	s6 =	simm.s32 $0x108;
	_ =	swait.ge @!p0 [sflag:s8], $0x0  }
0x24: {  	s3 =	sadd.s32 $0x88, s3;
	s6 =	simm.s32 @!p1 $0x1082;
	[sflag:s4] =	ssyncset.s32 $0xFFFFF086  }
0x25: {  	[simem:s6], [sflag:s4] =	dma.local [hbm:s3], $0xF7A  }
0x26: {  	[smem:$0x3F99] =	sst s1;
	(tag) =	ssettag s2;
	_ =	strace s9  }
0x27: {  	s1 =	sld [smem:$0x3FA9]  }
0x28: {  	s2 =	sld [smem:$0x3FAA]  }
0x29: {  	s4 =	sld [smem:$0x3FAC]  }
0x2a: {  	p0 =	seq.s32 s5, $0x0;
	s5 =	sld [smem:$0x3FAD]  }
0x2b: {  	s6 =	sld [smem:$0x3FAE]  }
0x2c: {  	s7 =	sld [smem:$0x3FAF]  }
0x2d: {  	s3 =	simm.s32 $0x108;
	s8 =	sld [smem:$0x3FB0]  }
0x2e: {  	s3 =	simm.s32 @!p0 $0x1082;
	s9 =	sld [smem:$0x3FB1]  }
0x2f: {  	lr =	sadd.s32 s0, s3;
	s0 =	sld [smem:$0x3FA8]  }
0x30: {  	s3 =	sld [smem:$0x3FAB]  }
0x31: {  	[smem:$0x3FB4] =	sst s10  }
0x32: {  	s10 =	sld [smem:$0x3FB2];
	_ =	sdelay $0x3  }
0x33: {  	p0 =	seq.s32 s10, $0x1;
	s10 =	sld [smem:$0x3FB4];
	_ =	sdelay $0x3  }
0x34: {  	[smem:$0x3FB4] =	sst s10  }
0x35: {  	s10 =	sld [smem:$0x3FB3];
	_ =	sdelay $0x3  }
0x36: {  	p1 =	seq.s32 s10, $0x1;
	s10 =	sld [smem:$0x3FB4];
	_ =	sdelay $0x3  }
0x37: {  	[smem:$0x3FB4] =	sst s10  }
0x38: {  	s10 =	sld [smem:$0x3FB5]  }
0x39: {  	_ = 	snop;
	(pc) =	sbr.ind lr, $3  }
0x3a: {  	_ = 	snop  }
0x3b: {  	_ = 	snop  }
0x3c: {  	p2 =	seq.s32 s10, $0x1;
	s10 =	sld [smem:$0x3FB4]  }
0x3d: {  	_ =	shalt  }
0x3e: {  	_ =	shalt  }
0x3f: {  	_ =	shalt  }
0x40: {  	_ =	shalt  }
0x41: {  	_ =	shalt  }
0x42: {  	_ =	shalt  }
0x43: {  	_ =	shalt  }
0x44: {  	_ =	shalt  }
0x45: {  	_ =	shalt  }
0x46: {  	_ =	shalt  }
0x47: {  	_ =	shalt  }
0x48: {  	_ =	shalt  }
0x49: {  	_ =	shalt  }
0x4a: {  	_ =	shalt  }
0x4b: {  	_ =	shalt  }
0x4c: {  	_ =	shalt  }
0x4d: {  	_ =	shalt  }
0x4e: {  	_ =	shalt  }
0x4f: {  	_ =	shalt  }
0x50: {  	_ =	shalt  }
0x51: {  	_ =	shalt  }
0x52: {  	_ =	shalt  }
0x53: {  	_ =	shalt  }
0x54: {  	_ =	shalt  }
0x55: {  	_ =	shalt  }
0x56: {  	_ =	shalt  }
0x57: {  	_ =	shalt  }
0x58: {  	_ =	shalt  }
0x59: {  	_ =	shalt  }
0x5a: {  	_ =	shalt  }
0x5b: {  	_ =	shalt  }
0x5c: {  	_ =	shalt  }
0x5d: {  	_ =	shalt  }
0x5e: {  	_ =	shalt  }
0x5f: {  	_ =	shalt  }
0x60: {  	_ =	shalt  }
0x61: {  	_ =	shalt  }
0x62: {  	_ =	shalt  }
0x63: {  	_ =	shalt  }
0x64: {  	_ =	shalt  }
0x65: {  	_ =	shalt  }
0x66: {  	_ =	shalt  }
0x67: {  	_ =	shalt  }
0x68: {  	_ =	shalt  }
0x69: {  	_ =	shalt  }
0x6a: {  	_ =	shalt  }
0x6b: {  	_ =	shalt  }
0x6c: {  	_ =	shalt  }
0x6d: {  	_ =	shalt  }
0x6e: {  	_ =	shalt  }
0x6f: {  	_ =	shalt  }
0x70: {  	_ =	shalt  }
0x71: {  	_ =	shalt  }
0x72: {  	_ =	shalt  }
0x73: {  	_ =	shalt  }
0x74: {  	_ =	shalt  }
0x75: {  	_ =	shalt  }
0x76: {  	_ =	shalt  }
0x77: {  	_ =	shalt  }
0x78: {  	_ =	shalt  }
0x79: {  	_ =	shalt  }
0x7a: {  	_ =	shalt  }
0x7b: {  	_ =	shalt  }
0x7c: {  	_ =	shalt  }
0x7d: {  	_ =	shalt  }
0x7e: {  	_ =	shalt  }
0x7f: {  	_ =	shalt  }
0x80: {  	_ =	shalt  }
0x81: {  	_ =	shalt  }
0x82: {  	_ =	shalt  }
0x83: {  	_ =	shalt  }
0x84: {  	_ =	shalt  }
0x85: {  	_ =	shalt  }
0x86: {  	_ =	shalt  }
0x87: {  	_ =	shalt  }
.Lfunc_end0:
.L_simem_size_0:
called_computation.1_lowered:
.L_overlay_start_0:
0x88: {  	s2 =	sld [smem:$0x3FD9]  }
0x89: {  	s3 =	sld [smem:$0x3FFE];
	_ =	sdelay $0x1  }
0x8a: {  	s1 =	srdreg.scid  }
0x8b: {  	s0 =	sand.u32 $0x1, s1  }
0x8c: {  	s16 =	sshll.u32 s0, $0xA;
	s2 =	sadd.s32 s3, s2  }
0x8d: {  	s2 =	sadd.s32 s2, s16  }
0x8e: {  	[smem:$0x3FC0] =	sst s2  }
0x8f: {  	_ = 	snop  }
0x90: {  	(tm) =	ssettm $0x1  }
0x91: {  	s17 =	sld [smem:$0x3FFB];
	_ =	sdelay $0x3  }
0x92: {  	_ =	strace s17  }
0x93: {  	s2 =	sld [smem:$0x3FFC];
	_ =	sdelay $0x3  }
0x94: {  	_ =	strace s2  }
0x95: {  	s2 =	sld [smem:$0x3FFD];
	_ =	sdelay $0x3  }
0x96: {  	_ =	strace s2  }
0x97: {  	_ =	strace $0x8FFFFFFF  }
0x98: {  	s18 =	sld [smem:$0x3FDB];
	_ =	sdelay $0x1  }
0x99: {  	s19 =	simm.s32 $_scs_section_size  }
0x9a: {  	s4 =	simm.s32 $_size__tile_overlayer_lowered;
	s5 =	simm.s32 $_tile_overlayer_lowered  }
0x9b: {  	s22 =	simm.s32 $0x1BFF;
	s21 =	sshll.u32 s5, $0x1;
	s2 =	sadd.s32 s19, s18  }
0x9c: {  	s6 =	simm.s32 $0x0;
	s20 =	sshll.u32 s4, $0x1;
	s4 =	sadd.s32 s21, s2  }
0x9d: {  	[timem:s6], [sflag:s22] =	dma.local [hbm:s4], s20  }
0x9e: {  	_ =	swait.ge [sflag:s22], s20  }
0x9f: {  	s3 =	ssub.s32 $0x0, s20;
	[sflag:s22] =	ssyncset.done $0x0  }
0xa0: {  	[sflag:s22] =	ssyncadd.s32 s3;
	_ =	sdelay $0x1  }
0xa1: {  	s23 =	simm.s32 $0x1B8B  }
0xa2: {  	_ =	swait.ge [sflag:s23], $0x1  }
0xa3: {  	[sflag:s23] =	ssyncset.done $0x0  }
0xa4: {  	s25 =	simm.s32 $0x1B8E;
	s24 =	sld [smem:$0x3FFE];
	[sflag:s23] =	ssyncadd.s32 $0xFFFFFFFF  }
0xa5: {  	s26 =	simm.s32 $execute0_lowered;
	[smem:$0x3FD2] =	sst s25  }
0xa6: {  	s4 =	sshll.u32 s26, $0x1;
	_ =	strace $0x80000049;
	[dreg:$0x1] =	wrdreg $0xFFFFFFFF  }
0xa7: {  	s28 =	simm.s32 $_size_execute0_lowered;
	s2 =	sadd.s32 s2, s4;
	[dreg:$0x0] =	wrdreg $0x0  }
0xa8: {  	s4 =	sshll.u32 s28, $0x1;
	[dreg:$0x2] =	wrdreg s2  }
0xa9: {  	[dreg:$0x3] =	wrdreg s4  }
0xaa: {  	[dreg:$0x4] =	wrdreg $0xC0  }
0xab: {  	_ =	task [dreg:s6], $0x5FFFF  }
0xac: {  	[dreg:$0x1] =	wrdreg $0xFFFFFFFF  }
0xad: {  	[dreg:$0x0] =	wrdreg $0x60  }
0xae: {  	[dreg:$0x2] =	wrdreg s24  }
0xaf: {  	[dreg:$0x3] =	wrdreg $0x14A000  }
0xb0: {  	[dreg:$0x4] =	wrdreg $0x9  }
0xb1: {  	_ =	task.clear_ibuf [dreg:s6], $0x5FFFF;
	_ =	strace $0x90000049  }
0xb2: {  	s29 =	simm.s32 $0x9;
	_ =	strace $0x8000004B  }
0xb3: {  	_ =	swait.ge [sflag:s29], $0x1  }
0xb4: {  	[sflag:s29] =	ssyncadd.s32 $0xFFFFFFFF  }
0xb5: {  	_ =	strace $0x9000004B  }
0xb6: {  	_ =	sfence  }
0xb7: {  	s30 =	sld [smem:$0x0];
	_ =	sdelay $0x2  }
0xb8: {  	s31 =	sshll.u32 s1, $0xD;
	s1 =	sshrl.u32 s1, $0x2  }
0xb9: {  	s3 =	sand.u32 $0x4000, s31;
	s1 =	sadd.s32 s1, s30  }
0xba: {  	s0 =	sor.u32 s3, s0;
	s1 =	sshll.u32 s1, $0x11  }
0xbb: {  	s0 =	sor.u32 s1, s0  }
0xbc: {  	s0 =	sadd.s32 $0x8F2B, s0  }
0xbd: {  	[sflag:s0] =	ssyncadd.remote.s32 $0x1  }
0xbe: {  	_ =	sfence.sel $0xFFFF  }
0xbf: {  	[dreg:$0x0] =	wrdreg $0xFFFFFFFF;
	(pc) =	sbr.abs _section_cstart, $3  }
0xc0: {  	[dreg:$0x1] =	wrdreg $0xFFFFFFFF  }
0xc1: {  	_ =	task.clear_ibuf [dreg:s6], $0x2FFFF;
	_ =	strace $0x9FFFFFFF  }
0xc2: {  	(tm) =	ssettm $0x7FFFFFFF  }
0xc3: {  	_ =	shalt  }
tec
execute0_lowered:
.L_overlay_start_1:
0x0: {  	(tag) =	ssettag $0x1  }
0x1: {  	s0 =	srdreg.scid;
	s1 =	rddreg [dreg:$0x0]  }
0x2: {  	s8 =	stileid.u32;
	s2 =	rddreg [dreg:$0x1];
	s4 =	simm.s32 $0x0  }
0x3: {  	s13 =	simm.s32 $0x11;
	s14 =	simm.s32 $0x7D;
	s15 =	simm.s32 $0x5000  }
0x4: {  	s17 =	simm.s32 $0x6F40;
	s19 =	simm.s32 $0x8E80;
	s28 =	simm.s32 $0x10B80  }
0x5: {  	s30 =	simm.s32 $0x12AC0;
	s31 =	simm.s32 $0x1;
	s11 =	simm.s32 $0x4  }
0x6: {  	s16 =	simm.s32 $0x5;
	s18 =	simm.s32 $0x6;
	s20 =	simm.s32 $0x7  }
0x7: {  	s29 =	simm.s32 $0xB;
	s9 =	simm.s32 $0x10;
	s0 =	sand.u32 $0x1, s0  }
0x8: {  	[smem:$0x7FF] =	sst s4;
	s5 =	smul.u32 $0x13C00, s8;
	s4 =	sadd.s32 $0x16E00, s1  }
0x9: {  	s21 =	smul.u32 $0x27800, s8;
	s7 =	sadd.s32 $0x2AA00, s1;
	s26 =	sshll.u32 s8, $0x6  }
0xa: {  	s3 =	sshll.u32 s0, $0x4;
	_ =	strace $0x8000004A;
	s6 =	sshll.u32 s0, $0x6  }
0xb: {  	s0 =	ssub.s32 $0x2, s0;
	[dreg:$0x3] =	wrdreg s7;
	s12 =	sor.u32 $0x1C11, s26  }
0xc: {  	s26 =	simm.s32 $0xA;
	s7 =	simm.s32 $0xE;
	s3 =	sor.u32 s8, s3  }
0xd: {  	s5 =	sor.u32 s6, s5;
	s22 =	sshrl.u32 s0, $0x1;
	s23 =	sshrl.u32 s21, $0x2  }
0xe: {  	s21 =	simm.s32 $0xADC0;
	s6 =	simm.s32 $0xD;
	s8 =	simm.s32 $0xF  }
0xf: {  	[dreg:$0xa] =	wrdreg s12;
	s3 =	smul.u32 $0x2800, s3;
	s5 =	sshrl.u32 s5, $0x3  }
0x10: {  	s0 =	ssub.s32 s0, s22;
	s25 =	sadd.s32 s23, s2;
	s23 =	simm.s32 $0xCD00  }
0x11: {  	s22 =	simm.s32 $0x8;
	s0 =	smax.u32 s0, $0x1;
	s3 =	sshrl.u32 s3, $0x3  }
0x12: {  	s10 =	sshrl.u32 s25, $0x3;
	[dreg:$0x7] =	wrdreg s0;
	s3 =	sadd.s32 s3, s1  }
0x13: {  	s25 =	simm.s32 $0xEC40;
	[dreg:$0x8] =	wrdreg s10;
	s24 =	sadd.s32 $0x2E00, s3  }
0x14: {  	s1 =	sadd.s32 s5, s1;
	s3 =	sadd.s32 $0xCE00, s3;
	[dreg:$0x4] =	wrdreg s24  }
0x15: {  	s0 =	simm.s32 $0x3;
	s1 =	sadd.s32 $0x2BE00, s1;
	[dreg:$0x5] =	wrdreg s3  }
0x16: {  	s5 =	simm.s32 $0xC;
	[dreg:$0x6] =	wrdreg s1;
	s3 =	simm.s32 $0x0  }
0x17: {  	s1 =	simm.s32 $0x2;
	s24 =	simm.s32 $0x9;
	[dreg:$0x9] =	wrdreg s3  }
.LBB2_1:
0x18: {  	s3 =	simm.s32 $0x0;
	s12 =	rddreg [dreg:$0x4]  }
0x19: {  	[tilespmem:s3], [sflag:$0x11] =	stream.linear.gather [hbm4b:s12+s3], $0x2800, $0x38;
	[tilespmem:$0x1E800] =	vst v63  }
0x1a: {  	_ =	swait.ge [sflag:s13], $0x2800  }
0x1b: {  	s10 =	simm.s32 $0x0;
	[sflag:s13] =	ssyncset.done $0x0  }
0x1c: {  	s3 =	simm.s32 $0x2800;
	s12 =	rddreg [dreg:$0x5];
	[sflag:s13] =	ssyncadd.s32 $0xFFFFD800  }
0x1d: {  	[tilespmem:s3], [sflag:$0x11] =	stream.linear.gather [hbm4b:s12+s10], $0x2800, $0x38;
	[tilespmem:$0x1E800] =	vst v63  }
0x1e: {  	_ =	swait.ge [sflag:s13], $0x2800  }
0x1f: {  	s12 =	rddreg [dreg:$0x3]  }
0x20: {  	[sflag:s13] =	ssyncset.done $0x0;
	s10 =	rddreg [dreg:$0x8]  }
0x21: {  	s3 =	rddreg [dreg:$0xa];
	[sflag:s13] =	ssyncadd.s32 $0xFFFFD800  }
0x22: {  	[spmem:s10], [sflag:s3] =	dma.local [hbm:s12], $0x13C0  }
0x23: {  	_ =	swait.ge [sflag:s13], $0x13C0  }
0x24: {  	[sflag:s13] =	ssyncset.done $0x0  }
0x25: {  	[sflag:s13] =	ssyncadd.s32 $0xFFFFEC40  }
0x26: {  	s12 =	simm.s32 $0x0;
	[bflag:$0x0] =	sbarrier.arrive $0xFFFF  }
0x27: {  	[tilespmem:s15], [sflag:$0x1] =	stream.indirect.gather [hbm4b:s4+s14], $0x40, s12, s14, $0xb8;
	[tilespmem:$0x1E800] =	vst v63  }
0x28: {  	s13 =	simm.s32 $0x80  }
0x29: {  	[tilespmem:s17], [sflag:$0x2] =	stream.indirect.gather [hbm4b:s4+s14], $0x40, s13, s14, $0xb8;
	[tilespmem:$0x1E800] =	vst v63  }
0x2a: {  	s10 =	simm.s32 $0x100  }
0x2b: {  	[tilespmem:s19], [sflag:$0x3] =	stream.indirect.gather [hbm4b:s4+s14], $0x40, s10, s14, $0xb8;
	[tilespmem:$0x1E800] =	vst v63  }
0x2c: {  	s12 =	simm.s32 $0x180  }
0x2d: {  	[tilespmem:s21], [sflag:$0x4] =	stream.indirect.gather [hbm4b:s4+s14], $0x40, s12, s14, $0xb8;
	[tilespmem:$0x1E800] =	vst v63  }
0x2e: {  	s13 =	simm.s32 $0x200  }
0x2f: {  	[tilespmem:s23], [sflag:$0x5] =	stream.indirect.gather [hbm4b:s4+s14], $0x40, s13, s14, $0xb8;
	[tilespmem:$0x1E800] =	vst v63  }
0x30: {  	s10 =	simm.s32 $0x280  }
0x31: {  	[tilespmem:s25], [sflag:$0x6] =	stream.indirect.gather [hbm4b:s4+s14], $0x40, s10, s14, $0xb8;
	[tilespmem:$0x1E800] =	vst v63  }
0x32: {  	s12 =	simm.s32 $0x300  }
0x33: {  	[tilespmem:s28], [sflag:$0x7] =	stream.indirect.gather [hbm4b:s4+s14], $0x40, s12, s14, $0xb8;
	[tilespmem:$0x1E800] =	vst v63  }
0x34: {  	s13 =	simm.s32 $0x380  }
0x35: {  	[tilespmem:s30], [sflag:$0x8] =	stream.indirect.gather [hbm4b:s4+s14], $0x40, s13, s14, $0xb8;
	[tilespmem:$0x1E800] =	vst v63  }
0x36: {  	_ =	swait.ge [sflag:s31], $0x1F40  }
0x37: {  	[sflag:s31] =	ssyncset.done $0x0  }
0x38: {  	s3 =	simm.s32 $0x2800;
	[sflag:s31] =	ssyncadd.s32 $0xFFFFE0C0  }
0x39: {  	[spmem:s2] =	stream.indirect.scatter.add.f32 [tilespmem:s15], [sflag:$0x9], $0x40, s3, s14, $0xb8;
	[tilespmem:$0x1E800] =	vst v63  }
0x3a: {  	_ =	swait.ge [sflag:s1], $0x1F40  }
0x3b: {  	[sflag:s1] =	ssyncset.done $0x0  }
0x3c: {  	s10 =	simm.s32 $0x2880;
	[sflag:s1] =	ssyncadd.s32 $0xFFFFE0C0  }
0x3d: {  	[spmem:s2] =	stream.indirect.scatter.add.f32 [tilespmem:s17], [sflag:$0xA], $0x40, s10, s14, $0xb8;
	[tilespmem:$0x1E800] =	vst v63  }
0x3e: {  	_ =	swait.ge [sflag:s0], $0x1F40  }
0x3f: {  	[sflag:s0] =	ssyncset.done $0x0  }
0x40: {  	s13 =	simm.s32 $0x2900;
	[sflag:s0] =	ssyncadd.s32 $0xFFFFE0C0  }
0x41: {  	[spmem:s2] =	stream.indirect.scatter.add.f32 [tilespmem:s19], [sflag:$0xB], $0x40, s13, s14, $0xb8;
	[tilespmem:$0x1E800] =	vst v63  }
0x42: {  	_ =	swait.ge [sflag:s11], $0x1F40  }
0x43: {  	[sflag:s11] =	ssyncset.done $0x0  }
0x44: {  	s3 =	simm.s32 $0x2980;
	[sflag:s11] =	ssyncadd.s32 $0xFFFFE0C0  }
0x45: {  	[spmem:s2] =	stream.indirect.scatter.add.f32 [tilespmem:s21], [sflag:$0xC], $0x40, s3, s14, $0xb8;
	[tilespmem:$0x1E800] =	vst v63  }
0x46: {  	_ =	swait.ge [sflag:s16], $0x1F40  }
0x47: {  	[sflag:s16] =	ssyncset.done $0x0  }
0x48: {  	s10 =	simm.s32 $0x2A00;
	[sflag:s16] =	ssyncadd.s32 $0xFFFFE0C0  }
0x49: {  	[spmem:s2] =	stream.indirect.scatter.add.f32 [tilespmem:s23], [sflag:$0xD], $0x40, s10, s14, $0xb8;
	[tilespmem:$0x1E800] =	vst v63  }
0x4a: {  	_ =	swait.ge [sflag:s18], $0x1F40  }
0x4b: {  	[sflag:s18] =	ssyncset.done $0x0  }
0x4c: {  	s13 =	simm.s32 $0x2A80;
	[sflag:s18] =	ssyncadd.s32 $0xFFFFE0C0  }
0x4d: {  	[spmem:s2] =	stream.indirect.scatter.add.f32 [tilespmem:s25], [sflag:$0xE], $0x40, s13, s14, $0xb8;
	[tilespmem:$0x1E800] =	vst v63  }
0x4e: {  	_ =	swait.ge [sflag:s20], $0x1F40  }
0x4f: {  	[sflag:s20] =	ssyncset.done $0x0  }
0x50: {  	s3 =	simm.s32 $0x2B00;
	[sflag:s20] =	ssyncadd.s32 $0xFFFFE0C0  }
0x51: {  	[spmem:s2] =	stream.indirect.scatter.add.f32 [tilespmem:s28], [sflag:$0xF], $0x40, s3, s14, $0xb8;
	[tilespmem:$0x1E800] =	vst v63  }
0x52: {  	_ =	swait.ge [sflag:s22], $0x1F40  }
0x53: {  	[sflag:s22] =	ssyncset.done $0x0  }
0x54: {  	s10 =	simm.s32 $0x2B80;
	[sflag:s22] =	ssyncadd.s32 $0xFFFFE0C0  }
0x55: {  	[spmem:s2] =	stream.indirect.scatter.add.f32 [tilespmem:s30], [sflag:$0x10], $0x40, s10, s14, $0xb8;
	[tilespmem:$0x1E800] =	vst v63  }
0x56: {  	_ =	swait.ge [sflag:s24], $0x1F40  }
0x57: {  	[sflag:s24] =	ssyncset.done $0x0  }
0x58: {  	s13 =	simm.s32 $0x400;
	[sflag:s24] =	ssyncadd.s32 $0xFFFFE0C0  }
0x59: {  	[tilespmem:s15], [sflag:$0x1] =	stream.indirect.gather [hbm4b:s4+s14], $0x40, s13, s14, $0xb8;
	[tilespmem:$0x1E800] =	vst v63  }
0x5a: {  	_ =	swait.ge [sflag:s26], $0x1F40  }
0x5b: {  	[sflag:s26] =	ssyncset.done $0x0  }
0x5c: {  	s3 =	simm.s32 $0x480;
	[sflag:s26] =	ssyncadd.s32 $0xFFFFE0C0  }
0x5d: {  	[tilespmem:s17], [sflag:$0x2] =	stream.indirect.gather [hbm4b:s4+s14], $0x40, s3, s14, $0xb8;
	[tilespmem:$0x1E800] =	vst v63  }
0x5e: {  	_ =	swait.ge [sflag:s29], $0x1F40  }
0x5f: {  	[sflag:s29] =	ssyncset.done $0x0  }
0x60: {  	s10 =	simm.s32 $0x500;
	[sflag:s29] =	ssyncadd.s32 $0xFFFFE0C0  }
0x61: {  	[tilespmem:s19], [sflag:$0x3] =	stream.indirect.gather [hbm4b:s4+s14], $0x40, s10, s14, $0xb8;
	[tilespmem:$0x1E800] =	vst v63  }
0x62: {  	_ =	swait.ge [sflag:s5], $0x1F40  }
0x63: {  	[sflag:s5] =	ssyncset.done $0x0  }
0x64: {  	s13 =	simm.s32 $0x580;
	[sflag:s5] =	ssyncadd.s32 $0xFFFFE0C0  }
0x65: {  	[tilespmem:s21], [sflag:$0x4] =	stream.indirect.gather [hbm4b:s4+s14], $0x40, s13, s14, $0xb8;
	[tilespmem:$0x1E800] =	vst v63  }
0x66: {  	_ =	swait.ge [sflag:s6], $0x1F40  }
0x67: {  	[sflag:s6] =	ssyncset.done $0x0  }
0x68: {  	s3 =	simm.s32 $0x600;
	[sflag:s6] =	ssyncadd.s32 $0xFFFFE0C0  }
0x69: {  	[tilespmem:s23], [sflag:$0x5] =	stream.indirect.gather [hbm4b:s4+s14], $0x40, s3, s14, $0xb8;
	[tilespmem:$0x1E800] =	vst v63  }
0x6a: {  	_ =	swait.ge [sflag:s7], $0x1F40  }
0x6b: {  	[sflag:s7] =	ssyncset.done $0x0  }
0x6c: {  	s10 =	simm.s32 $0x680;
	[sflag:s7] =	ssyncadd.s32 $0xFFFFE0C0  }
0x6d: {  	[tilespmem:s25], [sflag:$0x6] =	stream.indirect.gather [hbm4b:s4+s14], $0x40, s10, s14, $0xb8;
	[tilespmem:$0x1E800] =	vst v63  }
0x6e: {  	_ =	swait.ge [sflag:s8], $0x1F40  }
0x6f: {  	[sflag:s8] =	ssyncset.done $0x0  }
0x70: {  	s13 =	simm.s32 $0x700;
	[sflag:s8] =	ssyncadd.s32 $0xFFFFE0C0  }
0x71: {  	[tilespmem:s28], [sflag:$0x7] =	stream.indirect.gather [hbm4b:s4+s14], $0x40, s13, s14, $0xb8;
	[tilespmem:$0x1E800] =	vst v63  }
0x72: {  	_ =	swait.ge [sflag:s9], $0x1F40  }
0x73: {  	s12 =	simm.s32 $0x1000;
	[sflag:s9] =	ssyncset.done $0x0  }
0x74: {  	s13 =	simm.s32 $0x780;
	s3 =	rddreg [dreg:$0xa];
	[sflag:s9] =	ssyncadd.s32 $0xFFFFE0C0  }
.LBB2_2:
0x75: {  	[tilespmem:s30], [sflag:$0x8] =	stream.indirect.gather [hbm4b:s4+s14], $0x40, s13, s14, $0xb8;
	[tilespmem:$0x1E800] =	vst v63  }
0x76: {  	s13 =	smov.u32 s12  }
0x77: {  	p0 =	sne.s32 s12, $0x8000;
	s12 =	sadd.s32 $0x1000, s12;
	_ =	swait.ge [sflag:s31], $0x1F40  }
0x78: {  	s13 =	sshra.s32 s13, $0x2;
	[sflag:s31] =	ssyncset.done $0x0  }
0x79: {  	s10 =	sadd.s32 $0x2800, s13;
	[sflag:s31] =	ssyncadd.s32 $0xFFFFE0C0  }
0x7a: {  	[spmem:s2] =	stream.indirect.scatter.add.f32 [tilespmem:s15], [sflag:$0x9], $0x40, s10, s14, $0xb8;
	[tilespmem:$0x1E800] =	vst v63  }
0x7b: {  	_ =	swait.ge [sflag:s1], $0x1F40  }
0x7c: {  	[sflag:s1] =	ssyncset.done $0x0  }
0x7d: {  	s10 =	sadd.s32 $0x2880, s13;
	[sflag:s1] =	ssyncadd.s32 $0xFFFFE0C0  }
0x7e: {  	[spmem:s2] =	stream.indirect.scatter.add.f32 [tilespmem:s17], [sflag:$0xA], $0x40, s10, s14, $0xb8;
	[tilespmem:$0x1E800] =	vst v63  }
0x7f: {  	_ =	swait.ge [sflag:s0], $0x1F40  }
0x80: {  	[sflag:s0] =	ssyncset.done $0x0  }
0x81: {  	s10 =	sadd.s32 $0x2900, s13;
	[sflag:s0] =	ssyncadd.s32 $0xFFFFE0C0  }
0x82: {  	[spmem:s2] =	stream.indirect.scatter.add.f32 [tilespmem:s19], [sflag:$0xB], $0x40, s10, s14, $0xb8;
	[tilespmem:$0x1E800] =	vst v63  }
0x83: {  	_ =	swait.ge [sflag:s11], $0x1F40  }
0x84: {  	[sflag:s11] =	ssyncset.done $0x0  }
0x85: {  	s10 =	sadd.s32 $0x2980, s13;
	[sflag:s11] =	ssyncadd.s32 $0xFFFFE0C0  }
0x86: {  	[spmem:s2] =	stream.indirect.scatter.add.f32 [tilespmem:s21], [sflag:$0xC], $0x40, s10, s14, $0xb8;
	[tilespmem:$0x1E800] =	vst v63  }
0x87: {  	_ =	swait.ge [sflag:s16], $0x1F40  }
0x88: {  	[sflag:s16] =	ssyncset.done $0x0  }
0x89: {  	s10 =	sadd.s32 $0x2A00, s13;
	[sflag:s16] =	ssyncadd.s32 $0xFFFFE0C0  }
0x8a: {  	[spmem:s2] =	stream.indirect.scatter.add.f32 [tilespmem:s23], [sflag:$0xD], $0x40, s10, s14, $0xb8;
	[tilespmem:$0x1E800] =	vst v63  }
0x8b: {  	_ =	swait.ge [sflag:s18], $0x1F40  }
0x8c: {  	[sflag:s18] =	ssyncset.done $0x0  }
0x8d: {  	s10 =	sadd.s32 $0x2A80, s13;
	[sflag:s18] =	ssyncadd.s32 $0xFFFFE0C0  }
0x8e: {  	[spmem:s2] =	stream.indirect.scatter.add.f32 [tilespmem:s25], [sflag:$0xE], $0x40, s10, s14, $0xb8;
	[tilespmem:$0x1E800] =	vst v63  }
0x8f: {  	_ =	swait.ge [sflag:s20], $0x1F40  }
0x90: {  	[sflag:s20] =	ssyncset.done $0x0  }
0x91: {  	s10 =	sadd.s32 $0x2B00, s13;
	[sflag:s20] =	ssyncadd.s32 $0xFFFFE0C0  }
0x92: {  	[spmem:s2] =	stream.indirect.scatter.add.f32 [tilespmem:s28], [sflag:$0xF], $0x40, s10, s14, $0xb8;
	[tilespmem:$0x1E800] =	vst v63  }
0x93: {  	_ =	swait.ge [sflag:s22], $0x1F40  }
0x94: {  	[sflag:s22] =	ssyncset.done $0x0  }
0x95: {  	s10 =	sadd.s32 $0x2B80, s13;
	[sflag:s22] =	ssyncadd.s32 $0xFFFFE0C0  }
0x96: {  	[spmem:s2] =	stream.indirect.scatter.add.f32 [tilespmem:s30], [sflag:$0x10], $0x40, s10, s14, $0xb8;
	[tilespmem:$0x1E800] =	vst v63  }
0x97: {  	_ =	swait.ge [sflag:s24], $0x1F40  }
0x98: {  	[sflag:s24] =	ssyncset.done $0x0  }
0x99: {  	s10 =	sadd.s32 $0x400, s13;
	[sflag:s24] =	ssyncadd.s32 $0xFFFFE0C0  }
0x9a: {  	[tilespmem:s15], [sflag:$0x1] =	stream.indirect.gather [hbm4b:s4+s14], $0x40, s10, s14, $0xb8;
	[tilespmem:$0x1E800] =	vst v63  }
0x9b: {  	_ =	swait.ge [sflag:s26], $0x1F40  }
0x9c: {  	[sflag:s26] =	ssyncset.done $0x0  }
0x9d: {  	s10 =	sadd.s32 $0x480, s13;
	[sflag:s26] =	ssyncadd.s32 $0xFFFFE0C0  }
0x9e: {  	[tilespmem:s17], [sflag:$0x2] =	stream.indirect.gather [hbm4b:s4+s14], $0x40, s10, s14, $0xb8;
	[tilespmem:$0x1E800] =	vst v63  }
0x9f: {  	_ =	swait.ge [sflag:s29], $0x1F40  }
0xa0: {  	[sflag:s29] =	ssyncset.done $0x0  }
0xa1: {  	s10 =	sadd.s32 $0x500, s13;
	[sflag:s29] =	ssyncadd.s32 $0xFFFFE0C0  }
0xa2: {  	[tilespmem:s19], [sflag:$0x3] =	stream.indirect.gather [hbm4b:s4+s14], $0x40, s10, s14, $0xb8;
	[tilespmem:$0x1E800] =	vst v63  }
0xa3: {  	_ =	swait.ge [sflag:s5], $0x1F40  }
0xa4: {  	[sflag:s5] =	ssyncset.done $0x0  }
0xa5: {  	s10 =	sadd.s32 $0x580, s13;
	[sflag:s5] =	ssyncadd.s32 $0xFFFFE0C0  }
0xa6: {  	[tilespmem:s21], [sflag:$0x4] =	stream.indirect.gather [hbm4b:s4+s14], $0x40, s10, s14, $0xb8;
	[tilespmem:$0x1E800] =	vst v63  }
0xa7: {  	_ =	swait.ge [sflag:s6], $0x1F40  }
0xa8: {  	[sflag:s6] =	ssyncset.done $0x0  }
0xa9: {  	s10 =	sadd.s32 $0x600, s13;
	[sflag:s6] =	ssyncadd.s32 $0xFFFFE0C0  }
0xaa: {  	[tilespmem:s23], [sflag:$0x5] =	stream.indirect.gather [hbm4b:s4+s14], $0x40, s10, s14, $0xb8;
	[tilespmem:$0x1E800] =	vst v63  }
0xab: {  	_ =	swait.ge [sflag:s7], $0x1F40  }
0xac: {  	[sflag:s7] =	ssyncset.done $0x0  }
0xad: {  	s10 =	sadd.s32 $0x680, s13;
	[sflag:s7] =	ssyncadd.s32 $0xFFFFE0C0  }
0xae: {  	[tilespmem:s25], [sflag:$0x6] =	stream.indirect.gather [hbm4b:s4+s14], $0x40, s10, s14, $0xb8;
	[tilespmem:$0x1E800] =	vst v63  }
0xaf: {  	_ =	swait.ge [sflag:s8], $0x1F40  }
0xb0: {  	[sflag:s8] =	ssyncset.done $0x0  }
.Ltmp0:
0xb1: {  	s10 =	sadd.s32 $0x700, s13;
	[sflag:s8] =	ssyncadd.s32 $0xFFFFE0C0;
	(pc) =	sbr.rel @p0 .LBB2_2-.Ltmp0, $4  }
0xb2: {  	[tilespmem:s28], [sflag:$0x7] =	stream.indirect.gather [hbm4b:s4+s14], $0x40, s10, s14, $0xb8;
	[tilespmem:$0x1E800] =	vst v63  }
0xb3: {  	_ =	swait.ge [sflag:s9], $0x1F40  }
0xb4: {  	[sflag:s9] =	ssyncset.done $0x0  }
0xb5: {  	s13 =	sadd.s32 $0x780, s13;
	[sflag:s9] =	ssyncadd.s32 $0xFFFFE0C0  }
0xb6: {  	[tilespmem:s30], [sflag:$0x8] =	stream.indirect.gather [hbm4b:s4+s14], $0x40, s13, s14, $0xb8;
	[tilespmem:$0x1E800] =	vst v63  }
0xb7: {  	_ =	swait.ge [sflag:s31], $0x1F40  }
0xb8: {  	[sflag:s31] =	ssyncset.done $0x0  }
0xb9: {  	s10 =	simm.s32 $0x4C00;
	[sflag:s31] =	ssyncadd.s32 $0xFFFFE0C0  }
0xba: {  	[spmem:s2] =	stream.indirect.scatter.add.f32 [tilespmem:s15], [sflag:$0x9], $0x40, s10, s14, $0xb8;
	[tilespmem:$0x1E800] =	vst v63  }
0xbb: {  	_ =	swait.ge [sflag:s1], $0x1F40  }
0xbc: {  	[sflag:s1] =	ssyncset.done $0x0  }
0xbd: {  	s12 =	simm.s32 $0x4C80;
	[sflag:s1] =	ssyncadd.s32 $0xFFFFE0C0  }
0xbe: {  	[spmem:s2] =	stream.indirect.scatter.add.f32 [tilespmem:s17], [sflag:$0xA], $0x40, s12, s14, $0xb8;
	[tilespmem:$0x1E800] =	vst v63  }
0xbf: {  	_ =	swait.ge [sflag:s0], $0x1F40  }
0xc0: {  	[sflag:s0] =	ssyncset.done $0x0  }
0xc1: {  	s13 =	simm.s32 $0x4D00;
	[sflag:s0] =	ssyncadd.s32 $0xFFFFE0C0  }
0xc2: {  	[spmem:s2] =	stream.indirect.scatter.add.f32 [tilespmem:s19], [sflag:$0xB], $0x40, s13, s14, $0xb8;
	[tilespmem:$0x1E800] =	vst v63  }
0xc3: {  	_ =	swait.ge [sflag:s11], $0x1F40  }
0xc4: {  	[sflag:s11] =	ssyncset.done $0x0  }
0xc5: {  	s12 =	simm.s32 $0x4D80;
	[sflag:s11] =	ssyncadd.s32 $0xFFFFE0C0  }
0xc6: {  	[spmem:s2] =	stream.indirect.scatter.add.f32 [tilespmem:s21], [sflag:$0xC], $0x40, s12, s14, $0xb8;
	[tilespmem:$0x1E800] =	vst v63  }
0xc7: {  	_ =	swait.ge [sflag:s16], $0x1F40  }
0xc8: {  	[sflag:s16] =	ssyncset.done $0x0  }
0xc9: {  	s13 =	simm.s32 $0x4E00;
	[sflag:s16] =	ssyncadd.s32 $0xFFFFE0C0  }
0xca: {  	[spmem:s2] =	stream.indirect.scatter.add.f32 [tilespmem:s23], [sflag:$0xD], $0x40, s13, s14, $0xb8;
	[tilespmem:$0x1E800] =	vst v63  }
0xcb: {  	_ =	swait.ge [sflag:s18], $0x1F40  }
0xcc: {  	[sflag:s18] =	ssyncset.done $0x0  }
0xcd: {  	s12 =	simm.s32 $0x4E80;
	[sflag:s18] =	ssyncadd.s32 $0xFFFFE0C0  }
0xce: {  	[spmem:s2] =	stream.indirect.scatter.add.f32 [tilespmem:s25], [sflag:$0xE], $0x40, s12, s14, $0xb8;
	[tilespmem:$0x1E800] =	vst v63  }
0xcf: {  	_ =	swait.ge [sflag:s20], $0x1F40  }
0xd0: {  	[sflag:s20] =	ssyncset.done $0x0  }
0xd1: {  	s13 =	simm.s32 $0x4F00;
	[sflag:s20] =	ssyncadd.s32 $0xFFFFE0C0  }
0xd2: {  	[spmem:s2] =	stream.indirect.scatter.add.f32 [tilespmem:s28], [sflag:$0xF], $0x40, s13, s14, $0xb8;
	[tilespmem:$0x1E800] =	vst v63  }
0xd3: {  	_ =	swait.ge [sflag:s22], $0x1F40  }
0xd4: {  	[sflag:s22] =	ssyncset.done $0x0  }
0xd5: {  	s12 =	simm.s32 $0x4F80;
	[sflag:s22] =	ssyncadd.s32 $0xFFFFE0C0  }
0xd6: {  	[spmem:s2] =	stream.indirect.scatter.add.f32 [tilespmem:s30], [sflag:$0x10], $0x40, s12, s14, $0xb8;
	[tilespmem:$0x1E800] =	vst v63  }
0xd7: {  	_ =	swait.ge [sflag:s24], $0x1F40  }
0xd8: {  	[sflag:s24] =	ssyncset.done $0x0  }
0xd9: {  	[sflag:s24] =	ssyncadd.s32 $0xFFFFE0C0  }
0xda: {  	_ =	swait.ge [sflag:s26], $0x1F40  }
0xdb: {  	[sflag:s26] =	ssyncset.done $0x0  }
0xdc: {  	[sflag:s26] =	ssyncadd.s32 $0xFFFFE0C0  }
0xdd: {  	_ =	swait.ge [sflag:s29], $0x1F40  }
0xde: {  	[sflag:s29] =	ssyncset.done $0x0  }
0xdf: {  	[sflag:s29] =	ssyncadd.s32 $0xFFFFE0C0  }
0xe0: {  	_ =	swait.ge [sflag:s5], $0x1F40  }
0xe1: {  	[sflag:s5] =	ssyncset.done $0x0  }
0xe2: {  	[sflag:s5] =	ssyncadd.s32 $0xFFFFE0C0  }
0xe3: {  	_ =	swait.ge [sflag:s6], $0x1F40  }
0xe4: {  	[sflag:s6] =	ssyncset.done $0x0  }
0xe5: {  	[sflag:s6] =	ssyncadd.s32 $0xFFFFE0C0  }
0xe6: {  	_ =	swait.ge [sflag:s7], $0x1F40  }
0xe7: {  	[sflag:s7] =	ssyncset.done $0x0  }
0xe8: {  	[sflag:s7] =	ssyncadd.s32 $0xFFFFE0C0  }
0xe9: {  	_ =	swait.ge [sflag:s8], $0x1F40  }
0xea: {  	[sflag:s8] =	ssyncset.done $0x0  }
0xeb: {  	[sflag:s8] =	ssyncadd.s32 $0xFFFFE0C0  }
0xec: {  	_ =	swait.ge [sflag:s9], $0x1F40  }
0xed: {  	[sflag:s9] =	ssyncset.done $0x0  }
0xee: {  	[sflag:s9] =	ssyncadd.s32 $0xFFFFE0C0  }
0xef: {  	[bflag:$0x0] =	sbarrier.arrive $0xFFFF  }
0xf0: {  	s13 =	rddreg [dreg:$0x6]  }
0xf1: {  	s12 =	rddreg [dreg:$0x8]  }
0xf2: {  	[hbm:s13@s9], [sflag:s3] =	dma.strided [spmem:s12@s22], $0x13C0, s31, $0x8   }
0xf3: {  	s13 =	simm.s32 $0x11  }
0xf4: {  	_ =	swait.ge [sflag:s13], $0x13C0  }
0xf5: {  	s10 =	rddreg [dreg:$0x9]  }
0xf6: {  	s12 =	rddreg [dreg:$0x7];
	s3 =	sadd.s32 $0x1, s10  }
0xf7: {  	p0 =	sne.s32 s3, s12  }
.Ltmp1:
0xf8: {  	_ = 	snop;
	(pc) =	sbr.rel @p0 .LBB2_1-.Ltmp1, $3  }
0xf9: {  	_ =	sdelay $0x1  }
0xfa: {  	[sflag:s13] =	ssyncset.done $0x0  }
0xfb: {  	[sflag:s13] =	ssyncadd.s32 $0xFFFFEC40;
	[dreg:$0x9] =	wrdreg s3  }
0xfc: {  	_ =	sfence.sel $0x180000  }
0xfd: {  	[bflag:$0x0] =	sbarrier.arrive $0xFFFF  }
0xfe: {  	_ =	strace $0x9000004A  }
0xff: {  	s0 =	stileid.u32;
	[bflag:$0x2] =	sbarrier.arrive $0xFFFF  }
0x100: {  	p0 =	sne.s32 s0, $0x0;
	s0 =	rddreg [dreg:$0x2]  }
0x101: {  	s0 =	sadd.s32 @!p0 $0x100000, s0  }
0x102: {  	[sflag:s0] =	ssyncadd.tile.s32 @!p0 $0x1;
	_ =	shalt  }
.Lfunc_end2:
_tile_overlayer_lowered:
.L_overlay_start_2:
0x103: {  	(tag) =	ssettag $0x2  }
0x104: {  	s0 =	rddreg [dreg:$0x0];
	s2 =	stileid.u32  }
0x105: {  	s1 =	rddreg [dreg:$0x1];
	p0 =	sne.s32 s2, $0x0  }
0x106: {  	s3 =	rddreg [dreg:$0x2];
	[bflag:$0x3] =	sbarrier.arrive $0xFFFF;
	s2 =	simm.s32 @!p0 $0x1C11  }
0x107: {  	[timem:s3], [sflag:s2] =	dma.local @!p0 [hbm:s0], s1  }
0x108: {  	s0 =	simm.s32 @!p0 $0x11  }
0x109: {  	_ =	swait.ge @!p0 [sflag:s0], s1  }
0x10a: {  	s1 =	ssub.s32 @!p0 $0x0, s1;
	[sflag:s0] =	ssyncset.done @!p0 $0x0  }
0x10b: {  	[sflag:s0] =	ssyncadd.s32 @!p0 s1  }
0x10c: {  	[bflag:$0x3] =	sbarrier.arrive $0xFFFF  }
0x10d: {  	_ =	shalt  }

// kernel: kernel.16.cloned.1.call-start
scs
__scs_entry_jumppad:
0x0: {  	(pc) =	sbr.rel $0x88, $3  }
0x1: {  	(tag) =	ssettag $0x0;
	lr =	simm.s32 $0x1  }
0x2: {  	[smem:$0x3F99] =	sst lr;
	_ =	strace $0xD0000000  }
0x3: {  	_ = 	snop  }
0x4: {  	_ = 	snop  }
0x5: {  	_ = 	snop  }
0x6: {  	_ = 	snop  }
0x7: {  	_ = 	snop  }
__scs_overlays_trampoline_lowered:
0x8: {  	[smem:$0x3FA8] =	sst s0  }
0x9: {  	[smem:$0x3FA9] =	sst s1  }
0xa: {  	[smem:$0x3FAA] =	sst s2  }
0xb: {  	[smem:$0x3FAB] =	sst s3  }
0xc: {  	[smem:$0x3FAC] =	sst s4  }
0xd: {  	[smem:$0x3FAD] =	sst s5  }
0xe: {  	[smem:$0x3FAE] =	sst s6  }
0xf: {  	[smem:$0x3FAF] =	sst s7  }
0x10: {  	[smem:$0x3FB0] =	sst s8  }
0x11: {  	[smem:$0x3FB1] =	sst s9;
	s0 =	simm.s32 @!p0 $0x0  }
0x12: {  	s1 =	sld [smem:$0x3F97];
	s0 =	simm.s32 @p0 $0x1  }
0x13: {  	[smem:$0x3FB2] =	sst s0;
	s0 =	simm.s32 @!p1 $0x0  }
0x14: {  	s2 =	sld [smem:$0x3F96];
	s0 =	simm.s32 @p1 $0x1  }
0x15: {  	[smem:$0x3FB3] =	sst s0;
	s0 =	simm.s32 @!p2 $0x0  }
0x16: {  	s3 =	sld [smem:$0x3FDB];
	s0 =	simm.s32 @p2 $0x1  }
0x17: {  	s4 =	simm.s32 $0x1BF5;
	[smem:$0x3FB5] =	sst s0  }
0x18: {  	s0 =	sld [smem:$0x3F98];
	_ =	swait.ge [sflag:s4], $0x0  }
0x19: {  	s7 =	sld [smem:$0x3F99]  }
0x1a: {  	s8 =	sadd.s32 $0xFFFFE003, lr  }
0x1b: {  	s9 =	sadd.s32 $0xFFFFFEF7, lr;
	s5 =	simm.s32 $0xFFFFFFFF;
	p2 =	slt.u32 s8, $0xFFFFF086  }
0x1c: {  	p1 =	slt.u32 s9, $0xF7A;
	s5 =	simm.s32 @!p2 $0x0  }
0x1d: {  	s5 =	simm.s32 @p1 $0x1;
	p0 =	seq.s32 s7, s2  }
0x1e: {  	s7 =	smul.u32 @!p0 $0xF7A, s2;
	p2 =	seq.s32 @!p0 s5, $0x0  }
0x1f: {  	s9 =	smul.u32 $0xF7A, s1;
	s8 =	simm.s32 @!p0 $0x1BF5;
	p2 =	por !p2, p0  }
0x20: {  	[sflag:s8] =	ssyncset.s32 @!p0 $0xFFFFF086;
	s6 =	sadd.s32 @!p0 s3, s7;
	s7 =	simm.s32 @!p0 $0x108  }
0x21: {  	s3 =	sadd.s32 s3, s9;
	s6 =	sadd.s32 @!p0 $0x88, s6;
	s7 =	simm.s32 @p2 $0x1082  }
0x22: {  	[simem:s7], [sflag:s8] =	dma.local @!p0 [hbm:s6], $0xF7A  }
0x23: {  	s9 =	sor.u32 $0xD0000000, s2;
	s6 =	simm.s32 $0x108;
	_ =	swait.ge @!p0 [sflag:s8], $0x0  }
0x24: {  	s3 =	sadd.s32 $0x88, s3;
	s6 =	simm.s32 @!p1 $0x1082;
	[sflag:s4] =	ssyncset.s32 $0xFFFFF086  }
0x25: {  	[simem:s6], [sflag:s4] =	dma.local [hbm:s3], $0xF7A  }
0x26: {  	[smem:$0x3F99] =	sst s1;
	(tag) =	ssettag s2;
	_ =	strace s9  }
0x27: {  	s1 =	sld [smem:$0x3FA9]  }
0x28: {  	s2 =	sld [smem:$0x3FAA]  }
0x29: {  	s4 =	sld [smem:$0x3FAC]  }
0x2a: {  	p0 =	seq.s32 s5, $0x0;
	s5 =	sld [smem:$0x3FAD]  }
0x2b: {  	s6 =	sld [smem:$0x3FAE]  }
0x2c: {  	s7 =	sld [smem:$0x3FAF]  }
0x2d: {  	s3 =	simm.s32 $0x108;
	s8 =	sld [smem:$0x3FB0]  }
0x2e: {  	s3 =	simm.s32 @!p0 $0x1082;
	s9 =	sld [smem:$0x3FB1]  }
0x2f: {  	lr =	sadd.s32 s0, s3;
	s0 =	sld [smem:$0x3FA8]  }
0x30: {  	s3 =	sld [smem:$0x3FAB]  }
0x31: {  	[smem:$0x3FB4] =	sst s10  }
0x32: {  	s10 =	sld [smem:$0x3FB2];
	_ =	sdelay $0x3  }
0x33: {  	p0 =	seq.s32 s10, $0x1;
	s10 =	sld [smem:$0x3FB4];
	_ =	sdelay $0x3  }
0x34: {  	[smem:$0x3FB4] =	sst s10  }
0x35: {  	s10 =	sld [smem:$0x3FB3];
	_ =	sdelay $0x3  }
0x36: {  	p1 =	seq.s32 s10, $0x1;
	s10 =	sld [smem:$0x3FB4];
	_ =	sdelay $0x3  }
0x37: {  	[smem:$0x3FB4] =	sst s10  }
0x38: {  	s10 =	sld [smem:$0x3FB5]  }
0x39: {  	_ = 	snop;
	(pc) =	sbr.ind lr, $3  }
0x3a: {  	_ = 	snop  }
0x3b: {  	_ = 	snop  }
0x3c: {  	p2 =	seq.s32 s10, $0x1;
	s10 =	sld [smem:$0x3FB4]  }
0x3d: {  	_ =	shalt  }
0x3e: {  	_ =	shalt  }
0x3f: {  	_ =	shalt  }
0x40: {  	_ =	shalt  }
0x41: {  	_ =	shalt  }
0x42: {  	_ =	shalt  }
0x43: {  	_ =	shalt  }
0x44: {  	_ =	shalt  }
0x45: {  	_ =	shalt  }
0x46: {  	_ =	shalt  }
0x47: {  	_ =	shalt  }
0x48: {  	_ =	shalt  }
0x49: {  	_ =	shalt  }
0x4a: {  	_ =	shalt  }
0x4b: {  	_ =	shalt  }
0x4c: {  	_ =	shalt  }
0x4d: {  	_ =	shalt  }
0x4e: {  	_ =	shalt  }
0x4f: {  	_ =	shalt  }
0x50: {  	_ =	shalt  }
0x51: {  	_ =	shalt  }
0x52: {  	_ =	shalt  }
0x53: {  	_ =	shalt  }
0x54: {  	_ =	shalt  }
0x55: {  	_ =	shalt  }
0x56: {  	_ =	shalt  }
0x57: {  	_ =	shalt  }
0x58: {  	_ =	shalt  }
0x59: {  	_ =	shalt  }
0x5a: {  	_ =	shalt  }
0x5b: {  	_ =	shalt  }
0x5c: {  	_ =	shalt  }
0x5d: {  	_ =	shalt  }
0x5e: {  	_ =	shalt  }
0x5f: {  	_ =	shalt  }
0x60: {  	_ =	shalt  }
0x61: {  	_ =	shalt  }
0x62: {  	_ =	shalt  }
0x63: {  	_ =	shalt  }
0x64: {  	_ =	shalt  }
0x65: {  	_ =	shalt  }
0x66: {  	_ =	shalt  }
0x67: {  	_ =	shalt  }
0x68: {  	_ =	shalt  }
0x69: {  	_ =	shalt  }
0x6a: {  	_ =	shalt  }
0x6b: {  	_ =	shalt  }
0x6c: {  	_ =	shalt  }
0x6d: {  	_ =	shalt  }
0x6e: {  	_ =	shalt  }
0x6f: {  	_ =	shalt  }
0x70: {  	_ =	shalt  }
0x71: {  	_ =	shalt  }
0x72: {  	_ =	shalt  }
0x73: {  	_ =	shalt  }
0x74: {  	_ =	shalt  }
0x75: {  	_ =	shalt  }
0x76: {  	_ =	shalt  }
0x77: {  	_ =	shalt  }
0x78: {  	_ =	shalt  }
0x79: {  	_ =	shalt  }
0x7a: {  	_ =	shalt  }
0x7b: {  	_ =	shalt  }
0x7c: {  	_ =	shalt  }
0x7d: {  	_ =	shalt  }
0x7e: {  	_ =	shalt  }
0x7f: {  	_ =	shalt  }
0x80: {  	_ =	shalt  }
0x81: {  	_ =	shalt  }
0x82: {  	_ =	shalt  }
0x83: {  	_ =	shalt  }
0x84: {  	_ =	shalt  }
0x85: {  	_ =	shalt  }
0x86: {  	_ =	shalt  }
0x87: {  	_ =	shalt  }
.Lfunc_end0:
.L_simem_size_0:
called_computation.2_lowered:
.L_overlay_start_0:
0x88: {  	s2 =	sld [smem:$0x3FD9]  }
0x89: {  	s3 =	sld [smem:$0x3FFE];
	_ =	sdelay $0x1  }
0x8a: {  	s1 =	srdreg.scid  }
0x8b: {  	s0 =	sand.u32 $0x1, s1  }
0x8c: {  	s16 =	sshll.u32 s0, $0xA;
	s2 =	sadd.s32 s3, s2  }
0x8d: {  	s2 =	sadd.s32 s2, s16  }
0x8e: {  	[smem:$0x3FC0] =	sst s2  }
0x8f: {  	_ = 	snop  }
0x90: {  	(tm) =	ssettm $0x1  }
0x91: {  	s17 =	sld [smem:$0x3FFB];
	_ =	sdelay $0x3  }
0x92: {  	_ =	strace s17  }
0x93: {  	s2 =	sld [smem:$0x3FFC];
	_ =	sdelay $0x3  }
0x94: {  	_ =	strace s2  }
0x95: {  	s2 =	sld [smem:$0x3FFD];
	_ =	sdelay $0x3  }
0x96: {  	_ =	strace s2  }
0x97: {  	_ =	strace $0x8FFFFFFF  }
0x98: {  	s18 =	sld [smem:$0x3FDB];
	_ =	sdelay $0x1  }
0x99: {  	s19 =	simm.s32 $_scs_section_size  }
0x9a: {  	s4 =	simm.s32 $_size__tile_overlayer_lowered;
	s5 =	simm.s32 $_tile_overlayer_lowered  }
0x9b: {  	s22 =	simm.s32 $0x1BFF;
	s21 =	sshll.u32 s5, $0x1;
	s2 =	sadd.s32 s19, s18  }
0x9c: {  	s6 =	simm.s32 $0x0;
	s20 =	sshll.u32 s4, $0x1;
	s4 =	sadd.s32 s21, s2  }
0x9d: {  	[timem:s6], [sflag:s22] =	dma.local [hbm:s4], s20  }
0x9e: {  	_ =	swait.ge [sflag:s22], s20  }
0x9f: {  	s3 =	ssub.s32 $0x0, s20;
	[sflag:s22] =	ssyncset.done $0x0  }
0xa0: {  	[sflag:s22] =	ssyncadd.s32 s3;
	_ =	sdelay $0x1  }
0xa1: {  	s23 =	simm.s32 $0x1B8B  }
0xa2: {  	_ =	swait.ge [sflag:s23], $0x1  }
0xa3: {  	[sflag:s23] =	ssyncset.done $0x0  }
0xa4: {  	s25 =	simm.s32 $0x1B8E;
	s24 =	sld [smem:$0x3FFE];
	[sflag:s23] =	ssyncadd.s32 $0xFFFFFFFF  }
0xa5: {  	s26 =	simm.s32 $execute0_lowered;
	[smem:$0x3FD2] =	sst s25  }
0xa6: {  	s4 =	sshll.u32 s26, $0x1;
	_ =	strace $0x8000004C;
	[dreg:$0x1] =	wrdreg $0xFFFFFFFF  }
0xa7: {  	s28 =	simm.s32 $_size_execute0_lowered;
	s2 =	sadd.s32 s2, s4;
	[dreg:$0x0] =	wrdreg $0x0  }
0xa8: {  	s4 =	sshll.u32 s28, $0x1;
	[dreg:$0x2] =	wrdreg s2  }
0xa9: {  	[dreg:$0x3] =	wrdreg s4  }
0xaa: {  	[dreg:$0x4] =	wrdreg $0xC0  }
0xab: {  	_ =	task [dreg:s6], $0x5FFFF  }
0xac: {  	[dreg:$0x1] =	wrdreg $0xFFFFFFFF  }
0xad: {  	[dreg:$0x0] =	wrdreg $0x60  }
0xae: {  	[dreg:$0x2] =	wrdreg s24  }
0xaf: {  	[dreg:$0x3] =	wrdreg $0x14A000  }
0xb0: {  	[dreg:$0x4] =	wrdreg $0x9  }
0xb1: {  	_ =	task.clear_ibuf [dreg:s6], $0x5FFFF;
	_ =	strace $0x9000004C  }
0xb2: {  	s29 =	simm.s32 $0x9;
	_ =	strace $0x8000004E  }
0xb3: {  	_ =	swait.ge [sflag:s29], $0x1  }
0xb4: {  	[sflag:s29] =	ssyncadd.s32 $0xFFFFFFFF  }
0xb5: {  	_ =	strace $0x9000004E  }
0xb6: {  	_ =	sfence  }
0xb7: {  	s30 =	sld [smem:$0x0];
	_ =	sdelay $0x2  }
0xb8: {  	s31 =	sshll.u32 s1, $0xD;
	s1 =	sshrl.u32 s1, $0x2  }
0xb9: {  	s3 =	sand.u32 $0x4000, s31;
	s1 =	sadd.s32 s1, s30  }
0xba: {  	s0 =	sor.u32 s3, s0;
	s1 =	sshll.u32 s1, $0x11  }
0xbb: {  	s0 =	sor.u32 s1, s0  }
0xbc: {  	s0 =	sadd.s32 $0x8F2B, s0  }
0xbd: {  	[sflag:s0] =	ssyncadd.remote.s32 $0x1  }
0xbe: {  	_ =	sfence.sel $0xFFFF  }
0xbf: {  	[dreg:$0x0] =	wrdreg $0xFFFFFFFF;
	(pc) =	sbr.abs _section_cstart, $3  }
0xc0: {  	[dreg:$0x1] =	wrdreg $0xFFFFFFFF  }
0xc1: {  	_ =	task.clear_ibuf [dreg:s6], $0x2FFFF;
	_ =	strace $0x9FFFFFFF  }
0xc2: {  	(tm) =	ssettm $0x7FFFFFFF  }
0xc3: {  	_ =	shalt  }
tec
execute0_lowered:
.L_overlay_start_1:
0x0: {  	(tag) =	ssettag $0x1  }
0x1: {  	s0 =	srdreg.scid;
	s1 =	rddreg [dreg:$0x0]  }
0x2: {  	s8 =	stileid.u32;
	s2 =	rddreg [dreg:$0x1];
	s4 =	simm.s32 $0x0  }
0x3: {  	s13 =	simm.s32 $0x11;
	s14 =	simm.s32 $0x7D;
	s15 =	simm.s32 $0x5000  }
0x4: {  	s17 =	simm.s32 $0x6F40;
	s19 =	simm.s32 $0x8E80;
	s28 =	simm.s32 $0x10B80  }
0x5: {  	s30 =	simm.s32 $0x12AC0;
	s31 =	simm.s32 $0x1;
	s11 =	simm.s32 $0x4  }
0x6: {  	s16 =	simm.s32 $0x5;
	s18 =	simm.s32 $0x6;
	s20 =	simm.s32 $0x7  }
0x7: {  	s29 =	simm.s32 $0xB;
	s9 =	simm.s32 $0x10;
	s0 =	sand.u32 $0x1, s0  }
0x8: {  	[smem:$0x7FF] =	sst s4;
	s5 =	smul.u32 $0x13C00, s8;
	s4 =	sadd.s32 $0x16E00, s1  }
0x9: {  	s21 =	smul.u32 $0x27800, s8;
	s7 =	sadd.s32 $0x2AA00, s1;
	s26 =	sshll.u32 s8, $0x6  }
0xa: {  	s3 =	sshll.u32 s0, $0x4;
	_ =	strace $0x8000004D;
	s6 =	sshll.u32 s0, $0x6  }
0xb: {  	s0 =	ssub.s32 $0x2, s0;
	[dreg:$0x3] =	wrdreg s7;
	s12 =	sor.u32 $0x1C11, s26  }
0xc: {  	s26 =	simm.s32 $0xA;
	s7 =	simm.s32 $0xE;
	s3 =	sor.u32 s8, s3  }
0xd: {  	s5 =	sor.u32 s6, s5;
	s22 =	sshrl.u32 s0, $0x1;
	s23 =	sshrl.u32 s21, $0x2  }
0xe: {  	s21 =	simm.s32 $0xADC0;
	s6 =	simm.s32 $0xD;
	s8 =	simm.s32 $0xF  }
0xf: {  	[dreg:$0xa] =	wrdreg s12;
	s3 =	smul.u32 $0x2800, s3;
	s5 =	sshrl.u32 s5, $0x3  }
0x10: {  	s0 =	ssub.s32 s0, s22;
	s25 =	sadd.s32 s23, s2;
	s23 =	simm.s32 $0xCD00  }
0x11: {  	s22 =	simm.s32 $0x8;
	s0 =	smax.u32 s0, $0x1;
	s3 =	sshrl.u32 s3, $0x3  }
0x12: {  	s10 =	sshrl.u32 s25, $0x3;
	[dreg:$0x7] =	wrdreg s0;
	s3 =	sadd.s32 s3, s1  }
0x13: {  	s25 =	simm.s32 $0xEC40;
	[dreg:$0x8] =	wrdreg s10;
	s24 =	sadd.s32 $0x2E00, s3  }
0x14: {  	s1 =	sadd.s32 s5, s1;
	s3 =	sadd.s32 $0xCE00, s3;
	[dreg:$0x4] =	wrdreg s24  }
0x15: {  	s0 =	simm.s32 $0x3;
	s1 =	sadd.s32 $0x2BE00, s1;
	[dreg:$0x5] =	wrdreg s3  }
0x16: {  	s5 =	simm.s32 $0xC;
	[dreg:$0x6] =	wrdreg s1;
	s3 =	simm.s32 $0x0  }
0x17: {  	s1 =	simm.s32 $0x2;
	s24 =	simm.s32 $0x9;
	[dreg:$0x9] =	wrdreg s3  }
.LBB2_1:
0x18: {  	s3 =	simm.s32 $0x0;
	s12 =	rddreg [dreg:$0x4]  }
0x19: {  	[tilespmem:s3], [sflag:$0x11] =	stream.linear.gather [hbm4b:s12+s3], $0x2800, $0x38;
	[tilespmem:$0x1E800] =	vst v63  }
0x1a: {  	_ =	swait.ge [sflag:s13], $0x2800  }
0x1b: {  	s10 =	simm.s32 $0x0;
	[sflag:s13] =	ssyncset.done $0x0  }
0x1c: {  	s3 =	simm.s32 $0x2800;
	s12 =	rddreg [dreg:$0x5];
	[sflag:s13] =	ssyncadd.s32 $0xFFFFD800  }
0x1d: {  	[tilespmem:s3], [sflag:$0x11] =	stream.linear.gather [hbm4b:s12+s10], $0x2800, $0x38;
	[tilespmem:$0x1E800] =	vst v63  }
0x1e: {  	_ =	swait.ge [sflag:s13], $0x2800  }
0x1f: {  	s12 =	rddreg [dreg:$0x3]  }
0x20: {  	[sflag:s13] =	ssyncset.done $0x0;
	s10 =	rddreg [dreg:$0x8]  }
0x21: {  	s3 =	rddreg [dreg:$0xa];
	[sflag:s13] =	ssyncadd.s32 $0xFFFFD800  }
0x22: {  	[spmem:s10], [sflag:s3] =	dma.local [hbm:s12], $0x13C0  }
0x23: {  	_ =	swait.ge [sflag:s13], $0x13C0  }
0x24: {  	[sflag:s13] =	ssyncset.done $0x0  }
0x25: {  	[sflag:s13] =	ssyncadd.s32 $0xFFFFEC40  }
0x26: {  	s12 =	simm.s32 $0x0;
	[bflag:$0x0] =	sbarrier.arrive $0xFFFF  }
0x27: {  	[tilespmem:s15], [sflag:$0x1] =	stream.indirect.gather [hbm4b:s4+s14], $0x40, s12, s14, $0xb8;
	[tilespmem:$0x1E800] =	vst v63  }
0x28: {  	s13 =	simm.s32 $0x80  }
0x29: {  	[tilespmem:s17], [sflag:$0x2] =	stream.indirect.gather [hbm4b:s4+s14], $0x40, s13, s14, $0xb8;
	[tilespmem:$0x1E800] =	vst v63  }
0x2a: {  	s10 =	simm.s32 $0x100  }
0x2b: {  	[tilespmem:s19], [sflag:$0x3] =	stream.indirect.gather [hbm4b:s4+s14], $0x40, s10, s14, $0xb8;
	[tilespmem:$0x1E800] =	vst v63  }
0x2c: {  	s12 =	simm.s32 $0x180  }
0x2d: {  	[tilespmem:s21], [sflag:$0x4] =	stream.indirect.gather [hbm4b:s4+s14], $0x40, s12, s14, $0xb8;
	[tilespmem:$0x1E800] =	vst v63  }
0x2e: {  	s13 =	simm.s32 $0x200  }
0x2f: {  	[tilespmem:s23], [sflag:$0x5] =	stream.indirect.gather [hbm4b:s4+s14], $0x40, s13, s14, $0xb8;
	[tilespmem:$0x1E800] =	vst v63  }
0x30: {  	s10 =	simm.s32 $0x280  }
0x31: {  	[tilespmem:s25], [sflag:$0x6] =	stream.indirect.gather [hbm4b:s4+s14], $0x40, s10, s14, $0xb8;
	[tilespmem:$0x1E800] =	vst v63  }
0x32: {  	s12 =	simm.s32 $0x300  }
0x33: {  	[tilespmem:s28], [sflag:$0x7] =	stream.indirect.gather [hbm4b:s4+s14], $0x40, s12, s14, $0xb8;
	[tilespmem:$0x1E800] =	vst v63  }
0x34: {  	s13 =	simm.s32 $0x380  }
0x35: {  	[tilespmem:s30], [sflag:$0x8] =	stream.indirect.gather [hbm4b:s4+s14], $0x40, s13, s14, $0xb8;
	[tilespmem:$0x1E800] =	vst v63  }
0x36: {  	_ =	swait.ge [sflag:s31], $0x1F40  }
0x37: {  	[sflag:s31] =	ssyncset.done $0x0  }
0x38: {  	s3 =	simm.s32 $0x2800;
	[sflag:s31] =	ssyncadd.s32 $0xFFFFE0C0  }
0x39: {  	[spmem:s2] =	stream.indirect.scatter.add.f32 [tilespmem:s15], [sflag:$0x9], $0x40, s3, s14, $0xb8;
	[tilespmem:$0x1E800] =	vst v63  }
0x3a: {  	_ =	swait.ge [sflag:s1], $0x1F40  }
0x3b: {  	[sflag:s1] =	ssyncset.done $0x0  }
0x3c: {  	s10 =	simm.s32 $0x2880;
	[sflag:s1] =	ssyncadd.s32 $0xFFFFE0C0  }
0x3d: {  	[spmem:s2] =	stream.indirect.scatter.add.f32 [tilespmem:s17], [sflag:$0xA], $0x40, s10, s14, $0xb8;
	[tilespmem:$0x1E800] =	vst v63  }
0x3e: {  	_ =	swait.ge [sflag:s0], $0x1F40  }
0x3f: {  	[sflag:s0] =	ssyncset.done $0x0  }
0x40: {  	s13 =	simm.s32 $0x2900;
	[sflag:s0] =	ssyncadd.s32 $0xFFFFE0C0  }
0x41: {  	[spmem:s2] =	stream.indirect.scatter.add.f32 [tilespmem:s19], [sflag:$0xB], $0x40, s13, s14, $0xb8;
	[tilespmem:$0x1E800] =	vst v63  }
0x42: {  	_ =	swait.ge [sflag:s11], $0x1F40  }
0x43: {  	[sflag:s11] =	ssyncset.done $0x0  }
0x44: {  	s3 =	simm.s32 $0x2980;
	[sflag:s11] =	ssyncadd.s32 $0xFFFFE0C0  }
0x45: {  	[spmem:s2] =	stream.indirect.scatter.add.f32 [tilespmem:s21], [sflag:$0xC], $0x40, s3, s14, $0xb8;
	[tilespmem:$0x1E800] =	vst v63  }
0x46: {  	_ =	swait.ge [sflag:s16], $0x1F40  }
0x47: {  	[sflag:s16] =	ssyncset.done $0x0  }
0x48: {  	s10 =	simm.s32 $0x2A00;
	[sflag:s16] =	ssyncadd.s32 $0xFFFFE0C0  }
0x49: {  	[spmem:s2] =	stream.indirect.scatter.add.f32 [tilespmem:s23], [sflag:$0xD], $0x40, s10, s14, $0xb8;
	[tilespmem:$0x1E800] =	vst v63  }
0x4a: {  	_ =	swait.ge [sflag:s18], $0x1F40  }
0x4b: {  	[sflag:s18] =	ssyncset.done $0x0  }
0x4c: {  	s13 =	simm.s32 $0x2A80;
	[sflag:s18] =	ssyncadd.s32 $0xFFFFE0C0  }
0x4d: {  	[spmem:s2] =	stream.indirect.scatter.add.f32 [tilespmem:s25], [sflag:$0xE], $0x40, s13, s14, $0xb8;
	[tilespmem:$0x1E800] =	vst v63  }
0x4e: {  	_ =	swait.ge [sflag:s20], $0x1F40  }
0x4f: {  	[sflag:s20] =	ssyncset.done $0x0  }
0x50: {  	s3 =	simm.s32 $0x2B00;
	[sflag:s20] =	ssyncadd.s32 $0xFFFFE0C0  }
0x51: {  	[spmem:s2] =	stream.indirect.scatter.add.f32 [tilespmem:s28], [sflag:$0xF], $0x40, s3, s14, $0xb8;
	[tilespmem:$0x1E800] =	vst v63  }
0x52: {  	_ =	swait.ge [sflag:s22], $0x1F40  }
0x53: {  	[sflag:s22] =	ssyncset.done $0x0  }
0x54: {  	s10 =	simm.s32 $0x2B80;
	[sflag:s22] =	ssyncadd.s32 $0xFFFFE0C0  }
0x55: {  	[spmem:s2] =	stream.indirect.scatter.add.f32 [tilespmem:s30], [sflag:$0x10], $0x40, s10, s14, $0xb8;
	[tilespmem:$0x1E800] =	vst v63  }
0x56: {  	_ =	swait.ge [sflag:s24], $0x1F40  }
0x57: {  	[sflag:s24] =	ssyncset.done $0x0  }
0x58: {  	s13 =	simm.s32 $0x400;
	[sflag:s24] =	ssyncadd.s32 $0xFFFFE0C0  }
0x59: {  	[tilespmem:s15], [sflag:$0x1] =	stream.indirect.gather [hbm4b:s4+s14], $0x40, s13, s14, $0xb8;
	[tilespmem:$0x1E800] =	vst v63  }
0x5a: {  	_ =	swait.ge [sflag:s26], $0x1F40  }
0x5b: {  	[sflag:s26] =	ssyncset.done $0x0  }
0x5c: {  	s3 =	simm.s32 $0x480;
	[sflag:s26] =	ssyncadd.s32 $0xFFFFE0C0  }
0x5d: {  	[tilespmem:s17], [sflag:$0x2] =	stream.indirect.gather [hbm4b:s4+s14], $0x40, s3, s14, $0xb8;
	[tilespmem:$0x1E800] =	vst v63  }
0x5e: {  	_ =	swait.ge [sflag:s29], $0x1F40  }
0x5f: {  	[sflag:s29] =	ssyncset.done $0x0  }
0x60: {  	s10 =	simm.s32 $0x500;
	[sflag:s29] =	ssyncadd.s32 $0xFFFFE0C0  }
0x61: {  	[tilespmem:s19], [sflag:$0x3] =	stream.indirect.gather [hbm4b:s4+s14], $0x40, s10, s14, $0xb8;
	[tilespmem:$0x1E800] =	vst v63  }
0x62: {  	_ =	swait.ge [sflag:s5], $0x1F40  }
0x63: {  	[sflag:s5] =	ssyncset.done $0x0  }
0x64: {  	s13 =	simm.s32 $0x580;
	[sflag:s5] =	ssyncadd.s32 $0xFFFFE0C0  }
0x65: {  	[tilespmem:s21], [sflag:$0x4] =	stream.indirect.gather [hbm4b:s4+s14], $0x40, s13, s14, $0xb8;
	[tilespmem:$0x1E800] =	vst v63  }
0x66: {  	_ =	swait.ge [sflag:s6], $0x1F40  }
0x67: {  	[sflag:s6] =	ssyncset.done $0x0  }
0x68: {  	s3 =	simm.s32 $0x600;
	[sflag:s6] =	ssyncadd.s32 $0xFFFFE0C0  }
0x69: {  	[tilespmem:s23], [sflag:$0x5] =	stream.indirect.gather [hbm4b:s4+s14], $0x40, s3, s14, $0xb8;
	[tilespmem:$0x1E800] =	vst v63  }
0x6a: {  	_ =	swait.ge [sflag:s7], $0x1F40  }
0x6b: {  	[sflag:s7] =	ssyncset.done $0x0  }
0x6c: {  	s10 =	simm.s32 $0x680;
	[sflag:s7] =	ssyncadd.s32 $0xFFFFE0C0  }
0x6d: {  	[tilespmem:s25], [sflag:$0x6] =	stream.indirect.gather [hbm4b:s4+s14], $0x40, s10, s14, $0xb8;
	[tilespmem:$0x1E800] =	vst v63  }
0x6e: {  	_ =	swait.ge [sflag:s8], $0x1F40  }
0x6f: {  	[sflag:s8] =	ssyncset.done $0x0  }
0x70: {  	s13 =	simm.s32 $0x700;
	[sflag:s8] =	ssyncadd.s32 $0xFFFFE0C0  }
0x71: {  	[tilespmem:s28], [sflag:$0x7] =	stream.indirect.gather [hbm4b:s4+s14], $0x40, s13, s14, $0xb8;
	[tilespmem:$0x1E800] =	vst v63  }
0x72: {  	_ =	swait.ge [sflag:s9], $0x1F40  }
0x73: {  	s12 =	simm.s32 $0x1000;
	[sflag:s9] =	ssyncset.done $0x0  }
0x74: {  	s13 =	simm.s32 $0x780;
	s3 =	rddreg [dreg:$0xa];
	[sflag:s9] =	ssyncadd.s32 $0xFFFFE0C0  }
.LBB2_2:
0x75: {  	[tilespmem:s30], [sflag:$0x8] =	stream.indirect.gather [hbm4b:s4+s14], $0x40, s13, s14, $0xb8;
	[tilespmem:$0x1E800] =	vst v63  }
0x76: {  	s13 =	smov.u32 s12  }
0x77: {  	p0 =	sne.s32 s12, $0x8000;
	s12 =	sadd.s32 $0x1000, s12;
	_ =	swait.ge [sflag:s31], $0x1F40  }
0x78: {  	s13 =	sshra.s32 s13, $0x2;
	[sflag:s31] =	ssyncset.done $0x0  }
0x79: {  	s10 =	sadd.s32 $0x2800, s13;
	[sflag:s31] =	ssyncadd.s32 $0xFFFFE0C0  }
0x7a: {  	[spmem:s2] =	stream.indirect.scatter.add.f32 [tilespmem:s15], [sflag:$0x9], $0x40, s10, s14, $0xb8;
	[tilespmem:$0x1E800] =	vst v63  }
0x7b: {  	_ =	swait.ge [sflag:s1], $0x1F40  }
0x7c: {  	[sflag:s1] =	ssyncset.done $0x0  }
0x7d: {  	s10 =	sadd.s32 $0x2880, s13;
	[sflag:s1] =	ssyncadd.s32 $0xFFFFE0C0  }
0x7e: {  	[spmem:s2] =	stream.indirect.scatter.add.f32 [tilespmem:s17], [sflag:$0xA], $0x40, s10, s14, $0xb8;
	[tilespmem:$0x1E800] =	vst v63  }
0x7f: {  	_ =	swait.ge [sflag:s0], $0x1F40  }
0x80: {  	[sflag:s0] =	ssyncset.done $0x0  }
0x81: {  	s10 =	sadd.s32 $0x2900, s13;
	[sflag:s0] =	ssyncadd.s32 $0xFFFFE0C0  }
0x82: {  	[spmem:s2] =	stream.indirect.scatter.add.f32 [tilespmem:s19], [sflag:$0xB], $0x40, s10, s14, $0xb8;
	[tilespmem:$0x1E800] =	vst v63  }
0x83: {  	_ =	swait.ge [sflag:s11], $0x1F40  }
0x84: {  	[sflag:s11] =	ssyncset.done $0x0  }
0x85: {  	s10 =	sadd.s32 $0x2980, s13;
	[sflag:s11] =	ssyncadd.s32 $0xFFFFE0C0  }
0x86: {  	[spmem:s2] =	stream.indirect.scatter.add.f32 [tilespmem:s21], [sflag:$0xC], $0x40, s10, s14, $0xb8;
	[tilespmem:$0x1E800] =	vst v63  }
0x87: {  	_ =	swait.ge [sflag:s16], $0x1F40  }
0x88: {  	[sflag:s16] =	ssyncset.done $0x0  }
0x89: {  	s10 =	sadd.s32 $0x2A00, s13;
	[sflag:s16] =	ssyncadd.s32 $0xFFFFE0C0  }
0x8a: {  	[spmem:s2] =	stream.indirect.scatter.add.f32 [tilespmem:s23], [sflag:$0xD], $0x40, s10, s14, $0xb8;
	[tilespmem:$0x1E800] =	vst v63  }
0x8b: {  	_ =	swait.ge [sflag:s18], $0x1F40  }
0x8c: {  	[sflag:s18] =	ssyncset.done $0x0  }
0x8d: {  	s10 =	sadd.s32 $0x2A80, s13;
	[sflag:s18] =	ssyncadd.s32 $0xFFFFE0C0  }
0x8e: {  	[spmem:s2] =	stream.indirect.scatter.add.f32 [tilespmem:s25], [sflag:$0xE], $0x40, s10, s14, $0xb8;
	[tilespmem:$0x1E800] =	vst v63  }
0x8f: {  	_ =	swait.ge [sflag:s20], $0x1F40  }
0x90: {  	[sflag:s20] =	ssyncset.done $0x0  }
0x91: {  	s10 =	sadd.s32 $0x2B00, s13;
	[sflag:s20] =	ssyncadd.s32 $0xFFFFE0C0  }
0x92: {  	[spmem:s2] =	stream.indirect.scatter.add.f32 [tilespmem:s28], [sflag:$0xF], $0x40, s10, s14, $0xb8;
	[tilespmem:$0x1E800] =	vst v63  }
0x93: {  	_ =	swait.ge [sflag:s22], $0x1F40  }
0x94: {  	[sflag:s22] =	ssyncset.done $0x0  }
0x95: {  	s10 =	sadd.s32 $0x2B80, s13;
	[sflag:s22] =	ssyncadd.s32 $0xFFFFE0C0  }
0x96: {  	[spmem:s2] =	stream.indirect.scatter.add.f32 [tilespmem:s30], [sflag:$0x10], $0x40, s10, s14, $0xb8;
	[tilespmem:$0x1E800] =	vst v63  }
0x97: {  	_ =	swait.ge [sflag:s24], $0x1F40  }
0x98: {  	[sflag:s24] =	ssyncset.done $0x0  }
0x99: {  	s10 =	sadd.s32 $0x400, s13;
	[sflag:s24] =	ssyncadd.s32 $0xFFFFE0C0  }
0x9a: {  	[tilespmem:s15], [sflag:$0x1] =	stream.indirect.gather [hbm4b:s4+s14], $0x40, s10, s14, $0xb8;
	[tilespmem:$0x1E800] =	vst v63  }
0x9b: {  	_ =	swait.ge [sflag:s26], $0x1F40  }
0x9c: {  	[sflag:s26] =	ssyncset.done $0x0  }
0x9d: {  	s10 =	sadd.s32 $0x480, s13;
	[sflag:s26] =	ssyncadd.s32 $0xFFFFE0C0  }
0x9e: {  	[tilespmem:s17], [sflag:$0x2] =	stream.indirect.gather [hbm4b:s4+s14], $0x40, s10, s14, $0xb8;
	[tilespmem:$0x1E800] =	vst v63  }
0x9f: {  	_ =	swait.ge [sflag:s29], $0x1F40  }
0xa0: {  	[sflag:s29] =	ssyncset.done $0x0  }
0xa1: {  	s10 =	sadd.s32 $0x500, s13;
	[sflag:s29] =	ssyncadd.s32 $0xFFFFE0C0  }
0xa2: {  	[tilespmem:s19], [sflag:$0x3] =	stream.indirect.gather [hbm4b:s4+s14], $0x40, s10, s14, $0xb8;
	[tilespmem:$0x1E800] =	vst v63  }
0xa3: {  	_ =	swait.ge [sflag:s5], $0x1F40  }
0xa4: {  	[sflag:s5] =	ssyncset.done $0x0  }
0xa5: {  	s10 =	sadd.s32 $0x580, s13;
	[sflag:s5] =	ssyncadd.s32 $0xFFFFE0C0  }
0xa6: {  	[tilespmem:s21], [sflag:$0x4] =	stream.indirect.gather [hbm4b:s4+s14], $0x40, s10, s14, $0xb8;
	[tilespmem:$0x1E800] =	vst v63  }
0xa7: {  	_ =	swait.ge [sflag:s6], $0x1F40  }
0xa8: {  	[sflag:s6] =	ssyncset.done $0x0  }
0xa9: {  	s10 =	sadd.s32 $0x600, s13;
	[sflag:s6] =	ssyncadd.s32 $0xFFFFE0C0  }
0xaa: {  	[tilespmem:s23], [sflag:$0x5] =	stream.indirect.gather [hbm4b:s4+s14], $0x40, s10, s14, $0xb8;
	[tilespmem:$0x1E800] =	vst v63  }
0xab: {  	_ =	swait.ge [sflag:s7], $0x1F40  }
0xac: {  	[sflag:s7] =	ssyncset.done $0x0  }
0xad: {  	s10 =	sadd.s32 $0x680, s13;
	[sflag:s7] =	ssyncadd.s32 $0xFFFFE0C0  }
0xae: {  	[tilespmem:s25], [sflag:$0x6] =	stream.indirect.gather [hbm4b:s4+s14], $0x40, s10, s14, $0xb8;
	[tilespmem:$0x1E800] =	vst v63  }
0xaf: {  	_ =	swait.ge [sflag:s8], $0x1F40  }
0xb0: {  	[sflag:s8] =	ssyncset.done $0x0  }
.Ltmp0:
0xb1: {  	s10 =	sadd.s32 $0x700, s13;
	[sflag:s8] =	ssyncadd.s32 $0xFFFFE0C0;
	(pc) =	sbr.rel @p0 .LBB2_2-.Ltmp0, $4  }
0xb2: {  	[tilespmem:s28], [sflag:$0x7] =	stream.indirect.gather [hbm4b:s4+s14], $0x40, s10, s14, $0xb8;
	[tilespmem:$0x1E800] =	vst v63  }
0xb3: {  	_ =	swait.ge [sflag:s9], $0x1F40  }
0xb4: {  	[sflag:s9] =	ssyncset.done $0x0  }
0xb5: {  	s13 =	sadd.s32 $0x780, s13;
	[sflag:s9] =	ssyncadd.s32 $0xFFFFE0C0  }
0xb6: {  	[tilespmem:s30], [sflag:$0x8] =	stream.indirect.gather [hbm4b:s4+s14], $0x40, s13, s14, $0xb8;
	[tilespmem:$0x1E800] =	vst v63  }
0xb7: {  	_ =	swait.ge [sflag:s31], $0x1F40  }
0xb8: {  	[sflag:s31] =	ssyncset.done $0x0  }
0xb9: {  	s10 =	simm.s32 $0x4C00;
	[sflag:s31] =	ssyncadd.s32 $0xFFFFE0C0  }
0xba: {  	[spmem:s2] =	stream.indirect.scatter.add.f32 [tilespmem:s15], [sflag:$0x9], $0x40, s10, s14, $0xb8;
	[tilespmem:$0x1E800] =	vst v63  }
0xbb: {  	_ =	swait.ge [sflag:s1], $0x1F40  }
0xbc: {  	[sflag:s1] =	ssyncset.done $0x0  }
0xbd: {  	s12 =	simm.s32 $0x4C80;
	[sflag:s1] =	ssyncadd.s32 $0xFFFFE0C0  }
0xbe: {  	[spmem:s2] =	stream.indirect.scatter.add.f32 [tilespmem:s17], [sflag:$0xA], $0x40, s12, s14, $0xb8;
	[tilespmem:$0x1E800] =	vst v63  }
0xbf: {  	_ =	swait.ge [sflag:s0], $0x1F40  }
0xc0: {  	[sflag:s0] =	ssyncset.done $0x0  }
0xc1: {  	s13 =	simm.s32 $0x4D00;
	[sflag:s0] =	ssyncadd.s32 $0xFFFFE0C0  }
0xc2: {  	[spmem:s2] =	stream.indirect.scatter.add.f32 [tilespmem:s19], [sflag:$0xB], $0x40, s13, s14, $0xb8;
	[tilespmem:$0x1E800] =	vst v63  }
0xc3: {  	_ =	swait.ge [sflag:s11], $0x1F40  }
0xc4: {  	[sflag:s11] =	ssyncset.done $0x0  }
0xc5: {  	s12 =	simm.s32 $0x4D80;
	[sflag:s11] =	ssyncadd.s32 $0xFFFFE0C0  }
0xc6: {  	[spmem:s2] =	stream.indirect.scatter.add.f32 [tilespmem:s21], [sflag:$0xC], $0x40, s12, s14, $0xb8;
	[tilespmem:$0x1E800] =	vst v63  }
0xc7: {  	_ =	swait.ge [sflag:s16], $0x1F40  }
0xc8: {  	[sflag:s16] =	ssyncset.done $0x0  }
0xc9: {  	s13 =	simm.s32 $0x4E00;
	[sflag:s16] =	ssyncadd.s32 $0xFFFFE0C0  }
0xca: {  	[spmem:s2] =	stream.indirect.scatter.add.f32 [tilespmem:s23], [sflag:$0xD], $0x40, s13, s14, $0xb8;
	[tilespmem:$0x1E800] =	vst v63  }
0xcb: {  	_ =	swait.ge [sflag:s18], $0x1F40  }
0xcc: {  	[sflag:s18] =	ssyncset.done $0x0  }
0xcd: {  	s12 =	simm.s32 $0x4E80;
	[sflag:s18] =	ssyncadd.s32 $0xFFFFE0C0  }
0xce: {  	[spmem:s2] =	stream.indirect.scatter.add.f32 [tilespmem:s25], [sflag:$0xE], $0x40, s12, s14, $0xb8;
	[tilespmem:$0x1E800] =	vst v63  }
0xcf: {  	_ =	swait.ge [sflag:s20], $0x1F40  }
0xd0: {  	[sflag:s20] =	ssyncset.done $0x0  }
0xd1: {  	s13 =	simm.s32 $0x4F00;
	[sflag:s20] =	ssyncadd.s32 $0xFFFFE0C0  }
0xd2: {  	[spmem:s2] =	stream.indirect.scatter.add.f32 [tilespmem:s28], [sflag:$0xF], $0x40, s13, s14, $0xb8;
	[tilespmem:$0x1E800] =	vst v63  }
0xd3: {  	_ =	swait.ge [sflag:s22], $0x1F40  }
0xd4: {  	[sflag:s22] =	ssyncset.done $0x0  }
0xd5: {  	s12 =	simm.s32 $0x4F80;
	[sflag:s22] =	ssyncadd.s32 $0xFFFFE0C0  }
0xd6: {  	[spmem:s2] =	stream.indirect.scatter.add.f32 [tilespmem:s30], [sflag:$0x10], $0x40, s12, s14, $0xb8;
	[tilespmem:$0x1E800] =	vst v63  }
0xd7: {  	_ =	swait.ge [sflag:s24], $0x1F40  }
0xd8: {  	[sflag:s24] =	ssyncset.done $0x0  }
0xd9: {  	[sflag:s24] =	ssyncadd.s32 $0xFFFFE0C0  }
0xda: {  	_ =	swait.ge [sflag:s26], $0x1F40  }
0xdb: {  	[sflag:s26] =	ssyncset.done $0x0  }
0xdc: {  	[sflag:s26] =	ssyncadd.s32 $0xFFFFE0C0  }
0xdd: {  	_ =	swait.ge [sflag:s29], $0x1F40  }
0xde: {  	[sflag:s29] =	ssyncset.done $0x0  }
0xdf: {  	[sflag:s29] =	ssyncadd.s32 $0xFFFFE0C0  }
0xe0: {  	_ =	swait.ge [sflag:s5], $0x1F40  }
0xe1: {  	[sflag:s5] =	ssyncset.done $0x0  }
0xe2: {  	[sflag:s5] =	ssyncadd.s32 $0xFFFFE0C0  }
0xe3: {  	_ =	swait.ge [sflag:s6], $0x1F40  }
0xe4: {  	[sflag:s6] =	ssyncset.done $0x0  }
0xe5: {  	[sflag:s6] =	ssyncadd.s32 $0xFFFFE0C0  }
0xe6: {  	_ =	swait.ge [sflag:s7], $0x1F40  }
0xe7: {  	[sflag:s7] =	ssyncset.done $0x0  }
0xe8: {  	[sflag:s7] =	ssyncadd.s32 $0xFFFFE0C0  }
0xe9: {  	_ =	swait.ge [sflag:s8], $0x1F40  }
0xea: {  	[sflag:s8] =	ssyncset.done $0x0  }
0xeb: {  	[sflag:s8] =	ssyncadd.s32 $0xFFFFE0C0  }
0xec: {  	_ =	swait.ge [sflag:s9], $0x1F40  }
0xed: {  	[sflag:s9] =	ssyncset.done $0x0  }
0xee: {  	[sflag:s9] =	ssyncadd.s32 $0xFFFFE0C0  }
0xef: {  	[bflag:$0x0] =	sbarrier.arrive $0xFFFF  }
0xf0: {  	s13 =	rddreg [dreg:$0x6]  }
0xf1: {  	s12 =	rddreg [dreg:$0x8]  }
0xf2: {  	[hbm:s13@s9], [sflag:s3] =	dma.strided [spmem:s12@s22], $0x13C0, s31, $0x8   }
0xf3: {  	s13 =	simm.s32 $0x11  }
0xf4: {  	_ =	swait.ge [sflag:s13], $0x13C0  }
0xf5: {  	s10 =	rddreg [dreg:$0x9]  }
0xf6: {  	s12 =	rddreg [dreg:$0x7];
	s3 =	sadd.s32 $0x1, s10  }
0xf7: {  	p0 =	sne.s32 s3, s12  }
.Ltmp1:
0xf8: {  	_ = 	snop;
	(pc) =	sbr.rel @p0 .LBB2_1-.Ltmp1, $3  }
0xf9: {  	_ =	sdelay $0x1  }
0xfa: {  	[sflag:s13] =	ssyncset.done $0x0  }
0xfb: {  	[sflag:s13] =	ssyncadd.s32 $0xFFFFEC40;
	[dreg:$0x9] =	wrdreg s3  }
0xfc: {  	_ =	sfence.sel $0x180000  }
0xfd: {  	[bflag:$0x0] =	sbarrier.arrive $0xFFFF  }
0xfe: {  	_ =	strace $0x9000004D  }
0xff: {  	s0 =	stileid.u32;
	[bflag:$0x2] =	sbarrier.arrive $0xFFFF  }
0x100: {  	p0 =	sne.s32 s0, $0x0;
	s0 =	rddreg [dreg:$0x2]  }
0x101: {  	s0 =	sadd.s32 @!p0 $0x100000, s0  }
0x102: {  	[sflag:s0] =	ssyncadd.tile.s32 @!p0 $0x1;
	_ =	shalt  }
.Lfunc_end2:
_tile_overlayer_lowered:
.L_overlay_start_2:
0x103: {  	(tag) =	ssettag $0x2  }
0x104: {  	s0 =	rddreg [dreg:$0x0];
	s2 =	stileid.u32  }
0x105: {  	s1 =	rddreg [dreg:$0x1];
	p0 =	sne.s32 s2, $0x0  }
0x106: {  	s3 =	rddreg [dreg:$0x2];
	[bflag:$0x3] =	sbarrier.arrive $0xFFFF;
	s2 =	simm.s32 @!p0 $0x1C11  }
0x107: {  	[timem:s3], [sflag:s2] =	dma.local @!p0 [hbm:s0], s1  }
0x108: {  	s0 =	simm.s32 @!p0 $0x11  }
0x109: {  	_ =	swait.ge @!p0 [sflag:s0], s1  }
0x10a: {  	s1 =	ssub.s32 @!p0 $0x0, s1;
	[sflag:s0] =	ssyncset.done @!p0 $0x0  }
0x10b: {  	[sflag:s0] =	ssyncadd.s32 @!p0 s1  }
0x10c: {  	[bflag:$0x3] =	sbarrier.arrive $0xFFFF  }
0x10d: {  	_ =	shalt  }

// kernel: kernel.19.cloned.1.call-start
scs
__scs_entry_jumppad:
0x0: {  	(pc) =	sbr.rel $0x88, $3  }
0x1: {  	(tag) =	ssettag $0x0;
	lr =	simm.s32 $0x1  }
0x2: {  	[smem:$0x3F99] =	sst lr;
	_ =	strace $0xD0000000  }
0x3: {  	_ = 	snop  }
0x4: {  	_ = 	snop  }
0x5: {  	_ = 	snop  }
0x6: {  	_ = 	snop  }
0x7: {  	_ = 	snop  }
__scs_overlays_trampoline_lowered:
0x8: {  	[smem:$0x3FA8] =	sst s0  }
0x9: {  	[smem:$0x3FA9] =	sst s1  }
0xa: {  	[smem:$0x3FAA] =	sst s2  }
0xb: {  	[smem:$0x3FAB] =	sst s3  }
0xc: {  	[smem:$0x3FAC] =	sst s4  }
0xd: {  	[smem:$0x3FAD] =	sst s5  }
0xe: {  	[smem:$0x3FAE] =	sst s6  }
0xf: {  	[smem:$0x3FAF] =	sst s7  }
0x10: {  	[smem:$0x3FB0] =	sst s8  }
0x11: {  	[smem:$0x3FB1] =	sst s9;
	s0 =	simm.s32 @!p0 $0x0  }
0x12: {  	s1 =	sld [smem:$0x3F97];
	s0 =	simm.s32 @p0 $0x1  }
0x13: {  	[smem:$0x3FB2] =	sst s0;
	s0 =	simm.s32 @!p1 $0x0  }
0x14: {  	s2 =	sld [smem:$0x3F96];
	s0 =	simm.s32 @p1 $0x1  }
0x15: {  	[smem:$0x3FB3] =	sst s0;
	s0 =	simm.s32 @!p2 $0x0  }
0x16: {  	s3 =	sld [smem:$0x3FDB];
	s0 =	simm.s32 @p2 $0x1  }
0x17: {  	s4 =	simm.s32 $0x1BF5;
	[smem:$0x3FB5] =	sst s0  }
0x18: {  	s0 =	sld [smem:$0x3F98];
	_ =	swait.ge [sflag:s4], $0x0  }
0x19: {  	s7 =	sld [smem:$0x3F99]  }
0x1a: {  	s8 =	sadd.s32 $0xFFFFE003, lr  }
0x1b: {  	s9 =	sadd.s32 $0xFFFFFEF7, lr;
	s5 =	simm.s32 $0xFFFFFFFF;
	p2 =	slt.u32 s8, $0xFFFFF086  }
0x1c: {  	p1 =	slt.u32 s9, $0xF7A;
	s5 =	simm.s32 @!p2 $0x0  }
0x1d: {  	s5 =	simm.s32 @p1 $0x1;
	p0 =	seq.s32 s7, s2  }
0x1e: {  	s7 =	smul.u32 @!p0 $0xF7A, s2;
	p2 =	seq.s32 @!p0 s5, $0x0  }
0x1f: {  	s9 =	smul.u32 $0xF7A, s1;
	s8 =	simm.s32 @!p0 $0x1BF5;
	p2 =	por !p2, p0  }
0x20: {  	[sflag:s8] =	ssyncset.s32 @!p0 $0xFFFFF086;
	s6 =	sadd.s32 @!p0 s3, s7;
	s7 =	simm.s32 @!p0 $0x108  }
0x21: {  	s3 =	sadd.s32 s3, s9;
	s6 =	sadd.s32 @!p0 $0x88, s6;
	s7 =	simm.s32 @p2 $0x1082  }
0x22: {  	[simem:s7], [sflag:s8] =	dma.local @!p0 [hbm:s6], $0xF7A  }
0x23: {  	s9 =	sor.u32 $0xD0000000, s2;
	s6 =	simm.s32 $0x108;
	_ =	swait.ge @!p0 [sflag:s8], $0x0  }
0x24: {  	s3 =	sadd.s32 $0x88, s3;
	s6 =	simm.s32 @!p1 $0x1082;
	[sflag:s4] =	ssyncset.s32 $0xFFFFF086  }
0x25: {  	[simem:s6], [sflag:s4] =	dma.local [hbm:s3], $0xF7A  }
0x26: {  	[smem:$0x3F99] =	sst s1;
	(tag) =	ssettag s2;
	_ =	strace s9  }
0x27: {  	s1 =	sld [smem:$0x3FA9]  }
0x28: {  	s2 =	sld [smem:$0x3FAA]  }
0x29: {  	s4 =	sld [smem:$0x3FAC]  }
0x2a: {  	p0 =	seq.s32 s5, $0x0;
	s5 =	sld [smem:$0x3FAD]  }
0x2b: {  	s6 =	sld [smem:$0x3FAE]  }
0x2c: {  	s7 =	sld [smem:$0x3FAF]  }
0x2d: {  	s3 =	simm.s32 $0x108;
	s8 =	sld [smem:$0x3FB0]  }
0x2e: {  	s3 =	simm.s32 @!p0 $0x1082;
	s9 =	sld [smem:$0x3FB1]  }
0x2f: {  	lr =	sadd.s32 s0, s3;
	s0 =	sld [smem:$0x3FA8]  }
0x30: {  	s3 =	sld [smem:$0x3FAB]  }
0x31: {  	[smem:$0x3FB4] =	sst s10  }
0x32: {  	s10 =	sld [smem:$0x3FB2];
	_ =	sdelay $0x3  }
0x33: {  	p0 =	seq.s32 s10, $0x1;
	s10 =	sld [smem:$0x3FB4];
	_ =	sdelay $0x3  }
0x34: {  	[smem:$0x3FB4] =	sst s10  }
0x35: {  	s10 =	sld [smem:$0x3FB3];
	_ =	sdelay $0x3  }
0x36: {  	p1 =	seq.s32 s10, $0x1;
	s10 =	sld [smem:$0x3FB4];
	_ =	sdelay $0x3  }
0x37: {  	[smem:$0x3FB4] =	sst s10  }
0x38: {  	s10 =	sld [smem:$0x3FB5]  }
0x39: {  	_ = 	snop;
	(pc) =	sbr.ind lr, $3  }
0x3a: {  	_ = 	snop  }
0x3b: {  	_ = 	snop  }
0x3c: {  	p2 =	seq.s32 s10, $0x1;
	s10 =	sld [smem:$0x3FB4]  }
0x3d: {  	_ =	shalt  }
0x3e: {  	_ =	shalt  }
0x3f: {  	_ =	shalt  }
0x40: {  	_ =	shalt  }
0x41: {  	_ =	shalt  }
0x42: {  	_ =	shalt  }
0x43: {  	_ =	shalt  }
0x44: {  	_ =	shalt  }
0x45: {  	_ =	shalt  }
0x46: {  	_ =	shalt  }
0x47: {  	_ =	shalt  }
0x48: {  	_ =	shalt  }
0x49: {  	_ =	shalt  }
0x4a: {  	_ =	shalt  }
0x4b: {  	_ =	shalt  }
0x4c: {  	_ =	shalt  }
0x4d: {  	_ =	shalt  }
0x4e: {  	_ =	shalt  }
0x4f: {  	_ =	shalt  }
0x50: {  	_ =	shalt  }
0x51: {  	_ =	shalt  }
0x52: {  	_ =	shalt  }
0x53: {  	_ =	shalt  }
0x54: {  	_ =	shalt  }
0x55: {  	_ =	shalt  }
0x56: {  	_ =	shalt  }
0x57: {  	_ =	shalt  }
0x58: {  	_ =	shalt  }
0x59: {  	_ =	shalt  }
0x5a: {  	_ =	shalt  }
0x5b: {  	_ =	shalt  }
0x5c: {  	_ =	shalt  }
0x5d: {  	_ =	shalt  }
0x5e: {  	_ =	shalt  }
0x5f: {  	_ =	shalt  }
0x60: {  	_ =	shalt  }
0x61: {  	_ =	shalt  }
0x62: {  	_ =	shalt  }
0x63: {  	_ =	shalt  }
0x64: {  	_ =	shalt  }
0x65: {  	_ =	shalt  }
0x66: {  	_ =	shalt  }
0x67: {  	_ =	shalt  }
0x68: {  	_ =	shalt  }
0x69: {  	_ =	shalt  }
0x6a: {  	_ =	shalt  }
0x6b: {  	_ =	shalt  }
0x6c: {  	_ =	shalt  }
0x6d: {  	_ =	shalt  }
0x6e: {  	_ =	shalt  }
0x6f: {  	_ =	shalt  }
0x70: {  	_ =	shalt  }
0x71: {  	_ =	shalt  }
0x72: {  	_ =	shalt  }
0x73: {  	_ =	shalt  }
0x74: {  	_ =	shalt  }
0x75: {  	_ =	shalt  }
0x76: {  	_ =	shalt  }
0x77: {  	_ =	shalt  }
0x78: {  	_ =	shalt  }
0x79: {  	_ =	shalt  }
0x7a: {  	_ =	shalt  }
0x7b: {  	_ =	shalt  }
0x7c: {  	_ =	shalt  }
0x7d: {  	_ =	shalt  }
0x7e: {  	_ =	shalt  }
0x7f: {  	_ =	shalt  }
0x80: {  	_ =	shalt  }
0x81: {  	_ =	shalt  }
0x82: {  	_ =	shalt  }
0x83: {  	_ =	shalt  }
0x84: {  	_ =	shalt  }
0x85: {  	_ =	shalt  }
0x86: {  	_ =	shalt  }
0x87: {  	_ =	shalt  }
.Lfunc_end0:
.L_simem_size_0:
called_computation.3_lowered:
.L_overlay_start_0:
0x88: {  	s2 =	sld [smem:$0x3FD9]  }
0x89: {  	s3 =	sld [smem:$0x3FFE];
	_ =	sdelay $0x1  }
0x8a: {  	s1 =	srdreg.scid  }
0x8b: {  	s0 =	sand.u32 $0x1, s1  }
0x8c: {  	s17 =	sshll.u32 s0, $0xA;
	s2 =	sadd.s32 s3, s2  }
0x8d: {  	s2 =	sadd.s32 s2, s17  }
0x8e: {  	[smem:$0x3FC0] =	sst s2  }
0x8f: {  	_ = 	snop  }
0x90: {  	s2 =	sld [smem:$0x3FD0];
	(tm) =	ssettm $0x1  }
0x91: {  	s18 =	sld [smem:$0x3FFB];
	_ =	sdelay $0x3  }
0x92: {  	_ =	strace s18  }
0x93: {  	s3 =	sld [smem:$0x3FFC];
	_ =	sdelay $0x3  }
0x94: {  	_ =	strace s3  }
0x95: {  	s3 =	sld [smem:$0x3FFD];
	_ =	sdelay $0x3  }
0x96: {  	_ =	strace s3  }
0x97: {  	_ =	strace $0x8FFFFFFF  }
0x98: {  	s19 =	sld [smem:$0x3FDB];
	_ =	sdelay $0x1  }
0x99: {  	s4 =	simm.s32 $_scs_section_size  }
0x9a: {  	s5 =	simm.s32 $_size__tile_overlayer_lowered;
	s6 =	simm.s32 $_tile_overlayer_lowered  }
0x9b: {  	s22 =	simm.s32 $0x1BFF;
	s21 =	sshll.u32 s6, $0x1;
	s3 =	sadd.s32 s4, s19  }
0x9c: {  	s7 =	simm.s32 $0x0;
	s20 =	sshll.u32 s5, $0x1;
	s5 =	sadd.s32 s21, s3  }
0x9d: {  	[timem:s7], [sflag:s22] =	dma.local [hbm:s5], s20  }
0x9e: {  	_ =	swait.ge [sflag:s22], s20  }
0x9f: {  	s4 =	ssub.s32 $0x0, s20;
	[sflag:s22] =	ssyncset.done $0x0  }
0xa0: {  	[sflag:s22] =	ssyncadd.s32 s4;
	_ =	sdelay $0x1  }
0xa1: {  	s23 =	simm.s32 $0x1B8B  }
0xa2: {  	_ =	swait.ge [sflag:s23], $0x1  }
0xa3: {  	[sflag:s23] =	ssyncset.done $0x0  }
0xa4: {  	s25 =	simm.s32 $0x1B8E;
	s24 =	sld [smem:$0x3FFE];
	[sflag:s23] =	ssyncadd.s32 $0xFFFFFFFF  }
0xa5: {  	s26 =	simm.s32 $execute0_lowered;
	[smem:$0x3FD2] =	sst s25  }
0xa6: {  	s5 =	sshll.u32 s26, $0x1;
	_ =	strace $0x8000004F;
	[dreg:$0x1] =	wrdreg $0xFFFFFFFF  }
0xa7: {  	s28 =	simm.s32 $_size_execute0_lowered;
	s3 =	sadd.s32 s3, s5;
	[dreg:$0x0] =	wrdreg $0x0  }
0xa8: {  	s5 =	sshll.u32 s28, $0x1;
	[dreg:$0x2] =	wrdreg s3  }
0xa9: {  	[dreg:$0x3] =	wrdreg s5  }
0xaa: {  	[dreg:$0x4] =	wrdreg $0xC0  }
0xab: {  	_ =	task [dreg:s7], $0x5FFFF  }
0xac: {  	[dreg:$0x1] =	wrdreg $0xFFFFFFFF  }
0xad: {  	[dreg:$0x0] =	wrdreg $0x60  }
0xae: {  	[dreg:$0x2] =	wrdreg s24  }
0xaf: {  	[dreg:$0x3] =	wrdreg s2  }
0xb0: {  	[dreg:$0x4] =	wrdreg $0x8E800  }
0xb1: {  	[dreg:$0x5] =	wrdreg $0x9  }
0xb2: {  	_ =	task.clear_ibuf [dreg:s7], $0x6FFFF;
	_ =	strace $0x9000004F  }
0xb3: {  	s29 =	simm.s32 $0x9;
	_ =	strace $0x80000051  }
0xb4: {  	_ =	swait.ge [sflag:s29], $0x1  }
0xb5: {  	[sflag:s29] =	ssyncadd.s32 $0xFFFFFFFF  }
0xb6: {  	_ =	strace $0x90000051  }
0xb7: {  	_ =	sfence  }
0xb8: {  	s30 =	sld [smem:$0x0];
	_ =	sdelay $0x2  }
0xb9: {  	s31 =	sshll.u32 s1, $0xD;
	s1 =	sshrl.u32 s1, $0x2  }
0xba: {  	s3 =	sand.u32 $0x4000, s31;
	s1 =	sadd.s32 s1, s30  }
0xbb: {  	s0 =	sor.u32 s3, s0;
	s1 =	sshll.u32 s1, $0x11  }
0xbc: {  	s0 =	sor.u32 s1, s0  }
0xbd: {  	s0 =	sadd.s32 $0x8F2B, s0  }
0xbe: {  	[sflag:s0] =	ssyncadd.remote.s32 $0x1  }
0xbf: {  	_ =	sfence.sel $0xFFFF  }
0xc0: {  	[dreg:$0x0] =	wrdreg $0xFFFFFFFF;
	(pc) =	sbr.abs _section_cstart, $3  }
0xc1: {  	[dreg:$0x1] =	wrdreg $0xFFFFFFFF  }
0xc2: {  	_ =	task.clear_ibuf [dreg:s7], $0x2FFFF;
	_ =	strace $0x9FFFFFFF  }
0xc3: {  	(tm) =	ssettm $0x7FFFFFFF  }
tec
execute0_lowered:
.L_overlay_start_1:
0x0: {  	(tag) =	ssettag $0x1  }
0x1: {  	s0 =	srdreg.scid;
	s1 =	rddreg [dreg:$0x0]  }
0x2: {  	s8 =	stileid.u32;
	s3 =	rddreg [dreg:$0x2];
	s5 =	simm.s32 $0x0  }
0x3: {  	s13 =	simm.s32 $0x11;
	s14 =	simm.s32 $0x7D;
	s15 =	simm.s32 $0x5000  }
0x4: {  	s17 =	simm.s32 $0x57D0;
	s19 =	simm.s32 $0x5FA0;
	s21 =	simm.s32 $0x6770  }
0x5: {  	s28 =	simm.s32 $0x7EE0;
	s30 =	simm.s32 $0x86B0;
	s31 =	simm.s32 $0x1  }
0x6: {  	s11 =	simm.s32 $0x5;
	s16 =	simm.s32 $0x6;
	s18 =	simm.s32 $0x7  }
0x7: {  	s20 =	simm.s32 $0x8;
	s22 =	simm.s32 $0x9;
	s29 =	simm.s32 $0xC  }
0x8: {  	s9 =	simm.s32 $0x10;
	s10 =	simm.s32 $0x0;
	s0 =	sand.u32 $0x1, s0  }
0x9: {  	[smem:$0x7FF] =	sst s5;
	s6 =	smul.u32 $0x4F00, s8;
	s5 =	sadd.s32 $0x3E600, s1  }
0xa: {  	s23 =	smul.u32 $0x9E00, s8;
	s26 =	sshll.u32 s8, $0x6;
	s2 =	sshll.u32 s0, $0x4  }
0xb: {  	_ =	strace $0x80000050;
	s0 =	ssub.s32 $0x2, s0;
	[dreg:$0xa] =	wrdreg s10  }
0xc: {  	s4 =	sor.u32 s8, s2;
	s2 =	sor.u32 s2, s6;
	s7 =	sshrl.u32 s0, $0x1  }
0xd: {  	s24 =	sshrl.u32 s23, $0x2;
	s23 =	simm.s32 $0x6F40;
	s6 =	simm.s32 $0xD  }
0xe: {  	s8 =	simm.s32 $0xF;
	s4 =	smul.u32 $0x2800, s4;
	s0 =	ssub.s32 s0, s7  }
0xf: {  	s2 =	sshrl.u32 s2, $0x3;
	s7 =	simm.s32 $0xE;
	s0 =	smax.u32 s0, $0x1  }
0x10: {  	s4 =	sshrl.u32 s4, $0x3;
	[dreg:$0x7] =	wrdreg s0;
	s0 =	sor.u32 $0x1C11, s26  }
0x11: {  	s26 =	simm.s32 $0xB;
	s4 =	sadd.s32 s4, s1;
	s1 =	sadd.s32 s2, s1  }
0x12: {  	s2 =	sadd.s32 s24, s3;
	[dreg:$0x9] =	wrdreg s0;
	s25 =	sadd.s32 $0x2E00, s4  }
0x13: {  	s0 =	simm.s32 $0x3;
	s4 =	sadd.s32 $0xCE00, s4;
	[dreg:$0x4] =	wrdreg s25  }
0x14: {  	s24 =	simm.s32 $0xA;
	s1 =	sadd.s32 $0x43600, s1;
	[dreg:$0x5] =	wrdreg s4  }
0x15: {  	s12 =	sshrl.u32 s2, $0x3;
	s2 =	simm.s32 $0x4;
	[dreg:$0x6] =	wrdreg s1  }
0x16: {  	s25 =	simm.s32 $0x7710;
	s1 =	simm.s32 $0x2;
	[dreg:$0x8] =	wrdreg s12  }
.LBB2_1:
0x17: {  	s4 =	simm.s32 $0x0;
	s10 =	rddreg [dreg:$0x4]  }
0x18: {  	[tilespmem:s4], [sflag:$0x11] =	stream.linear.gather [hbm4b:s10+s4], $0x2800, $0x38;
	[tilespmem:$0xB600] =	vst v63  }
0x19: {  	_ =	swait.ge [sflag:s13], $0x2800  }
0x1a: {  	s12 =	simm.s32 $0x0;
	[sflag:s13] =	ssyncset.done $0x0  }
0x1b: {  	s4 =	simm.s32 $0x2800;
	s10 =	rddreg [dreg:$0x5];
	[sflag:s13] =	ssyncadd.s32 $0xFFFFD800  }
0x1c: {  	[tilespmem:s4], [sflag:$0x11] =	stream.linear.gather [hbm4b:s10+s12], $0x2800, $0x38;
	[tilespmem:$0xB600] =	vst v63  }
0x1d: {  	s4 =	rddreg [dreg:$0x9];
	_ =	swait.ge [sflag:s13], $0x2800  }
0x1e: {  	[sflag:s13] =	ssyncset.done $0x0  }
0x1f: {  	s12 =	rddreg [dreg:$0x8];
	[sflag:s13] =	ssyncadd.s32 $0xFFFFD800  }
0x20: {  	s10 =	rddreg [dreg:$0x1]  }
0x21: {  	[spmem:s12], [sflag:s4] =	dma.local [hbm:s10], $0x4F0  }
0x22: {  	_ =	swait.ge [sflag:s13], $0x4F0  }
0x23: {  	[sflag:s13] =	ssyncset.done $0x0  }
0x24: {  	[sflag:s13] =	ssyncadd.s32 $0xFFFFFB10  }
0x25: {  	s12 =	simm.s32 $0x0;
	[bflag:$0x0] =	sbarrier.arrive $0xFFFF  }
0x26: {  	[tilespmem:s15], [sflag:$0x1] =	stream.indirect.gather [hbm4b:s5+s14], $0x10, s12, s14, $0xb8;
	[tilespmem:$0xB600] =	vst v63  }
0x27: {  	s13 =	simm.s32 $0x80  }
0x28: {  	[tilespmem:s17], [sflag:$0x2] =	stream.indirect.gather [hbm4b:s5+s14], $0x10, s13, s14, $0xb8;
	[tilespmem:$0xB600] =	vst v63  }
0x29: {  	s4 =	simm.s32 $0x100  }
0x2a: {  	[tilespmem:s19], [sflag:$0x3] =	stream.indirect.gather [hbm4b:s5+s14], $0x10, s4, s14, $0xb8;
	[tilespmem:$0xB600] =	vst v63  }
0x2b: {  	s12 =	simm.s32 $0x180  }
0x2c: {  	[tilespmem:s21], [sflag:$0x4] =	stream.indirect.gather [hbm4b:s5+s14], $0x10, s12, s14, $0xb8;
	[tilespmem:$0xB600] =	vst v63  }
0x2d: {  	s13 =	simm.s32 $0x200  }
0x2e: {  	[tilespmem:s23], [sflag:$0x5] =	stream.indirect.gather [hbm4b:s5+s14], $0x10, s13, s14, $0xb8;
	[tilespmem:$0xB600] =	vst v63  }
0x2f: {  	s4 =	simm.s32 $0x280  }
0x30: {  	[tilespmem:s25], [sflag:$0x6] =	stream.indirect.gather [hbm4b:s5+s14], $0x10, s4, s14, $0xb8;
	[tilespmem:$0xB600] =	vst v63  }
0x31: {  	s12 =	simm.s32 $0x300  }
0x32: {  	[tilespmem:s28], [sflag:$0x7] =	stream.indirect.gather [hbm4b:s5+s14], $0x10, s12, s14, $0xb8;
	[tilespmem:$0xB600] =	vst v63  }
0x33: {  	s13 =	simm.s32 $0x380  }
0x34: {  	[tilespmem:s30], [sflag:$0x8] =	stream.indirect.gather [hbm4b:s5+s14], $0x10, s13, s14, $0xb8;
	[tilespmem:$0xB600] =	vst v63  }
0x35: {  	_ =	swait.ge [sflag:s31], $0x7D0  }
0x36: {  	[sflag:s31] =	ssyncset.done $0x0  }
0x37: {  	s4 =	simm.s32 $0x2800;
	[sflag:s31] =	ssyncadd.s32 $0xFFFFF830  }
0x38: {  	[spmem:s3] =	stream.indirect.scatter.add.f32 [tilespmem:s15], [sflag:$0x9], $0x10, s4, s14, $0xb8;
	[tilespmem:$0xB600] =	vst v63  }
0x39: {  	_ =	swait.ge [sflag:s1], $0x7D0  }
0x3a: {  	[sflag:s1] =	ssyncset.done $0x0  }
0x3b: {  	s10 =	simm.s32 $0x2880;
	[sflag:s1] =	ssyncadd.s32 $0xFFFFF830  }
0x3c: {  	[spmem:s3] =	stream.indirect.scatter.add.f32 [tilespmem:s17], [sflag:$0xA], $0x10, s10, s14, $0xb8;
	[tilespmem:$0xB600] =	vst v63  }
0x3d: {  	_ =	swait.ge [sflag:s0], $0x7D0  }
0x3e: {  	[sflag:s0] =	ssyncset.done $0x0  }
0x3f: {  	s13 =	simm.s32 $0x2900;
	[sflag:s0] =	ssyncadd.s32 $0xFFFFF830  }
0x40: {  	[spmem:s3] =	stream.indirect.scatter.add.f32 [tilespmem:s19], [sflag:$0xB], $0x10, s13, s14, $0xb8;
	[tilespmem:$0xB600] =	vst v63  }
0x41: {  	_ =	swait.ge [sflag:s2], $0x7D0  }
0x42: {  	[sflag:s2] =	ssyncset.done $0x0  }
0x43: {  	s4 =	simm.s32 $0x2980;
	[sflag:s2] =	ssyncadd.s32 $0xFFFFF830  }
0x44: {  	[spmem:s3] =	stream.indirect.scatter.add.f32 [tilespmem:s21], [sflag:$0xC], $0x10, s4, s14, $0xb8;
	[tilespmem:$0xB600] =	vst v63  }
0x45: {  	_ =	swait.ge [sflag:s11], $0x7D0  }
0x46: {  	[sflag:s11] =	ssyncset.done $0x0  }
0x47: {  	s10 =	simm.s32 $0x2A00;
	[sflag:s11] =	ssyncadd.s32 $0xFFFFF830  }
0x48: {  	[spmem:s3] =	stream.indirect.scatter.add.f32 [tilespmem:s23], [sflag:$0xD], $0x10, s10, s14, $0xb8;
	[tilespmem:$0xB600] =	vst v63  }
0x49: {  	_ =	swait.ge [sflag:s16], $0x7D0  }
0x4a: {  	[sflag:s16] =	ssyncset.done $0x0  }
0x4b: {  	s13 =	simm.s32 $0x2A80;
	[sflag:s16] =	ssyncadd.s32 $0xFFFFF830  }
0x4c: {  	[spmem:s3] =	stream.indirect.scatter.add.f32 [tilespmem:s25], [sflag:$0xE], $0x10, s13, s14, $0xb8;
	[tilespmem:$0xB600] =	vst v63  }
0x4d: {  	_ =	swait.ge [sflag:s18], $0x7D0  }
0x4e: {  	[sflag:s18] =	ssyncset.done $0x0  }
0x4f: {  	s4 =	simm.s32 $0x2B00;
	[sflag:s18] =	ssyncadd.s32 $0xFFFFF830  }
0x50: {  	[spmem:s3] =	stream.indirect.scatter.add.f32 [tilespmem:s28], [sflag:$0xF], $0x10, s4, s14, $0xb8;
	[tilespmem:$0xB600] =	vst v63  }
0x51: {  	_ =	swait.ge [sflag:s20], $0x7D0  }
0x52: {  	[sflag:s20] =	ssyncset.done $0x0  }
0x53: {  	s10 =	simm.s32 $0x2B80;
	[sflag:s20] =	ssyncadd.s32 $0xFFFFF830  }
0x54: {  	[spmem:s3] =	stream.indirect.scatter.add.f32 [tilespmem:s30], [sflag:$0x10], $0x10, s10, s14, $0xb8;
	[tilespmem:$0xB600] =	vst v63  }
0x55: {  	_ =	swait.ge [sflag:s22], $0x7D0  }
0x56: {  	[sflag:s22] =	ssyncset.done $0x0  }
0x57: {  	s13 =	simm.s32 $0x400;
	[sflag:s22] =	ssyncadd.s32 $0xFFFFF830  }
0x58: {  	[tilespmem:s15], [sflag:$0x1] =	stream.indirect.gather [hbm4b:s5+s14], $0x10, s13, s14, $0xb8;
	[tilespmem:$0xB600] =	vst v63  }
0x59: {  	_ =	swait.ge [sflag:s24], $0x7D0  }
0x5a: {  	[sflag:s24] =	ssyncset.done $0x0  }
0x5b: {  	s4 =	simm.s32 $0x480;
	[sflag:s24] =	ssyncadd.s32 $0xFFFFF830  }
0x5c: {  	[tilespmem:s17], [sflag:$0x2] =	stream.indirect.gather [hbm4b:s5+s14], $0x10, s4, s14, $0xb8;
	[tilespmem:$0xB600] =	vst v63  }
0x5d: {  	_ =	swait.ge [sflag:s26], $0x7D0  }
0x5e: {  	[sflag:s26] =	ssyncset.done $0x0  }
0x5f: {  	s10 =	simm.s32 $0x500;
	[sflag:s26] =	ssyncadd.s32 $0xFFFFF830  }
0x60: {  	[tilespmem:s19], [sflag:$0x3] =	stream.indirect.gather [hbm4b:s5+s14], $0x10, s10, s14, $0xb8;
	[tilespmem:$0xB600] =	vst v63  }
0x61: {  	_ =	swait.ge [sflag:s29], $0x7D0  }
0x62: {  	[sflag:s29] =	ssyncset.done $0x0  }
0x63: {  	s13 =	simm.s32 $0x580;
	[sflag:s29] =	ssyncadd.s32 $0xFFFFF830  }
0x64: {  	[tilespmem:s21], [sflag:$0x4] =	stream.indirect.gather [hbm4b:s5+s14], $0x10, s13, s14, $0xb8;
	[tilespmem:$0xB600] =	vst v63  }
0x65: {  	_ =	swait.ge [sflag:s6], $0x7D0  }
0x66: {  	[sflag:s6] =	ssyncset.done $0x0  }
0x67: {  	s4 =	simm.s32 $0x600;
	[sflag:s6] =	ssyncadd.s32 $0xFFFFF830  }
0x68: {  	[tilespmem:s23], [sflag:$0x5] =	stream.indirect.gather [hbm4b:s5+s14], $0x10, s4, s14, $0xb8;
	[tilespmem:$0xB600] =	vst v63  }
0x69: {  	_ =	swait.ge [sflag:s7], $0x7D0  }
0x6a: {  	[sflag:s7] =	ssyncset.done $0x0  }
0x6b: {  	s10 =	simm.s32 $0x680;
	[sflag:s7] =	ssyncadd.s32 $0xFFFFF830  }
0x6c: {  	[tilespmem:s25], [sflag:$0x6] =	stream.indirect.gather [hbm4b:s5+s14], $0x10, s10, s14, $0xb8;
	[tilespmem:$0xB600] =	vst v63  }
0x6d: {  	_ =	swait.ge [sflag:s8], $0x7D0  }
0x6e: {  	[sflag:s8] =	ssyncset.done $0x0  }
0x6f: {  	s13 =	simm.s32 $0x700;
	[sflag:s8] =	ssyncadd.s32 $0xFFFFF830  }
0x70: {  	[tilespmem:s28], [sflag:$0x7] =	stream.indirect.gather [hbm4b:s5+s14], $0x10, s13, s14, $0xb8;
	[tilespmem:$0xB600] =	vst v63  }
0x71: {  	_ =	swait.ge [sflag:s9], $0x7D0  }
0x72: {  	[sflag:s9] =	ssyncset.done $0x0  }
0x73: {  	s12 =	simm.s32 $0x1000;
	s13 =	simm.s32 $0x780;
	[sflag:s9] =	ssyncadd.s32 $0xFFFFF830  }
.LBB2_2:
0x74: {  	[tilespmem:s30], [sflag:$0x8] =	stream.indirect.gather [hbm4b:s5+s14], $0x10, s13, s14, $0xb8;
	[tilespmem:$0xB600] =	vst v63  }
0x75: {  	s13 =	smov.u32 s12  }
0x76: {  	p0 =	sne.s32 s12, $0x8000;
	s12 =	sadd.s32 $0x1000, s12;
	_ =	swait.ge [sflag:s31], $0x7D0  }
0x77: {  	s13 =	sshra.s32 s13, $0x2;
	[sflag:s31] =	ssyncset.done $0x0  }
0x78: {  	s10 =	sadd.s32 $0x2800, s13;
	[sflag:s31] =	ssyncadd.s32 $0xFFFFF830  }
0x79: {  	[spmem:s3] =	stream.indirect.scatter.add.f32 [tilespmem:s15], [sflag:$0x9], $0x10, s10, s14, $0xb8;
	[tilespmem:$0xB600] =	vst v63  }
0x7a: {  	_ =	swait.ge [sflag:s1], $0x7D0  }
0x7b: {  	[sflag:s1] =	ssyncset.done $0x0  }
0x7c: {  	s10 =	sadd.s32 $0x2880, s13;
	[sflag:s1] =	ssyncadd.s32 $0xFFFFF830  }
0x7d: {  	[spmem:s3] =	stream.indirect.scatter.add.f32 [tilespmem:s17], [sflag:$0xA], $0x10, s10, s14, $0xb8;
	[tilespmem:$0xB600] =	vst v63  }
0x7e: {  	_ =	swait.ge [sflag:s0], $0x7D0  }
0x7f: {  	[sflag:s0] =	ssyncset.done $0x0  }
0x80: {  	s10 =	sadd.s32 $0x2900, s13;
	[sflag:s0] =	ssyncadd.s32 $0xFFFFF830  }
0x81: {  	[spmem:s3] =	stream.indirect.scatter.add.f32 [tilespmem:s19], [sflag:$0xB], $0x10, s10, s14, $0xb8;
	[tilespmem:$0xB600] =	vst v63  }
0x82: {  	_ =	swait.ge [sflag:s2], $0x7D0  }
0x83: {  	[sflag:s2] =	ssyncset.done $0x0  }
0x84: {  	s10 =	sadd.s32 $0x2980, s13;
	[sflag:s2] =	ssyncadd.s32 $0xFFFFF830  }
0x85: {  	[spmem:s3] =	stream.indirect.scatter.add.f32 [tilespmem:s21], [sflag:$0xC], $0x10, s10, s14, $0xb8;
	[tilespmem:$0xB600] =	vst v63  }
0x86: {  	_ =	swait.ge [sflag:s11], $0x7D0  }
0x87: {  	[sflag:s11] =	ssyncset.done $0x0  }
0x88: {  	s10 =	sadd.s32 $0x2A00, s13;
	[sflag:s11] =	ssyncadd.s32 $0xFFFFF830  }
0x89: {  	[spmem:s3] =	stream.indirect.scatter.add.f32 [tilespmem:s23], [sflag:$0xD], $0x10, s10, s14, $0xb8;
	[tilespmem:$0xB600] =	vst v63  }
0x8a: {  	_ =	swait.ge [sflag:s16], $0x7D0  }
0x8b: {  	[sflag:s16] =	ssyncset.done $0x0  }
0x8c: {  	s10 =	sadd.s32 $0x2A80, s13;
	[sflag:s16] =	ssyncadd.s32 $0xFFFFF830  }
0x8d: {  	[spmem:s3] =	stream.indirect.scatter.add.f32 [tilespmem:s25], [sflag:$0xE], $0x10, s10, s14, $0xb8;
	[tilespmem:$0xB600] =	vst v63  }
0x8e: {  	_ =	swait.ge [sflag:s18], $0x7D0  }
0x8f: {  	[sflag:s18] =	ssyncset.done $0x0  }
0x90: {  	s10 =	sadd.s32 $0x2B00, s13;
	[sflag:s18] =	ssyncadd.s32 $0xFFFFF830  }
0x91: {  	[spmem:s3] =	stream.indirect.scatter.add.f32 [tilespmem:s28], [sflag:$0xF], $0x10, s10, s14, $0xb8;
	[tilespmem:$0xB600] =	vst v63  }
0x92: {  	_ =	swait.ge [sflag:s20], $0x7D0  }
0x93: {  	[sflag:s20] =	ssyncset.done $0x0  }
0x94: {  	s10 =	sadd.s32 $0x2B80, s13;
	[sflag:s20] =	ssyncadd.s32 $0xFFFFF830  }
0x95: {  	[spmem:s3] =	stream.indirect.scatter.add.f32 [tilespmem:s30], [sflag:$0x10], $0x10, s10, s14, $0xb8;
	[tilespmem:$0xB600] =	vst v63  }
0x96: {  	_ =	swait.ge [sflag:s22], $0x7D0  }
0x97: {  	[sflag:s22] =	ssyncset.done $0x0  }
0x98: {  	s10 =	sadd.s32 $0x400, s13;
	[sflag:s22] =	ssyncadd.s32 $0xFFFFF830  }
0x99: {  	[tilespmem:s15], [sflag:$0x1] =	stream.indirect.gather [hbm4b:s5+s14], $0x10, s10, s14, $0xb8;
	[tilespmem:$0xB600] =	vst v63  }
0x9a: {  	_ =	swait.ge [sflag:s24], $0x7D0  }
0x9b: {  	[sflag:s24] =	ssyncset.done $0x0  }
0x9c: {  	s10 =	sadd.s32 $0x480, s13;
	[sflag:s24] =	ssyncadd.s32 $0xFFFFF830  }
0x9d: {  	[tilespmem:s17], [sflag:$0x2] =	stream.indirect.gather [hbm4b:s5+s14], $0x10, s10, s14, $0xb8;
	[tilespmem:$0xB600] =	vst v63  }
0x9e: {  	_ =	swait.ge [sflag:s26], $0x7D0  }
0x9f: {  	[sflag:s26] =	ssyncset.done $0x0  }
0xa0: {  	s10 =	sadd.s32 $0x500, s13;
	[sflag:s26] =	ssyncadd.s32 $0xFFFFF830  }
0xa1: {  	[tilespmem:s19], [sflag:$0x3] =	stream.indirect.gather [hbm4b:s5+s14], $0x10, s10, s14, $0xb8;
	[tilespmem:$0xB600] =	vst v63  }
0xa2: {  	_ =	swait.ge [sflag:s29], $0x7D0  }
0xa3: {  	[sflag:s29] =	ssyncset.done $0x0  }
0xa4: {  	s10 =	sadd.s32 $0x580, s13;
	[sflag:s29] =	ssyncadd.s32 $0xFFFFF830  }
0xa5: {  	[tilespmem:s21], [sflag:$0x4] =	stream.indirect.gather [hbm4b:s5+s14], $0x10, s10, s14, $0xb8;
	[tilespmem:$0xB600] =	vst v63  }
0xa6: {  	_ =	swait.ge [sflag:s6], $0x7D0  }
0xa7: {  	[sflag:s6] =	ssyncset.done $0x0  }
0xa8: {  	s10 =	sadd.s32 $0x600, s13;
	[sflag:s6] =	ssyncadd.s32 $0xFFFFF830  }
0xa9: {  	[tilespmem:s23], [sflag:$0x5] =	stream.indirect.gather [hbm4b:s5+s14], $0x10, s10, s14, $0xb8;
	[tilespmem:$0xB600] =	vst v63  }
0xaa: {  	_ =	swait.ge [sflag:s7], $0x7D0  }
0xab: {  	[sflag:s7] =	ssyncset.done $0x0  }
0xac: {  	s10 =	sadd.s32 $0x680, s13;
	[sflag:s7] =	ssyncadd.s32 $0xFFFFF830  }
0xad: {  	[tilespmem:s25], [sflag:$0x6] =	stream.indirect.gather [hbm4b:s5+s14], $0x10, s10, s14, $0xb8;
	[tilespmem:$0xB600] =	vst v63  }
0xae: {  	_ =	swait.ge [sflag:s8], $0x7D0  }
0xaf: {  	[sflag:s8] =	ssyncset.done $0x0  }
.Ltmp0:
0xb0: {  	s10 =	sadd.s32 $0x700, s13;
	[sflag:s8] =	ssyncadd.s32 $0xFFFFF830;
	(pc) =	sbr.rel @p0 .LBB2_2-.Ltmp0, $4  }
0xb1: {  	[tilespmem:s28], [sflag:$0x7] =	stream.indirect.gather [hbm4b:s5+s14], $0x10, s10, s14, $0xb8;
	[tilespmem:$0xB600] =	vst v63  }
0xb2: {  	_ =	swait.ge [sflag:s9], $0x7D0  }
0xb3: {  	[sflag:s9] =	ssyncset.done $0x0  }
0xb4: {  	s13 =	sadd.s32 $0x780, s13;
	[sflag:s9] =	ssyncadd.s32 $0xFFFFF830  }
0xb5: {  	[tilespmem:s30], [sflag:$0x8] =	stream.indirect.gather [hbm4b:s5+s14], $0x10, s13, s14, $0xb8;
	[tilespmem:$0xB600] =	vst v63  }
0xb6: {  	_ =	swait.ge [sflag:s31], $0x7D0  }
0xb7: {  	[sflag:s31] =	ssyncset.done $0x0  }
0xb8: {  	s10 =	simm.s32 $0x4C00;
	[sflag:s31] =	ssyncadd.s32 $0xFFFFF830  }
0xb9: {  	[spmem:s3] =	stream.indirect.scatter.add.f32 [tilespmem:s15], [sflag:$0x9], $0x10, s10, s14, $0xb8;
	[tilespmem:$0xB600] =	vst v63  }
0xba: {  	_ =	swait.ge [sflag:s1], $0x7D0  }
0xbb: {  	[sflag:s1] =	ssyncset.done $0x0  }
0xbc: {  	s12 =	simm.s32 $0x4C80;
	[sflag:s1] =	ssyncadd.s32 $0xFFFFF830  }
0xbd: {  	[spmem:s3] =	stream.indirect.scatter.add.f32 [tilespmem:s17], [sflag:$0xA], $0x10, s12, s14, $0xb8;
	[tilespmem:$0xB600] =	vst v63  }
0xbe: {  	_ =	swait.ge [sflag:s0], $0x7D0  }
0xbf: {  	[sflag:s0] =	ssyncset.done $0x0  }
0xc0: {  	s13 =	simm.s32 $0x4D00;
	[sflag:s0] =	ssyncadd.s32 $0xFFFFF830  }
0xc1: {  	[spmem:s3] =	stream.indirect.scatter.add.f32 [tilespmem:s19], [sflag:$0xB], $0x10, s13, s14, $0xb8;
	[tilespmem:$0xB600] =	vst v63  }
0xc2: {  	_ =	swait.ge [sflag:s2], $0x7D0  }
0xc3: {  	[sflag:s2] =	ssyncset.done $0x0  }
0xc4: {  	s4 =	simm.s32 $0x4D80;
	[sflag:s2] =	ssyncadd.s32 $0xFFFFF830  }
0xc5: {  	[spmem:s3] =	stream.indirect.scatter.add.f32 [tilespmem:s21], [sflag:$0xC], $0x10, s4, s14, $0xb8;
	[tilespmem:$0xB600] =	vst v63  }
0xc6: {  	_ =	swait.ge [sflag:s11], $0x7D0  }
0xc7: {  	[sflag:s11] =	ssyncset.done $0x0  }
0xc8: {  	s12 =	simm.s32 $0x4E00;
	[sflag:s11] =	ssyncadd.s32 $0xFFFFF830  }
0xc9: {  	[spmem:s3] =	stream.indirect.scatter.add.f32 [tilespmem:s23], [sflag:$0xD], $0x10, s12, s14, $0xb8;
	[tilespmem:$0xB600] =	vst v63  }
0xca: {  	_ =	swait.ge [sflag:s16], $0x7D0  }
0xcb: {  	[sflag:s16] =	ssyncset.done $0x0  }
0xcc: {  	s13 =	simm.s32 $0x4E80;
	[sflag:s16] =	ssyncadd.s32 $0xFFFFF830  }
0xcd: {  	[spmem:s3] =	stream.indirect.scatter.add.f32 [tilespmem:s25], [sflag:$0xE], $0x10, s13, s14, $0xb8;
	[tilespmem:$0xB600] =	vst v63  }
0xce: {  	_ =	swait.ge [sflag:s18], $0x7D0  }
0xcf: {  	[sflag:s18] =	ssyncset.done $0x0  }
0xd0: {  	s4 =	simm.s32 $0x4F00;
	[sflag:s18] =	ssyncadd.s32 $0xFFFFF830  }
0xd1: {  	[spmem:s3] =	stream.indirect.scatter.add.f32 [tilespmem:s28], [sflag:$0xF], $0x10, s4, s14, $0xb8;
	[tilespmem:$0xB600] =	vst v63  }
0xd2: {  	_ =	swait.ge [sflag:s20], $0x7D0  }
0xd3: {  	[sflag:s20] =	ssyncset.done $0x0  }
0xd4: {  	s12 =	simm.s32 $0x4F80;
	[sflag:s20] =	ssyncadd.s32 $0xFFFFF830  }
0xd5: {  	[spmem:s3] =	stream.indirect.scatter.add.f32 [tilespmem:s30], [sflag:$0x10], $0x10, s12, s14, $0xb8;
	[tilespmem:$0xB600] =	vst v63  }
0xd6: {  	_ =	swait.ge [sflag:s22], $0x7D0  }
0xd7: {  	[sflag:s22] =	ssyncset.done $0x0  }
0xd8: {  	[sflag:s22] =	ssyncadd.s32 $0xFFFFF830  }
0xd9: {  	_ =	swait.ge [sflag:s24], $0x7D0  }
0xda: {  	[sflag:s24] =	ssyncset.done $0x0  }
0xdb: {  	[sflag:s24] =	ssyncadd.s32 $0xFFFFF830  }
0xdc: {  	_ =	swait.ge [sflag:s26], $0x7D0  }
0xdd: {  	[sflag:s26] =	ssyncset.done $0x0  }
0xde: {  	[sflag:s26] =	ssyncadd.s32 $0xFFFFF830  }
0xdf: {  	_ =	swait.ge [sflag:s29], $0x7D0  }
0xe0: {  	[sflag:s29] =	ssyncset.done $0x0  }
0xe1: {  	[sflag:s29] =	ssyncadd.s32 $0xFFFFF830  }
0xe2: {  	_ =	swait.ge [sflag:s6], $0x7D0  }
0xe3: {  	[sflag:s6] =	ssyncset.done $0x0  }
0xe4: {  	[sflag:s6] =	ssyncadd.s32 $0xFFFFF830  }
0xe5: {  	_ =	swait.ge [sflag:s7], $0x7D0  }
0xe6: {  	[sflag:s7] =	ssyncset.done $0x0  }
0xe7: {  	[sflag:s7] =	ssyncadd.s32 $0xFFFFF830  }
0xe8: {  	_ =	swait.ge [sflag:s8], $0x7D0  }
0xe9: {  	[sflag:s8] =	ssyncset.done $0x0  }
0xea: {  	[sflag:s8] =	ssyncadd.s32 $0xFFFFF830  }
0xeb: {  	_ =	swait.ge [sflag:s9], $0x7D0  }
0xec: {  	[sflag:s9] =	ssyncset.done $0x0  }
0xed: {  	[sflag:s9] =	ssyncadd.s32 $0xFFFFF830  }
0xee: {  	[bflag:$0x0] =	sbarrier.arrive $0xFFFF  }
0xef: {  	s13 =	rddreg [dreg:$0x6]  }
0xf0: {  	s12 =	rddreg [dreg:$0x8]  }
0xf1: {  	s4 =	rddreg [dreg:$0x9]  }
0xf2: {  	[hbm:s13@s2], [sflag:s4] =	dma.strided [spmem:s12@s1], $0x4F0, s31, $0x2   }
0xf3: {  	s13 =	simm.s32 $0x11  }
0xf4: {  	_ =	swait.ge [sflag:s13], $0x4F0  }
0xf5: {  	s10 =	rddreg [dreg:$0xa]  }
0xf6: {  	s12 =	rddreg [dreg:$0x7];
	s4 =	sadd.s32 $0x1, s10  }
0xf7: {  	p0 =	sne.s32 s4, s12  }
.Ltmp1:
0xf8: {  	_ = 	snop;
	(pc) =	sbr.rel @p0 .LBB2_1-.Ltmp1, $3  }
0xf9: {  	_ =	sdelay $0x1  }
0xfa: {  	[sflag:s13] =	ssyncset.done $0x0  }
0xfb: {  	[sflag:s13] =	ssyncadd.s32 $0xFFFFFB10;
	[dreg:$0xa] =	wrdreg s4  }
0xfc: {  	_ =	sfence.sel $0x180000  }
0xfd: {  	[bflag:$0x0] =	sbarrier.arrive $0xFFFF  }
0xfe: {  	_ =	strace $0x90000050  }
0xff: {  	s0 =	stileid.u32;
	[bflag:$0x2] =	sbarrier.arrive $0xFFFF  }
0x100: {  	p0 =	sne.s32 s0, $0x0;
	s0 =	rddreg [dreg:$0x3]  }
0x101: {  	s0 =	sadd.s32 @!p0 $0x100000, s0  }
0x102: {  	[sflag:s0] =	ssyncadd.tile.s32 @!p0 $0x1;
	_ =	shalt  }
.Lfunc_end2:
_tile_overlayer_lowered:
.L_overlay_start_2:
0x103: {  	(tag) =	ssettag $0x2  }
0x104: {  	s0 =	rddreg [dreg:$0x0];
	s2 =	stileid.u32  }
0x105: {  	s1 =	rddreg [dreg:$0x1];
	p0 =	sne.s32 s2, $0x0  }
0x106: {  	s3 =	rddreg [dreg:$0x2];
	[bflag:$0x3] =	sbarrier.arrive $0xFFFF;
	s2 =	simm.s32 @!p0 $0x1C11  }
0x107: {  	[timem:s3], [sflag:s2] =	dma.local @!p0 [hbm:s0], s1  }
0x108: {  	s0 =	simm.s32 @!p0 $0x11  }
0x109: {  	_ =	swait.ge @!p0 [sflag:s0], s1  }
0x10a: {  	s1 =	ssub.s32 @!p0 $0x0, s1;
	[sflag:s0] =	ssyncset.done @!p0 $0x0  }
0x10b: {  	[sflag:s0] =	ssyncadd.s32 @!p0 s1  }
0x10c: {  	[bflag:$0x3] =	sbarrier.arrive $0xFFFF  }
0x10d: {  	_ =	shalt  }

</sc_bundles>
